<compile_context>
chip_gen: v7x
topology: tpu7x:2x2x1
jax: 0.10.2.dev20260603
libtpu: 0.0.44.dev20260713+nightly
codegen_flags: <defaults>
</compile_context>

<pallas_src>
import functools

import jax
import jax.numpy as jnp
from jax import lax
from jax.experimental import pallas as pl
from jax.experimental.pallas import tpu as pltpu
from jax.experimental.pallas import tpu_sc as plsc

N = 10000
D = 128
NH = 8
OC = 16
NP = 10240
CG = 48
CN = 128
TPW = 10368
EP = 32 * TPW
CR = 32
RPS = NP // 16
ND8 = NP // 8
RPSD = ND8 // 16
CRD = 16

_f32 = jnp.float32


@functools.cache
def _sc_gat_kernel():
  return pl.kernel(
      _sc_gat_body,
      out_type=(jax.ShapeDtypeStruct((2, NP, D), _f32),
                jax.ShapeDtypeStruct((2, ND8, D), _f32)),
      mesh=plsc.VectorSubcoreMesh(core_axis_name="c", subcore_axis_name="s"),
      scratch_types=[
        pltpu.VMEM((CG,), jnp.int32),
        pltpu.VMEM((CG,), jnp.int32),
        pltpu.VMEM((CG,), jnp.int32),
        pltpu.VMEM((CG, D), _f32),
        pltpu.VMEM((CG, D), _f32),
        pltpu.VMEM((CG, D), _f32),
        pltpu.VMEM((CG, D), _f32),
        pltpu.VMEM_SHARED((NP, D), _f32),
        pltpu.VMEM_SHARED((ND8, D), _f32),
        pltpu.SemaphoreType.DMA,
        pltpu.SemaphoreType.DMA,
        pltpu.SemaphoreType.DMA,
      ],
  )


def _sc_gat_body(h_hbm, s_hbm, d_hbm, src_hbm, dst_hbm, outn, outd,
                 src_v, dst_v, dstd_v, hrows, srows, drows, prows,
                 accn, accd, sem0, sem1, sem2):
  cid = lax.axis_index("c")
  sid = lax.axis_index("s")
  w = cid * 16 + sid

  z16 = jnp.zeros((16,), _f32)

  def zrow(i, _):
    for j in range(D // 16):
      hrows[i, pl.ds(16 * j, 16)] = z16
    return 0

  lax.fori_loop(0, CR, zrow, 0)

  def zcp(t, _):
    r0 = sid * RPS + t * CR
    pltpu.sync_copy(hrows.at[pl.ds(0, CR)], accn.at[pl.ds(r0, CR)])
    return 0

  lax.fori_loop(0, RPS // CR, zcp, 0)

  def zcpd(t, _):
    r0 = sid * RPSD + t * CRD
    pltpu.sync_copy(hrows.at[pl.ds(0, CRD)], accd.at[pl.ds(r0, CRD)])
    return 0

  lax.fori_loop(0, RPSD // CRD, zcpd, 0)
  plsc.subcore_barrier()

  def chunk(g, _):
    base = w * TPW + g * CG
    pltpu.sync_copy(src_hbm.at[pl.ds(base, CG)], src_v)
    pltpu.sync_copy(dst_hbm.at[pl.ds(base, CG)], dst_v)
    for tt in range(CG // 16):
      dstd_v[pl.ds(16 * tt, 16)] = jnp.right_shift(
          dst_v[pl.ds(16 * tt, 16)], 3)
    cp0 = pltpu.async_copy(h_hbm.at[src_v], hrows, sem0)
    cp1 = pltpu.async_copy(s_hbm.at[src_v], srows, sem1)
    cp2 = pltpu.async_copy(d_hbm.at[dst_v], drows, sem2)
    cp0.wait()
    cp1.wait()
    cp2.wait()

    gdn = lax.GatherDimensionNumbers(
        offset_dims=(), collapsed_slice_dims=(0,), start_index_map=(0,))

    def edge(e, _):
      sv = srows[e, pl.ds(0, 16)] + drows[e, pl.ds(0, 16)]
      p = jnp.exp(jnp.where(sv >= 0, sv, 0.2 * sv))
      blk = pl.multiple_of(16 * jnp.right_shift(e, 4), 16)
      dv = dst_v[pl.ds(blk, 16)]
      dstf = lax.gather(dv, jnp.full((16, 1), jnp.bitwise_and(e, 15),
                                     jnp.int32), gdn, slice_sizes=(1,),
                        mode=lax.GatherScatterMode.PROMISE_IN_BOUNDS)
      k8 = jnp.bitwise_and(dstf, 7)
      for k in range(8):
        mf = (1 - jnp.minimum(jnp.abs(k8 - k), 1)).astype(_f32)
        prows[e, pl.ds(16 * k, 16)] = p * mf
      for j in range(NH):
        pj = lax.gather(p, jnp.full((16, 1), j, jnp.int32), gdn,
                        slice_sizes=(1,),
                        mode=lax.GatherScatterMode.PROMISE_IN_BOUNDS)
        hrows[e, pl.ds(OC * j, OC)] = hrows[e, pl.ds(OC * j, OC)] * pj
      return 0

    lax.fori_loop(0, CG, edge, 0)
    pltpu.sync_copy(hrows, accn.at[dst_v], add=True)
    pltpu.sync_copy(prows, accd.at[dstd_v], add=True)
    return 0

  lax.fori_loop(0, TPW // CG, chunk, 0)
  plsc.subcore_barrier()

  def cpout(t, _):
    r0 = sid * RPS + t * CR
    pltpu.sync_copy(accn.at[pl.ds(r0, CR)], hrows.at[pl.ds(0, CR)])
    pltpu.sync_copy(hrows.at[pl.ds(0, CR)], outn.at[cid, pl.ds(r0, CR)])
    return 0

  lax.fori_loop(0, RPS // CR, cpout, 0)

  def cpoutd(t, _):
    r0 = sid * RPSD + t * CRD
    pltpu.sync_copy(accd.at[pl.ds(r0, CRD)], hrows.at[pl.ds(0, CRD)])
    pltpu.sync_copy(hrows.at[pl.ds(0, CRD)], outd.at[cid, pl.ds(r0, CRD)])
    return 0

  lax.fori_loop(0, RPSD // CRD, cpoutd, 0)


@functools.cache
def _sc_gcn_kernel():
  return pl.kernel(
      _sc_gcn_body,
      out_type=jax.ShapeDtypeStruct((2, NP, D), _f32),
      mesh=plsc.VectorSubcoreMesh(core_axis_name="c", subcore_axis_name="s"),
      scratch_types=[
          pltpu.VMEM((CN,), jnp.int32),
          pltpu.VMEM((CN,), jnp.int32),
          pltpu.VMEM((CN, D), _f32),
          pltpu.VMEM((CN,), jnp.int32),
          pltpu.VMEM((CN,), jnp.int32),
          pltpu.VMEM((CN, D), _f32),
          pltpu.VMEM((CR, D), _f32),
          pltpu.VMEM_SHARED((NP, D), _f32),
          pltpu.SemaphoreType.DMA,
          pltpu.SemaphoreType.DMA,
      ],
  )


def _sc_gcn_body(y_hbm, src_hbm, dst_hbm, out, src0, dst0, rows0,
                 src1, dst1, rows1, bufn, acc, sem0, sem1):
  cid = lax.axis_index("c")
  sid = lax.axis_index("s")
  w = cid * 16 + sid

  z16 = jnp.zeros((16,), _f32)

  def zrow(i, _):
    for j in range(D // 16):
      bufn[i, pl.ds(16 * j, 16)] = z16
    return 0

  lax.fori_loop(0, CR, zrow, 0)

  def zcp(t, _):
    r0 = sid * RPS + t * CR
    pltpu.sync_copy(bufn, acc.at[pl.ds(r0, CR)])
    return 0

  lax.fori_loop(0, RPS // CR, zcp, 0)
  plsc.subcore_barrier()

  ebase = w * TPW
  pltpu.sync_copy(src_hbm.at[pl.ds(ebase, CN)], src0)
  pltpu.sync_copy(dst_hbm.at[pl.ds(ebase, CN)], dst0)
  pltpu.async_copy(y_hbm.at[src0], rows0, sem0)

  def pair(gg, _):
    base = ebase + 2 * gg * CN
    pltpu.sync_copy(src_hbm.at[pl.ds(base + CN, CN)], src1)
    pltpu.sync_copy(dst_hbm.at[pl.ds(base + CN, CN)], dst1)
    pltpu.async_copy(y_hbm.at[src1], rows1, sem1)
    pltpu.make_async_copy(y_hbm.at[src0], rows0, sem0).wait()
    pltpu.sync_copy(rows0, acc.at[dst0], add=True)
    pltpu.sync_copy(src_hbm.at[pl.ds(base + 2 * CN, CN)], src0)
    pltpu.sync_copy(dst_hbm.at[pl.ds(base + 2 * CN, CN)], dst0)
    pltpu.async_copy(y_hbm.at[src0], rows0, sem0)
    pltpu.make_async_copy(y_hbm.at[src1], rows1, sem1).wait()
    pltpu.sync_copy(rows1, acc.at[dst1], add=True)
    return 0

  lax.fori_loop(0, (TPW // CN) // 2, pair, 0)
  pltpu.make_async_copy(y_hbm.at[src0], rows0, sem0).wait()
  pltpu.sync_copy(rows0, acc.at[dst0], add=True)
  plsc.subcore_barrier()

  def cpout(t, _):
    r0 = sid * RPS + t * CR
    pltpu.sync_copy(acc.at[pl.ds(r0, CR)], bufn)
    pltpu.sync_copy(bufn, out.at[cid, pl.ds(r0, CR)])
    return 0

  lax.fori_loop(0, RPS // CR, cpout, 0)


def _sds(shape):
  return jax.ShapeDtypeStruct(shape, _f32)


def _tc1(x, w0, ms, md):
  def f(x_ref, w_ref, ms_ref, md_ref, h_ref, s_ref, d_ref):
    h = jnp.dot(x_ref[...], w_ref[...], preferred_element_type=_f32)
    h_ref[...] = h
    s_ref[...] = jnp.dot(h, ms_ref[...], preferred_element_type=_f32)
    d_ref[...] = jnp.dot(h, md_ref[...], preferred_element_type=_f32)

  return pl.pallas_call(
      f, out_shape=(_sds((NP, D)), _sds((NP, D)), _sds((NP, D))))(
          x, w0, ms, md)


def _tc2(pn, pd, r, b0, w1, ms, md):
  def f(pn_ref, pd_ref, r_ref, b_ref, w_ref, ms_ref, md_ref,
        h_ref, s_ref, d_ref):
    num = pn_ref[0] + pn_ref[1]
    den = pd_ref[0] + pd_ref[1]
    x1 = num / (jnp.dot(den, r_ref[...], preferred_element_type=_f32)
                + 1e-16) + b_ref[...]
    h = jnp.dot(x1, w_ref[...], preferred_element_type=_f32)
    h_ref[...] = h
    s_ref[...] = jnp.dot(h, ms_ref[...], preferred_element_type=_f32)
    d_ref[...] = jnp.dot(h, md_ref[...], preferred_element_type=_f32)

  return pl.pallas_call(
      f, out_shape=(_sds((NP, D)), _sds((NP, D)), _sds((NP, D))))(
          pn, pd, r, b0, w1, ms, md)


def _tc3(pn, pd, pd0, r, e8, b1):
  def f(pn_ref, pd_ref, pd0_ref, r_ref, e8_ref, b_ref, y_ref):
    deg = jnp.dot(pd0_ref[0] + pd0_ref[1], e8_ref[...],
                  preferred_element_type=_f32)
    dis = jnp.where(deg > 0, lax.rsqrt(deg), 0.0)
    num = pn_ref[0] + pn_ref[1]
    den = pd_ref[0] + pd_ref[1]
    x2 = num / (jnp.dot(den, r_ref[...], preferred_element_type=_f32)
                + 1e-16) + b_ref[...]
    y_ref[...] = x2 * dis

  return pl.pallas_call(f, out_shape=_sds((NP, D)))(pn, pd, pd0, r, e8, b1)


def _tc4(pa, pd0, e8, w_sh, b_sh):
  def f(pa_ref, pd0_ref, e8_ref, w_ref, b_ref, y_ref):
    deg = jnp.dot(pd0_ref[0] + pd0_ref[1], e8_ref[...],
                  preferred_element_type=_f32)
    dis = jnp.where(deg > 0, lax.rsqrt(deg), 0.0)
    agg = (pa_ref[0] + pa_ref[1]) * dis
    x3 = jnp.maximum(
        jnp.dot(agg, w_ref[...], preferred_element_type=_f32) + b_ref[...],
        0.0)
    y_ref[...] = x3 * dis

  return pl.pallas_call(f, out_shape=_sds((NP, D)))(pa, pd0, e8, w_sh, b_sh)


def _tc5(pa, pd0, e8, w_mu, b_mu, w_lv, b_lv):
  def f(pa_ref, pd0_ref, e8_ref, wm_ref, bm_ref, wl_ref, bl_ref,
        mu_ref, lv_ref):
    deg = jnp.dot(pd0_ref[0] + pd0_ref[1], e8_ref[...],
                  preferred_element_type=_f32)
    dis = jnp.where(deg > 0, lax.rsqrt(deg), 0.0)
    agg = (pa_ref[0] + pa_ref[1]) * dis
    mu_ref[...] = jnp.dot(agg, wm_ref[...],
                          preferred_element_type=_f32) + bm_ref[...]
    lv_ref[...] = jnp.dot(agg, wl_ref[...],
                          preferred_element_type=_f32) + bl_ref[...]

  return pl.pallas_call(f, out_shape=(_sds((NP, D)), _sds((NP, D))))(
      pa, pd0, e8, w_mu, b_mu, w_lv, b_lv)


def _att_mat(att):
  lanes = jnp.arange(D)
  m = jnp.zeros((D, D), _f32)
  return m.at[lanes, lanes // OC].set(att.reshape(D).astype(_f32))


def kernel(edge_emb_eq1, edge_index, W_gat0, att_src0, att_dst0, b_gat0,
           W_gat1, att_src1, att_dst1, b_gat1, W_sh, b_sh, W_mu, b_mu,
           W_lv, b_lv):
  x = jnp.pad(edge_emb_eq1.astype(_f32), ((0, NP - N), (0, 0)))
  loop = jnp.arange(N, dtype=jnp.int32)
  e_real = edge_index.shape[1] + N
  srcs = jnp.pad(jnp.concatenate([edge_index[0].astype(jnp.int32), loop]),
                 (0, EP - e_real), constant_values=N)
  dsts = jnp.pad(jnp.concatenate([edge_index[1].astype(jnp.int32), loop]),
                 (0, EP - e_real), constant_values=N)

  lanes = jnp.arange(D)
  r = (((lanes[None, :] // OC) == jnp.arange(16)[:, None])
       & (jnp.arange(16)[:, None] < NH)).astype(_f32)
  e8 = (jnp.arange(16)[:, None] == NH).astype(_f32)

  h0, s0, d0 = _tc1(x, W_gat0.astype(_f32), _att_mat(att_src0),
                    _att_mat(att_dst0))
  pn0, pd0p = _sc_gat_kernel()(h0, s0, d0, srcs, dsts)
  pd0 = pd0p.reshape(2, NP, OC)
  h1, s1, d1 = _tc2(pn0, pd0, r, b_gat0.reshape(1, D).astype(_f32),
                    W_gat1.astype(_f32), _att_mat(att_src1),
                    _att_mat(att_dst1))
  pn1, pd1p = _sc_gat_kernel()(h1, s1, d1, srcs, dsts)
  pd1 = pd1p.reshape(2, NP, OC)
  y2 = _tc3(pn1, pd1, pd0, r, e8, b_gat1.reshape(1, D).astype(_f32))
  pa1 = _sc_gcn_kernel()(y2, srcs, dsts)
  y3 = _tc4(pa1, pd0, e8, W_sh.astype(_f32), b_sh.reshape(1, D).astype(_f32))
  pa2 = _sc_gcn_kernel()(y3, srcs, dsts)
  mu, lv = _tc5(pa2, pd0, e8, W_mu.astype(_f32),
                b_mu.reshape(1, D).astype(_f32), W_lv.astype(_f32),
                b_lv.reshape(1, D).astype(_f32))
  return mu[:N], lv[:N]

# --- scband reference (transcript-rebuilt; emitter-appended) ---
"""Pipeline reference for scband-gatencoder-54288386621484 (READ-ONLY COPY).

The authoritative reference and input builder live on the scoring server;
editing this copy changes nothing except your own understanding.
"""

import jax, jax.numpy as jnp
import numpy as np

N = 10000
E = 320000
D = 128
HEADS = 8
OUT_CH = 16


def leaky_relu(x, slope=0.2):
    return jnp.where(x >= 0, x, slope * x)


def add_self_loops(edge_index, n):
    loop = jnp.arange(n, dtype=edge_index.dtype)
    return jnp.concatenate([edge_index, jnp.stack([loop, loop])], axis=1)


def gat_conv(x, edge_index, W, att_src, att_dst, bias):
    # PyG GATConv (add_self_loops=True, negative_slope=0.2, concat=True, dropout inactive in eval)
    n = x.shape[0]
    ei = add_self_loops(edge_index, n)
    src, dst = ei[0], ei[1]
    h = (x @ W).reshape(n, HEADS, OUT_CH)
    a_src = (h * att_src).sum(-1)  # [n, heads]
    a_dst = (h * att_dst).sum(-1)
    alpha = leaky_relu(a_src[src] + a_dst[dst])
    amax = jax.ops.segment_max(alpha, dst, num_segments=n)
    alpha = jnp.exp(alpha - amax[dst])
    asum = jax.ops.segment_sum(alpha, dst, num_segments=n)
    alpha = alpha / (asum[dst] + 1e-16)
    out = jax.ops.segment_sum(h[src] * alpha[:, :, None], dst, num_segments=n)
    return out.reshape(n, HEADS * OUT_CH) + bias


def gcn_conv(x, edge_index, W, bias):
    # PyG GCNConv with default add_self_loops=True, normalize=True
    n = x.shape[0]
    ei = add_self_loops(edge_index, n)
    src, dst = ei[0], ei[1]
    h = x @ W
    deg = jax.ops.segment_sum(jnp.ones(ei.shape[1], dtype=x.dtype), dst, num_segments=n)
    dis = jnp.where(deg > 0, 1.0 / jnp.sqrt(deg), 0.0)
    norm = dis[src] * dis[dst]
    return jax.ops.segment_sum(h[src] * norm[:, None], dst, num_segments=n) + bias


def setup_inputs(seed: int = 0) -> dict:
    key = jax.random.key(seed)
    ks = jax.random.split(key, 20)
    s = 1.0 / np.sqrt(D)
    inp = {}
    inp["edge_emb_eq1"] = jax.random.normal(ks[0], (N, D), dtype=jnp.float32)
    inp["edge_index"] = jax.random.randint(ks[1], (2, E), 0, N, dtype=jnp.int32)
    # GAT layer 0
    inp["W_gat0"] = jax.random.normal(ks[2], (D, HEADS * OUT_CH), dtype=jnp.float32) * s
    inp["att_src0"] = jax.random.normal(ks[3], (HEADS, OUT_CH), dtype=jnp.float32) * s
    inp["att_dst0"] = jax.random.normal(ks[4], (HEADS, OUT_CH), dtype=jnp.float32) * s
    inp["b_gat0"] = jnp.zeros((HEADS * OUT_CH,), dtype=jnp.float32)
    # GAT layer 1
    inp["W_gat1"] = jax.random.normal(ks[5], (D, HEADS * OUT_CH), dtype=jnp.float32) * s
    inp["att_src1"] = jax.random.normal(ks[6], (HEADS, OUT_CH), dtype=jnp.float32) * s
    inp["att_dst1"] = jax.random.normal(ks[7], (HEADS, OUT_CH), dtype=jnp.float32) * s
    inp["b_gat1"] = jnp.zeros((HEADS * OUT_CH,), dtype=jnp.float32)
    # GCN shared / mu / logvar
    inp["W_sh"] = jax.random.normal(ks[8], (D, D), dtype=jnp.float32) * s
    inp["b_sh"] = jnp.zeros((D,), dtype=jnp.float32)
    inp["W_mu"] = jax.random.normal(ks[9], (D, D), dtype=jnp.float32) * s
    inp["b_mu"] = jnp.zeros((D,), dtype=jnp.float32)
    inp["W_lv"] = jax.random.normal(ks[10], (D, D), dtype=jnp.float32) * s
    inp["b_lv"] = jnp.zeros((D,), dtype=jnp.float32)
    return inp


def reference(edge_emb_eq1, edge_index, W_gat0, att_src0, att_dst0, b_gat0, W_gat1, att_src1, att_dst1, b_gat1, W_sh, b_sh, W_mu, b_mu, W_lv, b_lv):
    x = gat_conv(edge_emb_eq1, edge_index, W_gat0, att_src0, att_dst0, b_gat0)
    x = gat_conv(x, edge_index, W_gat1, att_src1, att_dst1, b_gat1)
    x = jax.nn.relu(gcn_conv(x, edge_index, W_sh, b_sh))
    mu = gcn_conv(x, edge_index, W_mu, b_mu)
    logvar = gcn_conv(x, edge_index, W_lv, b_lv)
    return (mu, logvar)

if __name__ == "__main__":
    import jax
    _d = setup_inputs()
    print(jax.jit(kernel)(*tuple(_d.values())))

</pallas_src>

<mosaic_0001>
#map = affine_map<(d0, d1) -> (0, 0)>
#map1 = affine_map<(d0, d1) -> (0)>
#map2 = affine_map<(d0, d1) -> (0, 0, 0)>
module attributes {stable_mosaic.version = 14 : i64} {
  func.func @_sc_gcn_body(%arg0: i32, %arg1: i32, %arg2: memref<10240x128xf32, #tpu.memory_space<hbm>>, %arg3: memref<331776xi32, #tpu.memory_space<hbm>>, %arg4: memref<331776xi32, #tpu.memory_space<hbm>>, %arg5: memref<2x10240x128xf32, #tpu.memory_space<hbm>>, %arg6: memref<128xi32, #tpu.memory_space<vmem>>, %arg7: memref<128xi32, #tpu.memory_space<vmem>>, %arg8: memref<128x128xf32, #tpu.memory_space<vmem>>, %arg9: memref<128xi32, #tpu.memory_space<vmem>>, %arg10: memref<128xi32, #tpu.memory_space<vmem>>, %arg11: memref<128x128xf32, #tpu.memory_space<vmem>>, %arg12: memref<32x128xf32, #tpu.memory_space<vmem>>, %arg13: memref<10240x128xf32, #tpu.memory_space<vmem_shared>>, %arg14: memref<!tpu.dma_semaphore, #tpu.memory_space<semaphore_mem>>, %arg15: memref<!tpu.dma_semaphore, #tpu.memory_space<semaphore_mem>>) attributes {dimension_semantics = [#tpu.dimension_semantics<core_parallel>, #tpu.dimension_semantics<subcore_parallel>], iteration_bounds = array<i64: 2, 16>, scalar_prefetch = 0 : i64, scratch_operands = 10 : i64, tpu.core_type = #tpu.core_type<sc_vector_subcore>, window_params = [{transform_indices = #map}, {transform_indices = #map1}, {transform_indices = #map1}, {transform_indices = #map2}]} {
    %mul3A = arith.constant 16 : i32
    %mul3A_0 = arith.muli %arg0, %mul3A : i32
    %add3A = arith.addi %mul3A_0, %arg1 : i32
    %broadcast_in_dim3A = arith.constant 0.000000e+00 : f32
    %broadcast_in_dim3A_1 = vector.broadcast %broadcast_in_dim3A : f32 to vector<16xf32>
    %scan3A = arith.constant 0 : i32
    %scan3A_2 = arith.constant 0 : i32
    %scan3A_3 = arith.constant 32 : i32
    %scan3A_4 = arith.addi %scan3A_2, %scan3A_3 : i32
    %scan3A_5 = arith.constant 1 : i32
    %scan3A_6 = scf.for %scan3A_36 = %scan3A_2 to %scan3A_4 step %scan3A_5 iter_args(%scan3A_37 = %scan3A) -> (i32)  : i32 {
      %swap3A = arith.index_cast %scan3A_36 : i32 to index
      %swap3A_38 = arith.constant 0 : index
      %swap3A_39 = tpu.vector_load %arg12[%swap3A, %swap3A_38] {strides = array<i32>} : memref<32x128xf32, #tpu.memory_space<vmem>>, vector<1x16xf32>,
      %swap3A_40 = vector.shape_cast %swap3A_39 : vector<1x16xf32> to vector<16xf32>
      %swap3A_41 = vector.shape_cast %broadcast_in_dim3A_1 : vector<16xf32> to vector<1x16xf32>
      tpu.vector_store %arg12[%swap3A, %swap3A_38], %swap3A_41 {strides = array<i32>} : memref<32x128xf32, #tpu.memory_space<vmem>>, vector<1x16xf32>,
      %swap3A_42 = arith.index_cast %scan3A_36 : i32 to index
      %swap3A_43 = arith.constant 16 : index
      %swap3A_44 = tpu.vector_load %arg12[%swap3A_42, %swap3A_43] {strides = array<i32>} : memref<32x128xf32, #tpu.memory_space<vmem>>, vector<1x16xf32>,
      %swap3A_45 = vector.shape_cast %swap3A_44 : vector<1x16xf32> to vector<16xf32>
      %swap3A_46 = vector.shape_cast %broadcast_in_dim3A_1 : vector<16xf32> to vector<1x16xf32>
      tpu.vector_store %arg12[%swap3A_42, %swap3A_43], %swap3A_46 {strides = array<i32>} : memref<32x128xf32, #tpu.memory_space<vmem>>, vector<1x16xf32>,
      %swap3A_47 = arith.index_cast %scan3A_36 : i32 to index
      %swap3A_48 = arith.constant 32 : index
      %swap3A_49 = tpu.vector_load %arg12[%swap3A_47, %swap3A_48] {strides = array<i32>} : memref<32x128xf32, #tpu.memory_space<vmem>>, vector<1x16xf32>,
      %swap3A_50 = vector.shape_cast %swap3A_49 : vector<1x16xf32> to vector<16xf32>
      %swap3A_51 = vector.shape_cast %broadcast_in_dim3A_1 : vector<16xf32> to vector<1x16xf32>
      tpu.vector_store %arg12[%swap3A_47, %swap3A_48], %swap3A_51 {strides = array<i32>} : memref<32x128xf32, #tpu.memory_space<vmem>>, vector<1x16xf32>,
      %swap3A_52 = arith.index_cast %scan3A_36 : i32 to index
      %swap3A_53 = arith.constant 48 : index
      %swap3A_54 = tpu.vector_load %arg12[%swap3A_52, %swap3A_53] {strides = array<i32>} : memref<32x128xf32, #tpu.memory_space<vmem>>, vector<1x16xf32>,
      %swap3A_55 = vector.shape_cast %swap3A_54 : vector<1x16xf32> to vector<16xf32>
      %swap3A_56 = vector.shape_cast %broadcast_in_dim3A_1 : vector<16xf32> to vector<1x16xf32>
      tpu.vector_store %arg12[%swap3A_52, %swap3A_53], %swap3A_56 {strides = array<i32>} : memref<32x128xf32, #tpu.memory_space<vmem>>, vector<1x16xf32>,
      %swap3A_57 = arith.index_cast %scan3A_36 : i32 to index
      %swap3A_58 = arith.constant 64 : index
      %swap3A_59 = tpu.vector_load %arg12[%swap3A_57, %swap3A_58] {strides = array<i32>} : memref<32x128xf32, #tpu.memory_space<vmem>>, vector<1x16xf32>,
      %swap3A_60 = vector.shape_cast %swap3A_59 : vector<1x16xf32> to vector<16xf32>
      %swap3A_61 = vector.shape_cast %broadcast_in_dim3A_1 : vector<16xf32> to vector<1x16xf32>
      tpu.vector_store %arg12[%swap3A_57, %swap3A_58], %swap3A_61 {strides = array<i32>} : memref<32x128xf32, #tpu.memory_space<vmem>>, vector<1x16xf32>,
      %swap3A_62 = arith.index_cast %scan3A_36 : i32 to index
      %swap3A_63 = arith.constant 80 : index
      %swap3A_64 = tpu.vector_load %arg12[%swap3A_62, %swap3A_63] {strides = array<i32>} : memref<32x128xf32, #tpu.memory_space<vmem>>, vector<1x16xf32>,
      %swap3A_65 = vector.shape_cast %swap3A_64 : vector<1x16xf32> to vector<16xf32>
      %swap3A_66 = vector.shape_cast %broadcast_in_dim3A_1 : vector<16xf32> to vector<1x16xf32>
      tpu.vector_store %arg12[%swap3A_62, %swap3A_63], %swap3A_66 {strides = array<i32>} : memref<32x128xf32, #tpu.memory_space<vmem>>, vector<1x16xf32>,
      %swap3A_67 = arith.index_cast %scan3A_36 : i32 to index
      %swap3A_68 = arith.constant 96 : index
      %swap3A_69 = tpu.vector_load %arg12[%swap3A_67, %swap3A_68] {strides = array<i32>} : memref<32x128xf32, #tpu.memory_space<vmem>>, vector<1x16xf32>,
      %swap3A_70 = vector.shape_cast %swap3A_69 : vector<1x16xf32> to vector<16xf32>
      %swap3A_71 = vector.shape_cast %broadcast_in_dim3A_1 : vector<16xf32> to vector<1x16xf32>
      tpu.vector_store %arg12[%swap3A_67, %swap3A_68], %swap3A_71 {strides = array<i32>} : memref<32x128xf32, #tpu.memory_space<vmem>>, vector<1x16xf32>,
      %swap3A_72 = arith.index_cast %scan3A_36 : i32 to index
      %swap3A_73 = arith.constant 112 : index
      %swap3A_74 = tpu.vector_load %arg12[%swap3A_72, %swap3A_73] {strides = array<i32>} : memref<32x128xf32, #tpu.memory_space<vmem>>, vector<1x16xf32>,
      %swap3A_75 = vector.shape_cast %swap3A_74 : vector<1x16xf32> to vector<16xf32>
      %swap3A_76 = vector.shape_cast %broadcast_in_dim3A_1 : vector<16xf32> to vector<1x16xf32>
      tpu.vector_store %arg12[%swap3A_72, %swap3A_73], %swap3A_76 {strides = array<i32>} : memref<32x128xf32, #tpu.memory_space<vmem>>, vector<1x16xf32>,
      %scan3A_77 = arith.constant 0 : i32
      scf.yield %scan3A_77 : i32
    }
    %scan3A_7 = arith.constant 32 : i32
    %scan3A_8 = arith.constant 0 : i32
    %scan3A_9 = arith.constant 0 : i32
    %scan3A_10 = arith.constant 20 : i32
    %scan3A_11 = arith.addi %scan3A_9, %scan3A_10 : i32
    %scan3A_12 = arith.constant 1 : i32
    %scan3A_13 = scf.for %scan3A_36 = %scan3A_9 to %scan3A_11 step %scan3A_12 iter_args(%scan3A_37 = %scan3A_8) -> (i32)  : i32 {
      %mul3A_38 = arith.constant 640 : i32
      %mul3A_39 = arith.muli %arg1, %mul3A_38 : i32
      %mul3A_40 = arith.constant 32 : i32
      %mul3A_41 = arith.muli %scan3A_36, %mul3A_40 : i32
      %add3A_42 = arith.addi %mul3A_39, %mul3A_41 : i32
      "tpu.region"() ({
        %run_scoped3A = tpu.sem_alloc : memref<!tpu.dma_semaphore, #tpu.memory_space<semaphore_mem>>
        %dma_start3A_44 = arith.constant 0 : i32
        %dma_start3A_45 = tpu.memref_slice %arg13[%add3A_42, %dma_start3A_44] : memref<10240x128xf32, #tpu.memory_space<vmem_shared>> -> memref<32x128xf32, #tpu.memory_space<vmem_shared>>
        %dma_start3A_46 = arith.constant 0 : i32
        %dma_start3A_47 = tpu.memref_slice %arg13[%add3A_42, %dma_start3A_46] : memref<10240x128xf32, #tpu.memory_space<vmem_shared>> -> memref<32x128xf32, #tpu.memory_space<vmem_shared>>
        tpu.enqueue_dma source(%arg12 : memref<32x128xf32, #tpu.memory_space<vmem>>) target(%dma_start3A_47 : memref<32x128xf32, #tpu.memory_space<vmem_shared>>) target_semaphore(%run_scoped3A : memref<!tpu.dma_semaphore, #tpu.memory_space<semaphore_mem>>)
        %dma_wait3A_48 = arith.constant 0 : i32
        %dma_wait3A_49 = tpu.memref_slice %arg13[%add3A_42, %dma_wait3A_48] : memref<10240x128xf32, #tpu.memory_space<vmem_shared>> -> memref<32x128xf32, #tpu.memory_space<vmem_shared>>
        %dma_wait3A_50 = arith.constant 0 : i32
        %dma_wait3A_51 = tpu.memref_slice %arg13[%add3A_42, %dma_wait3A_50] : memref<10240x128xf32, #tpu.memory_space<vmem_shared>> -> memref<32x128xf32, #tpu.memory_space<vmem_shared>>
        tpu.wait_dma2 semaphore(%run_scoped3A : memref<!tpu.dma_semaphore, #tpu.memory_space<semaphore_mem>>) src(%arg12 : memref<32x128xf32, #tpu.memory_space<vmem>>) dst(%dma_wait3A_51 : memref<32x128xf32, #tpu.memory_space<vmem_shared>>)
        tpu.yield
      }) : () -> ()
      %scan3A_43 = arith.constant 0 : i32
      scf.yield %scan3A_43 : i32
    }
    %scan3A_14 = arith.constant 20 : i32
    %barrier3A = arith.constant 0 : index
    tpu.barrier barrier_id(%barrier3A)
    %mul3A_15 = arith.constant 10368 : i32
    %mul3A_16 = arith.muli %add3A, %mul3A_15 : i32
    "tpu.region"() ({
      %run_scoped3A = tpu.sem_alloc : memref<!tpu.dma_semaphore, #tpu.memory_space<semaphore_mem>>
      %dma_start3A_36 = tpu.memref_slice %arg3[%mul3A_16] : memref<331776xi32, #tpu.memory_space<hbm>> -> memref<128xi32, #tpu.memory_space<hbm>>
      %dma_start3A_37 = tpu.memref_slice %arg3[%mul3A_16] : memref<331776xi32, #tpu.memory_space<hbm>> -> memref<128xi32, #tpu.memory_space<hbm>>
      tpu.enqueue_dma source(%dma_start3A_37 : memref<128xi32, #tpu.memory_space<hbm>>) target(%arg6 : memref<128xi32, #tpu.memory_space<vmem>>) target_semaphore(%run_scoped3A : memref<!tpu.dma_semaphore, #tpu.memory_space<semaphore_mem>>)
      %dma_wait3A_38 = tpu.memref_slice %arg3[%mul3A_16] : memref<331776xi32, #tpu.memory_space<hbm>> -> memref<128xi32, #tpu.memory_space<hbm>>
      %dma_wait3A_39 = tpu.memref_slice %arg3[%mul3A_16] : memref<331776xi32, #tpu.memory_space<hbm>> -> memref<128xi32, #tpu.memory_space<hbm>>
      tpu.wait_dma2 semaphore(%run_scoped3A : memref<!tpu.dma_semaphore, #tpu.memory_space<semaphore_mem>>) src(%dma_wait3A_39 : memref<128xi32, #tpu.memory_space<hbm>>) dst(%arg6 : memref<128xi32, #tpu.memory_space<vmem>>)
      tpu.yield
    }) : () -> ()
    "tpu.region"() ({
      %run_scoped3A = tpu.sem_alloc : memref<!tpu.dma_semaphore, #tpu.memory_space<semaphore_mem>>
      %dma_start3A_36 = tpu.memref_slice %arg4[%mul3A_16] : memref<331776xi32, #tpu.memory_space<hbm>> -> memref<128xi32, #tpu.memory_space<hbm>>
      %dma_start3A_37 = tpu.memref_slice %arg4[%mul3A_16] : memref<331776xi32, #tpu.memory_space<hbm>> -> memref<128xi32, #tpu.memory_space<hbm>>
      tpu.enqueue_dma source(%dma_start3A_37 : memref<128xi32, #tpu.memory_space<hbm>>) target(%arg7 : memref<128xi32, #tpu.memory_space<vmem>>) target_semaphore(%run_scoped3A : memref<!tpu.dma_semaphore, #tpu.memory_space<semaphore_mem>>)
      %dma_wait3A_38 = tpu.memref_slice %arg4[%mul3A_16] : memref<331776xi32, #tpu.memory_space<hbm>> -> memref<128xi32, #tpu.memory_space<hbm>>
      %dma_wait3A_39 = tpu.memref_slice %arg4[%mul3A_16] : memref<331776xi32, #tpu.memory_space<hbm>> -> memref<128xi32, #tpu.memory_space<hbm>>
      tpu.wait_dma2 semaphore(%run_scoped3A : memref<!tpu.dma_semaphore, #tpu.memory_space<semaphore_mem>>) src(%dma_wait3A_39 : memref<128xi32, #tpu.memory_space<hbm>>) dst(%arg7 : memref<128xi32, #tpu.memory_space<vmem>>)
      tpu.yield
    }) : () -> ()
    %dma_start3A = arith.constant 0 : i32
    %dma_start3A_17 = arith.constant 0 : i32
    %dma_start3A_18 = tpu.memref_slice %arg2[%dma_start3A, %dma_start3A_17] : memref<10240x128xf32, #tpu.memory_space<hbm>> -> memref<10240x128xf32, #tpu.memory_space<hbm>>
    tpu.enqueue_indirect_dma source(%dma_start3A_18 : memref<10240x128xf32, #tpu.memory_space<hbm>>) target(%arg8 : memref<128x128xf32, #tpu.memory_space<vmem>>) offsets(%arg6 : memref<128xi32, #tpu.memory_space<vmem>>) semaphore(%arg14 : memref<!tpu.dma_semaphore, #tpu.memory_space<semaphore_mem>>)
    %scan3A_19 = arith.constant 0 : i32
    %scan3A_20 = arith.constant 0 : i32
    %scan3A_21 = arith.constant 40 : i32
    %scan3A_22 = arith.addi %scan3A_20, %scan3A_21 : i32
    %scan3A_23 = arith.constant 1 : i32
    %scan3A_24 = scf.for %scan3A_36 = %scan3A_20 to %scan3A_22 step %scan3A_23 iter_args(%scan3A_37 = %scan3A_19) -> (i32)  : i32 {
      %mul3A_38 = arith.constant 2 : i32
      %mul3A_39 = arith.muli %mul3A_38, %scan3A_36 : i32
      %mul3A_40 = arith.constant 128 : i32
      %mul3A_41 = arith.muli %mul3A_39, %mul3A_40 : i32
      %add3A_42 = arith.addi %mul3A_16, %mul3A_41 : i32
      %add3A_43 = arith.constant 128 : i32
      %add3A_44 = arith.addi %add3A_42, %add3A_43 : i32
      "tpu.region"() ({
        %run_scoped3A = tpu.sem_alloc : memref<!tpu.dma_semaphore, #tpu.memory_space<semaphore_mem>>
        %dma_start3A_64 = tpu.memref_slice %arg3[%add3A_44] : memref<331776xi32, #tpu.memory_space<hbm>> -> memref<128xi32, #tpu.memory_space<hbm>>
        %dma_start3A_65 = tpu.memref_slice %arg3[%add3A_44] : memref<331776xi32, #tpu.memory_space<hbm>> -> memref<128xi32, #tpu.memory_space<hbm>>
        tpu.enqueue_dma source(%dma_start3A_65 : memref<128xi32, #tpu.memory_space<hbm>>) target(%arg9 : memref<128xi32, #tpu.memory_space<vmem>>) target_semaphore(%run_scoped3A : memref<!tpu.dma_semaphore, #tpu.memory_space<semaphore_mem>>)
        %dma_wait3A_66 = tpu.memref_slice %arg3[%add3A_44] : memref<331776xi32, #tpu.memory_space<hbm>> -> memref<128xi32, #tpu.memory_space<hbm>>
        %dma_wait3A_67 = tpu.memref_slice %arg3[%add3A_44] : memref<331776xi32, #tpu.memory_space<hbm>> -> memref<128xi32, #tpu.memory_space<hbm>>
        tpu.wait_dma2 semaphore(%run_scoped3A : memref<!tpu.dma_semaphore, #tpu.memory_space<semaphore_mem>>) src(%dma_wait3A_67 : memref<128xi32, #tpu.memory_space<hbm>>) dst(%arg9 : memref<128xi32, #tpu.memory_space<vmem>>)
        tpu.yield
      }) : () -> ()
      %add3A_45 = arith.constant 128 : i32
      %add3A_46 = arith.addi %add3A_42, %add3A_45 : i32
      "tpu.region"() ({
        %run_scoped3A = tpu.sem_alloc : memref<!tpu.dma_semaphore, #tpu.memory_space<semaphore_mem>>
        %dma_start3A_64 = tpu.memref_slice %arg4[%add3A_46] : memref<331776xi32, #tpu.memory_space<hbm>> -> memref<128xi32, #tpu.memory_space<hbm>>
        %dma_start3A_65 = tpu.memref_slice %arg4[%add3A_46] : memref<331776xi32, #tpu.memory_space<hbm>> -> memref<128xi32, #tpu.memory_space<hbm>>
        tpu.enqueue_dma source(%dma_start3A_65 : memref<128xi32, #tpu.memory_space<hbm>>) target(%arg10 : memref<128xi32, #tpu.memory_space<vmem>>) target_semaphore(%run_scoped3A : memref<!tpu.dma_semaphore, #tpu.memory_space<semaphore_mem>>)
        %dma_wait3A_66 = tpu.memref_slice %arg4[%add3A_46] : memref<331776xi32, #tpu.memory_space<hbm>> -> memref<128xi32, #tpu.memory_space<hbm>>
        %dma_wait3A_67 = tpu.memref_slice %arg4[%add3A_46] : memref<331776xi32, #tpu.memory_space<hbm>> -> memref<128xi32, #tpu.memory_space<hbm>>
        tpu.wait_dma2 semaphore(%run_scoped3A : memref<!tpu.dma_semaphore, #tpu.memory_space<semaphore_mem>>) src(%dma_wait3A_67 : memref<128xi32, #tpu.memory_space<hbm>>) dst(%arg10 : memref<128xi32, #tpu.memory_space<vmem>>)
        tpu.yield
      }) : () -> ()
      %dma_start3A_47 = arith.constant 0 : i32
      %dma_start3A_48 = arith.constant 0 : i32
      %dma_start3A_49 = tpu.memref_slice %arg2[%dma_start3A_47, %dma_start3A_48] : memref<10240x128xf32, #tpu.memory_space<hbm>> -> memref<10240x128xf32, #tpu.memory_space<hbm>>
      tpu.enqueue_indirect_dma source(%dma_start3A_49 : memref<10240x128xf32, #tpu.memory_space<hbm>>) target(%arg11 : memref<128x128xf32, #tpu.memory_space<vmem>>) offsets(%arg9 : memref<128xi32, #tpu.memory_space<vmem>>) semaphore(%arg15 : memref<!tpu.dma_semaphore, #tpu.memory_space<semaphore_mem>>)
      %dma_wait3A_50 = arith.constant 0 : i32
      %dma_wait3A_51 = arith.constant 0 : i32
      %dma_wait3A_52 = tpu.memref_slice %arg2[%dma_wait3A_50, %dma_wait3A_51] : memref<10240x128xf32, #tpu.memory_space<hbm>> -> memref<10240x128xf32, #tpu.memory_space<hbm>>
      tpu.wait_indirect_dma semaphore(%arg14 : memref<!tpu.dma_semaphore, #tpu.memory_space<semaphore_mem>>) src(%dma_wait3A_52 : memref<10240x128xf32, #tpu.memory_space<hbm>>) dst(%arg8 : memref<128x128xf32, #tpu.memory_space<vmem>>)
      "tpu.region"() ({
        %run_scoped3A = tpu.sem_alloc : memref<!tpu.dma_semaphore, #tpu.memory_space<semaphore_mem>>
        %dma_start3A_64 = arith.constant 0 : i32
        %dma_start3A_65 = arith.constant 0 : i32
        %dma_start3A_66 = tpu.memref_slice %arg13[%dma_start3A_64, %dma_start3A_65] : memref<10240x128xf32, #tpu.memory_space<vmem_shared>> -> memref<10240x128xf32, #tpu.memory_space<vmem_shared>>
        tpu.enqueue_indirect_dma source(%arg8 : memref<128x128xf32, #tpu.memory_space<vmem>>) target(%dma_start3A_66 : memref<10240x128xf32, #tpu.memory_space<vmem_shared>>) offsets(%arg7 : memref<128xi32, #tpu.memory_space<vmem>>) semaphore(%run_scoped3A : memref<!tpu.dma_semaphore, #tpu.memory_space<semaphore_mem>>) {add = true}
        %dma_wait3A_67 = arith.constant 0 : i32
        %dma_wait3A_68 = arith.constant 0 : i32
        %dma_wait3A_69 = tpu.memref_slice %arg13[%dma_wait3A_67, %dma_wait3A_68] : memref<10240x128xf32, #tpu.memory_space<vmem_shared>> -> memref<10240x128xf32, #tpu.memory_space<vmem_shared>>
        tpu.wait_indirect_dma semaphore(%run_scoped3A : memref<!tpu.dma_semaphore, #tpu.memory_space<semaphore_mem>>) src(%arg8 : memref<128x128xf32, #tpu.memory_space<vmem>>) dst(%dma_wait3A_69 : memref<10240x128xf32, #tpu.memory_space<vmem_shared>>)
        tpu.yield
      }) : () -> ()
      %add3A_53 = arith.constant 256 : i32
      %add3A_54 = arith.addi %add3A_42, %add3A_53 : i32
      "tpu.region"() ({
        %run_scoped3A = tpu.sem_alloc : memref<!tpu.dma_semaphore, #tpu.memory_space<semaphore_mem>>
        %dma_start3A_64 = tpu.memref_slice %arg3[%add3A_54] : memref<331776xi32, #tpu.memory_space<hbm>> -> memref<128xi32, #tpu.memory_space<hbm>>
        %dma_start3A_65 = tpu.memref_slice %arg3[%add3A_54] : memref<331776xi32, #tpu.memory_space<hbm>> -> memref<128xi32, #tpu.memory_space<hbm>>
        tpu.enqueue_dma source(%dma_start3A_65 : memref<128xi32, #tpu.memory_space<hbm>>) target(%arg6 : memref<128xi32, #tpu.memory_space<vmem>>) target_semaphore(%run_scoped3A : memref<!tpu.dma_semaphore, #tpu.memory_space<semaphore_mem>>)
        %dma_wait3A_66 = tpu.memref_slice %arg3[%add3A_54] : memref<331776xi32, #tpu.memory_space<hbm>> -> memref<128xi32, #tpu.memory_space<hbm>>
        %dma_wait3A_67 = tpu.memref_slice %arg3[%add3A_54] : memref<331776xi32, #tpu.memory_space<hbm>> -> memref<128xi32, #tpu.memory_space<hbm>>
        tpu.wait_dma2 semaphore(%run_scoped3A : memref<!tpu.dma_semaphore, #tpu.memory_space<semaphore_mem>>) src(%dma_wait3A_67 : memref<128xi32, #tpu.memory_space<hbm>>) dst(%arg6 : memref<128xi32, #tpu.memory_space<vmem>>)
        tpu.yield
      }) : () -> ()
      %add3A_55 = arith.constant 256 : i32
      %add3A_56 = arith.addi %add3A_42, %add3A_55 : i32
      "tpu.region"() ({
        %run_scoped3A = tpu.sem_alloc : memref<!tpu.dma_semaphore, #tpu.memory_space<semaphore_mem>>
        %dma_start3A_64 = tpu.memref_slice %arg4[%add3A_56] : memref<331776xi32, #tpu.memory_space<hbm>> -> memref<128xi32, #tpu.memory_space<hbm>>
        %dma_start3A_65 = tpu.memref_slice %arg4[%add3A_56] : memref<331776xi32, #tpu.memory_space<hbm>> -> memref<128xi32, #tpu.memory_space<hbm>>
        tpu.enqueue_dma source(%dma_start3A_65 : memref<128xi32, #tpu.memory_space<hbm>>) target(%arg7 : memref<128xi32, #tpu.memory_space<vmem>>) target_semaphore(%run_scoped3A : memref<!tpu.dma_semaphore, #tpu.memory_space<semaphore_mem>>)
        %dma_wait3A_66 = tpu.memref_slice %arg4[%add3A_56] : memref<331776xi32, #tpu.memory_space<hbm>> -> memref<128xi32, #tpu.memory_space<hbm>>
        %dma_wait3A_67 = tpu.memref_slice %arg4[%add3A_56] : memref<331776xi32, #tpu.memory_space<hbm>> -> memref<128xi32, #tpu.memory_space<hbm>>
        tpu.wait_dma2 semaphore(%run_scoped3A : memref<!tpu.dma_semaphore, #tpu.memory_space<semaphore_mem>>) src(%dma_wait3A_67 : memref<128xi32, #tpu.memory_space<hbm>>) dst(%arg7 : memref<128xi32, #tpu.memory_space<vmem>>)
        tpu.yield
      }) : () -> ()
      %dma_start3A_57 = arith.constant 0 : i32
      %dma_start3A_58 = arith.constant 0 : i32
      %dma_start3A_59 = tpu.memref_slice %arg2[%dma_start3A_57, %dma_start3A_58] : memref<10240x128xf32, #tpu.memory_space<hbm>> -> memref<10240x128xf32, #tpu.memory_space<hbm>>
      tpu.enqueue_indirect_dma source(%dma_start3A_59 : memref<10240x128xf32, #tpu.memory_space<hbm>>) target(%arg8 : memref<128x128xf32, #tpu.memory_space<vmem>>) offsets(%arg6 : memref<128xi32, #tpu.memory_space<vmem>>) semaphore(%arg14 : memref<!tpu.dma_semaphore, #tpu.memory_space<semaphore_mem>>)
      %dma_wait3A_60 = arith.constant 0 : i32
      %dma_wait3A_61 = arith.constant 0 : i32
      %dma_wait3A_62 = tpu.memref_slice %arg2[%dma_wait3A_60, %dma_wait3A_61] : memref<10240x128xf32, #tpu.memory_space<hbm>> -> memref<10240x128xf32, #tpu.memory_space<hbm>>
      tpu.wait_indirect_dma semaphore(%arg15 : memref<!tpu.dma_semaphore, #tpu.memory_space<semaphore_mem>>) src(%dma_wait3A_62 : memref<10240x128xf32, #tpu.memory_space<hbm>>) dst(%arg11 : memref<128x128xf32, #tpu.memory_space<vmem>>)
      "tpu.region"() ({
        %run_scoped3A = tpu.sem_alloc : memref<!tpu.dma_semaphore, #tpu.memory_space<semaphore_mem>>
        %dma_start3A_64 = arith.constant 0 : i32
        %dma_start3A_65 = arith.constant 0 : i32
        %dma_start3A_66 = tpu.memref_slice %arg13[%dma_start3A_64, %dma_start3A_65] : memref<10240x128xf32, #tpu.memory_space<vmem_shared>> -> memref<10240x128xf32, #tpu.memory_space<vmem_shared>>
        tpu.enqueue_indirect_dma source(%arg11 : memref<128x128xf32, #tpu.memory_space<vmem>>) target(%dma_start3A_66 : memref<10240x128xf32, #tpu.memory_space<vmem_shared>>) offsets(%arg10 : memref<128xi32, #tpu.memory_space<vmem>>) semaphore(%run_scoped3A : memref<!tpu.dma_semaphore, #tpu.memory_space<semaphore_mem>>) {add = true}
        %dma_wait3A_67 = arith.constant 0 : i32
        %dma_wait3A_68 = arith.constant 0 : i32
        %dma_wait3A_69 = tpu.memref_slice %arg13[%dma_wait3A_67, %dma_wait3A_68] : memref<10240x128xf32, #tpu.memory_space<vmem_shared>> -> memref<10240x128xf32, #tpu.memory_space<vmem_shared>>
        tpu.wait_indirect_dma semaphore(%run_scoped3A : memref<!tpu.dma_semaphore, #tpu.memory_space<semaphore_mem>>) src(%arg11 : memref<128x128xf32, #tpu.memory_space<vmem>>) dst(%dma_wait3A_69 : memref<10240x128xf32, #tpu.memory_space<vmem_shared>>)
        tpu.yield
      }) : () -> ()
      %scan3A_63 = arith.constant 0 : i32
      scf.yield %scan3A_63 : i32
    }
    %scan3A_25 = arith.constant 40 : i32
    %dma_wait3A = arith.constant 0 : i32
    %dma_wait3A_26 = arith.constant 0 : i32
    %dma_wait3A_27 = tpu.memref_slice %arg2[%dma_wait3A, %dma_wait3A_26] : memref<10240x128xf32, #tpu.memory_space<hbm>> -> memref<10240x128xf32, #tpu.memory_space<hbm>>
    tpu.wait_indirect_dma semaphore(%arg14 : memref<!tpu.dma_semaphore, #tpu.memory_space<semaphore_mem>>) src(%dma_wait3A_27 : memref<10240x128xf32, #tpu.memory_space<hbm>>) dst(%arg8 : memref<128x128xf32, #tpu.memory_space<vmem>>)
    "tpu.region"() ({
      %run_scoped3A = tpu.sem_alloc : memref<!tpu.dma_semaphore, #tpu.memory_space<semaphore_mem>>
      %dma_start3A_36 = arith.constant 0 : i32
      %dma_start3A_37 = arith.constant 0 : i32
      %dma_start3A_38 = tpu.memref_slice %arg13[%dma_start3A_36, %dma_start3A_37] : memref<10240x128xf32, #tpu.memory_space<vmem_shared>> -> memref<10240x128xf32, #tpu.memory_space<vmem_shared>>
      tpu.enqueue_indirect_dma source(%arg8 : memref<128x128xf32, #tpu.memory_space<vmem>>) target(%dma_start3A_38 : memref<10240x128xf32, #tpu.memory_space<vmem_shared>>) offsets(%arg7 : memref<128xi32, #tpu.memory_space<vmem>>) semaphore(%run_scoped3A : memref<!tpu.dma_semaphore, #tpu.memory_space<semaphore_mem>>) {add = true}
      %dma_wait3A_39 = arith.constant 0 : i32
      %dma_wait3A_40 = arith.constant 0 : i32
      %dma_wait3A_41 = tpu.memref_slice %arg13[%dma_wait3A_39, %dma_wait3A_40] : memref<10240x128xf32, #tpu.memory_space<vmem_shared>> -> memref<10240x128xf32, #tpu.memory_space<vmem_shared>>
      tpu.wait_indirect_dma semaphore(%run_scoped3A : memref<!tpu.dma_semaphore, #tpu.memory_space<semaphore_mem>>) src(%arg8 : memref<128x128xf32, #tpu.memory_space<vmem>>) dst(%dma_wait3A_41 : memref<10240x128xf32, #tpu.memory_space<vmem_shared>>)
      tpu.yield
    }) : () -> ()
    %barrier3A_28 = arith.constant 0 : index
    tpu.barrier barrier_id(%barrier3A_28)
    %scan3A_29 = arith.constant 0 : i32
    %scan3A_30 = arith.constant 0 : i32
    %scan3A_31 = arith.constant 20 : i32
    %scan3A_32 = arith.addi %scan3A_30, %scan3A_31 : i32
    %scan3A_33 = arith.constant 1 : i32
    %scan3A_34 = scf.for %scan3A_36 = %scan3A_30 to %scan3A_32 step %scan3A_33 iter_args(%scan3A_37 = %scan3A_29) -> (i32)  : i32 {
      %mul3A_38 = arith.constant 640 : i32
      %mul3A_39 = arith.muli %arg1, %mul3A_38 : i32
      %mul3A_40 = arith.constant 32 : i32
      %mul3A_41 = arith.muli %scan3A_36, %mul3A_40 : i32
      %add3A_42 = arith.addi %mul3A_39, %mul3A_41 : i32
      "tpu.region"() ({
        %run_scoped3A = tpu.sem_alloc : memref<!tpu.dma_semaphore, #tpu.memory_space<semaphore_mem>>
        %dma_start3A_44 = arith.constant 0 : i32
        %dma_start3A_45 = tpu.memref_slice %arg13[%add3A_42, %dma_start3A_44] : memref<10240x128xf32, #tpu.memory_space<vmem_shared>> -> memref<32x128xf32, #tpu.memory_space<vmem_shared>>
        %dma_start3A_46 = arith.constant 0 : i32
        %dma_start3A_47 = tpu.memref_slice %arg13[%add3A_42, %dma_start3A_46] : memref<10240x128xf32, #tpu.memory_space<vmem_shared>> -> memref<32x128xf32, #tpu.memory_space<vmem_shared>>
        tpu.enqueue_dma source(%dma_start3A_47 : memref<32x128xf32, #tpu.memory_space<vmem_shared>>) target(%arg12 : memref<32x128xf32, #tpu.memory_space<vmem>>) target_semaphore(%run_scoped3A : memref<!tpu.dma_semaphore, #tpu.memory_space<semaphore_mem>>)
        %dma_wait3A_48 = arith.constant 0 : i32
        %dma_wait3A_49 = tpu.memref_slice %arg13[%add3A_42, %dma_wait3A_48] : memref<10240x128xf32, #tpu.memory_space<vmem_shared>> -> memref<32x128xf32, #tpu.memory_space<vmem_shared>>
        %dma_wait3A_50 = arith.constant 0 : i32
        %dma_wait3A_51 = tpu.memref_slice %arg13[%add3A_42, %dma_wait3A_50] : memref<10240x128xf32, #tpu.memory_space<vmem_shared>> -> memref<32x128xf32, #tpu.memory_space<vmem_shared>>
        tpu.wait_dma2 semaphore(%run_scoped3A : memref<!tpu.dma_semaphore, #tpu.memory_space<semaphore_mem>>) src(%dma_wait3A_51 : memref<32x128xf32, #tpu.memory_space<vmem_shared>>) dst(%arg12 : memref<32x128xf32, #tpu.memory_space<vmem>>)
        tpu.yield
      }) : () -> ()
      "tpu.region"() ({
        %run_scoped3A = tpu.sem_alloc : memref<!tpu.dma_semaphore, #tpu.memory_space<semaphore_mem>>
        %dma_start3A_44 = arith.constant 0 : i32
        %dma_start3A_45 = tpu.memref_slice %arg5[%arg0, %add3A_42, %dma_start3A_44] : memref<2x10240x128xf32, #tpu.memory_space<hbm>> -> memref<1x32x128xf32, #tpu.memory_space<hbm>>
        %dma_start3A_46 = tpu.memref_squeeze %dma_start3A_45 : memref<1x32x128xf32, #tpu.memory_space<hbm>> -> memref<32x128xf32, #tpu.memory_space<hbm>>
        %dma_start3A_47 = arith.constant 0 : i32
        %dma_start3A_48 = tpu.memref_slice %arg5[%arg0, %add3A_42, %dma_start3A_47] : memref<2x10240x128xf32, #tpu.memory_space<hbm>> -> memref<1x32x128xf32, #tpu.memory_space<hbm>>
        %dma_start3A_49 = tpu.memref_squeeze %dma_start3A_48 : memref<1x32x128xf32, #tpu.memory_space<hbm>> -> memref<32x128xf32, #tpu.memory_space<hbm>>
        tpu.enqueue_dma source(%arg12 : memref<32x128xf32, #tpu.memory_space<vmem>>) target(%dma_start3A_49 : memref<32x128xf32, #tpu.memory_space<hbm>>) target_semaphore(%run_scoped3A : memref<!tpu.dma_semaphore, #tpu.memory_space<semaphore_mem>>)
        %dma_wait3A_50 = arith.constant 0 : i32
        %dma_wait3A_51 = tpu.memref_slice %arg5[%arg0, %add3A_42, %dma_wait3A_50] : memref<2x10240x128xf32, #tpu.memory_space<hbm>> -> memref<1x32x128xf32, #tpu.memory_space<hbm>>
        %dma_wait3A_52 = tpu.memref_squeeze %dma_wait3A_51 : memref<1x32x128xf32, #tpu.memory_space<hbm>> -> memref<32x128xf32, #tpu.memory_space<hbm>>
        %dma_wait3A_53 = arith.constant 0 : i32
        %dma_wait3A_54 = tpu.memref_slice %arg5[%arg0, %add3A_42, %dma_wait3A_53] : memref<2x10240x128xf32, #tpu.memory_space<hbm>> -> memref<1x32x128xf32, #tpu.memory_space<hbm>>
        %dma_wait3A_55 = tpu.memref_squeeze %dma_wait3A_54 : memref<1x32x128xf32, #tpu.memory_space<hbm>> -> memref<32x128xf32, #tpu.memory_space<hbm>>
        tpu.wait_dma2 semaphore(%run_scoped3A : memref<!tpu.dma_semaphore, #tpu.memory_space<semaphore_mem>>) src(%arg12 : memref<32x128xf32, #tpu.memory_space<vmem>>) dst(%dma_wait3A_55 : memref<32x128xf32, #tpu.memory_space<hbm>>)
        tpu.yield
      }) : () -> ()
      %scan3A_43 = arith.constant 0 : i32
      scf.yield %scan3A_43 : i32
    }
    %scan3A_35 = arith.constant 20 : i32
    return
  }
}

#map = affine_map<(d0, d1) -> (0, 0)>
#map1 = affine_map<(d0, d1) -> (0)>
#map2 = affine_map<(d0, d1) -> (0, 0, 0)>
module attributes {stable_mosaic.version = 14 : i64} {
  func.func @_sc_gat_body(%arg0: i32, %arg1: i32, %arg2: memref<10240x128xf32, #tpu.memory_space<hbm>>, %arg3: memref<10240x128xf32, #tpu.memory_space<hbm>>, %arg4: memref<10240x128xf32, #tpu.memory_space<hbm>>, %arg5: memref<331776xi32, #tpu.memory_space<hbm>>, %arg6: memref<331776xi32, #tpu.memory_space<hbm>>, %arg7: memref<2x10240x128xf32, #tpu.memory_space<hbm>>, %arg8: memref<2x1280x128xf32, #tpu.memory_space<hbm>>, %arg9: memref<48xi32, #tpu.memory_space<vmem>>, %arg10: memref<48xi32, #tpu.memory_space<vmem>>, %arg11: memref<48xi32, #tpu.memory_space<vmem>>, %arg12: memref<48x128xf32, #tpu.memory_space<vmem>>, %arg13: memref<48x128xf32, #tpu.memory_space<vmem>>, %arg14: memref<48x128xf32, #tpu.memory_space<vmem>>, %arg15: memref<48x128xf32, #tpu.memory_space<vmem>>, %arg16: memref<10240x128xf32, #tpu.memory_space<vmem_shared>>, %arg17: memref<1280x128xf32, #tpu.memory_space<vmem_shared>>, %arg18: memref<!tpu.dma_semaphore, #tpu.memory_space<semaphore_mem>>, %arg19: memref<!tpu.dma_semaphore, #tpu.memory_space<semaphore_mem>>, %arg20: memref<!tpu.dma_semaphore, #tpu.memory_space<semaphore_mem>>) attributes {dimension_semantics = [#tpu.dimension_semantics<core_parallel>, #tpu.dimension_semantics<subcore_parallel>], iteration_bounds = array<i64: 2, 16>, scalar_prefetch = 0 : i64, scratch_operands = 12 : i64, tpu.core_type = #tpu.core_type<sc_vector_subcore>, window_params = [{transform_indices = #map}, {transform_indices = #map}, {transform_indices = #map}, {transform_indices = #map1}, {transform_indices = #map1}, {transform_indices = #map2}, {transform_indices = #map2}]} {
    %mul3A = arith.constant 16 : i32
    %mul3A_0 = arith.muli %arg0, %mul3A : i32
    %add3A = arith.addi %mul3A_0, %arg1 : i32
    %broadcast_in_dim3A = arith.constant 0.000000e+00 : f32
    %broadcast_in_dim3A_1 = vector.broadcast %broadcast_in_dim3A : f32 to vector<16xf32>
    %scan3A = arith.constant 0 : i32
    %scan3A_2 = arith.constant 0 : i32
    %scan3A_3 = arith.constant 32 : i32
    %scan3A_4 = arith.addi %scan3A_2, %scan3A_3 : i32
    %scan3A_5 = arith.constant 1 : i32
    %scan3A_6 = scf.for %scan3A_44 = %scan3A_2 to %scan3A_4 step %scan3A_5 iter_args(%scan3A_45 = %scan3A) -> (i32)  : i32 {
      %swap3A = arith.index_cast %scan3A_44 : i32 to index
      %swap3A_46 = arith.constant 0 : index
      %swap3A_47 = tpu.vector_load %arg12[%swap3A, %swap3A_46] {strides = array<i32>} : memref<48x128xf32, #tpu.memory_space<vmem>>, vector<1x16xf32>,
      %swap3A_48 = vector.shape_cast %swap3A_47 : vector<1x16xf32> to vector<16xf32>
      %swap3A_49 = vector.shape_cast %broadcast_in_dim3A_1 : vector<16xf32> to vector<1x16xf32>
      tpu.vector_store %arg12[%swap3A, %swap3A_46], %swap3A_49 {strides = array<i32>} : memref<48x128xf32, #tpu.memory_space<vmem>>, vector<1x16xf32>,
      %swap3A_50 = arith.index_cast %scan3A_44 : i32 to index
      %swap3A_51 = arith.constant 16 : index
      %swap3A_52 = tpu.vector_load %arg12[%swap3A_50, %swap3A_51] {strides = array<i32>} : memref<48x128xf32, #tpu.memory_space<vmem>>, vector<1x16xf32>,
      %swap3A_53 = vector.shape_cast %swap3A_52 : vector<1x16xf32> to vector<16xf32>
      %swap3A_54 = vector.shape_cast %broadcast_in_dim3A_1 : vector<16xf32> to vector<1x16xf32>
      tpu.vector_store %arg12[%swap3A_50, %swap3A_51], %swap3A_54 {strides = array<i32>} : memref<48x128xf32, #tpu.memory_space<vmem>>, vector<1x16xf32>,
      %swap3A_55 = arith.index_cast %scan3A_44 : i32 to index
      %swap3A_56 = arith.constant 32 : index
      %swap3A_57 = tpu.vector_load %arg12[%swap3A_55, %swap3A_56] {strides = array<i32>} : memref<48x128xf32, #tpu.memory_space<vmem>>, vector<1x16xf32>,
      %swap3A_58 = vector.shape_cast %swap3A_57 : vector<1x16xf32> to vector<16xf32>
      %swap3A_59 = vector.shape_cast %broadcast_in_dim3A_1 : vector<16xf32> to vector<1x16xf32>
      tpu.vector_store %arg12[%swap3A_55, %swap3A_56], %swap3A_59 {strides = array<i32>} : memref<48x128xf32, #tpu.memory_space<vmem>>, vector<1x16xf32>,
      %swap3A_60 = arith.index_cast %scan3A_44 : i32 to index
      %swap3A_61 = arith.constant 48 : index
      %swap3A_62 = tpu.vector_load %arg12[%swap3A_60, %swap3A_61] {strides = array<i32>} : memref<48x128xf32, #tpu.memory_space<vmem>>, vector<1x16xf32>,
      %swap3A_63 = vector.shape_cast %swap3A_62 : vector<1x16xf32> to vector<16xf32>
      %swap3A_64 = vector.shape_cast %broadcast_in_dim3A_1 : vector<16xf32> to vector<1x16xf32>
      tpu.vector_store %arg12[%swap3A_60, %swap3A_61], %swap3A_64 {strides = array<i32>} : memref<48x128xf32, #tpu.memory_space<vmem>>, vector<1x16xf32>,
      %swap3A_65 = arith.index_cast %scan3A_44 : i32 to index
      %swap3A_66 = arith.constant 64 : index
      %swap3A_67 = tpu.vector_load %arg12[%swap3A_65, %swap3A_66] {strides = array<i32>} : memref<48x128xf32, #tpu.memory_space<vmem>>, vector<1x16xf32>,
      %swap3A_68 = vector.shape_cast %swap3A_67 : vector<1x16xf32> to vector<16xf32>
      %swap3A_69 = vector.shape_cast %broadcast_in_dim3A_1 : vector<16xf32> to vector<1x16xf32>
      tpu.vector_store %arg12[%swap3A_65, %swap3A_66], %swap3A_69 {strides = array<i32>} : memref<48x128xf32, #tpu.memory_space<vmem>>, vector<1x16xf32>,
      %swap3A_70 = arith.index_cast %scan3A_44 : i32 to index
      %swap3A_71 = arith.constant 80 : index
      %swap3A_72 = tpu.vector_load %arg12[%swap3A_70, %swap3A_71] {strides = array<i32>} : memref<48x128xf32, #tpu.memory_space<vmem>>, vector<1x16xf32>,
      %swap3A_73 = vector.shape_cast %swap3A_72 : vector<1x16xf32> to vector<16xf32>
      %swap3A_74 = vector.shape_cast %broadcast_in_dim3A_1 : vector<16xf32> to vector<1x16xf32>
      tpu.vector_store %arg12[%swap3A_70, %swap3A_71], %swap3A_74 {strides = array<i32>} : memref<48x128xf32, #tpu.memory_space<vmem>>, vector<1x16xf32>,
      %swap3A_75 = arith.index_cast %scan3A_44 : i32 to index
      %swap3A_76 = arith.constant 96 : index
      %swap3A_77 = tpu.vector_load %arg12[%swap3A_75, %swap3A_76] {strides = array<i32>} : memref<48x128xf32, #tpu.memory_space<vmem>>, vector<1x16xf32>,
      %swap3A_78 = vector.shape_cast %swap3A_77 : vector<1x16xf32> to vector<16xf32>
      %swap3A_79 = vector.shape_cast %broadcast_in_dim3A_1 : vector<16xf32> to vector<1x16xf32>
      tpu.vector_store %arg12[%swap3A_75, %swap3A_76], %swap3A_79 {strides = array<i32>} : memref<48x128xf32, #tpu.memory_space<vmem>>, vector<1x16xf32>,
      %swap3A_80 = arith.index_cast %scan3A_44 : i32 to index
      %swap3A_81 = arith.constant 112 : index
      %swap3A_82 = tpu.vector_load %arg12[%swap3A_80, %swap3A_81] {strides = array<i32>} : memref<48x128xf32, #tpu.memory_space<vmem>>, vector<1x16xf32>,
      %swap3A_83 = vector.shape_cast %swap3A_82 : vector<1x16xf32> to vector<16xf32>
      %swap3A_84 = vector.shape_cast %broadcast_in_dim3A_1 : vector<16xf32> to vector<1x16xf32>
      tpu.vector_store %arg12[%swap3A_80, %swap3A_81], %swap3A_84 {strides = array<i32>} : memref<48x128xf32, #tpu.memory_space<vmem>>, vector<1x16xf32>,
      %scan3A_85 = arith.constant 0 : i32
      scf.yield %scan3A_85 : i32
    }
    %scan3A_7 = arith.constant 32 : i32
    %scan3A_8 = arith.constant 0 : i32
    %scan3A_9 = arith.constant 0 : i32
    %scan3A_10 = arith.constant 20 : i32
    %scan3A_11 = arith.addi %scan3A_9, %scan3A_10 : i32
    %scan3A_12 = arith.constant 1 : i32
    %scan3A_13 = scf.for %scan3A_44 = %scan3A_9 to %scan3A_11 step %scan3A_12 iter_args(%scan3A_45 = %scan3A_8) -> (i32)  : i32 {
      %mul3A_46 = arith.constant 640 : i32
      %mul3A_47 = arith.muli %arg1, %mul3A_46 : i32
      %mul3A_48 = arith.constant 32 : i32
      %mul3A_49 = arith.muli %scan3A_44, %mul3A_48 : i32
      %add3A_50 = arith.addi %mul3A_47, %mul3A_49 : i32
      "tpu.region"() ({
        %run_scoped3A = tpu.sem_alloc : memref<!tpu.dma_semaphore, #tpu.memory_space<semaphore_mem>>
        %dma_start3A = arith.constant 0 : i32
        %dma_start3A_52 = arith.constant 0 : i32
        %dma_start3A_53 = tpu.memref_slice %arg12[%dma_start3A, %dma_start3A_52] : memref<48x128xf32, #tpu.memory_space<vmem>> -> memref<32x128xf32, #tpu.memory_space<vmem>>
        %dma_start3A_54 = arith.constant 0 : i32
        %dma_start3A_55 = tpu.memref_slice %arg16[%add3A_50, %dma_start3A_54] : memref<10240x128xf32, #tpu.memory_space<vmem_shared>> -> memref<32x128xf32, #tpu.memory_space<vmem_shared>>
        %dma_start3A_56 = arith.constant 0 : i32
        %dma_start3A_57 = tpu.memref_slice %arg16[%add3A_50, %dma_start3A_56] : memref<10240x128xf32, #tpu.memory_space<vmem_shared>> -> memref<32x128xf32, #tpu.memory_space<vmem_shared>>
        %dma_start3A_58 = arith.constant 0 : i32
        %dma_start3A_59 = arith.constant 0 : i32
        %dma_start3A_60 = tpu.memref_slice %arg12[%dma_start3A_58, %dma_start3A_59] : memref<48x128xf32, #tpu.memory_space<vmem>> -> memref<32x128xf32, #tpu.memory_space<vmem>>
        tpu.enqueue_dma source(%dma_start3A_60 : memref<32x128xf32, #tpu.memory_space<vmem>>) target(%dma_start3A_57 : memref<32x128xf32, #tpu.memory_space<vmem_shared>>) target_semaphore(%run_scoped3A : memref<!tpu.dma_semaphore, #tpu.memory_space<semaphore_mem>>)
        %dma_wait3A = arith.constant 0 : i32
        %dma_wait3A_61 = arith.constant 0 : i32
        %dma_wait3A_62 = tpu.memref_slice %arg12[%dma_wait3A, %dma_wait3A_61] : memref<48x128xf32, #tpu.memory_space<vmem>> -> memref<32x128xf32, #tpu.memory_space<vmem>>
        %dma_wait3A_63 = arith.constant 0 : i32
        %dma_wait3A_64 = tpu.memref_slice %arg16[%add3A_50, %dma_wait3A_63] : memref<10240x128xf32, #tpu.memory_space<vmem_shared>> -> memref<32x128xf32, #tpu.memory_space<vmem_shared>>
        %dma_wait3A_65 = arith.constant 0 : i32
        %dma_wait3A_66 = tpu.memref_slice %arg16[%add3A_50, %dma_wait3A_65] : memref<10240x128xf32, #tpu.memory_space<vmem_shared>> -> memref<32x128xf32, #tpu.memory_space<vmem_shared>>
        %dma_wait3A_67 = arith.constant 0 : i32
        %dma_wait3A_68 = arith.constant 0 : i32
        %dma_wait3A_69 = tpu.memref_slice %arg12[%dma_wait3A_67, %dma_wait3A_68] : memref<48x128xf32, #tpu.memory_space<vmem>> -> memref<32x128xf32, #tpu.memory_space<vmem>>
        tpu.wait_dma2 semaphore(%run_scoped3A : memref<!tpu.dma_semaphore, #tpu.memory_space<semaphore_mem>>) src(%dma_wait3A_69 : memref<32x128xf32, #tpu.memory_space<vmem>>) dst(%dma_wait3A_66 : memref<32x128xf32, #tpu.memory_space<vmem_shared>>)
        tpu.yield
      }) : () -> ()
      %scan3A_51 = arith.constant 0 : i32
      scf.yield %scan3A_51 : i32
    }
    %scan3A_14 = arith.constant 20 : i32
    %scan3A_15 = arith.constant 0 : i32
    %scan3A_16 = arith.constant 0 : i32
    %scan3A_17 = arith.constant 5 : i32
    %scan3A_18 = arith.addi %scan3A_16, %scan3A_17 : i32
    %scan3A_19 = arith.constant 1 : i32
    %scan3A_20 = scf.for %scan3A_44 = %scan3A_16 to %scan3A_18 step %scan3A_19 iter_args(%scan3A_45 = %scan3A_15) -> (i32)  : i32 {
      %mul3A_46 = arith.constant 80 : i32
      %mul3A_47 = arith.muli %arg1, %mul3A_46 : i32
      %mul3A_48 = arith.constant 16 : i32
      %mul3A_49 = arith.muli %scan3A_44, %mul3A_48 : i32
      %add3A_50 = arith.addi %mul3A_47, %mul3A_49 : i32
      "tpu.region"() ({
        %run_scoped3A = tpu.sem_alloc : memref<!tpu.dma_semaphore, #tpu.memory_space<semaphore_mem>>
        %dma_start3A = arith.constant 0 : i32
        %dma_start3A_52 = arith.constant 0 : i32
        %dma_start3A_53 = tpu.memref_slice %arg12[%dma_start3A, %dma_start3A_52] : memref<48x128xf32, #tpu.memory_space<vmem>> -> memref<16x128xf32, #tpu.memory_space<vmem>>
        %dma_start3A_54 = arith.constant 0 : i32
        %dma_start3A_55 = tpu.memref_slice %arg17[%add3A_50, %dma_start3A_54] : memref<1280x128xf32, #tpu.memory_space<vmem_shared>> -> memref<16x128xf32, #tpu.memory_space<vmem_shared>>
        %dma_start3A_56 = arith.constant 0 : i32
        %dma_start3A_57 = tpu.memref_slice %arg17[%add3A_50, %dma_start3A_56] : memref<1280x128xf32, #tpu.memory_space<vmem_shared>> -> memref<16x128xf32, #tpu.memory_space<vmem_shared>>
        %dma_start3A_58 = arith.constant 0 : i32
        %dma_start3A_59 = arith.constant 0 : i32
        %dma_start3A_60 = tpu.memref_slice %arg12[%dma_start3A_58, %dma_start3A_59] : memref<48x128xf32, #tpu.memory_space<vmem>> -> memref<16x128xf32, #tpu.memory_space<vmem>>
        tpu.enqueue_dma source(%dma_start3A_60 : memref<16x128xf32, #tpu.memory_space<vmem>>) target(%dma_start3A_57 : memref<16x128xf32, #tpu.memory_space<vmem_shared>>) target_semaphore(%run_scoped3A : memref<!tpu.dma_semaphore, #tpu.memory_space<semaphore_mem>>)
        %dma_wait3A = arith.constant 0 : i32
        %dma_wait3A_61 = arith.constant 0 : i32
        %dma_wait3A_62 = tpu.memref_slice %arg12[%dma_wait3A, %dma_wait3A_61] : memref<48x128xf32, #tpu.memory_space<vmem>> -> memref<16x128xf32, #tpu.memory_space<vmem>>
        %dma_wait3A_63 = arith.constant 0 : i32
        %dma_wait3A_64 = tpu.memref_slice %arg17[%add3A_50, %dma_wait3A_63] : memref<1280x128xf32, #tpu.memory_space<vmem_shared>> -> memref<16x128xf32, #tpu.memory_space<vmem_shared>>
        %dma_wait3A_65 = arith.constant 0 : i32
        %dma_wait3A_66 = tpu.memref_slice %arg17[%add3A_50, %dma_wait3A_65] : memref<1280x128xf32, #tpu.memory_space<vmem_shared>> -> memref<16x128xf32, #tpu.memory_space<vmem_shared>>
        %dma_wait3A_67 = arith.constant 0 : i32
        %dma_wait3A_68 = arith.constant 0 : i32
        %dma_wait3A_69 = tpu.memref_slice %arg12[%dma_wait3A_67, %dma_wait3A_68] : memref<48x128xf32, #tpu.memory_space<vmem>> -> memref<16x128xf32, #tpu.memory_space<vmem>>
        tpu.wait_dma2 semaphore(%run_scoped3A : memref<!tpu.dma_semaphore, #tpu.memory_space<semaphore_mem>>) src(%dma_wait3A_69 : memref<16x128xf32, #tpu.memory_space<vmem>>) dst(%dma_wait3A_66 : memref<16x128xf32, #tpu.memory_space<vmem_shared>>)
        tpu.yield
      }) : () -> ()
      %scan3A_51 = arith.constant 0 : i32
      scf.yield %scan3A_51 : i32
    }
    %scan3A_21 = arith.constant 5 : i32
    %barrier3A = arith.constant 0 : index
    tpu.barrier barrier_id(%barrier3A)
    %scan3A_22 = arith.constant 0 : i32
    %scan3A_23 = arith.constant 0 : i32
    %scan3A_24 = arith.constant 216 : i32
    %scan3A_25 = arith.addi %scan3A_23, %scan3A_24 : i32
    %scan3A_26 = arith.constant 1 : i32
    %scan3A_27 = scf.for %scan3A_44 = %scan3A_23 to %scan3A_25 step %scan3A_26 iter_args(%scan3A_45 = %scan3A_22) -> (i32)  : i32 {
      %mul3A_46 = arith.constant 10368 : i32
      %mul3A_47 = arith.muli %add3A, %mul3A_46 : i32
      %mul3A_48 = arith.constant 48 : i32
      %mul3A_49 = arith.muli %scan3A_44, %mul3A_48 : i32
      %add3A_50 = arith.addi %mul3A_47, %mul3A_49 : i32
      "tpu.region"() ({
        %run_scoped3A = tpu.sem_alloc : memref<!tpu.dma_semaphore, #tpu.memory_space<semaphore_mem>>
        %dma_start3A_102 = tpu.memref_slice %arg5[%add3A_50] : memref<331776xi32, #tpu.memory_space<hbm>> -> memref<48xi32, #tpu.memory_space<hbm>>
        %dma_start3A_103 = tpu.memref_slice %arg5[%add3A_50] : memref<331776xi32, #tpu.memory_space<hbm>> -> memref<48xi32, #tpu.memory_space<hbm>>
        tpu.enqueue_dma source(%dma_start3A_103 : memref<48xi32, #tpu.memory_space<hbm>>) target(%arg9 : memref<48xi32, #tpu.memory_space<vmem>>) target_semaphore(%run_scoped3A : memref<!tpu.dma_semaphore, #tpu.memory_space<semaphore_mem>>)
        %dma_wait3A_104 = tpu.memref_slice %arg5[%add3A_50] : memref<331776xi32, #tpu.memory_space<hbm>> -> memref<48xi32, #tpu.memory_space<hbm>>
        %dma_wait3A_105 = tpu.memref_slice %arg5[%add3A_50] : memref<331776xi32, #tpu.memory_space<hbm>> -> memref<48xi32, #tpu.memory_space<hbm>>
        tpu.wait_dma2 semaphore(%run_scoped3A : memref<!tpu.dma_semaphore, #tpu.memory_space<semaphore_mem>>) src(%dma_wait3A_105 : memref<48xi32, #tpu.memory_space<hbm>>) dst(%arg9 : memref<48xi32, #tpu.memory_space<vmem>>)
        tpu.yield
      }) : () -> ()
      "tpu.region"() ({
        %run_scoped3A = tpu.sem_alloc : memref<!tpu.dma_semaphore, #tpu.memory_space<semaphore_mem>>
        %dma_start3A_102 = tpu.memref_slice %arg6[%add3A_50] : memref<331776xi32, #tpu.memory_space<hbm>> -> memref<48xi32, #tpu.memory_space<hbm>>
        %dma_start3A_103 = tpu.memref_slice %arg6[%add3A_50] : memref<331776xi32, #tpu.memory_space<hbm>> -> memref<48xi32, #tpu.memory_space<hbm>>
        tpu.enqueue_dma source(%dma_start3A_103 : memref<48xi32, #tpu.memory_space<hbm>>) target(%arg10 : memref<48xi32, #tpu.memory_space<vmem>>) target_semaphore(%run_scoped3A : memref<!tpu.dma_semaphore, #tpu.memory_space<semaphore_mem>>)
        %dma_wait3A_104 = tpu.memref_slice %arg6[%add3A_50] : memref<331776xi32, #tpu.memory_space<hbm>> -> memref<48xi32, #tpu.memory_space<hbm>>
        %dma_wait3A_105 = tpu.memref_slice %arg6[%add3A_50] : memref<331776xi32, #tpu.memory_space<hbm>> -> memref<48xi32, #tpu.memory_space<hbm>>
        tpu.wait_dma2 semaphore(%run_scoped3A : memref<!tpu.dma_semaphore, #tpu.memory_space<semaphore_mem>>) src(%dma_wait3A_105 : memref<48xi32, #tpu.memory_space<hbm>>) dst(%arg10 : memref<48xi32, #tpu.memory_space<vmem>>)
        tpu.yield
      }) : () -> ()
      %get3A = arith.constant 0 : index
      %get3A_51 = tpu.vector_load %arg10[%get3A] {strides = array<i32>} : memref<48xi32, #tpu.memory_space<vmem>>, vector<16xi32>,
      %get3A_52 = vector.shape_cast %get3A_51 : vector<16xi32> to vector<16xi32>
      %shift_right_arithmetic3A = arith.constant 3 : i32
      %shift_right_arithmetic3A_53 = vector.broadcast %shift_right_arithmetic3A : i32 to vector<16xi32>
      %shift_right_arithmetic3A_54 = arith.shrsi %get3A_52, %shift_right_arithmetic3A_53 : vector<16xi32>
      %swap3A = arith.constant 0 : index
      %swap3A_55 = tpu.vector_load %arg11[%swap3A] {strides = array<i32>} : memref<48xi32, #tpu.memory_space<vmem>>, vector<16xi32>,
      %swap3A_56 = vector.shape_cast %swap3A_55 : vector<16xi32> to vector<16xi32>
      %swap3A_57 = vector.shape_cast %shift_right_arithmetic3A_54 : vector<16xi32> to vector<16xi32>
      tpu.vector_store %arg11[%swap3A], %swap3A_57 {strides = array<i32>} : memref<48xi32, #tpu.memory_space<vmem>>, vector<16xi32>,
      %get3A_58 = arith.constant 16 : index
      %get3A_59 = tpu.vector_load %arg10[%get3A_58] {strides = array<i32>} : memref<48xi32, #tpu.memory_space<vmem>>, vector<16xi32>,
      %get3A_60 = vector.shape_cast %get3A_59 : vector<16xi32> to vector<16xi32>
      %shift_right_arithmetic3A_61 = arith.constant 3 : i32
      %shift_right_arithmetic3A_62 = vector.broadcast %shift_right_arithmetic3A_61 : i32 to vector<16xi32>
      %shift_right_arithmetic3A_63 = arith.shrsi %get3A_60, %shift_right_arithmetic3A_62 : vector<16xi32>
      %swap3A_64 = arith.constant 16 : index
      %swap3A_65 = tpu.vector_load %arg11[%swap3A_64] {strides = array<i32>} : memref<48xi32, #tpu.memory_space<vmem>>, vector<16xi32>,
      %swap3A_66 = vector.shape_cast %swap3A_65 : vector<16xi32> to vector<16xi32>
      %swap3A_67 = vector.shape_cast %shift_right_arithmetic3A_63 : vector<16xi32> to vector<16xi32>
      tpu.vector_store %arg11[%swap3A_64], %swap3A_67 {strides = array<i32>} : memref<48xi32, #tpu.memory_space<vmem>>, vector<16xi32>,
      %get3A_68 = arith.constant 32 : index
      %get3A_69 = tpu.vector_load %arg10[%get3A_68] {strides = array<i32>} : memref<48xi32, #tpu.memory_space<vmem>>, vector<16xi32>,
      %get3A_70 = vector.shape_cast %get3A_69 : vector<16xi32> to vector<16xi32>
      %shift_right_arithmetic3A_71 = arith.constant 3 : i32
      %shift_right_arithmetic3A_72 = vector.broadcast %shift_right_arithmetic3A_71 : i32 to vector<16xi32>
      %shift_right_arithmetic3A_73 = arith.shrsi %get3A_70, %shift_right_arithmetic3A_72 : vector<16xi32>
      %swap3A_74 = arith.constant 32 : index
      %swap3A_75 = tpu.vector_load %arg11[%swap3A_74] {strides = array<i32>} : memref<48xi32, #tpu.memory_space<vmem>>, vector<16xi32>,
      %swap3A_76 = vector.shape_cast %swap3A_75 : vector<16xi32> to vector<16xi32>
      %swap3A_77 = vector.shape_cast %shift_right_arithmetic3A_73 : vector<16xi32> to vector<16xi32>
      tpu.vector_store %arg11[%swap3A_74], %swap3A_77 {strides = array<i32>} : memref<48xi32, #tpu.memory_space<vmem>>, vector<16xi32>,
      %dma_start3A = arith.constant 0 : i32
      %dma_start3A_78 = arith.constant 0 : i32
      %dma_start3A_79 = tpu.memref_slice %arg2[%dma_start3A, %dma_start3A_78] : memref<10240x128xf32, #tpu.memory_space<hbm>> -> memref<10240x128xf32, #tpu.memory_space<hbm>>
      tpu.enqueue_indirect_dma source(%dma_start3A_79 : memref<10240x128xf32, #tpu.memory_space<hbm>>) target(%arg12 : memref<48x128xf32, #tpu.memory_space<vmem>>) offsets(%arg9 : memref<48xi32, #tpu.memory_space<vmem>>) semaphore(%arg18 : memref<!tpu.dma_semaphore, #tpu.memory_space<semaphore_mem>>)
      %dma_start3A_80 = arith.constant 0 : i32
      %dma_start3A_81 = arith.constant 0 : i32
      %dma_start3A_82 = tpu.memref_slice %arg3[%dma_start3A_80, %dma_start3A_81] : memref<10240x128xf32, #tpu.memory_space<hbm>> -> memref<10240x128xf32, #tpu.memory_space<hbm>>
      tpu.enqueue_indirect_dma source(%dma_start3A_82 : memref<10240x128xf32, #tpu.memory_space<hbm>>) target(%arg13 : memref<48x128xf32, #tpu.memory_space<vmem>>) offsets(%arg9 : memref<48xi32, #tpu.memory_space<vmem>>) semaphore(%arg19 : memref<!tpu.dma_semaphore, #tpu.memory_space<semaphore_mem>>)
      %dma_start3A_83 = arith.constant 0 : i32
      %dma_start3A_84 = arith.constant 0 : i32
      %dma_start3A_85 = tpu.memref_slice %arg4[%dma_start3A_83, %dma_start3A_84] : memref<10240x128xf32, #tpu.memory_space<hbm>> -> memref<10240x128xf32, #tpu.memory_space<hbm>>
      tpu.enqueue_indirect_dma source(%dma_start3A_85 : memref<10240x128xf32, #tpu.memory_space<hbm>>) target(%arg14 : memref<48x128xf32, #tpu.memory_space<vmem>>) offsets(%arg10 : memref<48xi32, #tpu.memory_space<vmem>>) semaphore(%arg20 : memref<!tpu.dma_semaphore, #tpu.memory_space<semaphore_mem>>)
      %dma_wait3A = arith.constant 0 : i32
      %dma_wait3A_86 = arith.constant 0 : i32
      %dma_wait3A_87 = tpu.memref_slice %arg2[%dma_wait3A, %dma_wait3A_86] : memref<10240x128xf32, #tpu.memory_space<hbm>> -> memref<10240x128xf32, #tpu.memory_space<hbm>>
      tpu.wait_indirect_dma semaphore(%arg18 : memref<!tpu.dma_semaphore, #tpu.memory_space<semaphore_mem>>) src(%dma_wait3A_87 : memref<10240x128xf32, #tpu.memory_space<hbm>>) dst(%arg12 : memref<48x128xf32, #tpu.memory_space<vmem>>)
      %dma_wait3A_88 = arith.constant 0 : i32
      %dma_wait3A_89 = arith.constant 0 : i32
      %dma_wait3A_90 = tpu.memref_slice %arg3[%dma_wait3A_88, %dma_wait3A_89] : memref<10240x128xf32, #tpu.memory_space<hbm>> -> memref<10240x128xf32, #tpu.memory_space<hbm>>
      tpu.wait_indirect_dma semaphore(%arg19 : memref<!tpu.dma_semaphore, #tpu.memory_space<semaphore_mem>>) src(%dma_wait3A_90 : memref<10240x128xf32, #tpu.memory_space<hbm>>) dst(%arg13 : memref<48x128xf32, #tpu.memory_space<vmem>>)
      %dma_wait3A_91 = arith.constant 0 : i32
      %dma_wait3A_92 = arith.constant 0 : i32
      %dma_wait3A_93 = tpu.memref_slice %arg4[%dma_wait3A_91, %dma_wait3A_92] : memref<10240x128xf32, #tpu.memory_space<hbm>> -> memref<10240x128xf32, #tpu.memory_space<hbm>>
      tpu.wait_indirect_dma semaphore(%arg20 : memref<!tpu.dma_semaphore, #tpu.memory_space<semaphore_mem>>) src(%dma_wait3A_93 : memref<10240x128xf32, #tpu.memory_space<hbm>>) dst(%arg14 : memref<48x128xf32, #tpu.memory_space<vmem>>)
      %scan3A_94 = arith.constant 0 : i32
      %scan3A_95 = arith.constant 0 : i32
      %scan3A_96 = arith.constant 48 : i32
      %scan3A_97 = arith.addi %scan3A_95, %scan3A_96 : i32
      %scan3A_98 = arith.constant 1 : i32
      %scan3A_99 = scf.for %scan3A_102 = %scan3A_95 to %scan3A_97 step %scan3A_98 iter_args(%scan3A_103 = %scan3A_94) -> (i32)  : i32 {
        %get3A_104 = arith.index_cast %scan3A_102 : i32 to index
        %get3A_105 = arith.constant 0 : index
        %get3A_106 = tpu.vector_load %arg13[%get3A_104, %get3A_105] {strides = array<i32>} : memref<48x128xf32, #tpu.memory_space<vmem>>, vector<1x16xf32>,
        %get3A_107 = vector.shape_cast %get3A_106 : vector<1x16xf32> to vector<16xf32>
        %get3A_108 = arith.index_cast %scan3A_102 : i32 to index
        %get3A_109 = arith.constant 0 : index
        %get3A_110 = tpu.vector_load %arg14[%get3A_108, %get3A_109] {strides = array<i32>} : memref<48x128xf32, #tpu.memory_space<vmem>>, vector<1x16xf32>,
        %get3A_111 = vector.shape_cast %get3A_110 : vector<1x16xf32> to vector<16xf32>
        %add3A_112 = arith.addf %get3A_107, %get3A_111 : vector<16xf32>
        %ge3A = arith.constant 0.000000e+00 : f32
        %ge3A_113 = vector.broadcast %ge3A : f32 to vector<16xf32>
        %ge3A_114 = arith.cmpf oge, %add3A_112, %ge3A_113 : vector<16xf32>
        %mul3A_115 = arith.constant 2.000000e-01 : f32
        %mul3A_116 = vector.broadcast %mul3A_115 : f32 to vector<16xf32>
        %mul3A_117 = arith.mulf %mul3A_116, %add3A_112 : vector<16xf32>
        %select_n3A = arith.select %ge3A_114, %add3A_112, %mul3A_117 : vector<16xi1>, vector<16xf32>
        %exp3A = math.exp %select_n3A : vector<16xf32>
        %shift_right_arithmetic3A_118 = arith.constant 4 : i32
        %shift_right_arithmetic3A_119 = arith.shrsi %scan3A_102, %shift_right_arithmetic3A_118 : i32
        %mul3A_120 = arith.constant 16 : i32
        %mul3A_121 = arith.muli %mul3A_120, %shift_right_arithmetic3A_119 : i32
        %multiple_of3A = tpu.assume_multiple %mul3A_121, 16 : i32
        %get3A_122 = arith.index_cast %multiple_of3A : i32 to index
        %get3A_123 = tpu.vector_load %arg10[%get3A_122] {strides = array<i32>} : memref<48xi32, #tpu.memory_space<vmem>>, vector<16xi32>,
        %get3A_124 = vector.shape_cast %get3A_123 : vector<16xi32> to vector<16xi32>
        %and3A = arith.constant 15 : i32
        %and3A_125 = arith.andi %scan3A_102, %and3A : i32
        %broadcast_in_dim3A_126 = vector.broadcast %and3A_125 : i32 to vector<16x1xi32>
        %gather3A = vector.shape_cast %broadcast_in_dim3A_126 : vector<16x1xi32> to vector<16xi32>
        %gather3A_127 = tpu.dynamic_gather %get3A_124[%gather3A] in [0] : vector<16xi32>, vector<16xi32> -> vector<16xi32>
        %and3A_128 = arith.constant 7 : i32
        %and3A_129 = vector.broadcast %and3A_128 : i32 to vector<16xi32>
        %and3A_130 = arith.andi %gather3A_127, %and3A_129 : vector<16xi32>
        %sub3A = arith.constant 0 : i32
        %sub3A_131 = vector.broadcast %sub3A : i32 to vector<16xi32>
        %sub3A_132 = arith.subi %and3A_130, %sub3A_131 : vector<16xi32>
        %abs3A = math.absi %sub3A_132 : vector<16xi32>
        %min3A = arith.constant 1 : i32
        %min3A_133 = vector.broadcast %min3A : i32 to vector<16xi32>
        %min3A_134 = arith.minsi %abs3A, %min3A_133 : vector<16xi32>
        %sub3A_135 = arith.constant 1 : i32
        %sub3A_136 = vector.broadcast %sub3A_135 : i32 to vector<16xi32>
        %sub3A_137 = arith.subi %sub3A_136, %min3A_134 : vector<16xi32>
        %convert_element_type3A = arith.sitofp %sub3A_137 : vector<16xi32> to vector<16xf32>
        %mul3A_138 = arith.mulf %exp3A, %convert_element_type3A : vector<16xf32>
        %swap3A_139 = arith.index_cast %scan3A_102 : i32 to index
        %swap3A_140 = arith.constant 0 : index
        %swap3A_141 = tpu.vector_load %arg15[%swap3A_139, %swap3A_140] {strides = array<i32>} : memref<48x128xf32, #tpu.memory_space<vmem>>, vector<1x16xf32>,
        %swap3A_142 = vector.shape_cast %swap3A_141 : vector<1x16xf32> to vector<16xf32>
        %swap3A_143 = vector.shape_cast %mul3A_138 : vector<16xf32> to vector<1x16xf32>
        tpu.vector_store %arg15[%swap3A_139, %swap3A_140], %swap3A_143 {strides = array<i32>} : memref<48x128xf32, #tpu.memory_space<vmem>>, vector<1x16xf32>,
        %sub3A_144 = arith.constant 1 : i32
        %sub3A_145 = vector.broadcast %sub3A_144 : i32 to vector<16xi32>
        %sub3A_146 = arith.subi %and3A_130, %sub3A_145 : vector<16xi32>
        %abs3A_147 = math.absi %sub3A_146 : vector<16xi32>
        %min3A_148 = arith.constant 1 : i32
        %min3A_149 = vector.broadcast %min3A_148 : i32 to vector<16xi32>
        %min3A_150 = arith.minsi %abs3A_147, %min3A_149 : vector<16xi32>
        %sub3A_151 = arith.constant 1 : i32
        %sub3A_152 = vector.broadcast %sub3A_151 : i32 to vector<16xi32>
        %sub3A_153 = arith.subi %sub3A_152, %min3A_150 : vector<16xi32>
        %convert_element_type3A_154 = arith.sitofp %sub3A_153 : vector<16xi32> to vector<16xf32>
        %mul3A_155 = arith.mulf %exp3A, %convert_element_type3A_154 : vector<16xf32>
        %swap3A_156 = arith.index_cast %scan3A_102 : i32 to index
        %swap3A_157 = arith.constant 16 : index
        %swap3A_158 = tpu.vector_load %arg15[%swap3A_156, %swap3A_157] {strides = array<i32>} : memref<48x128xf32, #tpu.memory_space<vmem>>, vector<1x16xf32>,
        %swap3A_159 = vector.shape_cast %swap3A_158 : vector<1x16xf32> to vector<16xf32>
        %swap3A_160 = vector.shape_cast %mul3A_155 : vector<16xf32> to vector<1x16xf32>
        tpu.vector_store %arg15[%swap3A_156, %swap3A_157], %swap3A_160 {strides = array<i32>} : memref<48x128xf32, #tpu.memory_space<vmem>>, vector<1x16xf32>,
        %sub3A_161 = arith.constant 2 : i32
        %sub3A_162 = vector.broadcast %sub3A_161 : i32 to vector<16xi32>
        %sub3A_163 = arith.subi %and3A_130, %sub3A_162 : vector<16xi32>
        %abs3A_164 = math.absi %sub3A_163 : vector<16xi32>
        %min3A_165 = arith.constant 1 : i32
        %min3A_166 = vector.broadcast %min3A_165 : i32 to vector<16xi32>
        %min3A_167 = arith.minsi %abs3A_164, %min3A_166 : vector<16xi32>
        %sub3A_168 = arith.constant 1 : i32
        %sub3A_169 = vector.broadcast %sub3A_168 : i32 to vector<16xi32>
        %sub3A_170 = arith.subi %sub3A_169, %min3A_167 : vector<16xi32>
        %convert_element_type3A_171 = arith.sitofp %sub3A_170 : vector<16xi32> to vector<16xf32>
        %mul3A_172 = arith.mulf %exp3A, %convert_element_type3A_171 : vector<16xf32>
        %swap3A_173 = arith.index_cast %scan3A_102 : i32 to index
        %swap3A_174 = arith.constant 32 : index
        %swap3A_175 = tpu.vector_load %arg15[%swap3A_173, %swap3A_174] {strides = array<i32>} : memref<48x128xf32, #tpu.memory_space<vmem>>, vector<1x16xf32>,
        %swap3A_176 = vector.shape_cast %swap3A_175 : vector<1x16xf32> to vector<16xf32>
        %swap3A_177 = vector.shape_cast %mul3A_172 : vector<16xf32> to vector<1x16xf32>
        tpu.vector_store %arg15[%swap3A_173, %swap3A_174], %swap3A_177 {strides = array<i32>} : memref<48x128xf32, #tpu.memory_space<vmem>>, vector<1x16xf32>,
        %sub3A_178 = arith.constant 3 : i32
        %sub3A_179 = vector.broadcast %sub3A_178 : i32 to vector<16xi32>
        %sub3A_180 = arith.subi %and3A_130, %sub3A_179 : vector<16xi32>
        %abs3A_181 = math.absi %sub3A_180 : vector<16xi32>
        %min3A_182 = arith.constant 1 : i32
        %min3A_183 = vector.broadcast %min3A_182 : i32 to vector<16xi32>
        %min3A_184 = arith.minsi %abs3A_181, %min3A_183 : vector<16xi32>
        %sub3A_185 = arith.constant 1 : i32
        %sub3A_186 = vector.broadcast %sub3A_185 : i32 to vector<16xi32>
        %sub3A_187 = arith.subi %sub3A_186, %min3A_184 : vector<16xi32>
        %convert_element_type3A_188 = arith.sitofp %sub3A_187 : vector<16xi32> to vector<16xf32>
        %mul3A_189 = arith.mulf %exp3A, %convert_element_type3A_188 : vector<16xf32>
        %swap3A_190 = arith.index_cast %scan3A_102 : i32 to index
        %swap3A_191 = arith.constant 48 : index
        %swap3A_192 = tpu.vector_load %arg15[%swap3A_190, %swap3A_191] {strides = array<i32>} : memref<48x128xf32, #tpu.memory_space<vmem>>, vector<1x16xf32>,
        %swap3A_193 = vector.shape_cast %swap3A_192 : vector<1x16xf32> to vector<16xf32>
        %swap3A_194 = vector.shape_cast %mul3A_189 : vector<16xf32> to vector<1x16xf32>
        tpu.vector_store %arg15[%swap3A_190, %swap3A_191], %swap3A_194 {strides = array<i32>} : memref<48x128xf32, #tpu.memory_space<vmem>>, vector<1x16xf32>,
        %sub3A_195 = arith.constant 4 : i32
        %sub3A_196 = vector.broadcast %sub3A_195 : i32 to vector<16xi32>
        %sub3A_197 = arith.subi %and3A_130, %sub3A_196 : vector<16xi32>
        %abs3A_198 = math.absi %sub3A_197 : vector<16xi32>
        %min3A_199 = arith.constant 1 : i32
        %min3A_200 = vector.broadcast %min3A_199 : i32 to vector<16xi32>
        %min3A_201 = arith.minsi %abs3A_198, %min3A_200 : vector<16xi32>
        %sub3A_202 = arith.constant 1 : i32
        %sub3A_203 = vector.broadcast %sub3A_202 : i32 to vector<16xi32>
        %sub3A_204 = arith.subi %sub3A_203, %min3A_201 : vector<16xi32>
        %convert_element_type3A_205 = arith.sitofp %sub3A_204 : vector<16xi32> to vector<16xf32>
        %mul3A_206 = arith.mulf %exp3A, %convert_element_type3A_205 : vector<16xf32>
        %swap3A_207 = arith.index_cast %scan3A_102 : i32 to index
        %swap3A_208 = arith.constant 64 : index
        %swap3A_209 = tpu.vector_load %arg15[%swap3A_207, %swap3A_208] {strides = array<i32>} : memref<48x128xf32, #tpu.memory_space<vmem>>, vector<1x16xf32>,
        %swap3A_210 = vector.shape_cast %swap3A_209 : vector<1x16xf32> to vector<16xf32>
        %swap3A_211 = vector.shape_cast %mul3A_206 : vector<16xf32> to vector<1x16xf32>
        tpu.vector_store %arg15[%swap3A_207, %swap3A_208], %swap3A_211 {strides = array<i32>} : memref<48x128xf32, #tpu.memory_space<vmem>>, vector<1x16xf32>,
        %sub3A_212 = arith.constant 5 : i32
        %sub3A_213 = vector.broadcast %sub3A_212 : i32 to vector<16xi32>
        %sub3A_214 = arith.subi %and3A_130, %sub3A_213 : vector<16xi32>
        %abs3A_215 = math.absi %sub3A_214 : vector<16xi32>
        %min3A_216 = arith.constant 1 : i32
        %min3A_217 = vector.broadcast %min3A_216 : i32 to vector<16xi32>
        %min3A_218 = arith.minsi %abs3A_215, %min3A_217 : vector<16xi32>
        %sub3A_219 = arith.constant 1 : i32
        %sub3A_220 = vector.broadcast %sub3A_219 : i32 to vector<16xi32>
        %sub3A_221 = arith.subi %sub3A_220, %min3A_218 : vector<16xi32>
        %convert_element_type3A_222 = arith.sitofp %sub3A_221 : vector<16xi32> to vector<16xf32>
        %mul3A_223 = arith.mulf %exp3A, %convert_element_type3A_222 : vector<16xf32>
        %swap3A_224 = arith.index_cast %scan3A_102 : i32 to index
        %swap3A_225 = arith.constant 80 : index
        %swap3A_226 = tpu.vector_load %arg15[%swap3A_224, %swap3A_225] {strides = array<i32>} : memref<48x128xf32, #tpu.memory_space<vmem>>, vector<1x16xf32>,
        %swap3A_227 = vector.shape_cast %swap3A_226 : vector<1x16xf32> to vector<16xf32>
        %swap3A_228 = vector.shape_cast %mul3A_223 : vector<16xf32> to vector<1x16xf32>
        tpu.vector_store %arg15[%swap3A_224, %swap3A_225], %swap3A_228 {strides = array<i32>} : memref<48x128xf32, #tpu.memory_space<vmem>>, vector<1x16xf32>,
        %sub3A_229 = arith.constant 6 : i32
        %sub3A_230 = vector.broadcast %sub3A_229 : i32 to vector<16xi32>
        %sub3A_231 = arith.subi %and3A_130, %sub3A_230 : vector<16xi32>
        %abs3A_232 = math.absi %sub3A_231 : vector<16xi32>
        %min3A_233 = arith.constant 1 : i32
        %min3A_234 = vector.broadcast %min3A_233 : i32 to vector<16xi32>
        %min3A_235 = arith.minsi %abs3A_232, %min3A_234 : vector<16xi32>
        %sub3A_236 = arith.constant 1 : i32
        %sub3A_237 = vector.broadcast %sub3A_236 : i32 to vector<16xi32>
        %sub3A_238 = arith.subi %sub3A_237, %min3A_235 : vector<16xi32>
        %convert_element_type3A_239 = arith.sitofp %sub3A_238 : vector<16xi32> to vector<16xf32>
        %mul3A_240 = arith.mulf %exp3A, %convert_element_type3A_239 : vector<16xf32>
        %swap3A_241 = arith.index_cast %scan3A_102 : i32 to index
        %swap3A_242 = arith.constant 96 : index
        %swap3A_243 = tpu.vector_load %arg15[%swap3A_241, %swap3A_242] {strides = array<i32>} : memref<48x128xf32, #tpu.memory_space<vmem>>, vector<1x16xf32>,
        %swap3A_244 = vector.shape_cast %swap3A_243 : vector<1x16xf32> to vector<16xf32>
        %swap3A_245 = vector.shape_cast %mul3A_240 : vector<16xf32> to vector<1x16xf32>
        tpu.vector_store %arg15[%swap3A_241, %swap3A_242], %swap3A_245 {strides = array<i32>} : memref<48x128xf32, #tpu.memory_space<vmem>>, vector<1x16xf32>,
        %sub3A_246 = arith.constant 7 : i32
        %sub3A_247 = vector.broadcast %sub3A_246 : i32 to vector<16xi32>
        %sub3A_248 = arith.subi %and3A_130, %sub3A_247 : vector<16xi32>
        %abs3A_249 = math.absi %sub3A_248 : vector<16xi32>
        %min3A_250 = arith.constant 1 : i32
        %min3A_251 = vector.broadcast %min3A_250 : i32 to vector<16xi32>
        %min3A_252 = arith.minsi %abs3A_249, %min3A_251 : vector<16xi32>
        %sub3A_253 = arith.constant 1 : i32
        %sub3A_254 = vector.broadcast %sub3A_253 : i32 to vector<16xi32>
        %sub3A_255 = arith.subi %sub3A_254, %min3A_252 : vector<16xi32>
        %convert_element_type3A_256 = arith.sitofp %sub3A_255 : vector<16xi32> to vector<16xf32>
        %mul3A_257 = arith.mulf %exp3A, %convert_element_type3A_256 : vector<16xf32>
        %swap3A_258 = arith.index_cast %scan3A_102 : i32 to index
        %swap3A_259 = arith.constant 112 : index
        %swap3A_260 = tpu.vector_load %arg15[%swap3A_258, %swap3A_259] {strides = array<i32>} : memref<48x128xf32, #tpu.memory_space<vmem>>, vector<1x16xf32>,
        %swap3A_261 = vector.shape_cast %swap3A_260 : vector<1x16xf32> to vector<16xf32>
        %swap3A_262 = vector.shape_cast %mul3A_257 : vector<16xf32> to vector<1x16xf32>
        tpu.vector_store %arg15[%swap3A_258, %swap3A_259], %swap3A_262 {strides = array<i32>} : memref<48x128xf32, #tpu.memory_space<vmem>>, vector<1x16xf32>,
        %broadcast_in_dim3A_263 = arith.constant 0 : i32
        %broadcast_in_dim3A_264 = vector.broadcast %broadcast_in_dim3A_263 : i32 to vector<16x1xi32>
        %gather3A_265 = vector.shape_cast %broadcast_in_dim3A_264 : vector<16x1xi32> to vector<16xi32>
        %gather3A_266 = tpu.dynamic_gather %exp3A[%gather3A_265] in [0] : vector<16xf32>, vector<16xi32> -> vector<16xf32>
        %get3A_267 = arith.index_cast %scan3A_102 : i32 to index
        %get3A_268 = arith.constant 0 : index
        %get3A_269 = tpu.vector_load %arg12[%get3A_267, %get3A_268] {strides = array<i32>} : memref<48x128xf32, #tpu.memory_space<vmem>>, vector<1x16xf32>,
        %get3A_270 = vector.shape_cast %get3A_269 : vector<1x16xf32> to vector<16xf32>
        %mul3A_271 = arith.mulf %get3A_270, %gather3A_266 : vector<16xf32>
        %swap3A_272 = arith.index_cast %scan3A_102 : i32 to index
        %swap3A_273 = arith.constant 0 : index
        %swap3A_274 = tpu.vector_load %arg12[%swap3A_272, %swap3A_273] {strides = array<i32>} : memref<48x128xf32, #tpu.memory_space<vmem>>, vector<1x16xf32>,
        %swap3A_275 = vector.shape_cast %swap3A_274 : vector<1x16xf32> to vector<16xf32>
        %swap3A_276 = vector.shape_cast %mul3A_271 : vector<16xf32> to vector<1x16xf32>
        tpu.vector_store %arg12[%swap3A_272, %swap3A_273], %swap3A_276 {strides = array<i32>} : memref<48x128xf32, #tpu.memory_space<vmem>>, vector<1x16xf32>,
        %broadcast_in_dim3A_277 = arith.constant 1 : i32
        %broadcast_in_dim3A_278 = vector.broadcast %broadcast_in_dim3A_277 : i32 to vector<16x1xi32>
        %gather3A_279 = vector.shape_cast %broadcast_in_dim3A_278 : vector<16x1xi32> to vector<16xi32>
        %gather3A_280 = tpu.dynamic_gather %exp3A[%gather3A_279] in [0] : vector<16xf32>, vector<16xi32> -> vector<16xf32>
        %get3A_281 = arith.index_cast %scan3A_102 : i32 to index
        %get3A_282 = arith.constant 16 : index
        %get3A_283 = tpu.vector_load %arg12[%get3A_281, %get3A_282] {strides = array<i32>} : memref<48x128xf32, #tpu.memory_space<vmem>>, vector<1x16xf32>,
        %get3A_284 = vector.shape_cast %get3A_283 : vector<1x16xf32> to vector<16xf32>
        %mul3A_285 = arith.mulf %get3A_284, %gather3A_280 : vector<16xf32>
        %swap3A_286 = arith.index_cast %scan3A_102 : i32 to index
        %swap3A_287 = arith.constant 16 : index
        %swap3A_288 = tpu.vector_load %arg12[%swap3A_286, %swap3A_287] {strides = array<i32>} : memref<48x128xf32, #tpu.memory_space<vmem>>, vector<1x16xf32>,
        %swap3A_289 = vector.shape_cast %swap3A_288 : vector<1x16xf32> to vector<16xf32>
        %swap3A_290 = vector.shape_cast %mul3A_285 : vector<16xf32> to vector<1x16xf32>
        tpu.vector_store %arg12[%swap3A_286, %swap3A_287], %swap3A_290 {strides = array<i32>} : memref<48x128xf32, #tpu.memory_space<vmem>>, vector<1x16xf32>,
        %broadcast_in_dim3A_291 = arith.constant 2 : i32
        %broadcast_in_dim3A_292 = vector.broadcast %broadcast_in_dim3A_291 : i32 to vector<16x1xi32>
        %gather3A_293 = vector.shape_cast %broadcast_in_dim3A_292 : vector<16x1xi32> to vector<16xi32>
        %gather3A_294 = tpu.dynamic_gather %exp3A[%gather3A_293] in [0] : vector<16xf32>, vector<16xi32> -> vector<16xf32>
        %get3A_295 = arith.index_cast %scan3A_102 : i32 to index
        %get3A_296 = arith.constant 32 : index
        %get3A_297 = tpu.vector_load %arg12[%get3A_295, %get3A_296] {strides = array<i32>} : memref<48x128xf32, #tpu.memory_space<vmem>>, vector<1x16xf32>,
        %get3A_298 = vector.shape_cast %get3A_297 : vector<1x16xf32> to vector<16xf32>
        %mul3A_299 = arith.mulf %get3A_298, %gather3A_294 : vector<16xf32>
        %swap3A_300 = arith.index_cast %scan3A_102 : i32 to index
        %swap3A_301 = arith.constant 32 : index
        %swap3A_302 = tpu.vector_load %arg12[%swap3A_300, %swap3A_301] {strides = array<i32>} : memref<48x128xf32, #tpu.memory_space<vmem>>, vector<1x16xf32>,
        %swap3A_303 = vector.shape_cast %swap3A_302 : vector<1x16xf32> to vector<16xf32>
        %swap3A_304 = vector.shape_cast %mul3A_299 : vector<16xf32> to vector<1x16xf32>
        tpu.vector_store %arg12[%swap3A_300, %swap3A_301], %swap3A_304 {strides = array<i32>} : memref<48x128xf32, #tpu.memory_space<vmem>>, vector<1x16xf32>,
        %broadcast_in_dim3A_305 = arith.constant 3 : i32
        %broadcast_in_dim3A_306 = vector.broadcast %broadcast_in_dim3A_305 : i32 to vector<16x1xi32>
        %gather3A_307 = vector.shape_cast %broadcast_in_dim3A_306 : vector<16x1xi32> to vector<16xi32>
        %gather3A_308 = tpu.dynamic_gather %exp3A[%gather3A_307] in [0] : vector<16xf32>, vector<16xi32> -> vector<16xf32>
        %get3A_309 = arith.index_cast %scan3A_102 : i32 to index
        %get3A_310 = arith.constant 48 : index
        %get3A_311 = tpu.vector_load %arg12[%get3A_309, %get3A_310] {strides = array<i32>} : memref<48x128xf32, #tpu.memory_space<vmem>>, vector<1x16xf32>,
        %get3A_312 = vector.shape_cast %get3A_311 : vector<1x16xf32> to vector<16xf32>
        %mul3A_313 = arith.mulf %get3A_312, %gather3A_308 : vector<16xf32>
        %swap3A_314 = arith.index_cast %scan3A_102 : i32 to index
        %swap3A_315 = arith.constant 48 : index
        %swap3A_316 = tpu.vector_load %arg12[%swap3A_314, %swap3A_315] {strides = array<i32>} : memref<48x128xf32, #tpu.memory_space<vmem>>, vector<1x16xf32>,
        %swap3A_317 = vector.shape_cast %swap3A_316 : vector<1x16xf32> to vector<16xf32>
        %swap3A_318 = vector.shape_cast %mul3A_313 : vector<16xf32> to vector<1x16xf32>
        tpu.vector_store %arg12[%swap3A_314, %swap3A_315], %swap3A_318 {strides = array<i32>} : memref<48x128xf32, #tpu.memory_space<vmem>>, vector<1x16xf32>,
        %broadcast_in_dim3A_319 = arith.constant 4 : i32
        %broadcast_in_dim3A_320 = vector.broadcast %broadcast_in_dim3A_319 : i32 to vector<16x1xi32>
        %gather3A_321 = vector.shape_cast %broadcast_in_dim3A_320 : vector<16x1xi32> to vector<16xi32>
        %gather3A_322 = tpu.dynamic_gather %exp3A[%gather3A_321] in [0] : vector<16xf32>, vector<16xi32> -> vector<16xf32>
        %get3A_323 = arith.index_cast %scan3A_102 : i32 to index
        %get3A_324 = arith.constant 64 : index
        %get3A_325 = tpu.vector_load %arg12[%get3A_323, %get3A_324] {strides = array<i32>} : memref<48x128xf32, #tpu.memory_space<vmem>>, vector<1x16xf32>,
        %get3A_326 = vector.shape_cast %get3A_325 : vector<1x16xf32> to vector<16xf32>
        %mul3A_327 = arith.mulf %get3A_326, %gather3A_322 : vector<16xf32>
        %swap3A_328 = arith.index_cast %scan3A_102 : i32 to index
        %swap3A_329 = arith.constant 64 : index
        %swap3A_330 = tpu.vector_load %arg12[%swap3A_328, %swap3A_329] {strides = array<i32>} : memref<48x128xf32, #tpu.memory_space<vmem>>, vector<1x16xf32>,
        %swap3A_331 = vector.shape_cast %swap3A_330 : vector<1x16xf32> to vector<16xf32>
        %swap3A_332 = vector.shape_cast %mul3A_327 : vector<16xf32> to vector<1x16xf32>
        tpu.vector_store %arg12[%swap3A_328, %swap3A_329], %swap3A_332 {strides = array<i32>} : memref<48x128xf32, #tpu.memory_space<vmem>>, vector<1x16xf32>,
        %broadcast_in_dim3A_333 = arith.constant 5 : i32
        %broadcast_in_dim3A_334 = vector.broadcast %broadcast_in_dim3A_333 : i32 to vector<16x1xi32>
        %gather3A_335 = vector.shape_cast %broadcast_in_dim3A_334 : vector<16x1xi32> to vector<16xi32>
        %gather3A_336 = tpu.dynamic_gather %exp3A[%gather3A_335] in [0] : vector<16xf32>, vector<16xi32> -> vector<16xf32>
        %get3A_337 = arith.index_cast %scan3A_102 : i32 to index
        %get3A_338 = arith.constant 80 : index
        %get3A_339 = tpu.vector_load %arg12[%get3A_337, %get3A_338] {strides = array<i32>} : memref<48x128xf32, #tpu.memory_space<vmem>>, vector<1x16xf32>,
        %get3A_340 = vector.shape_cast %get3A_339 : vector<1x16xf32> to vector<16xf32>
        %mul3A_341 = arith.mulf %get3A_340, %gather3A_336 : vector<16xf32>
        %swap3A_342 = arith.index_cast %scan3A_102 : i32 to index
        %swap3A_343 = arith.constant 80 : index
        %swap3A_344 = tpu.vector_load %arg12[%swap3A_342, %swap3A_343] {strides = array<i32>} : memref<48x128xf32, #tpu.memory_space<vmem>>, vector<1x16xf32>,
        %swap3A_345 = vector.shape_cast %swap3A_344 : vector<1x16xf32> to vector<16xf32>
        %swap3A_346 = vector.shape_cast %mul3A_341 : vector<16xf32> to vector<1x16xf32>
        tpu.vector_store %arg12[%swap3A_342, %swap3A_343], %swap3A_346 {strides = array<i32>} : memref<48x128xf32, #tpu.memory_space<vmem>>, vector<1x16xf32>,
        %broadcast_in_dim3A_347 = arith.constant 6 : i32
        %broadcast_in_dim3A_348 = vector.broadcast %broadcast_in_dim3A_347 : i32 to vector<16x1xi32>
        %gather3A_349 = vector.shape_cast %broadcast_in_dim3A_348 : vector<16x1xi32> to vector<16xi32>
        %gather3A_350 = tpu.dynamic_gather %exp3A[%gather3A_349] in [0] : vector<16xf32>, vector<16xi32> -> vector<16xf32>
        %get3A_351 = arith.index_cast %scan3A_102 : i32 to index
        %get3A_352 = arith.constant 96 : index
        %get3A_353 = tpu.vector_load %arg12[%get3A_351, %get3A_352] {strides = array<i32>} : memref<48x128xf32, #tpu.memory_space<vmem>>, vector<1x16xf32>,
        %get3A_354 = vector.shape_cast %get3A_353 : vector<1x16xf32> to vector<16xf32>
        %mul3A_355 = arith.mulf %get3A_354, %gather3A_350 : vector<16xf32>
        %swap3A_356 = arith.index_cast %scan3A_102 : i32 to index
        %swap3A_357 = arith.constant 96 : index
        %swap3A_358 = tpu.vector_load %arg12[%swap3A_356, %swap3A_357] {strides = array<i32>} : memref<48x128xf32, #tpu.memory_space<vmem>>, vector<1x16xf32>,
        %swap3A_359 = vector.shape_cast %swap3A_358 : vector<1x16xf32> to vector<16xf32>
        %swap3A_360 = vector.shape_cast %mul3A_355 : vector<16xf32> to vector<1x16xf32>
        tpu.vector_store %arg12[%swap3A_356, %swap3A_357], %swap3A_360 {strides = array<i32>} : memref<48x128xf32, #tpu.memory_space<vmem>>, vector<1x16xf32>,
        %broadcast_in_dim3A_361 = arith.constant 7 : i32
        %broadcast_in_dim3A_362 = vector.broadcast %broadcast_in_dim3A_361 : i32 to vector<16x1xi32>
        %gather3A_363 = vector.shape_cast %broadcast_in_dim3A_362 : vector<16x1xi32> to vector<16xi32>
        %gather3A_364 = tpu.dynamic_gather %exp3A[%gather3A_363] in [0] : vector<16xf32>, vector<16xi32> -> vector<16xf32>
        %get3A_365 = arith.index_cast %scan3A_102 : i32 to index
        %get3A_366 = arith.constant 112 : index
        %get3A_367 = tpu.vector_load %arg12[%get3A_365, %get3A_366] {strides = array<i32>} : memref<48x128xf32, #tpu.memory_space<vmem>>, vector<1x16xf32>,
        %get3A_368 = vector.shape_cast %get3A_367 : vector<1x16xf32> to vector<16xf32>
        %mul3A_369 = arith.mulf %get3A_368, %gather3A_364 : vector<16xf32>
        %swap3A_370 = arith.index_cast %scan3A_102 : i32 to index
        %swap3A_371 = arith.constant 112 : index
        %swap3A_372 = tpu.vector_load %arg12[%swap3A_370, %swap3A_371] {strides = array<i32>} : memref<48x128xf32, #tpu.memory_space<vmem>>, vector<1x16xf32>,
        %swap3A_373 = vector.shape_cast %swap3A_372 : vector<1x16xf32> to vector<16xf32>
        %swap3A_374 = vector.shape_cast %mul3A_369 : vector<16xf32> to vector<1x16xf32>
        tpu.vector_store %arg12[%swap3A_370, %swap3A_371], %swap3A_374 {strides = array<i32>} : memref<48x128xf32, #tpu.memory_space<vmem>>, vector<1x16xf32>,
        %scan3A_375 = arith.constant 0 : i32
        scf.yield %scan3A_375 : i32
      }
      %scan3A_100 = arith.constant 48 : i32
      "tpu.region"() ({
        %run_scoped3A = tpu.sem_alloc : memref<!tpu.dma_semaphore, #tpu.memory_space<semaphore_mem>>
        %dma_start3A_102 = arith.constant 0 : i32
        %dma_start3A_103 = arith.constant 0 : i32
        %dma_start3A_104 = tpu.memref_slice %arg16[%dma_start3A_102, %dma_start3A_103] : memref<10240x128xf32, #tpu.memory_space<vmem_shared>> -> memref<10240x128xf32, #tpu.memory_space<vmem_shared>>
        tpu.enqueue_indirect_dma source(%arg12 : memref<48x128xf32, #tpu.memory_space<vmem>>) target(%dma_start3A_104 : memref<10240x128xf32, #tpu.memory_space<vmem_shared>>) offsets(%arg10 : memref<48xi32, #tpu.memory_space<vmem>>) semaphore(%run_scoped3A : memref<!tpu.dma_semaphore, #tpu.memory_space<semaphore_mem>>) {add = true}
        %dma_wait3A_105 = arith.constant 0 : i32
        %dma_wait3A_106 = arith.constant 0 : i32
        %dma_wait3A_107 = tpu.memref_slice %arg16[%dma_wait3A_105, %dma_wait3A_106] : memref<10240x128xf32, #tpu.memory_space<vmem_shared>> -> memref<10240x128xf32, #tpu.memory_space<vmem_shared>>
        tpu.wait_indirect_dma semaphore(%run_scoped3A : memref<!tpu.dma_semaphore, #tpu.memory_space<semaphore_mem>>) src(%arg12 : memref<48x128xf32, #tpu.memory_space<vmem>>) dst(%dma_wait3A_107 : memref<10240x128xf32, #tpu.memory_space<vmem_shared>>)
        tpu.yield
      }) : () -> ()
      "tpu.region"() ({
        %run_scoped3A = tpu.sem_alloc : memref<!tpu.dma_semaphore, #tpu.memory_space<semaphore_mem>>
        %dma_start3A_102 = arith.constant 0 : i32
        %dma_start3A_103 = arith.constant 0 : i32
        %dma_start3A_104 = tpu.memref_slice %arg17[%dma_start3A_102, %dma_start3A_103] : memref<1280x128xf32, #tpu.memory_space<vmem_shared>> -> memref<1280x128xf32, #tpu.memory_space<vmem_shared>>
        tpu.enqueue_indirect_dma source(%arg15 : memref<48x128xf32, #tpu.memory_space<vmem>>) target(%dma_start3A_104 : memref<1280x128xf32, #tpu.memory_space<vmem_shared>>) offsets(%arg11 : memref<48xi32, #tpu.memory_space<vmem>>) semaphore(%run_scoped3A : memref<!tpu.dma_semaphore, #tpu.memory_space<semaphore_mem>>) {add = true}
        %dma_wait3A_105 = arith.constant 0 : i32
        %dma_wait3A_106 = arith.constant 0 : i32
        %dma_wait3A_107 = tpu.memref_slice %arg17[%dma_wait3A_105, %dma_wait3A_106] : memref<1280x128xf32, #tpu.memory_space<vmem_shared>> -> memref<1280x128xf32, #tpu.memory_space<vmem_shared>>
        tpu.wait_indirect_dma semaphore(%run_scoped3A : memref<!tpu.dma_semaphore, #tpu.memory_space<semaphore_mem>>) src(%arg15 : memref<48x128xf32, #tpu.memory_space<vmem>>) dst(%dma_wait3A_107 : memref<1280x128xf32, #tpu.memory_space<vmem_shared>>)
        tpu.yield
      }) : () -> ()
      %scan3A_101 = arith.constant 0 : i32
      scf.yield %scan3A_101 : i32
    }
    %scan3A_28 = arith.constant 216 : i32
    %barrier3A_29 = arith.constant 0 : index
    tpu.barrier barrier_id(%barrier3A_29)
    %scan3A_30 = arith.constant 0 : i32
    %scan3A_31 = arith.constant 0 : i32
    %scan3A_32 = arith.constant 20 : i32
    %scan3A_33 = arith.addi %scan3A_31, %scan3A_32 : i32
    %scan3A_34 = arith.constant 1 : i32
    %scan3A_35 = scf.for %scan3A_44 = %scan3A_31 to %scan3A_33 step %scan3A_34 iter_args(%scan3A_45 = %scan3A_30) -> (i32)  : i32 {
      %mul3A_46 = arith.constant 640 : i32
      %mul3A_47 = arith.muli %arg1, %mul3A_46 : i32
      %mul3A_48 = arith.constant 32 : i32
      %mul3A_49 = arith.muli %scan3A_44, %mul3A_48 : i32
      %add3A_50 = arith.addi %mul3A_47, %mul3A_49 : i32
      "tpu.region"() ({
        %run_scoped3A = tpu.sem_alloc : memref<!tpu.dma_semaphore, #tpu.memory_space<semaphore_mem>>
        %dma_start3A = arith.constant 0 : i32
        %dma_start3A_52 = arith.constant 0 : i32
        %dma_start3A_53 = tpu.memref_slice %arg12[%dma_start3A, %dma_start3A_52] : memref<48x128xf32, #tpu.memory_space<vmem>> -> memref<32x128xf32, #tpu.memory_space<vmem>>
        %dma_start3A_54 = arith.constant 0 : i32
        %dma_start3A_55 = tpu.memref_slice %arg16[%add3A_50, %dma_start3A_54] : memref<10240x128xf32, #tpu.memory_space<vmem_shared>> -> memref<32x128xf32, #tpu.memory_space<vmem_shared>>
        %dma_start3A_56 = arith.constant 0 : i32
        %dma_start3A_57 = arith.constant 0 : i32
        %dma_start3A_58 = tpu.memref_slice %arg12[%dma_start3A_56, %dma_start3A_57] : memref<48x128xf32, #tpu.memory_space<vmem>> -> memref<32x128xf32, #tpu.memory_space<vmem>>
        %dma_start3A_59 = arith.constant 0 : i32
        %dma_start3A_60 = tpu.memref_slice %arg16[%add3A_50, %dma_start3A_59] : memref<10240x128xf32, #tpu.memory_space<vmem_shared>> -> memref<32x128xf32, #tpu.memory_space<vmem_shared>>
        tpu.enqueue_dma source(%dma_start3A_60 : memref<32x128xf32, #tpu.memory_space<vmem_shared>>) target(%dma_start3A_58 : memref<32x128xf32, #tpu.memory_space<vmem>>) target_semaphore(%run_scoped3A : memref<!tpu.dma_semaphore, #tpu.memory_space<semaphore_mem>>)
        %dma_wait3A = arith.constant 0 : i32
        %dma_wait3A_61 = arith.constant 0 : i32
        %dma_wait3A_62 = tpu.memref_slice %arg12[%dma_wait3A, %dma_wait3A_61] : memref<48x128xf32, #tpu.memory_space<vmem>> -> memref<32x128xf32, #tpu.memory_space<vmem>>
        %dma_wait3A_63 = arith.constant 0 : i32
        %dma_wait3A_64 = tpu.memref_slice %arg16[%add3A_50, %dma_wait3A_63] : memref<10240x128xf32, #tpu.memory_space<vmem_shared>> -> memref<32x128xf32, #tpu.memory_space<vmem_shared>>
        %dma_wait3A_65 = arith.constant 0 : i32
        %dma_wait3A_66 = arith.constant 0 : i32
        %dma_wait3A_67 = tpu.memref_slice %arg12[%dma_wait3A_65, %dma_wait3A_66] : memref<48x128xf32, #tpu.memory_space<vmem>> -> memref<32x128xf32, #tpu.memory_space<vmem>>
        %dma_wait3A_68 = arith.constant 0 : i32
        %dma_wait3A_69 = tpu.memref_slice %arg16[%add3A_50, %dma_wait3A_68] : memref<10240x128xf32, #tpu.memory_space<vmem_shared>> -> memref<32x128xf32, #tpu.memory_space<vmem_shared>>
        tpu.wait_dma2 semaphore(%run_scoped3A : memref<!tpu.dma_semaphore, #tpu.memory_space<semaphore_mem>>) src(%dma_wait3A_69 : memref<32x128xf32, #tpu.memory_space<vmem_shared>>) dst(%dma_wait3A_67 : memref<32x128xf32, #tpu.memory_space<vmem>>)
        tpu.yield
      }) : () -> ()
      "tpu.region"() ({
        %run_scoped3A = tpu.sem_alloc : memref<!tpu.dma_semaphore, #tpu.memory_space<semaphore_mem>>
        %dma_start3A = arith.constant 0 : i32
        %dma_start3A_52 = arith.constant 0 : i32
        %dma_start3A_53 = tpu.memref_slice %arg12[%dma_start3A, %dma_start3A_52] : memref<48x128xf32, #tpu.memory_space<vmem>> -> memref<32x128xf32, #tpu.memory_space<vmem>>
        %dma_start3A_54 = arith.constant 0 : i32
        %dma_start3A_55 = tpu.memref_slice %arg7[%arg0, %add3A_50, %dma_start3A_54] : memref<2x10240x128xf32, #tpu.memory_space<hbm>> -> memref<1x32x128xf32, #tpu.memory_space<hbm>>
        %dma_start3A_56 = tpu.memref_squeeze %dma_start3A_55 : memref<1x32x128xf32, #tpu.memory_space<hbm>> -> memref<32x128xf32, #tpu.memory_space<hbm>>
        %dma_start3A_57 = arith.constant 0 : i32
        %dma_start3A_58 = tpu.memref_slice %arg7[%arg0, %add3A_50, %dma_start3A_57] : memref<2x10240x128xf32, #tpu.memory_space<hbm>> -> memref<1x32x128xf32, #tpu.memory_space<hbm>>
        %dma_start3A_59 = tpu.memref_squeeze %dma_start3A_58 : memref<1x32x128xf32, #tpu.memory_space<hbm>> -> memref<32x128xf32, #tpu.memory_space<hbm>>
        %dma_start3A_60 = arith.constant 0 : i32
        %dma_start3A_61 = arith.constant 0 : i32
        %dma_start3A_62 = tpu.memref_slice %arg12[%dma_start3A_60, %dma_start3A_61] : memref<48x128xf32, #tpu.memory_space<vmem>> -> memref<32x128xf32, #tpu.memory_space<vmem>>
        tpu.enqueue_dma source(%dma_start3A_62 : memref<32x128xf32, #tpu.memory_space<vmem>>) target(%dma_start3A_59 : memref<32x128xf32, #tpu.memory_space<hbm>>) target_semaphore(%run_scoped3A : memref<!tpu.dma_semaphore, #tpu.memory_space<semaphore_mem>>)
        %dma_wait3A = arith.constant 0 : i32
        %dma_wait3A_63 = arith.constant 0 : i32
        %dma_wait3A_64 = tpu.memref_slice %arg12[%dma_wait3A, %dma_wait3A_63] : memref<48x128xf32, #tpu.memory_space<vmem>> -> memref<32x128xf32, #tpu.memory_space<vmem>>
        %dma_wait3A_65 = arith.constant 0 : i32
        %dma_wait3A_66 = tpu.memref_slice %arg7[%arg0, %add3A_50, %dma_wait3A_65] : memref<2x10240x128xf32, #tpu.memory_space<hbm>> -> memref<1x32x128xf32, #tpu.memory_space<hbm>>
        %dma_wait3A_67 = tpu.memref_squeeze %dma_wait3A_66 : memref<1x32x128xf32, #tpu.memory_space<hbm>> -> memref<32x128xf32, #tpu.memory_space<hbm>>
        %dma_wait3A_68 = arith.constant 0 : i32
        %dma_wait3A_69 = tpu.memref_slice %arg7[%arg0, %add3A_50, %dma_wait3A_68] : memref<2x10240x128xf32, #tpu.memory_space<hbm>> -> memref<1x32x128xf32, #tpu.memory_space<hbm>>
        %dma_wait3A_70 = tpu.memref_squeeze %dma_wait3A_69 : memref<1x32x128xf32, #tpu.memory_space<hbm>> -> memref<32x128xf32, #tpu.memory_space<hbm>>
        %dma_wait3A_71 = arith.constant 0 : i32
        %dma_wait3A_72 = arith.constant 0 : i32
        %dma_wait3A_73 = tpu.memref_slice %arg12[%dma_wait3A_71, %dma_wait3A_72] : memref<48x128xf32, #tpu.memory_space<vmem>> -> memref<32x128xf32, #tpu.memory_space<vmem>>
        tpu.wait_dma2 semaphore(%run_scoped3A : memref<!tpu.dma_semaphore, #tpu.memory_space<semaphore_mem>>) src(%dma_wait3A_73 : memref<32x128xf32, #tpu.memory_space<vmem>>) dst(%dma_wait3A_70 : memref<32x128xf32, #tpu.memory_space<hbm>>)
        tpu.yield
      }) : () -> ()
      %scan3A_51 = arith.constant 0 : i32
      scf.yield %scan3A_51 : i32
    }
    %scan3A_36 = arith.constant 20 : i32
    %scan3A_37 = arith.constant 0 : i32
    %scan3A_38 = arith.constant 0 : i32
    %scan3A_39 = arith.constant 5 : i32
    %scan3A_40 = arith.addi %scan3A_38, %scan3A_39 : i32
    %scan3A_41 = arith.constant 1 : i32
    %scan3A_42 = scf.for %scan3A_44 = %scan3A_38 to %scan3A_40 step %scan3A_41 iter_args(%scan3A_45 = %scan3A_37) -> (i32)  : i32 {
      %mul3A_46 = arith.constant 80 : i32
      %mul3A_47 = arith.muli %arg1, %mul3A_46 : i32
      %mul3A_48 = arith.constant 16 : i32
      %mul3A_49 = arith.muli %scan3A_44, %mul3A_48 : i32
      %add3A_50 = arith.addi %mul3A_47, %mul3A_49 : i32
      "tpu.region"() ({
        %run_scoped3A = tpu.sem_alloc : memref<!tpu.dma_semaphore, #tpu.memory_space<semaphore_mem>>
        %dma_start3A = arith.constant 0 : i32
        %dma_start3A_52 = arith.constant 0 : i32
        %dma_start3A_53 = tpu.memref_slice %arg12[%dma_start3A, %dma_start3A_52] : memref<48x128xf32, #tpu.memory_space<vmem>> -> memref<16x128xf32, #tpu.memory_space<vmem>>
        %dma_start3A_54 = arith.constant 0 : i32
        %dma_start3A_55 = tpu.memref_slice %arg17[%add3A_50, %dma_start3A_54] : memref<1280x128xf32, #tpu.memory_space<vmem_shared>> -> memref<16x128xf32, #tpu.memory_space<vmem_shared>>
        %dma_start3A_56 = arith.constant 0 : i32
        %dma_start3A_57 = arith.constant 0 : i32
        %dma_start3A_58 = tpu.memref_slice %arg12[%dma_start3A_56, %dma_start3A_57] : memref<48x128xf32, #tpu.memory_space<vmem>> -> memref<16x128xf32, #tpu.memory_space<vmem>>
        %dma_start3A_59 = arith.constant 0 : i32
        %dma_start3A_60 = tpu.memref_slice %arg17[%add3A_50, %dma_start3A_59] : memref<1280x128xf32, #tpu.memory_space<vmem_shared>> -> memref<16x128xf32, #tpu.memory_space<vmem_shared>>
        tpu.enqueue_dma source(%dma_start3A_60 : memref<16x128xf32, #tpu.memory_space<vmem_shared>>) target(%dma_start3A_58 : memref<16x128xf32, #tpu.memory_space<vmem>>) target_semaphore(%run_scoped3A : memref<!tpu.dma_semaphore, #tpu.memory_space<semaphore_mem>>)
        %dma_wait3A = arith.constant 0 : i32
        %dma_wait3A_61 = arith.constant 0 : i32
        %dma_wait3A_62 = tpu.memref_slice %arg12[%dma_wait3A, %dma_wait3A_61] : memref<48x128xf32, #tpu.memory_space<vmem>> -> memref<16x128xf32, #tpu.memory_space<vmem>>
        %dma_wait3A_63 = arith.constant 0 : i32
        %dma_wait3A_64 = tpu.memref_slice %arg17[%add3A_50, %dma_wait3A_63] : memref<1280x128xf32, #tpu.memory_space<vmem_shared>> -> memref<16x128xf32, #tpu.memory_space<vmem_shared>>
        %dma_wait3A_65 = arith.constant 0 : i32
        %dma_wait3A_66 = arith.constant 0 : i32
        %dma_wait3A_67 = tpu.memref_slice %arg12[%dma_wait3A_65, %dma_wait3A_66] : memref<48x128xf32, #tpu.memory_space<vmem>> -> memref<16x128xf32, #tpu.memory_space<vmem>>
        %dma_wait3A_68 = arith.constant 0 : i32
        %dma_wait3A_69 = tpu.memref_slice %arg17[%add3A_50, %dma_wait3A_68] : memref<1280x128xf32, #tpu.memory_space<vmem_shared>> -> memref<16x128xf32, #tpu.memory_space<vmem_shared>>
        tpu.wait_dma2 semaphore(%run_scoped3A : memref<!tpu.dma_semaphore, #tpu.memory_space<semaphore_mem>>) src(%dma_wait3A_69 : memref<16x128xf32, #tpu.memory_space<vmem_shared>>) dst(%dma_wait3A_67 : memref<16x128xf32, #tpu.memory_space<vmem>>)
        tpu.yield
      }) : () -> ()
      "tpu.region"() ({
        %run_scoped3A = tpu.sem_alloc : memref<!tpu.dma_semaphore, #tpu.memory_space<semaphore_mem>>
        %dma_start3A = arith.constant 0 : i32
        %dma_start3A_52 = arith.constant 0 : i32
        %dma_start3A_53 = tpu.memref_slice %arg12[%dma_start3A, %dma_start3A_52] : memref<48x128xf32, #tpu.memory_space<vmem>> -> memref<16x128xf32, #tpu.memory_space<vmem>>
        %dma_start3A_54 = arith.constant 0 : i32
        %dma_start3A_55 = tpu.memref_slice %arg8[%arg0, %add3A_50, %dma_start3A_54] : memref<2x1280x128xf32, #tpu.memory_space<hbm>> -> memref<1x16x128xf32, #tpu.memory_space<hbm>>
        %dma_start3A_56 = tpu.memref_squeeze %dma_start3A_55 : memref<1x16x128xf32, #tpu.memory_space<hbm>> -> memref<16x128xf32, #tpu.memory_space<hbm>>
        %dma_start3A_57 = arith.constant 0 : i32
        %dma_start3A_58 = tpu.memref_slice %arg8[%arg0, %add3A_50, %dma_start3A_57] : memref<2x1280x128xf32, #tpu.memory_space<hbm>> -> memref<1x16x128xf32, #tpu.memory_space<hbm>>
        %dma_start3A_59 = tpu.memref_squeeze %dma_start3A_58 : memref<1x16x128xf32, #tpu.memory_space<hbm>> -> memref<16x128xf32, #tpu.memory_space<hbm>>
        %dma_start3A_60 = arith.constant 0 : i32
        %dma_start3A_61 = arith.constant 0 : i32
        %dma_start3A_62 = tpu.memref_slice %arg12[%dma_start3A_60, %dma_start3A_61] : memref<48x128xf32, #tpu.memory_space<vmem>> -> memref<16x128xf32, #tpu.memory_space<vmem>>
        tpu.enqueue_dma source(%dma_start3A_62 : memref<16x128xf32, #tpu.memory_space<vmem>>) target(%dma_start3A_59 : memref<16x128xf32, #tpu.memory_space<hbm>>) target_semaphore(%run_scoped3A : memref<!tpu.dma_semaphore, #tpu.memory_space<semaphore_mem>>)
        %dma_wait3A = arith.constant 0 : i32
        %dma_wait3A_63 = arith.constant 0 : i32
        %dma_wait3A_64 = tpu.memref_slice %arg12[%dma_wait3A, %dma_wait3A_63] : memref<48x128xf32, #tpu.memory_space<vmem>> -> memref<16x128xf32, #tpu.memory_space<vmem>>
        %dma_wait3A_65 = arith.constant 0 : i32
        %dma_wait3A_66 = tpu.memref_slice %arg8[%arg0, %add3A_50, %dma_wait3A_65] : memref<2x1280x128xf32, #tpu.memory_space<hbm>> -> memref<1x16x128xf32, #tpu.memory_space<hbm>>
        %dma_wait3A_67 = tpu.memref_squeeze %dma_wait3A_66 : memref<1x16x128xf32, #tpu.memory_space<hbm>> -> memref<16x128xf32, #tpu.memory_space<hbm>>
        %dma_wait3A_68 = arith.constant 0 : i32
        %dma_wait3A_69 = tpu.memref_slice %arg8[%arg0, %add3A_50, %dma_wait3A_68] : memref<2x1280x128xf32, #tpu.memory_space<hbm>> -> memref<1x16x128xf32, #tpu.memory_space<hbm>>
        %dma_wait3A_70 = tpu.memref_squeeze %dma_wait3A_69 : memref<1x16x128xf32, #tpu.memory_space<hbm>> -> memref<16x128xf32, #tpu.memory_space<hbm>>
        %dma_wait3A_71 = arith.constant 0 : i32
        %dma_wait3A_72 = arith.constant 0 : i32
        %dma_wait3A_73 = tpu.memref_slice %arg12[%dma_wait3A_71, %dma_wait3A_72] : memref<48x128xf32, #tpu.memory_space<vmem>> -> memref<16x128xf32, #tpu.memory_space<vmem>>
        tpu.wait_dma2 semaphore(%run_scoped3A : memref<!tpu.dma_semaphore, #tpu.memory_space<semaphore_mem>>) src(%dma_wait3A_73 : memref<16x128xf32, #tpu.memory_space<vmem>>) dst(%dma_wait3A_70 : memref<16x128xf32, #tpu.memory_space<hbm>>)
        tpu.yield
      }) : () -> ()
      %scan3A_51 = arith.constant 0 : i32
      scf.yield %scan3A_51 : i32
    }
    %scan3A_43 = arith.constant 5 : i32
    return
  }
}

#map = affine_map<(d0, d1) -> (0, 0)>
#map1 = affine_map<(d0, d1) -> (0)>
#map2 = affine_map<(d0, d1) -> (0, 0, 0)>
module attributes {stable_mosaic.version = 14 : i64} {
  func.func @_sc_gcn_body(%arg0: i32, %arg1: i32, %arg2: memref<10240x128xf32, #tpu.memory_space<hbm>>, %arg3: memref<331776xi32, #tpu.memory_space<hbm>>, %arg4: memref<331776xi32, #tpu.memory_space<hbm>>, %arg5: memref<2x10240x128xf32, #tpu.memory_space<hbm>>, %arg6: memref<128xi32, #tpu.memory_space<vmem>>, %arg7: memref<128xi32, #tpu.memory_space<vmem>>, %arg8: memref<128x128xf32, #tpu.memory_space<vmem>>, %arg9: memref<128xi32, #tpu.memory_space<vmem>>, %arg10: memref<128xi32, #tpu.memory_space<vmem>>, %arg11: memref<128x128xf32, #tpu.memory_space<vmem>>, %arg12: memref<32x128xf32, #tpu.memory_space<vmem>>, %arg13: memref<10240x128xf32, #tpu.memory_space<vmem_shared>>, %arg14: memref<!tpu.dma_semaphore, #tpu.memory_space<semaphore_mem>>, %arg15: memref<!tpu.dma_semaphore, #tpu.memory_space<semaphore_mem>>) attributes {dimension_semantics = [#tpu.dimension_semantics<core_parallel>, #tpu.dimension_semantics<subcore_parallel>], iteration_bounds = array<i64: 2, 16>, scalar_prefetch = 0 : i64, scratch_operands = 10 : i64, tpu.core_type = #tpu.core_type<sc_vector_subcore>, window_params = [{transform_indices = #map}, {transform_indices = #map1}, {transform_indices = #map1}, {transform_indices = #map2}]} {
    %mul3A = arith.constant 16 : i32
    %mul3A_0 = arith.muli %arg0, %mul3A : i32
    %add3A = arith.addi %mul3A_0, %arg1 : i32
    %broadcast_in_dim3A = arith.constant 0.000000e+00 : f32
    %broadcast_in_dim3A_1 = vector.broadcast %broadcast_in_dim3A : f32 to vector<16xf32>
    %scan3A = arith.constant 0 : i32
    %scan3A_2 = arith.constant 0 : i32
    %scan3A_3 = arith.constant 32 : i32
    %scan3A_4 = arith.addi %scan3A_2, %scan3A_3 : i32
    %scan3A_5 = arith.constant 1 : i32
    %scan3A_6 = scf.for %scan3A_36 = %scan3A_2 to %scan3A_4 step %scan3A_5 iter_args(%scan3A_37 = %scan3A) -> (i32)  : i32 {
      %swap3A = arith.index_cast %scan3A_36 : i32 to index
      %swap3A_38 = arith.constant 0 : index
      %swap3A_39 = tpu.vector_load %arg12[%swap3A, %swap3A_38] {strides = array<i32>} : memref<32x128xf32, #tpu.memory_space<vmem>>, vector<1x16xf32>,
      %swap3A_40 = vector.shape_cast %swap3A_39 : vector<1x16xf32> to vector<16xf32>
      %swap3A_41 = vector.shape_cast %broadcast_in_dim3A_1 : vector<16xf32> to vector<1x16xf32>
      tpu.vector_store %arg12[%swap3A, %swap3A_38], %swap3A_41 {strides = array<i32>} : memref<32x128xf32, #tpu.memory_space<vmem>>, vector<1x16xf32>,
      %swap3A_42 = arith.index_cast %scan3A_36 : i32 to index
      %swap3A_43 = arith.constant 16 : index
      %swap3A_44 = tpu.vector_load %arg12[%swap3A_42, %swap3A_43] {strides = array<i32>} : memref<32x128xf32, #tpu.memory_space<vmem>>, vector<1x16xf32>,
      %swap3A_45 = vector.shape_cast %swap3A_44 : vector<1x16xf32> to vector<16xf32>
      %swap3A_46 = vector.shape_cast %broadcast_in_dim3A_1 : vector<16xf32> to vector<1x16xf32>
      tpu.vector_store %arg12[%swap3A_42, %swap3A_43], %swap3A_46 {strides = array<i32>} : memref<32x128xf32, #tpu.memory_space<vmem>>, vector<1x16xf32>,
      %swap3A_47 = arith.index_cast %scan3A_36 : i32 to index
      %swap3A_48 = arith.constant 32 : index
      %swap3A_49 = tpu.vector_load %arg12[%swap3A_47, %swap3A_48] {strides = array<i32>} : memref<32x128xf32, #tpu.memory_space<vmem>>, vector<1x16xf32>,
      %swap3A_50 = vector.shape_cast %swap3A_49 : vector<1x16xf32> to vector<16xf32>
      %swap3A_51 = vector.shape_cast %broadcast_in_dim3A_1 : vector<16xf32> to vector<1x16xf32>
      tpu.vector_store %arg12[%swap3A_47, %swap3A_48], %swap3A_51 {strides = array<i32>} : memref<32x128xf32, #tpu.memory_space<vmem>>, vector<1x16xf32>,
      %swap3A_52 = arith.index_cast %scan3A_36 : i32 to index
      %swap3A_53 = arith.constant 48 : index
      %swap3A_54 = tpu.vector_load %arg12[%swap3A_52, %swap3A_53] {strides = array<i32>} : memref<32x128xf32, #tpu.memory_space<vmem>>, vector<1x16xf32>,
      %swap3A_55 = vector.shape_cast %swap3A_54 : vector<1x16xf32> to vector<16xf32>
      %swap3A_56 = vector.shape_cast %broadcast_in_dim3A_1 : vector<16xf32> to vector<1x16xf32>
      tpu.vector_store %arg12[%swap3A_52, %swap3A_53], %swap3A_56 {strides = array<i32>} : memref<32x128xf32, #tpu.memory_space<vmem>>, vector<1x16xf32>,
      %swap3A_57 = arith.index_cast %scan3A_36 : i32 to index
      %swap3A_58 = arith.constant 64 : index
      %swap3A_59 = tpu.vector_load %arg12[%swap3A_57, %swap3A_58] {strides = array<i32>} : memref<32x128xf32, #tpu.memory_space<vmem>>, vector<1x16xf32>,
      %swap3A_60 = vector.shape_cast %swap3A_59 : vector<1x16xf32> to vector<16xf32>
      %swap3A_61 = vector.shape_cast %broadcast_in_dim3A_1 : vector<16xf32> to vector<1x16xf32>
      tpu.vector_store %arg12[%swap3A_57, %swap3A_58], %swap3A_61 {strides = array<i32>} : memref<32x128xf32, #tpu.memory_space<vmem>>, vector<1x16xf32>,
      %swap3A_62 = arith.index_cast %scan3A_36 : i32 to index
      %swap3A_63 = arith.constant 80 : index
      %swap3A_64 = tpu.vector_load %arg12[%swap3A_62, %swap3A_63] {strides = array<i32>} : memref<32x128xf32, #tpu.memory_space<vmem>>, vector<1x16xf32>,
      %swap3A_65 = vector.shape_cast %swap3A_64 : vector<1x16xf32> to vector<16xf32>
      %swap3A_66 = vector.shape_cast %broadcast_in_dim3A_1 : vector<16xf32> to vector<1x16xf32>
      tpu.vector_store %arg12[%swap3A_62, %swap3A_63], %swap3A_66 {strides = array<i32>} : memref<32x128xf32, #tpu.memory_space<vmem>>, vector<1x16xf32>,
      %swap3A_67 = arith.index_cast %scan3A_36 : i32 to index
      %swap3A_68 = arith.constant 96 : index
      %swap3A_69 = tpu.vector_load %arg12[%swap3A_67, %swap3A_68] {strides = array<i32>} : memref<32x128xf32, #tpu.memory_space<vmem>>, vector<1x16xf32>,
      %swap3A_70 = vector.shape_cast %swap3A_69 : vector<1x16xf32> to vector<16xf32>
      %swap3A_71 = vector.shape_cast %broadcast_in_dim3A_1 : vector<16xf32> to vector<1x16xf32>
      tpu.vector_store %arg12[%swap3A_67, %swap3A_68], %swap3A_71 {strides = array<i32>} : memref<32x128xf32, #tpu.memory_space<vmem>>, vector<1x16xf32>,
      %swap3A_72 = arith.index_cast %scan3A_36 : i32 to index
      %swap3A_73 = arith.constant 112 : index
      %swap3A_74 = tpu.vector_load %arg12[%swap3A_72, %swap3A_73] {strides = array<i32>} : memref<32x128xf32, #tpu.memory_space<vmem>>, vector<1x16xf32>,
      %swap3A_75 = vector.shape_cast %swap3A_74 : vector<1x16xf32> to vector<16xf32>
      %swap3A_76 = vector.shape_cast %broadcast_in_dim3A_1 : vector<16xf32> to vector<1x16xf32>
      tpu.vector_store %arg12[%swap3A_72, %swap3A_73], %swap3A_76 {strides = array<i32>} : memref<32x128xf32, #tpu.memory_space<vmem>>, vector<1x16xf32>,
      %scan3A_77 = arith.constant 0 : i32
      scf.yield %scan3A_77 : i32
    }
    %scan3A_7 = arith.constant 32 : i32
    %scan3A_8 = arith.constant 0 : i32
    %scan3A_9 = arith.constant 0 : i32
    %scan3A_10 = arith.constant 20 : i32
    %scan3A_11 = arith.addi %scan3A_9, %scan3A_10 : i32
    %scan3A_12 = arith.constant 1 : i32
    %scan3A_13 = scf.for %scan3A_36 = %scan3A_9 to %scan3A_11 step %scan3A_12 iter_args(%scan3A_37 = %scan3A_8) -> (i32)  : i32 {
      %mul3A_38 = arith.constant 640 : i32
      %mul3A_39 = arith.muli %arg1, %mul3A_38 : i32
      %mul3A_40 = arith.constant 32 : i32
      %mul3A_41 = arith.muli %scan3A_36, %mul3A_40 : i32
      %add3A_42 = arith.addi %mul3A_39, %mul3A_41 : i32
      "tpu.region"() ({
        %run_scoped3A = tpu.sem_alloc : memref<!tpu.dma_semaphore, #tpu.memory_space<semaphore_mem>>
        %dma_start3A_44 = arith.constant 0 : i32
        %dma_start3A_45 = tpu.memref_slice %arg13[%add3A_42, %dma_start3A_44] : memref<10240x128xf32, #tpu.memory_space<vmem_shared>> -> memref<32x128xf32, #tpu.memory_space<vmem_shared>>
        %dma_start3A_46 = arith.constant 0 : i32
        %dma_start3A_47 = tpu.memref_slice %arg13[%add3A_42, %dma_start3A_46] : memref<10240x128xf32, #tpu.memory_space<vmem_shared>> -> memref<32x128xf32, #tpu.memory_space<vmem_shared>>
        tpu.enqueue_dma source(%arg12 : memref<32x128xf32, #tpu.memory_space<vmem>>) target(%dma_start3A_47 : memref<32x128xf32, #tpu.memory_space<vmem_shared>>) target_semaphore(%run_scoped3A : memref<!tpu.dma_semaphore, #tpu.memory_space<semaphore_mem>>)
        %dma_wait3A_48 = arith.constant 0 : i32
        %dma_wait3A_49 = tpu.memref_slice %arg13[%add3A_42, %dma_wait3A_48] : memref<10240x128xf32, #tpu.memory_space<vmem_shared>> -> memref<32x128xf32, #tpu.memory_space<vmem_shared>>
        %dma_wait3A_50 = arith.constant 0 : i32
        %dma_wait3A_51 = tpu.memref_slice %arg13[%add3A_42, %dma_wait3A_50] : memref<10240x128xf32, #tpu.memory_space<vmem_shared>> -> memref<32x128xf32, #tpu.memory_space<vmem_shared>>
        tpu.wait_dma2 semaphore(%run_scoped3A : memref<!tpu.dma_semaphore, #tpu.memory_space<semaphore_mem>>) src(%arg12 : memref<32x128xf32, #tpu.memory_space<vmem>>) dst(%dma_wait3A_51 : memref<32x128xf32, #tpu.memory_space<vmem_shared>>)
        tpu.yield
      }) : () -> ()
      %scan3A_43 = arith.constant 0 : i32
      scf.yield %scan3A_43 : i32
    }
    %scan3A_14 = arith.constant 20 : i32
    %barrier3A = arith.constant 0 : index
    tpu.barrier barrier_id(%barrier3A)
    %mul3A_15 = arith.constant 10368 : i32
    %mul3A_16 = arith.muli %add3A, %mul3A_15 : i32
    "tpu.region"() ({
      %run_scoped3A = tpu.sem_alloc : memref<!tpu.dma_semaphore, #tpu.memory_space<semaphore_mem>>
      %dma_start3A_36 = tpu.memref_slice %arg3[%mul3A_16] : memref<331776xi32, #tpu.memory_space<hbm>> -> memref<128xi32, #tpu.memory_space<hbm>>
      %dma_start3A_37 = tpu.memref_slice %arg3[%mul3A_16] : memref<331776xi32, #tpu.memory_space<hbm>> -> memref<128xi32, #tpu.memory_space<hbm>>
      tpu.enqueue_dma source(%dma_start3A_37 : memref<128xi32, #tpu.memory_space<hbm>>) target(%arg6 : memref<128xi32, #tpu.memory_space<vmem>>) target_semaphore(%run_scoped3A : memref<!tpu.dma_semaphore, #tpu.memory_space<semaphore_mem>>)
      %dma_wait3A_38 = tpu.memref_slice %arg3[%mul3A_16] : memref<331776xi32, #tpu.memory_space<hbm>> -> memref<128xi32, #tpu.memory_space<hbm>>
      %dma_wait3A_39 = tpu.memref_slice %arg3[%mul3A_16] : memref<331776xi32, #tpu.memory_space<hbm>> -> memref<128xi32, #tpu.memory_space<hbm>>
      tpu.wait_dma2 semaphore(%run_scoped3A : memref<!tpu.dma_semaphore, #tpu.memory_space<semaphore_mem>>) src(%dma_wait3A_39 : memref<128xi32, #tpu.memory_space<hbm>>) dst(%arg6 : memref<128xi32, #tpu.memory_space<vmem>>)
      tpu.yield
    }) : () -> ()
    "tpu.region"() ({
      %run_scoped3A = tpu.sem_alloc : memref<!tpu.dma_semaphore, #tpu.memory_space<semaphore_mem>>
      %dma_start3A_36 = tpu.memref_slice %arg4[%mul3A_16] : memref<331776xi32, #tpu.memory_space<hbm>> -> memref<128xi32, #tpu.memory_space<hbm>>
      %dma_start3A_37 = tpu.memref_slice %arg4[%mul3A_16] : memref<331776xi32, #tpu.memory_space<hbm>> -> memref<128xi32, #tpu.memory_space<hbm>>
      tpu.enqueue_dma source(%dma_start3A_37 : memref<128xi32, #tpu.memory_space<hbm>>) target(%arg7 : memref<128xi32, #tpu.memory_space<vmem>>) target_semaphore(%run_scoped3A : memref<!tpu.dma_semaphore, #tpu.memory_space<semaphore_mem>>)
      %dma_wait3A_38 = tpu.memref_slice %arg4[%mul3A_16] : memref<331776xi32, #tpu.memory_space<hbm>> -> memref<128xi32, #tpu.memory_space<hbm>>
      %dma_wait3A_39 = tpu.memref_slice %arg4[%mul3A_16] : memref<331776xi32, #tpu.memory_space<hbm>> -> memref<128xi32, #tpu.memory_space<hbm>>
      tpu.wait_dma2 semaphore(%run_scoped3A : memref<!tpu.dma_semaphore, #tpu.memory_space<semaphore_mem>>) src(%dma_wait3A_39 : memref<128xi32, #tpu.memory_space<hbm>>) dst(%arg7 : memref<128xi32, #tpu.memory_space<vmem>>)
      tpu.yield
    }) : () -> ()
    %dma_start3A = arith.constant 0 : i32
    %dma_start3A_17 = arith.constant 0 : i32
    %dma_start3A_18 = tpu.memref_slice %arg2[%dma_start3A, %dma_start3A_17] : memref<10240x128xf32, #tpu.memory_space<hbm>> -> memref<10240x128xf32, #tpu.memory_space<hbm>>
    tpu.enqueue_indirect_dma source(%dma_start3A_18 : memref<10240x128xf32, #tpu.memory_space<hbm>>) target(%arg8 : memref<128x128xf32, #tpu.memory_space<vmem>>) offsets(%arg6 : memref<128xi32, #tpu.memory_space<vmem>>) semaphore(%arg14 : memref<!tpu.dma_semaphore, #tpu.memory_space<semaphore_mem>>)
    %scan3A_19 = arith.constant 0 : i32
    %scan3A_20 = arith.constant 0 : i32
    %scan3A_21 = arith.constant 40 : i32
    %scan3A_22 = arith.addi %scan3A_20, %scan3A_21 : i32
    %scan3A_23 = arith.constant 1 : i32
    %scan3A_24 = scf.for %scan3A_36 = %scan3A_20 to %scan3A_22 step %scan3A_23 iter_args(%scan3A_37 = %scan3A_19) -> (i32)  : i32 {
      %mul3A_38 = arith.constant 2 : i32
      %mul3A_39 = arith.muli %mul3A_38, %scan3A_36 : i32
      %mul3A_40 = arith.constant 128 : i32
      %mul3A_41 = arith.muli %mul3A_39, %mul3A_40 : i32
      %add3A_42 = arith.addi %mul3A_16, %mul3A_41 : i32
      %add3A_43 = arith.constant 128 : i32
      %add3A_44 = arith.addi %add3A_42, %add3A_43 : i32
      "tpu.region"() ({
        %run_scoped3A = tpu.sem_alloc : memref<!tpu.dma_semaphore, #tpu.memory_space<semaphore_mem>>
        %dma_start3A_64 = tpu.memref_slice %arg3[%add3A_44] : memref<331776xi32, #tpu.memory_space<hbm>> -> memref<128xi32, #tpu.memory_space<hbm>>
        %dma_start3A_65 = tpu.memref_slice %arg3[%add3A_44] : memref<331776xi32, #tpu.memory_space<hbm>> -> memref<128xi32, #tpu.memory_space<hbm>>
        tpu.enqueue_dma source(%dma_start3A_65 : memref<128xi32, #tpu.memory_space<hbm>>) target(%arg9 : memref<128xi32, #tpu.memory_space<vmem>>) target_semaphore(%run_scoped3A : memref<!tpu.dma_semaphore, #tpu.memory_space<semaphore_mem>>)
        %dma_wait3A_66 = tpu.memref_slice %arg3[%add3A_44] : memref<331776xi32, #tpu.memory_space<hbm>> -> memref<128xi32, #tpu.memory_space<hbm>>
        %dma_wait3A_67 = tpu.memref_slice %arg3[%add3A_44] : memref<331776xi32, #tpu.memory_space<hbm>> -> memref<128xi32, #tpu.memory_space<hbm>>
        tpu.wait_dma2 semaphore(%run_scoped3A : memref<!tpu.dma_semaphore, #tpu.memory_space<semaphore_mem>>) src(%dma_wait3A_67 : memref<128xi32, #tpu.memory_space<hbm>>) dst(%arg9 : memref<128xi32, #tpu.memory_space<vmem>>)
        tpu.yield
      }) : () -> ()
      %add3A_45 = arith.constant 128 : i32
      %add3A_46 = arith.addi %add3A_42, %add3A_45 : i32
      "tpu.region"() ({
        %run_scoped3A = tpu.sem_alloc : memref<!tpu.dma_semaphore, #tpu.memory_space<semaphore_mem>>
        %dma_start3A_64 = tpu.memref_slice %arg4[%add3A_46] : memref<331776xi32, #tpu.memory_space<hbm>> -> memref<128xi32, #tpu.memory_space<hbm>>
        %dma_start3A_65 = tpu.memref_slice %arg4[%add3A_46] : memref<331776xi32, #tpu.memory_space<hbm>> -> memref<128xi32, #tpu.memory_space<hbm>>
        tpu.enqueue_dma source(%dma_start3A_65 : memref<128xi32, #tpu.memory_space<hbm>>) target(%arg10 : memref<128xi32, #tpu.memory_space<vmem>>) target_semaphore(%run_scoped3A : memref<!tpu.dma_semaphore, #tpu.memory_space<semaphore_mem>>)
        %dma_wait3A_66 = tpu.memref_slice %arg4[%add3A_46] : memref<331776xi32, #tpu.memory_space<hbm>> -> memref<128xi32, #tpu.memory_space<hbm>>
        %dma_wait3A_67 = tpu.memref_slice %arg4[%add3A_46] : memref<331776xi32, #tpu.memory_space<hbm>> -> memref<128xi32, #tpu.memory_space<hbm>>
        tpu.wait_dma2 semaphore(%run_scoped3A : memref<!tpu.dma_semaphore, #tpu.memory_space<semaphore_mem>>) src(%dma_wait3A_67 : memref<128xi32, #tpu.memory_space<hbm>>) dst(%arg10 : memref<128xi32, #tpu.memory_space<vmem>>)
        tpu.yield
      }) : () -> ()
      %dma_start3A_47 = arith.constant 0 : i32
      %dma_start3A_48 = arith.constant 0 : i32
      %dma_start3A_49 = tpu.memref_slice %arg2[%dma_start3A_47, %dma_start3A_48] : memref<10240x128xf32, #tpu.memory_space<hbm>> -> memref<10240x128xf32, #tpu.memory_space<hbm>>
      tpu.enqueue_indirect_dma source(%dma_start3A_49 : memref<10240x128xf32, #tpu.memory_space<hbm>>) target(%arg11 : memref<128x128xf32, #tpu.memory_space<vmem>>) offsets(%arg9 : memref<128xi32, #tpu.memory_space<vmem>>) semaphore(%arg15 : memref<!tpu.dma_semaphore, #tpu.memory_space<semaphore_mem>>)
      %dma_wait3A_50 = arith.constant 0 : i32
      %dma_wait3A_51 = arith.constant 0 : i32
      %dma_wait3A_52 = tpu.memref_slice %arg2[%dma_wait3A_50, %dma_wait3A_51] : memref<10240x128xf32, #tpu.memory_space<hbm>> -> memref<10240x128xf32, #tpu.memory_space<hbm>>
      tpu.wait_indirect_dma semaphore(%arg14 : memref<!tpu.dma_semaphore, #tpu.memory_space<semaphore_mem>>) src(%dma_wait3A_52 : memref<10240x128xf32, #tpu.memory_space<hbm>>) dst(%arg8 : memref<128x128xf32, #tpu.memory_space<vmem>>)
      "tpu.region"() ({
        %run_scoped3A = tpu.sem_alloc : memref<!tpu.dma_semaphore, #tpu.memory_space<semaphore_mem>>
        %dma_start3A_64 = arith.constant 0 : i32
        %dma_start3A_65 = arith.constant 0 : i32
        %dma_start3A_66 = tpu.memref_slice %arg13[%dma_start3A_64, %dma_start3A_65] : memref<10240x128xf32, #tpu.memory_space<vmem_shared>> -> memref<10240x128xf32, #tpu.memory_space<vmem_shared>>
        tpu.enqueue_indirect_dma source(%arg8 : memref<128x128xf32, #tpu.memory_space<vmem>>) target(%dma_start3A_66 : memref<10240x128xf32, #tpu.memory_space<vmem_shared>>) offsets(%arg7 : memref<128xi32, #tpu.memory_space<vmem>>) semaphore(%run_scoped3A : memref<!tpu.dma_semaphore, #tpu.memory_space<semaphore_mem>>) {add = true}
        %dma_wait3A_67 = arith.constant 0 : i32
        %dma_wait3A_68 = arith.constant 0 : i32
        %dma_wait3A_69 = tpu.memref_slice %arg13[%dma_wait3A_67, %dma_wait3A_68] : memref<10240x128xf32, #tpu.memory_space<vmem_shared>> -> memref<10240x128xf32, #tpu.memory_space<vmem_shared>>
        tpu.wait_indirect_dma semaphore(%run_scoped3A : memref<!tpu.dma_semaphore, #tpu.memory_space<semaphore_mem>>) src(%arg8 : memref<128x128xf32, #tpu.memory_space<vmem>>) dst(%dma_wait3A_69 : memref<10240x128xf32, #tpu.memory_space<vmem_shared>>)
        tpu.yield
      }) : () -> ()
      %add3A_53 = arith.constant 256 : i32
      %add3A_54 = arith.addi %add3A_42, %add3A_53 : i32
      "tpu.region"() ({
        %run_scoped3A = tpu.sem_alloc : memref<!tpu.dma_semaphore, #tpu.memory_space<semaphore_mem>>
        %dma_start3A_64 = tpu.memref_slice %arg3[%add3A_54] : memref<331776xi32, #tpu.memory_space<hbm>> -> memref<128xi32, #tpu.memory_space<hbm>>
        %dma_start3A_65 = tpu.memref_slice %arg3[%add3A_54] : memref<331776xi32, #tpu.memory_space<hbm>> -> memref<128xi32, #tpu.memory_space<hbm>>
        tpu.enqueue_dma source(%dma_start3A_65 : memref<128xi32, #tpu.memory_space<hbm>>) target(%arg6 : memref<128xi32, #tpu.memory_space<vmem>>) target_semaphore(%run_scoped3A : memref<!tpu.dma_semaphore, #tpu.memory_space<semaphore_mem>>)
        %dma_wait3A_66 = tpu.memref_slice %arg3[%add3A_54] : memref<331776xi32, #tpu.memory_space<hbm>> -> memref<128xi32, #tpu.memory_space<hbm>>
        %dma_wait3A_67 = tpu.memref_slice %arg3[%add3A_54] : memref<331776xi32, #tpu.memory_space<hbm>> -> memref<128xi32, #tpu.memory_space<hbm>>
        tpu.wait_dma2 semaphore(%run_scoped3A : memref<!tpu.dma_semaphore, #tpu.memory_space<semaphore_mem>>) src(%dma_wait3A_67 : memref<128xi32, #tpu.memory_space<hbm>>) dst(%arg6 : memref<128xi32, #tpu.memory_space<vmem>>)
        tpu.yield
      }) : () -> ()
      %add3A_55 = arith.constant 256 : i32
      %add3A_56 = arith.addi %add3A_42, %add3A_55 : i32
      "tpu.region"() ({
        %run_scoped3A = tpu.sem_alloc : memref<!tpu.dma_semaphore, #tpu.memory_space<semaphore_mem>>
        %dma_start3A_64 = tpu.memref_slice %arg4[%add3A_56] : memref<331776xi32, #tpu.memory_space<hbm>> -> memref<128xi32, #tpu.memory_space<hbm>>
        %dma_start3A_65 = tpu.memref_slice %arg4[%add3A_56] : memref<331776xi32, #tpu.memory_space<hbm>> -> memref<128xi32, #tpu.memory_space<hbm>>
        tpu.enqueue_dma source(%dma_start3A_65 : memref<128xi32, #tpu.memory_space<hbm>>) target(%arg7 : memref<128xi32, #tpu.memory_space<vmem>>) target_semaphore(%run_scoped3A : memref<!tpu.dma_semaphore, #tpu.memory_space<semaphore_mem>>)
        %dma_wait3A_66 = tpu.memref_slice %arg4[%add3A_56] : memref<331776xi32, #tpu.memory_space<hbm>> -> memref<128xi32, #tpu.memory_space<hbm>>
        %dma_wait3A_67 = tpu.memref_slice %arg4[%add3A_56] : memref<331776xi32, #tpu.memory_space<hbm>> -> memref<128xi32, #tpu.memory_space<hbm>>
        tpu.wait_dma2 semaphore(%run_scoped3A : memref<!tpu.dma_semaphore, #tpu.memory_space<semaphore_mem>>) src(%dma_wait3A_67 : memref<128xi32, #tpu.memory_space<hbm>>) dst(%arg7 : memref<128xi32, #tpu.memory_space<vmem>>)
        tpu.yield
      }) : () -> ()
      %dma_start3A_57 = arith.constant 0 : i32
      %dma_start3A_58 = arith.constant 0 : i32
      %dma_start3A_59 = tpu.memref_slice %arg2[%dma_start3A_57, %dma_start3A_58] : memref<10240x128xf32, #tpu.memory_space<hbm>> -> memref<10240x128xf32, #tpu.memory_space<hbm>>
      tpu.enqueue_indirect_dma source(%dma_start3A_59 : memref<10240x128xf32, #tpu.memory_space<hbm>>) target(%arg8 : memref<128x128xf32, #tpu.memory_space<vmem>>) offsets(%arg6 : memref<128xi32, #tpu.memory_space<vmem>>) semaphore(%arg14 : memref<!tpu.dma_semaphore, #tpu.memory_space<semaphore_mem>>)
      %dma_wait3A_60 = arith.constant 0 : i32
      %dma_wait3A_61 = arith.constant 0 : i32
      %dma_wait3A_62 = tpu.memref_slice %arg2[%dma_wait3A_60, %dma_wait3A_61] : memref<10240x128xf32, #tpu.memory_space<hbm>> -> memref<10240x128xf32, #tpu.memory_space<hbm>>
      tpu.wait_indirect_dma semaphore(%arg15 : memref<!tpu.dma_semaphore, #tpu.memory_space<semaphore_mem>>) src(%dma_wait3A_62 : memref<10240x128xf32, #tpu.memory_space<hbm>>) dst(%arg11 : memref<128x128xf32, #tpu.memory_space<vmem>>)
      "tpu.region"() ({
        %run_scoped3A = tpu.sem_alloc : memref<!tpu.dma_semaphore, #tpu.memory_space<semaphore_mem>>
        %dma_start3A_64 = arith.constant 0 : i32
        %dma_start3A_65 = arith.constant 0 : i32
        %dma_start3A_66 = tpu.memref_slice %arg13[%dma_start3A_64, %dma_start3A_65] : memref<10240x128xf32, #tpu.memory_space<vmem_shared>> -> memref<10240x128xf32, #tpu.memory_space<vmem_shared>>
        tpu.enqueue_indirect_dma source(%arg11 : memref<128x128xf32, #tpu.memory_space<vmem>>) target(%dma_start3A_66 : memref<10240x128xf32, #tpu.memory_space<vmem_shared>>) offsets(%arg10 : memref<128xi32, #tpu.memory_space<vmem>>) semaphore(%run_scoped3A : memref<!tpu.dma_semaphore, #tpu.memory_space<semaphore_mem>>) {add = true}
        %dma_wait3A_67 = arith.constant 0 : i32
        %dma_wait3A_68 = arith.constant 0 : i32
        %dma_wait3A_69 = tpu.memref_slice %arg13[%dma_wait3A_67, %dma_wait3A_68] : memref<10240x128xf32, #tpu.memory_space<vmem_shared>> -> memref<10240x128xf32, #tpu.memory_space<vmem_shared>>
        tpu.wait_indirect_dma semaphore(%run_scoped3A : memref<!tpu.dma_semaphore, #tpu.memory_space<semaphore_mem>>) src(%arg11 : memref<128x128xf32, #tpu.memory_space<vmem>>) dst(%dma_wait3A_69 : memref<10240x128xf32, #tpu.memory_space<vmem_shared>>)
        tpu.yield
      }) : () -> ()
      %scan3A_63 = arith.constant 0 : i32
      scf.yield %scan3A_63 : i32
    }
    %scan3A_25 = arith.constant 40 : i32
    %dma_wait3A = arith.constant 0 : i32
    %dma_wait3A_26 = arith.constant 0 : i32
    %dma_wait3A_27 = tpu.memref_slice %arg2[%dma_wait3A, %dma_wait3A_26] : memref<10240x128xf32, #tpu.memory_space<hbm>> -> memref<10240x128xf32, #tpu.memory_space<hbm>>
    tpu.wait_indirect_dma semaphore(%arg14 : memref<!tpu.dma_semaphore, #tpu.memory_space<semaphore_mem>>) src(%dma_wait3A_27 : memref<10240x128xf32, #tpu.memory_space<hbm>>) dst(%arg8 : memref<128x128xf32, #tpu.memory_space<vmem>>)
    "tpu.region"() ({
      %run_scoped3A = tpu.sem_alloc : memref<!tpu.dma_semaphore, #tpu.memory_space<semaphore_mem>>
      %dma_start3A_36 = arith.constant 0 : i32
      %dma_start3A_37 = arith.constant 0 : i32
      %dma_start3A_38 = tpu.memref_slice %arg13[%dma_start3A_36, %dma_start3A_37] : memref<10240x128xf32, #tpu.memory_space<vmem_shared>> -> memref<10240x128xf32, #tpu.memory_space<vmem_shared>>
      tpu.enqueue_indirect_dma source(%arg8 : memref<128x128xf32, #tpu.memory_space<vmem>>) target(%dma_start3A_38 : memref<10240x128xf32, #tpu.memory_space<vmem_shared>>) offsets(%arg7 : memref<128xi32, #tpu.memory_space<vmem>>) semaphore(%run_scoped3A : memref<!tpu.dma_semaphore, #tpu.memory_space<semaphore_mem>>) {add = true}
      %dma_wait3A_39 = arith.constant 0 : i32
      %dma_wait3A_40 = arith.constant 0 : i32
      %dma_wait3A_41 = tpu.memref_slice %arg13[%dma_wait3A_39, %dma_wait3A_40] : memref<10240x128xf32, #tpu.memory_space<vmem_shared>> -> memref<10240x128xf32, #tpu.memory_space<vmem_shared>>
      tpu.wait_indirect_dma semaphore(%run_scoped3A : memref<!tpu.dma_semaphore, #tpu.memory_space<semaphore_mem>>) src(%arg8 : memref<128x128xf32, #tpu.memory_space<vmem>>) dst(%dma_wait3A_41 : memref<10240x128xf32, #tpu.memory_space<vmem_shared>>)
      tpu.yield
    }) : () -> ()
    %barrier3A_28 = arith.constant 0 : index
    tpu.barrier barrier_id(%barrier3A_28)
    %scan3A_29 = arith.constant 0 : i32
    %scan3A_30 = arith.constant 0 : i32
    %scan3A_31 = arith.constant 20 : i32
    %scan3A_32 = arith.addi %scan3A_30, %scan3A_31 : i32
    %scan3A_33 = arith.constant 1 : i32
    %scan3A_34 = scf.for %scan3A_36 = %scan3A_30 to %scan3A_32 step %scan3A_33 iter_args(%scan3A_37 = %scan3A_29) -> (i32)  : i32 {
      %mul3A_38 = arith.constant 640 : i32
      %mul3A_39 = arith.muli %arg1, %mul3A_38 : i32
      %mul3A_40 = arith.constant 32 : i32
      %mul3A_41 = arith.muli %scan3A_36, %mul3A_40 : i32
      %add3A_42 = arith.addi %mul3A_39, %mul3A_41 : i32
      "tpu.region"() ({
        %run_scoped3A = tpu.sem_alloc : memref<!tpu.dma_semaphore, #tpu.memory_space<semaphore_mem>>
        %dma_start3A_44 = arith.constant 0 : i32
        %dma_start3A_45 = tpu.memref_slice %arg13[%add3A_42, %dma_start3A_44] : memref<10240x128xf32, #tpu.memory_space<vmem_shared>> -> memref<32x128xf32, #tpu.memory_space<vmem_shared>>
        %dma_start3A_46 = arith.constant 0 : i32
        %dma_start3A_47 = tpu.memref_slice %arg13[%add3A_42, %dma_start3A_46] : memref<10240x128xf32, #tpu.memory_space<vmem_shared>> -> memref<32x128xf32, #tpu.memory_space<vmem_shared>>
        tpu.enqueue_dma source(%dma_start3A_47 : memref<32x128xf32, #tpu.memory_space<vmem_shared>>) target(%arg12 : memref<32x128xf32, #tpu.memory_space<vmem>>) target_semaphore(%run_scoped3A : memref<!tpu.dma_semaphore, #tpu.memory_space<semaphore_mem>>)
        %dma_wait3A_48 = arith.constant 0 : i32
        %dma_wait3A_49 = tpu.memref_slice %arg13[%add3A_42, %dma_wait3A_48] : memref<10240x128xf32, #tpu.memory_space<vmem_shared>> -> memref<32x128xf32, #tpu.memory_space<vmem_shared>>
        %dma_wait3A_50 = arith.constant 0 : i32
        %dma_wait3A_51 = tpu.memref_slice %arg13[%add3A_42, %dma_wait3A_50] : memref<10240x128xf32, #tpu.memory_space<vmem_shared>> -> memref<32x128xf32, #tpu.memory_space<vmem_shared>>
        tpu.wait_dma2 semaphore(%run_scoped3A : memref<!tpu.dma_semaphore, #tpu.memory_space<semaphore_mem>>) src(%dma_wait3A_51 : memref<32x128xf32, #tpu.memory_space<vmem_shared>>) dst(%arg12 : memref<32x128xf32, #tpu.memory_space<vmem>>)
        tpu.yield
      }) : () -> ()
      "tpu.region"() ({
        %run_scoped3A = tpu.sem_alloc : memref<!tpu.dma_semaphore, #tpu.memory_space<semaphore_mem>>
        %dma_start3A_44 = arith.constant 0 : i32
        %dma_start3A_45 = tpu.memref_slice %arg5[%arg0, %add3A_42, %dma_start3A_44] : memref<2x10240x128xf32, #tpu.memory_space<hbm>> -> memref<1x32x128xf32, #tpu.memory_space<hbm>>
        %dma_start3A_46 = tpu.memref_squeeze %dma_start3A_45 : memref<1x32x128xf32, #tpu.memory_space<hbm>> -> memref<32x128xf32, #tpu.memory_space<hbm>>
        %dma_start3A_47 = arith.constant 0 : i32
        %dma_start3A_48 = tpu.memref_slice %arg5[%arg0, %add3A_42, %dma_start3A_47] : memref<2x10240x128xf32, #tpu.memory_space<hbm>> -> memref<1x32x128xf32, #tpu.memory_space<hbm>>
        %dma_start3A_49 = tpu.memref_squeeze %dma_start3A_48 : memref<1x32x128xf32, #tpu.memory_space<hbm>> -> memref<32x128xf32, #tpu.memory_space<hbm>>
        tpu.enqueue_dma source(%arg12 : memref<32x128xf32, #tpu.memory_space<vmem>>) target(%dma_start3A_49 : memref<32x128xf32, #tpu.memory_space<hbm>>) target_semaphore(%run_scoped3A : memref<!tpu.dma_semaphore, #tpu.memory_space<semaphore_mem>>)
        %dma_wait3A_50 = arith.constant 0 : i32
        %dma_wait3A_51 = tpu.memref_slice %arg5[%arg0, %add3A_42, %dma_wait3A_50] : memref<2x10240x128xf32, #tpu.memory_space<hbm>> -> memref<1x32x128xf32, #tpu.memory_space<hbm>>
        %dma_wait3A_52 = tpu.memref_squeeze %dma_wait3A_51 : memref<1x32x128xf32, #tpu.memory_space<hbm>> -> memref<32x128xf32, #tpu.memory_space<hbm>>
        %dma_wait3A_53 = arith.constant 0 : i32
        %dma_wait3A_54 = tpu.memref_slice %arg5[%arg0, %add3A_42, %dma_wait3A_53] : memref<2x10240x128xf32, #tpu.memory_space<hbm>> -> memref<1x32x128xf32, #tpu.memory_space<hbm>>
        %dma_wait3A_55 = tpu.memref_squeeze %dma_wait3A_54 : memref<1x32x128xf32, #tpu.memory_space<hbm>> -> memref<32x128xf32, #tpu.memory_space<hbm>>
        tpu.wait_dma2 semaphore(%run_scoped3A : memref<!tpu.dma_semaphore, #tpu.memory_space<semaphore_mem>>) src(%arg12 : memref<32x128xf32, #tpu.memory_space<vmem>>) dst(%dma_wait3A_55 : memref<32x128xf32, #tpu.memory_space<hbm>>)
        tpu.yield
      }) : () -> ()
      %scan3A_43 = arith.constant 0 : i32
      scf.yield %scan3A_43 : i32
    }
    %scan3A_35 = arith.constant 20 : i32
    return
  }
}

#map = affine_map<(d0, d1) -> (0, 0)>
#map1 = affine_map<(d0, d1) -> (0)>
#map2 = affine_map<(d0, d1) -> (0, 0, 0)>
module attributes {stable_mosaic.version = 14 : i64} {
  func.func @_sc_gat_body(%arg0: i32, %arg1: i32, %arg2: memref<10240x128xf32, #tpu.memory_space<hbm>>, %arg3: memref<10240x128xf32, #tpu.memory_space<hbm>>, %arg4: memref<10240x128xf32, #tpu.memory_space<hbm>>, %arg5: memref<331776xi32, #tpu.memory_space<hbm>>, %arg6: memref<331776xi32, #tpu.memory_space<hbm>>, %arg7: memref<2x10240x128xf32, #tpu.memory_space<hbm>>, %arg8: memref<2x1280x128xf32, #tpu.memory_space<hbm>>, %arg9: memref<48xi32, #tpu.memory_space<vmem>>, %arg10: memref<48xi32, #tpu.memory_space<vmem>>, %arg11: memref<48xi32, #tpu.memory_space<vmem>>, %arg12: memref<48x128xf32, #tpu.memory_space<vmem>>, %arg13: memref<48x128xf32, #tpu.memory_space<vmem>>, %arg14: memref<48x128xf32, #tpu.memory_space<vmem>>, %arg15: memref<48x128xf32, #tpu.memory_space<vmem>>, %arg16: memref<10240x128xf32, #tpu.memory_space<vmem_shared>>, %arg17: memref<1280x128xf32, #tpu.memory_space<vmem_shared>>, %arg18: memref<!tpu.dma_semaphore, #tpu.memory_space<semaphore_mem>>, %arg19: memref<!tpu.dma_semaphore, #tpu.memory_space<semaphore_mem>>, %arg20: memref<!tpu.dma_semaphore, #tpu.memory_space<semaphore_mem>>) attributes {dimension_semantics = [#tpu.dimension_semantics<core_parallel>, #tpu.dimension_semantics<subcore_parallel>], iteration_bounds = array<i64: 2, 16>, scalar_prefetch = 0 : i64, scratch_operands = 12 : i64, tpu.core_type = #tpu.core_type<sc_vector_subcore>, window_params = [{transform_indices = #map}, {transform_indices = #map}, {transform_indices = #map}, {transform_indices = #map1}, {transform_indices = #map1}, {transform_indices = #map2}, {transform_indices = #map2}]} {
    %mul3A = arith.constant 16 : i32
    %mul3A_0 = arith.muli %arg0, %mul3A : i32
    %add3A = arith.addi %mul3A_0, %arg1 : i32
    %broadcast_in_dim3A = arith.constant 0.000000e+00 : f32
    %broadcast_in_dim3A_1 = vector.broadcast %broadcast_in_dim3A : f32 to vector<16xf32>
    %scan3A = arith.constant 0 : i32
    %scan3A_2 = arith.constant 0 : i32
    %scan3A_3 = arith.constant 32 : i32
    %scan3A_4 = arith.addi %scan3A_2, %scan3A_3 : i32
    %scan3A_5 = arith.constant 1 : i32
    %scan3A_6 = scf.for %scan3A_44 = %scan3A_2 to %scan3A_4 step %scan3A_5 iter_args(%scan3A_45 = %scan3A) -> (i32)  : i32 {
      %swap3A = arith.index_cast %scan3A_44 : i32 to index
      %swap3A_46 = arith.constant 0 : index
      %swap3A_47 = tpu.vector_load %arg12[%swap3A, %swap3A_46] {strides = array<i32>} : memref<48x128xf32, #tpu.memory_space<vmem>>, vector<1x16xf32>,
      %swap3A_48 = vector.shape_cast %swap3A_47 : vector<1x16xf32> to vector<16xf32>
      %swap3A_49 = vector.shape_cast %broadcast_in_dim3A_1 : vector<16xf32> to vector<1x16xf32>
      tpu.vector_store %arg12[%swap3A, %swap3A_46], %swap3A_49 {strides = array<i32>} : memref<48x128xf32, #tpu.memory_space<vmem>>, vector<1x16xf32>,
      %swap3A_50 = arith.index_cast %scan3A_44 : i32 to index
      %swap3A_51 = arith.constant 16 : index
      %swap3A_52 = tpu.vector_load %arg12[%swap3A_50, %swap3A_51] {strides = array<i32>} : memref<48x128xf32, #tpu.memory_space<vmem>>, vector<1x16xf32>,
      %swap3A_53 = vector.shape_cast %swap3A_52 : vector<1x16xf32> to vector<16xf32>
      %swap3A_54 = vector.shape_cast %broadcast_in_dim3A_1 : vector<16xf32> to vector<1x16xf32>
      tpu.vector_store %arg12[%swap3A_50, %swap3A_51], %swap3A_54 {strides = array<i32>} : memref<48x128xf32, #tpu.memory_space<vmem>>, vector<1x16xf32>,
      %swap3A_55 = arith.index_cast %scan3A_44 : i32 to index
      %swap3A_56 = arith.constant 32 : index
      %swap3A_57 = tpu.vector_load %arg12[%swap3A_55, %swap3A_56] {strides = array<i32>} : memref<48x128xf32, #tpu.memory_space<vmem>>, vector<1x16xf32>,
      %swap3A_58 = vector.shape_cast %swap3A_57 : vector<1x16xf32> to vector<16xf32>
      %swap3A_59 = vector.shape_cast %broadcast_in_dim3A_1 : vector<16xf32> to vector<1x16xf32>
      tpu.vector_store %arg12[%swap3A_55, %swap3A_56], %swap3A_59 {strides = array<i32>} : memref<48x128xf32, #tpu.memory_space<vmem>>, vector<1x16xf32>,
      %swap3A_60 = arith.index_cast %scan3A_44 : i32 to index
      %swap3A_61 = arith.constant 48 : index
      %swap3A_62 = tpu.vector_load %arg12[%swap3A_60, %swap3A_61] {strides = array<i32>} : memref<48x128xf32, #tpu.memory_space<vmem>>, vector<1x16xf32>,
      %swap3A_63 = vector.shape_cast %swap3A_62 : vector<1x16xf32> to vector<16xf32>
      %swap3A_64 = vector.shape_cast %broadcast_in_dim3A_1 : vector<16xf32> to vector<1x16xf32>
      tpu.vector_store %arg12[%swap3A_60, %swap3A_61], %swap3A_64 {strides = array<i32>} : memref<48x128xf32, #tpu.memory_space<vmem>>, vector<1x16xf32>,
      %swap3A_65 = arith.index_cast %scan3A_44 : i32 to index
      %swap3A_66 = arith.constant 64 : index
      %swap3A_67 = tpu.vector_load %arg12[%swap3A_65, %swap3A_66] {strides = array<i32>} : memref<48x128xf32, #tpu.memory_space<vmem>>, vector<1x16xf32>,
      %swap3A_68 = vector.shape_cast %swap3A_67 : vector<1x16xf32> to vector<16xf32>
      %swap3A_69 = vector.shape_cast %broadcast_in_dim3A_1 : vector<16xf32> to vector<1x16xf32>
      tpu.vector_store %arg12[%swap3A_65, %swap3A_66], %swap3A_69 {strides = array<i32>} : memref<48x128xf32, #tpu.memory_space<vmem>>, vector<1x16xf32>,
      %swap3A_70 = arith.index_cast %scan3A_44 : i32 to index
      %swap3A_71 = arith.constant 80 : index
      %swap3A_72 = tpu.vector_load %arg12[%swap3A_70, %swap3A_71] {strides = array<i32>} : memref<48x128xf32, #tpu.memory_space<vmem>>, vector<1x16xf32>,
      %swap3A_73 = vector.shape_cast %swap3A_72 : vector<1x16xf32> to vector<16xf32>
      %swap3A_74 = vector.shape_cast %broadcast_in_dim3A_1 : vector<16xf32> to vector<1x16xf32>
      tpu.vector_store %arg12[%swap3A_70, %swap3A_71], %swap3A_74 {strides = array<i32>} : memref<48x128xf32, #tpu.memory_space<vmem>>, vector<1x16xf32>,
      %swap3A_75 = arith.index_cast %scan3A_44 : i32 to index
      %swap3A_76 = arith.constant 96 : index
      %swap3A_77 = tpu.vector_load %arg12[%swap3A_75, %swap3A_76] {strides = array<i32>} : memref<48x128xf32, #tpu.memory_space<vmem>>, vector<1x16xf32>,
      %swap3A_78 = vector.shape_cast %swap3A_77 : vector<1x16xf32> to vector<16xf32>
      %swap3A_79 = vector.shape_cast %broadcast_in_dim3A_1 : vector<16xf32> to vector<1x16xf32>
      tpu.vector_store %arg12[%swap3A_75, %swap3A_76], %swap3A_79 {strides = array<i32>} : memref<48x128xf32, #tpu.memory_space<vmem>>, vector<1x16xf32>,
      %swap3A_80 = arith.index_cast %scan3A_44 : i32 to index
      %swap3A_81 = arith.constant 112 : index
      %swap3A_82 = tpu.vector_load %arg12[%swap3A_80, %swap3A_81] {strides = array<i32>} : memref<48x128xf32, #tpu.memory_space<vmem>>, vector<1x16xf32>,
      %swap3A_83 = vector.shape_cast %swap3A_82 : vector<1x16xf32> to vector<16xf32>
      %swap3A_84 = vector.shape_cast %broadcast_in_dim3A_1 : vector<16xf32> to vector<1x16xf32>
      tpu.vector_store %arg12[%swap3A_80, %swap3A_81], %swap3A_84 {strides = array<i32>} : memref<48x128xf32, #tpu.memory_space<vmem>>, vector<1x16xf32>,
      %scan3A_85 = arith.constant 0 : i32
      scf.yield %scan3A_85 : i32
    }
    %scan3A_7 = arith.constant 32 : i32
    %scan3A_8 = arith.constant 0 : i32
    %scan3A_9 = arith.constant 0 : i32
    %scan3A_10 = arith.constant 20 : i32
    %scan3A_11 = arith.addi %scan3A_9, %scan3A_10 : i32
    %scan3A_12 = arith.constant 1 : i32
    %scan3A_13 = scf.for %scan3A_44 = %scan3A_9 to %scan3A_11 step %scan3A_12 iter_args(%scan3A_45 = %scan3A_8) -> (i32)  : i32 {
      %mul3A_46 = arith.constant 640 : i32
      %mul3A_47 = arith.muli %arg1, %mul3A_46 : i32
      %mul3A_48 = arith.constant 32 : i32
      %mul3A_49 = arith.muli %scan3A_44, %mul3A_48 : i32
      %add3A_50 = arith.addi %mul3A_47, %mul3A_49 : i32
      "tpu.region"() ({
        %run_scoped3A = tpu.sem_alloc : memref<!tpu.dma_semaphore, #tpu.memory_space<semaphore_mem>>
        %dma_start3A = arith.constant 0 : i32
        %dma_start3A_52 = arith.constant 0 : i32
        %dma_start3A_53 = tpu.memref_slice %arg12[%dma_start3A, %dma_start3A_52] : memref<48x128xf32, #tpu.memory_space<vmem>> -> memref<32x128xf32, #tpu.memory_space<vmem>>
        %dma_start3A_54 = arith.constant 0 : i32
        %dma_start3A_55 = tpu.memref_slice %arg16[%add3A_50, %dma_start3A_54] : memref<10240x128xf32, #tpu.memory_space<vmem_shared>> -> memref<32x128xf32, #tpu.memory_space<vmem_shared>>
        %dma_start3A_56 = arith.constant 0 : i32
        %dma_start3A_57 = tpu.memref_slice %arg16[%add3A_50, %dma_start3A_56] : memref<10240x128xf32, #tpu.memory_space<vmem_shared>> -> memref<32x128xf32, #tpu.memory_space<vmem_shared>>
        %dma_start3A_58 = arith.constant 0 : i32
        %dma_start3A_59 = arith.constant 0 : i32
        %dma_start3A_60 = tpu.memref_slice %arg12[%dma_start3A_58, %dma_start3A_59] : memref<48x128xf32, #tpu.memory_space<vmem>> -> memref<32x128xf32, #tpu.memory_space<vmem>>
        tpu.enqueue_dma source(%dma_start3A_60 : memref<32x128xf32, #tpu.memory_space<vmem>>) target(%dma_start3A_57 : memref<32x128xf32, #tpu.memory_space<vmem_shared>>) target_semaphore(%run_scoped3A : memref<!tpu.dma_semaphore, #tpu.memory_space<semaphore_mem>>)
        %dma_wait3A = arith.constant 0 : i32
        %dma_wait3A_61 = arith.constant 0 : i32
        %dma_wait3A_62 = tpu.memref_slice %arg12[%dma_wait3A, %dma_wait3A_61] : memref<48x128xf32, #tpu.memory_space<vmem>> -> memref<32x128xf32, #tpu.memory_space<vmem>>
        %dma_wait3A_63 = arith.constant 0 : i32
        %dma_wait3A_64 = tpu.memref_slice %arg16[%add3A_50, %dma_wait3A_63] : memref<10240x128xf32, #tpu.memory_space<vmem_shared>> -> memref<32x128xf32, #tpu.memory_space<vmem_shared>>
        %dma_wait3A_65 = arith.constant 0 : i32
        %dma_wait3A_66 = tpu.memref_slice %arg16[%add3A_50, %dma_wait3A_65] : memref<10240x128xf32, #tpu.memory_space<vmem_shared>> -> memref<32x128xf32, #tpu.memory_space<vmem_shared>>
        %dma_wait3A_67 = arith.constant 0 : i32
        %dma_wait3A_68 = arith.constant 0 : i32
        %dma_wait3A_69 = tpu.memref_slice %arg12[%dma_wait3A_67, %dma_wait3A_68] : memref<48x128xf32, #tpu.memory_space<vmem>> -> memref<32x128xf32, #tpu.memory_space<vmem>>
        tpu.wait_dma2 semaphore(%run_scoped3A : memref<!tpu.dma_semaphore, #tpu.memory_space<semaphore_mem>>) src(%dma_wait3A_69 : memref<32x128xf32, #tpu.memory_space<vmem>>) dst(%dma_wait3A_66 : memref<32x128xf32, #tpu.memory_space<vmem_shared>>)
        tpu.yield
      }) : () -> ()
      %scan3A_51 = arith.constant 0 : i32
      scf.yield %scan3A_51 : i32
    }
    %scan3A_14 = arith.constant 20 : i32
    %scan3A_15 = arith.constant 0 : i32
    %scan3A_16 = arith.constant 0 : i32
    %scan3A_17 = arith.constant 5 : i32
    %scan3A_18 = arith.addi %scan3A_16, %scan3A_17 : i32
    %scan3A_19 = arith.constant 1 : i32
    %scan3A_20 = scf.for %scan3A_44 = %scan3A_16 to %scan3A_18 step %scan3A_19 iter_args(%scan3A_45 = %scan3A_15) -> (i32)  : i32 {
      %mul3A_46 = arith.constant 80 : i32
      %mul3A_47 = arith.muli %arg1, %mul3A_46 : i32
      %mul3A_48 = arith.constant 16 : i32
      %mul3A_49 = arith.muli %scan3A_44, %mul3A_48 : i32
      %add3A_50 = arith.addi %mul3A_47, %mul3A_49 : i32
      "tpu.region"() ({
        %run_scoped3A = tpu.sem_alloc : memref<!tpu.dma_semaphore, #tpu.memory_space<semaphore_mem>>
        %dma_start3A = arith.constant 0 : i32
        %dma_start3A_52 = arith.constant 0 : i32
        %dma_start3A_53 = tpu.memref_slice %arg12[%dma_start3A, %dma_start3A_52] : memref<48x128xf32, #tpu.memory_space<vmem>> -> memref<16x128xf32, #tpu.memory_space<vmem>>
        %dma_start3A_54 = arith.constant 0 : i32
        %dma_start3A_55 = tpu.memref_slice %arg17[%add3A_50, %dma_start3A_54] : memref<1280x128xf32, #tpu.memory_space<vmem_shared>> -> memref<16x128xf32, #tpu.memory_space<vmem_shared>>
        %dma_start3A_56 = arith.constant 0 : i32
        %dma_start3A_57 = tpu.memref_slice %arg17[%add3A_50, %dma_start3A_56] : memref<1280x128xf32, #tpu.memory_space<vmem_shared>> -> memref<16x128xf32, #tpu.memory_space<vmem_shared>>
        %dma_start3A_58 = arith.constant 0 : i32
        %dma_start3A_59 = arith.constant 0 : i32
        %dma_start3A_60 = tpu.memref_slice %arg12[%dma_start3A_58, %dma_start3A_59] : memref<48x128xf32, #tpu.memory_space<vmem>> -> memref<16x128xf32, #tpu.memory_space<vmem>>
        tpu.enqueue_dma source(%dma_start3A_60 : memref<16x128xf32, #tpu.memory_space<vmem>>) target(%dma_start3A_57 : memref<16x128xf32, #tpu.memory_space<vmem_shared>>) target_semaphore(%run_scoped3A : memref<!tpu.dma_semaphore, #tpu.memory_space<semaphore_mem>>)
        %dma_wait3A = arith.constant 0 : i32
        %dma_wait3A_61 = arith.constant 0 : i32
        %dma_wait3A_62 = tpu.memref_slice %arg12[%dma_wait3A, %dma_wait3A_61] : memref<48x128xf32, #tpu.memory_space<vmem>> -> memref<16x128xf32, #tpu.memory_space<vmem>>
        %dma_wait3A_63 = arith.constant 0 : i32
        %dma_wait3A_64 = tpu.memref_slice %arg17[%add3A_50, %dma_wait3A_63] : memref<1280x128xf32, #tpu.memory_space<vmem_shared>> -> memref<16x128xf32, #tpu.memory_space<vmem_shared>>
        %dma_wait3A_65 = arith.constant 0 : i32
        %dma_wait3A_66 = tpu.memref_slice %arg17[%add3A_50, %dma_wait3A_65] : memref<1280x128xf32, #tpu.memory_space<vmem_shared>> -> memref<16x128xf32, #tpu.memory_space<vmem_shared>>
        %dma_wait3A_67 = arith.constant 0 : i32
        %dma_wait3A_68 = arith.constant 0 : i32
        %dma_wait3A_69 = tpu.memref_slice %arg12[%dma_wait3A_67, %dma_wait3A_68] : memref<48x128xf32, #tpu.memory_space<vmem>> -> memref<16x128xf32, #tpu.memory_space<vmem>>
        tpu.wait_dma2 semaphore(%run_scoped3A : memref<!tpu.dma_semaphore, #tpu.memory_space<semaphore_mem>>) src(%dma_wait3A_69 : memref<16x128xf32, #tpu.memory_space<vmem>>) dst(%dma_wait3A_66 : memref<16x128xf32, #tpu.memory_space<vmem_shared>>)
        tpu.yield
      }) : () -> ()
      %scan3A_51 = arith.constant 0 : i32
      scf.yield %scan3A_51 : i32
    }
    %scan3A_21 = arith.constant 5 : i32
    %barrier3A = arith.constant 0 : index
    tpu.barrier barrier_id(%barrier3A)
    %scan3A_22 = arith.constant 0 : i32
    %scan3A_23 = arith.constant 0 : i32
    %scan3A_24 = arith.constant 216 : i32
    %scan3A_25 = arith.addi %scan3A_23, %scan3A_24 : i32
    %scan3A_26 = arith.constant 1 : i32
    %scan3A_27 = scf.for %scan3A_44 = %scan3A_23 to %scan3A_25 step %scan3A_26 iter_args(%scan3A_45 = %scan3A_22) -> (i32)  : i32 {
      %mul3A_46 = arith.constant 10368 : i32
      %mul3A_47 = arith.muli %add3A, %mul3A_46 : i32
      %mul3A_48 = arith.constant 48 : i32
      %mul3A_49 = arith.muli %scan3A_44, %mul3A_48 : i32
      %add3A_50 = arith.addi %mul3A_47, %mul3A_49 : i32
      "tpu.region"() ({
        %run_scoped3A = tpu.sem_alloc : memref<!tpu.dma_semaphore, #tpu.memory_space<semaphore_mem>>
        %dma_start3A_102 = tpu.memref_slice %arg5[%add3A_50] : memref<331776xi32, #tpu.memory_space<hbm>> -> memref<48xi32, #tpu.memory_space<hbm>>
        %dma_start3A_103 = tpu.memref_slice %arg5[%add3A_50] : memref<331776xi32, #tpu.memory_space<hbm>> -> memref<48xi32, #tpu.memory_space<hbm>>
        tpu.enqueue_dma source(%dma_start3A_103 : memref<48xi32, #tpu.memory_space<hbm>>) target(%arg9 : memref<48xi32, #tpu.memory_space<vmem>>) target_semaphore(%run_scoped3A : memref<!tpu.dma_semaphore, #tpu.memory_space<semaphore_mem>>)
        %dma_wait3A_104 = tpu.memref_slice %arg5[%add3A_50] : memref<331776xi32, #tpu.memory_space<hbm>> -> memref<48xi32, #tpu.memory_space<hbm>>
        %dma_wait3A_105 = tpu.memref_slice %arg5[%add3A_50] : memref<331776xi32, #tpu.memory_space<hbm>> -> memref<48xi32, #tpu.memory_space<hbm>>
        tpu.wait_dma2 semaphore(%run_scoped3A : memref<!tpu.dma_semaphore, #tpu.memory_space<semaphore_mem>>) src(%dma_wait3A_105 : memref<48xi32, #tpu.memory_space<hbm>>) dst(%arg9 : memref<48xi32, #tpu.memory_space<vmem>>)
        tpu.yield
      }) : () -> ()
      "tpu.region"() ({
        %run_scoped3A = tpu.sem_alloc : memref<!tpu.dma_semaphore, #tpu.memory_space<semaphore_mem>>
        %dma_start3A_102 = tpu.memref_slice %arg6[%add3A_50] : memref<331776xi32, #tpu.memory_space<hbm>> -> memref<48xi32, #tpu.memory_space<hbm>>
        %dma_start3A_103 = tpu.memref_slice %arg6[%add3A_50] : memref<331776xi32, #tpu.memory_space<hbm>> -> memref<48xi32, #tpu.memory_space<hbm>>
        tpu.enqueue_dma source(%dma_start3A_103 : memref<48xi32, #tpu.memory_space<hbm>>) target(%arg10 : memref<48xi32, #tpu.memory_space<vmem>>) target_semaphore(%run_scoped3A : memref<!tpu.dma_semaphore, #tpu.memory_space<semaphore_mem>>)
        %dma_wait3A_104 = tpu.memref_slice %arg6[%add3A_50] : memref<331776xi32, #tpu.memory_space<hbm>> -> memref<48xi32, #tpu.memory_space<hbm>>
        %dma_wait3A_105 = tpu.memref_slice %arg6[%add3A_50] : memref<331776xi32, #tpu.memory_space<hbm>> -> memref<48xi32, #tpu.memory_space<hbm>>
        tpu.wait_dma2 semaphore(%run_scoped3A : memref<!tpu.dma_semaphore, #tpu.memory_space<semaphore_mem>>) src(%dma_wait3A_105 : memref<48xi32, #tpu.memory_space<hbm>>) dst(%arg10 : memref<48xi32, #tpu.memory_space<vmem>>)
        tpu.yield
      }) : () -> ()
      %get3A = arith.constant 0 : index
      %get3A_51 = tpu.vector_load %arg10[%get3A] {strides = array<i32>} : memref<48xi32, #tpu.memory_space<vmem>>, vector<16xi32>,
      %get3A_52 = vector.shape_cast %get3A_51 : vector<16xi32> to vector<16xi32>
      %shift_right_arithmetic3A = arith.constant 3 : i32
      %shift_right_arithmetic3A_53 = vector.broadcast %shift_right_arithmetic3A : i32 to vector<16xi32>
      %shift_right_arithmetic3A_54 = arith.shrsi %get3A_52, %shift_right_arithmetic3A_53 : vector<16xi32>
      %swap3A = arith.constant 0 : index
      %swap3A_55 = tpu.vector_load %arg11[%swap3A] {strides = array<i32>} : memref<48xi32, #tpu.memory_space<vmem>>, vector<16xi32>,
      %swap3A_56 = vector.shape_cast %swap3A_55 : vector<16xi32> to vector<16xi32>
      %swap3A_57 = vector.shape_cast %shift_right_arithmetic3A_54 : vector<16xi32> to vector<16xi32>
      tpu.vector_store %arg11[%swap3A], %swap3A_57 {strides = array<i32>} : memref<48xi32, #tpu.memory_space<vmem>>, vector<16xi32>,
      %get3A_58 = arith.constant 16 : index
      %get3A_59 = tpu.vector_load %arg10[%get3A_58] {strides = array<i32>} : memref<48xi32, #tpu.memory_space<vmem>>, vector<16xi32>,
      %get3A_60 = vector.shape_cast %get3A_59 : vector<16xi32> to vector<16xi32>
      %shift_right_arithmetic3A_61 = arith.constant 3 : i32
      %shift_right_arithmetic3A_62 = vector.broadcast %shift_right_arithmetic3A_61 : i32 to vector<16xi32>
      %shift_right_arithmetic3A_63 = arith.shrsi %get3A_60, %shift_right_arithmetic3A_62 : vector<16xi32>
      %swap3A_64 = arith.constant 16 : index
      %swap3A_65 = tpu.vector_load %arg11[%swap3A_64] {strides = array<i32>} : memref<48xi32, #tpu.memory_space<vmem>>, vector<16xi32>,
      %swap3A_66 = vector.shape_cast %swap3A_65 : vector<16xi32> to vector<16xi32>
      %swap3A_67 = vector.shape_cast %shift_right_arithmetic3A_63 : vector<16xi32> to vector<16xi32>
      tpu.vector_store %arg11[%swap3A_64], %swap3A_67 {strides = array<i32>} : memref<48xi32, #tpu.memory_space<vmem>>, vector<16xi32>,
      %get3A_68 = arith.constant 32 : index
      %get3A_69 = tpu.vector_load %arg10[%get3A_68] {strides = array<i32>} : memref<48xi32, #tpu.memory_space<vmem>>, vector<16xi32>,
      %get3A_70 = vector.shape_cast %get3A_69 : vector<16xi32> to vector<16xi32>
      %shift_right_arithmetic3A_71 = arith.constant 3 : i32
      %shift_right_arithmetic3A_72 = vector.broadcast %shift_right_arithmetic3A_71 : i32 to vector<16xi32>
      %shift_right_arithmetic3A_73 = arith.shrsi %get3A_70, %shift_right_arithmetic3A_72 : vector<16xi32>
      %swap3A_74 = arith.constant 32 : index
      %swap3A_75 = tpu.vector_load %arg11[%swap3A_74] {strides = array<i32>} : memref<48xi32, #tpu.memory_space<vmem>>, vector<16xi32>,
      %swap3A_76 = vector.shape_cast %swap3A_75 : vector<16xi32> to vector<16xi32>
      %swap3A_77 = vector.shape_cast %shift_right_arithmetic3A_73 : vector<16xi32> to vector<16xi32>
      tpu.vector_store %arg11[%swap3A_74], %swap3A_77 {strides = array<i32>} : memref<48xi32, #tpu.memory_space<vmem>>, vector<16xi32>,
      %dma_start3A = arith.constant 0 : i32
      %dma_start3A_78 = arith.constant 0 : i32
      %dma_start3A_79 = tpu.memref_slice %arg2[%dma_start3A, %dma_start3A_78] : memref<10240x128xf32, #tpu.memory_space<hbm>> -> memref<10240x128xf32, #tpu.memory_space<hbm>>
      tpu.enqueue_indirect_dma source(%dma_start3A_79 : memref<10240x128xf32, #tpu.memory_space<hbm>>) target(%arg12 : memref<48x128xf32, #tpu.memory_space<vmem>>) offsets(%arg9 : memref<48xi32, #tpu.memory_space<vmem>>) semaphore(%arg18 : memref<!tpu.dma_semaphore, #tpu.memory_space<semaphore_mem>>)
      %dma_start3A_80 = arith.constant 0 : i32
      %dma_start3A_81 = arith.constant 0 : i32
      %dma_start3A_82 = tpu.memref_slice %arg3[%dma_start3A_80, %dma_start3A_81] : memref<10240x128xf32, #tpu.memory_space<hbm>> -> memref<10240x128xf32, #tpu.memory_space<hbm>>
      tpu.enqueue_indirect_dma source(%dma_start3A_82 : memref<10240x128xf32, #tpu.memory_space<hbm>>) target(%arg13 : memref<48x128xf32, #tpu.memory_space<vmem>>) offsets(%arg9 : memref<48xi32, #tpu.memory_space<vmem>>) semaphore(%arg19 : memref<!tpu.dma_semaphore, #tpu.memory_space<semaphore_mem>>)
      %dma_start3A_83 = arith.constant 0 : i32
      %dma_start3A_84 = arith.constant 0 : i32
      %dma_start3A_85 = tpu.memref_slice %arg4[%dma_start3A_83, %dma_start3A_84] : memref<10240x128xf32, #tpu.memory_space<hbm>> -> memref<10240x128xf32, #tpu.memory_space<hbm>>
      tpu.enqueue_indirect_dma source(%dma_start3A_85 : memref<10240x128xf32, #tpu.memory_space<hbm>>) target(%arg14 : memref<48x128xf32, #tpu.memory_space<vmem>>) offsets(%arg10 : memref<48xi32, #tpu.memory_space<vmem>>) semaphore(%arg20 : memref<!tpu.dma_semaphore, #tpu.memory_space<semaphore_mem>>)
      %dma_wait3A = arith.constant 0 : i32
      %dma_wait3A_86 = arith.constant 0 : i32
      %dma_wait3A_87 = tpu.memref_slice %arg2[%dma_wait3A, %dma_wait3A_86] : memref<10240x128xf32, #tpu.memory_space<hbm>> -> memref<10240x128xf32, #tpu.memory_space<hbm>>
      tpu.wait_indirect_dma semaphore(%arg18 : memref<!tpu.dma_semaphore, #tpu.memory_space<semaphore_mem>>) src(%dma_wait3A_87 : memref<10240x128xf32, #tpu.memory_space<hbm>>) dst(%arg12 : memref<48x128xf32, #tpu.memory_space<vmem>>)
      %dma_wait3A_88 = arith.constant 0 : i32
      %dma_wait3A_89 = arith.constant 0 : i32
      %dma_wait3A_90 = tpu.memref_slice %arg3[%dma_wait3A_88, %dma_wait3A_89] : memref<10240x128xf32, #tpu.memory_space<hbm>> -> memref<10240x128xf32, #tpu.memory_space<hbm>>
      tpu.wait_indirect_dma semaphore(%arg19 : memref<!tpu.dma_semaphore, #tpu.memory_space<semaphore_mem>>) src(%dma_wait3A_90 : memref<10240x128xf32, #tpu.memory_space<hbm>>) dst(%arg13 : memref<48x128xf32, #tpu.memory_space<vmem>>)
      %dma_wait3A_91 = arith.constant 0 : i32
      %dma_wait3A_92 = arith.constant 0 : i32
      %dma_wait3A_93 = tpu.memref_slice %arg4[%dma_wait3A_91, %dma_wait3A_92] : memref<10240x128xf32, #tpu.memory_space<hbm>> -> memref<10240x128xf32, #tpu.memory_space<hbm>>
      tpu.wait_indirect_dma semaphore(%arg20 : memref<!tpu.dma_semaphore, #tpu.memory_space<semaphore_mem>>) src(%dma_wait3A_93 : memref<10240x128xf32, #tpu.memory_space<hbm>>) dst(%arg14 : memref<48x128xf32, #tpu.memory_space<vmem>>)
      %scan3A_94 = arith.constant 0 : i32
      %scan3A_95 = arith.constant 0 : i32
      %scan3A_96 = arith.constant 48 : i32
      %scan3A_97 = arith.addi %scan3A_95, %scan3A_96 : i32
      %scan3A_98 = arith.constant 1 : i32
      %scan3A_99 = scf.for %scan3A_102 = %scan3A_95 to %scan3A_97 step %scan3A_98 iter_args(%scan3A_103 = %scan3A_94) -> (i32)  : i32 {
        %get3A_104 = arith.index_cast %scan3A_102 : i32 to index
        %get3A_105 = arith.constant 0 : index
        %get3A_106 = tpu.vector_load %arg13[%get3A_104, %get3A_105] {strides = array<i32>} : memref<48x128xf32, #tpu.memory_space<vmem>>, vector<1x16xf32>,
        %get3A_107 = vector.shape_cast %get3A_106 : vector<1x16xf32> to vector<16xf32>
        %get3A_108 = arith.index_cast %scan3A_102 : i32 to index
        %get3A_109 = arith.constant 0 : index
        %get3A_110 = tpu.vector_load %arg14[%get3A_108, %get3A_109] {strides = array<i32>} : memref<48x128xf32, #tpu.memory_space<vmem>>, vector<1x16xf32>,
        %get3A_111 = vector.shape_cast %get3A_110 : vector<1x16xf32> to vector<16xf32>
        %add3A_112 = arith.addf %get3A_107, %get3A_111 : vector<16xf32>
        %ge3A = arith.constant 0.000000e+00 : f32
        %ge3A_113 = vector.broadcast %ge3A : f32 to vector<16xf32>
        %ge3A_114 = arith.cmpf oge, %add3A_112, %ge3A_113 : vector<16xf32>
        %mul3A_115 = arith.constant 2.000000e-01 : f32
        %mul3A_116 = vector.broadcast %mul3A_115 : f32 to vector<16xf32>
        %mul3A_117 = arith.mulf %mul3A_116, %add3A_112 : vector<16xf32>
        %select_n3A = arith.select %ge3A_114, %add3A_112, %mul3A_117 : vector<16xi1>, vector<16xf32>
        %exp3A = math.exp %select_n3A : vector<16xf32>
        %shift_right_arithmetic3A_118 = arith.constant 4 : i32
        %shift_right_arithmetic3A_119 = arith.shrsi %scan3A_102, %shift_right_arithmetic3A_118 : i32
        %mul3A_120 = arith.constant 16 : i32
        %mul3A_121 = arith.muli %mul3A_120, %shift_right_arithmetic3A_119 : i32
        %multiple_of3A = tpu.assume_multiple %mul3A_121, 16 : i32
        %get3A_122 = arith.index_cast %multiple_of3A : i32 to index
        %get3A_123 = tpu.vector_load %arg10[%get3A_122] {strides = array<i32>} : memref<48xi32, #tpu.memory_space<vmem>>, vector<16xi32>,
        %get3A_124 = vector.shape_cast %get3A_123 : vector<16xi32> to vector<16xi32>
        %and3A = arith.constant 15 : i32
        %and3A_125 = arith.andi %scan3A_102, %and3A : i32
        %broadcast_in_dim3A_126 = vector.broadcast %and3A_125 : i32 to vector<16x1xi32>
        %gather3A = vector.shape_cast %broadcast_in_dim3A_126 : vector<16x1xi32> to vector<16xi32>
        %gather3A_127 = tpu.dynamic_gather %get3A_124[%gather3A] in [0] : vector<16xi32>, vector<16xi32> -> vector<16xi32>
        %and3A_128 = arith.constant 7 : i32
        %and3A_129 = vector.broadcast %and3A_128 : i32 to vector<16xi32>
        %and3A_130 = arith.andi %gather3A_127, %and3A_129 : vector<16xi32>
        %sub3A = arith.constant 0 : i32
        %sub3A_131 = vector.broadcast %sub3A : i32 to vector<16xi32>
        %sub3A_132 = arith.subi %and3A_130, %sub3A_131 : vector<16xi32>
        %abs3A = math.absi %sub3A_132 : vector<16xi32>
        %min3A = arith.constant 1 : i32
        %min3A_133 = vector.broadcast %min3A : i32 to vector<16xi32>
        %min3A_134 = arith.minsi %abs3A, %min3A_133 : vector<16xi32>
        %sub3A_135 = arith.constant 1 : i32
        %sub3A_136 = vector.broadcast %sub3A_135 : i32 to vector<16xi32>
        %sub3A_137 = arith.subi %sub3A_136, %min3A_134 : vector<16xi32>
        %convert_element_type3A = arith.sitofp %sub3A_137 : vector<16xi32> to vector<16xf32>
        %mul3A_138 = arith.mulf %exp3A, %convert_element_type3A : vector<16xf32>
        %swap3A_139 = arith.index_cast %scan3A_102 : i32 to index
        %swap3A_140 = arith.constant 0 : index
        %swap3A_141 = tpu.vector_load %arg15[%swap3A_139, %swap3A_140] {strides = array<i32>} : memref<48x128xf32, #tpu.memory_space<vmem>>, vector<1x16xf32>,
        %swap3A_142 = vector.shape_cast %swap3A_141 : vector<1x16xf32> to vector<16xf32>
        %swap3A_143 = vector.shape_cast %mul3A_138 : vector<16xf32> to vector<1x16xf32>
        tpu.vector_store %arg15[%swap3A_139, %swap3A_140], %swap3A_143 {strides = array<i32>} : memref<48x128xf32, #tpu.memory_space<vmem>>, vector<1x16xf32>,
        %sub3A_144 = arith.constant 1 : i32
        %sub3A_145 = vector.broadcast %sub3A_144 : i32 to vector<16xi32>
        %sub3A_146 = arith.subi %and3A_130, %sub3A_145 : vector<16xi32>
        %abs3A_147 = math.absi %sub3A_146 : vector<16xi32>
        %min3A_148 = arith.constant 1 : i32
        %min3A_149 = vector.broadcast %min3A_148 : i32 to vector<16xi32>
        %min3A_150 = arith.minsi %abs3A_147, %min3A_149 : vector<16xi32>
        %sub3A_151 = arith.constant 1 : i32
        %sub3A_152 = vector.broadcast %sub3A_151 : i32 to vector<16xi32>
        %sub3A_153 = arith.subi %sub3A_152, %min3A_150 : vector<16xi32>
        %convert_element_type3A_154 = arith.sitofp %sub3A_153 : vector<16xi32> to vector<16xf32>
        %mul3A_155 = arith.mulf %exp3A, %convert_element_type3A_154 : vector<16xf32>
        %swap3A_156 = arith.index_cast %scan3A_102 : i32 to index
        %swap3A_157 = arith.constant 16 : index
        %swap3A_158 = tpu.vector_load %arg15[%swap3A_156, %swap3A_157] {strides = array<i32>} : memref<48x128xf32, #tpu.memory_space<vmem>>, vector<1x16xf32>,
        %swap3A_159 = vector.shape_cast %swap3A_158 : vector<1x16xf32> to vector<16xf32>
        %swap3A_160 = vector.shape_cast %mul3A_155 : vector<16xf32> to vector<1x16xf32>
        tpu.vector_store %arg15[%swap3A_156, %swap3A_157], %swap3A_160 {strides = array<i32>} : memref<48x128xf32, #tpu.memory_space<vmem>>, vector<1x16xf32>,
        %sub3A_161 = arith.constant 2 : i32
        %sub3A_162 = vector.broadcast %sub3A_161 : i32 to vector<16xi32>
        %sub3A_163 = arith.subi %and3A_130, %sub3A_162 : vector<16xi32>
        %abs3A_164 = math.absi %sub3A_163 : vector<16xi32>
        %min3A_165 = arith.constant 1 : i32
        %min3A_166 = vector.broadcast %min3A_165 : i32 to vector<16xi32>
        %min3A_167 = arith.minsi %abs3A_164, %min3A_166 : vector<16xi32>
        %sub3A_168 = arith.constant 1 : i32
        %sub3A_169 = vector.broadcast %sub3A_168 : i32 to vector<16xi32>
        %sub3A_170 = arith.subi %sub3A_169, %min3A_167 : vector<16xi32>
        %convert_element_type3A_171 = arith.sitofp %sub3A_170 : vector<16xi32> to vector<16xf32>
        %mul3A_172 = arith.mulf %exp3A, %convert_element_type3A_171 : vector<16xf32>
        %swap3A_173 = arith.index_cast %scan3A_102 : i32 to index
        %swap3A_174 = arith.constant 32 : index
        %swap3A_175 = tpu.vector_load %arg15[%swap3A_173, %swap3A_174] {strides = array<i32>} : memref<48x128xf32, #tpu.memory_space<vmem>>, vector<1x16xf32>,
        %swap3A_176 = vector.shape_cast %swap3A_175 : vector<1x16xf32> to vector<16xf32>
        %swap3A_177 = vector.shape_cast %mul3A_172 : vector<16xf32> to vector<1x16xf32>
        tpu.vector_store %arg15[%swap3A_173, %swap3A_174], %swap3A_177 {strides = array<i32>} : memref<48x128xf32, #tpu.memory_space<vmem>>, vector<1x16xf32>,
        %sub3A_178 = arith.constant 3 : i32
        %sub3A_179 = vector.broadcast %sub3A_178 : i32 to vector<16xi32>
        %sub3A_180 = arith.subi %and3A_130, %sub3A_179 : vector<16xi32>
        %abs3A_181 = math.absi %sub3A_180 : vector<16xi32>
        %min3A_182 = arith.constant 1 : i32
        %min3A_183 = vector.broadcast %min3A_182 : i32 to vector<16xi32>
        %min3A_184 = arith.minsi %abs3A_181, %min3A_183 : vector<16xi32>
        %sub3A_185 = arith.constant 1 : i32
        %sub3A_186 = vector.broadcast %sub3A_185 : i32 to vector<16xi32>
        %sub3A_187 = arith.subi %sub3A_186, %min3A_184 : vector<16xi32>
        %convert_element_type3A_188 = arith.sitofp %sub3A_187 : vector<16xi32> to vector<16xf32>
        %mul3A_189 = arith.mulf %exp3A, %convert_element_type3A_188 : vector<16xf32>
        %swap3A_190 = arith.index_cast %scan3A_102 : i32 to index
        %swap3A_191 = arith.constant 48 : index
        %swap3A_192 = tpu.vector_load %arg15[%swap3A_190, %swap3A_191] {strides = array<i32>} : memref<48x128xf32, #tpu.memory_space<vmem>>, vector<1x16xf32>,
        %swap3A_193 = vector.shape_cast %swap3A_192 : vector<1x16xf32> to vector<16xf32>
        %swap3A_194 = vector.shape_cast %mul3A_189 : vector<16xf32> to vector<1x16xf32>
        tpu.vector_store %arg15[%swap3A_190, %swap3A_191], %swap3A_194 {strides = array<i32>} : memref<48x128xf32, #tpu.memory_space<vmem>>, vector<1x16xf32>,
        %sub3A_195 = arith.constant 4 : i32
        %sub3A_196 = vector.broadcast %sub3A_195 : i32 to vector<16xi32>
        %sub3A_197 = arith.subi %and3A_130, %sub3A_196 : vector<16xi32>
        %abs3A_198 = math.absi %sub3A_197 : vector<16xi32>
        %min3A_199 = arith.constant 1 : i32
        %min3A_200 = vector.broadcast %min3A_199 : i32 to vector<16xi32>
        %min3A_201 = arith.minsi %abs3A_198, %min3A_200 : vector<16xi32>
        %sub3A_202 = arith.constant 1 : i32
        %sub3A_203 = vector.broadcast %sub3A_202 : i32 to vector<16xi32>
        %sub3A_204 = arith.subi %sub3A_203, %min3A_201 : vector<16xi32>
        %convert_element_type3A_205 = arith.sitofp %sub3A_204 : vector<16xi32> to vector<16xf32>
        %mul3A_206 = arith.mulf %exp3A, %convert_element_type3A_205 : vector<16xf32>
        %swap3A_207 = arith.index_cast %scan3A_102 : i32 to index
        %swap3A_208 = arith.constant 64 : index
        %swap3A_209 = tpu.vector_load %arg15[%swap3A_207, %swap3A_208] {strides = array<i32>} : memref<48x128xf32, #tpu.memory_space<vmem>>, vector<1x16xf32>,
        %swap3A_210 = vector.shape_cast %swap3A_209 : vector<1x16xf32> to vector<16xf32>
        %swap3A_211 = vector.shape_cast %mul3A_206 : vector<16xf32> to vector<1x16xf32>
        tpu.vector_store %arg15[%swap3A_207, %swap3A_208], %swap3A_211 {strides = array<i32>} : memref<48x128xf32, #tpu.memory_space<vmem>>, vector<1x16xf32>,
        %sub3A_212 = arith.constant 5 : i32
        %sub3A_213 = vector.broadcast %sub3A_212 : i32 to vector<16xi32>
        %sub3A_214 = arith.subi %and3A_130, %sub3A_213 : vector<16xi32>
        %abs3A_215 = math.absi %sub3A_214 : vector<16xi32>
        %min3A_216 = arith.constant 1 : i32
        %min3A_217 = vector.broadcast %min3A_216 : i32 to vector<16xi32>
        %min3A_218 = arith.minsi %abs3A_215, %min3A_217 : vector<16xi32>
        %sub3A_219 = arith.constant 1 : i32
        %sub3A_220 = vector.broadcast %sub3A_219 : i32 to vector<16xi32>
        %sub3A_221 = arith.subi %sub3A_220, %min3A_218 : vector<16xi32>
        %convert_element_type3A_222 = arith.sitofp %sub3A_221 : vector<16xi32> to vector<16xf32>
        %mul3A_223 = arith.mulf %exp3A, %convert_element_type3A_222 : vector<16xf32>
        %swap3A_224 = arith.index_cast %scan3A_102 : i32 to index
        %swap3A_225 = arith.constant 80 : index
        %swap3A_226 = tpu.vector_load %arg15[%swap3A_224, %swap3A_225] {strides = array<i32>} : memref<48x128xf32, #tpu.memory_space<vmem>>, vector<1x16xf32>,
        %swap3A_227 = vector.shape_cast %swap3A_226 : vector<1x16xf32> to vector<16xf32>
        %swap3A_228 = vector.shape_cast %mul3A_223 : vector<16xf32> to vector<1x16xf32>
        tpu.vector_store %arg15[%swap3A_224, %swap3A_225], %swap3A_228 {strides = array<i32>} : memref<48x128xf32, #tpu.memory_space<vmem>>, vector<1x16xf32>,
        %sub3A_229 = arith.constant 6 : i32
        %sub3A_230 = vector.broadcast %sub3A_229 : i32 to vector<16xi32>
        %sub3A_231 = arith.subi %and3A_130, %sub3A_230 : vector<16xi32>
        %abs3A_232 = math.absi %sub3A_231 : vector<16xi32>
        %min3A_233 = arith.constant 1 : i32
        %min3A_234 = vector.broadcast %min3A_233 : i32 to vector<16xi32>
        %min3A_235 = arith.minsi %abs3A_232, %min3A_234 : vector<16xi32>
        %sub3A_236 = arith.constant 1 : i32
        %sub3A_237 = vector.broadcast %sub3A_236 : i32 to vector<16xi32>
        %sub3A_238 = arith.subi %sub3A_237, %min3A_235 : vector<16xi32>
        %convert_element_type3A_239 = arith.sitofp %sub3A_238 : vector<16xi32> to vector<16xf32>
        %mul3A_240 = arith.mulf %exp3A, %convert_element_type3A_239 : vector<16xf32>
        %swap3A_241 = arith.index_cast %scan3A_102 : i32 to index
        %swap3A_242 = arith.constant 96 : index
        %swap3A_243 = tpu.vector_load %arg15[%swap3A_241, %swap3A_242] {strides = array<i32>} : memref<48x128xf32, #tpu.memory_space<vmem>>, vector<1x16xf32>,
        %swap3A_244 = vector.shape_cast %swap3A_243 : vector<1x16xf32> to vector<16xf32>
        %swap3A_245 = vector.shape_cast %mul3A_240 : vector<16xf32> to vector<1x16xf32>
        tpu.vector_store %arg15[%swap3A_241, %swap3A_242], %swap3A_245 {strides = array<i32>} : memref<48x128xf32, #tpu.memory_space<vmem>>, vector<1x16xf32>,
        %sub3A_246 = arith.constant 7 : i32
        %sub3A_247 = vector.broadcast %sub3A_246 : i32 to vector<16xi32>
        %sub3A_248 = arith.subi %and3A_130, %sub3A_247 : vector<16xi32>
        %abs3A_249 = math.absi %sub3A_248 : vector<16xi32>
        %min3A_250 = arith.constant 1 : i32
        %min3A_251 = vector.broadcast %min3A_250 : i32 to vector<16xi32>
        %min3A_252 = arith.minsi %abs3A_249, %min3A_251 : vector<16xi32>
        %sub3A_253 = arith.constant 1 : i32
        %sub3A_254 = vector.broadcast %sub3A_253 : i32 to vector<16xi32>
        %sub3A_255 = arith.subi %sub3A_254, %min3A_252 : vector<16xi32>
        %convert_element_type3A_256 = arith.sitofp %sub3A_255 : vector<16xi32> to vector<16xf32>
        %mul3A_257 = arith.mulf %exp3A, %convert_element_type3A_256 : vector<16xf32>
        %swap3A_258 = arith.index_cast %scan3A_102 : i32 to index
        %swap3A_259 = arith.constant 112 : index
        %swap3A_260 = tpu.vector_load %arg15[%swap3A_258, %swap3A_259] {strides = array<i32>} : memref<48x128xf32, #tpu.memory_space<vmem>>, vector<1x16xf32>,
        %swap3A_261 = vector.shape_cast %swap3A_260 : vector<1x16xf32> to vector<16xf32>
        %swap3A_262 = vector.shape_cast %mul3A_257 : vector<16xf32> to vector<1x16xf32>
        tpu.vector_store %arg15[%swap3A_258, %swap3A_259], %swap3A_262 {strides = array<i32>} : memref<48x128xf32, #tpu.memory_space<vmem>>, vector<1x16xf32>,
        %broadcast_in_dim3A_263 = arith.constant 0 : i32
        %broadcast_in_dim3A_264 = vector.broadcast %broadcast_in_dim3A_263 : i32 to vector<16x1xi32>
        %gather3A_265 = vector.shape_cast %broadcast_in_dim3A_264 : vector<16x1xi32> to vector<16xi32>
        %gather3A_266 = tpu.dynamic_gather %exp3A[%gather3A_265] in [0] : vector<16xf32>, vector<16xi32> -> vector<16xf32>
        %get3A_267 = arith.index_cast %scan3A_102 : i32 to index
        %get3A_268 = arith.constant 0 : index
        %get3A_269 = tpu.vector_load %arg12[%get3A_267, %get3A_268] {strides = array<i32>} : memref<48x128xf32, #tpu.memory_space<vmem>>, vector<1x16xf32>,
        %get3A_270 = vector.shape_cast %get3A_269 : vector<1x16xf32> to vector<16xf32>
        %mul3A_271 = arith.mulf %get3A_270, %gather3A_266 : vector<16xf32>
        %swap3A_272 = arith.index_cast %scan3A_102 : i32 to index
        %swap3A_273 = arith.constant 0 : index
        %swap3A_274 = tpu.vector_load %arg12[%swap3A_272, %swap3A_273] {strides = array<i32>} : memref<48x128xf32, #tpu.memory_space<vmem>>, vector<1x16xf32>,
        %swap3A_275 = vector.shape_cast %swap3A_274 : vector<1x16xf32> to vector<16xf32>
        %swap3A_276 = vector.shape_cast %mul3A_271 : vector<16xf32> to vector<1x16xf32>
        tpu.vector_store %arg12[%swap3A_272, %swap3A_273], %swap3A_276 {strides = array<i32>} : memref<48x128xf32, #tpu.memory_space<vmem>>, vector<1x16xf32>,
        %broadcast_in_dim3A_277 = arith.constant 1 : i32
        %broadcast_in_dim3A_278 = vector.broadcast %broadcast_in_dim3A_277 : i32 to vector<16x1xi32>
        %gather3A_279 = vector.shape_cast %broadcast_in_dim3A_278 : vector<16x1xi32> to vector<16xi32>
        %gather3A_280 = tpu.dynamic_gather %exp3A[%gather3A_279] in [0] : vector<16xf32>, vector<16xi32> -> vector<16xf32>
        %get3A_281 = arith.index_cast %scan3A_102 : i32 to index
        %get3A_282 = arith.constant 16 : index
        %get3A_283 = tpu.vector_load %arg12[%get3A_281, %get3A_282] {strides = array<i32>} : memref<48x128xf32, #tpu.memory_space<vmem>>, vector<1x16xf32>,
        %get3A_284 = vector.shape_cast %get3A_283 : vector<1x16xf32> to vector<16xf32>
        %mul3A_285 = arith.mulf %get3A_284, %gather3A_280 : vector<16xf32>
        %swap3A_286 = arith.index_cast %scan3A_102 : i32 to index
        %swap3A_287 = arith.constant 16 : index
        %swap3A_288 = tpu.vector_load %arg12[%swap3A_286, %swap3A_287] {strides = array<i32>} : memref<48x128xf32, #tpu.memory_space<vmem>>, vector<1x16xf32>,
        %swap3A_289 = vector.shape_cast %swap3A_288 : vector<1x16xf32> to vector<16xf32>
        %swap3A_290 = vector.shape_cast %mul3A_285 : vector<16xf32> to vector<1x16xf32>
        tpu.vector_store %arg12[%swap3A_286, %swap3A_287], %swap3A_290 {strides = array<i32>} : memref<48x128xf32, #tpu.memory_space<vmem>>, vector<1x16xf32>,
        %broadcast_in_dim3A_291 = arith.constant 2 : i32
        %broadcast_in_dim3A_292 = vector.broadcast %broadcast_in_dim3A_291 : i32 to vector<16x1xi32>
        %gather3A_293 = vector.shape_cast %broadcast_in_dim3A_292 : vector<16x1xi32> to vector<16xi32>
        %gather3A_294 = tpu.dynamic_gather %exp3A[%gather3A_293] in [0] : vector<16xf32>, vector<16xi32> -> vector<16xf32>
        %get3A_295 = arith.index_cast %scan3A_102 : i32 to index
        %get3A_296 = arith.constant 32 : index
        %get3A_297 = tpu.vector_load %arg12[%get3A_295, %get3A_296] {strides = array<i32>} : memref<48x128xf32, #tpu.memory_space<vmem>>, vector<1x16xf32>,
        %get3A_298 = vector.shape_cast %get3A_297 : vector<1x16xf32> to vector<16xf32>
        %mul3A_299 = arith.mulf %get3A_298, %gather3A_294 : vector<16xf32>
        %swap3A_300 = arith.index_cast %scan3A_102 : i32 to index
        %swap3A_301 = arith.constant 32 : index
        %swap3A_302 = tpu.vector_load %arg12[%swap3A_300, %swap3A_301] {strides = array<i32>} : memref<48x128xf32, #tpu.memory_space<vmem>>, vector<1x16xf32>,
        %swap3A_303 = vector.shape_cast %swap3A_302 : vector<1x16xf32> to vector<16xf32>
        %swap3A_304 = vector.shape_cast %mul3A_299 : vector<16xf32> to vector<1x16xf32>
        tpu.vector_store %arg12[%swap3A_300, %swap3A_301], %swap3A_304 {strides = array<i32>} : memref<48x128xf32, #tpu.memory_space<vmem>>, vector<1x16xf32>,
        %broadcast_in_dim3A_305 = arith.constant 3 : i32
        %broadcast_in_dim3A_306 = vector.broadcast %broadcast_in_dim3A_305 : i32 to vector<16x1xi32>
        %gather3A_307 = vector.shape_cast %broadcast_in_dim3A_306 : vector<16x1xi32> to vector<16xi32>
        %gather3A_308 = tpu.dynamic_gather %exp3A[%gather3A_307] in [0] : vector<16xf32>, vector<16xi32> -> vector<16xf32>
        %get3A_309 = arith.index_cast %scan3A_102 : i32 to index
        %get3A_310 = arith.constant 48 : index
        %get3A_311 = tpu.vector_load %arg12[%get3A_309, %get3A_310] {strides = array<i32>} : memref<48x128xf32, #tpu.memory_space<vmem>>, vector<1x16xf32>,
        %get3A_312 = vector.shape_cast %get3A_311 : vector<1x16xf32> to vector<16xf32>
        %mul3A_313 = arith.mulf %get3A_312, %gather3A_308 : vector<16xf32>
        %swap3A_314 = arith.index_cast %scan3A_102 : i32 to index
        %swap3A_315 = arith.constant 48 : index
        %swap3A_316 = tpu.vector_load %arg12[%swap3A_314, %swap3A_315] {strides = array<i32>} : memref<48x128xf32, #tpu.memory_space<vmem>>, vector<1x16xf32>,
        %swap3A_317 = vector.shape_cast %swap3A_316 : vector<1x16xf32> to vector<16xf32>
        %swap3A_318 = vector.shape_cast %mul3A_313 : vector<16xf32> to vector<1x16xf32>
        tpu.vector_store %arg12[%swap3A_314, %swap3A_315], %swap3A_318 {strides = array<i32>} : memref<48x128xf32, #tpu.memory_space<vmem>>, vector<1x16xf32>,
        %broadcast_in_dim3A_319 = arith.constant 4 : i32
        %broadcast_in_dim3A_320 = vector.broadcast %broadcast_in_dim3A_319 : i32 to vector<16x1xi32>
        %gather3A_321 = vector.shape_cast %broadcast_in_dim3A_320 : vector<16x1xi32> to vector<16xi32>
        %gather3A_322 = tpu.dynamic_gather %exp3A[%gather3A_321] in [0] : vector<16xf32>, vector<16xi32> -> vector<16xf32>
        %get3A_323 = arith.index_cast %scan3A_102 : i32 to index
        %get3A_324 = arith.constant 64 : index
        %get3A_325 = tpu.vector_load %arg12[%get3A_323, %get3A_324] {strides = array<i32>} : memref<48x128xf32, #tpu.memory_space<vmem>>, vector<1x16xf32>,
        %get3A_326 = vector.shape_cast %get3A_325 : vector<1x16xf32> to vector<16xf32>
        %mul3A_327 = arith.mulf %get3A_326, %gather3A_322 : vector<16xf32>
        %swap3A_328 = arith.index_cast %scan3A_102 : i32 to index
        %swap3A_329 = arith.constant 64 : index
        %swap3A_330 = tpu.vector_load %arg12[%swap3A_328, %swap3A_329] {strides = array<i32>} : memref<48x128xf32, #tpu.memory_space<vmem>>, vector<1x16xf32>,
        %swap3A_331 = vector.shape_cast %swap3A_330 : vector<1x16xf32> to vector<16xf32>
        %swap3A_332 = vector.shape_cast %mul3A_327 : vector<16xf32> to vector<1x16xf32>
        tpu.vector_store %arg12[%swap3A_328, %swap3A_329], %swap3A_332 {strides = array<i32>} : memref<48x128xf32, #tpu.memory_space<vmem>>, vector<1x16xf32>,
        %broadcast_in_dim3A_333 = arith.constant 5 : i32
        %broadcast_in_dim3A_334 = vector.broadcast %broadcast_in_dim3A_333 : i32 to vector<16x1xi32>
        %gather3A_335 = vector.shape_cast %broadcast_in_dim3A_334 : vector<16x1xi32> to vector<16xi32>
        %gather3A_336 = tpu.dynamic_gather %exp3A[%gather3A_335] in [0] : vector<16xf32>, vector<16xi32> -> vector<16xf32>
        %get3A_337 = arith.index_cast %scan3A_102 : i32 to index
        %get3A_338 = arith.constant 80 : index
        %get3A_339 = tpu.vector_load %arg12[%get3A_337, %get3A_338] {strides = array<i32>} : memref<48x128xf32, #tpu.memory_space<vmem>>, vector<1x16xf32>,
        %get3A_340 = vector.shape_cast %get3A_339 : vector<1x16xf32> to vector<16xf32>
        %mul3A_341 = arith.mulf %get3A_340, %gather3A_336 : vector<16xf32>
        %swap3A_342 = arith.index_cast %scan3A_102 : i32 to index
        %swap3A_343 = arith.constant 80 : index
        %swap3A_344 = tpu.vector_load %arg12[%swap3A_342, %swap3A_343] {strides = array<i32>} : memref<48x128xf32, #tpu.memory_space<vmem>>, vector<1x16xf32>,
        %swap3A_345 = vector.shape_cast %swap3A_344 : vector<1x16xf32> to vector<16xf32>
        %swap3A_346 = vector.shape_cast %mul3A_341 : vector<16xf32> to vector<1x16xf32>
        tpu.vector_store %arg12[%swap3A_342, %swap3A_343], %swap3A_346 {strides = array<i32>} : memref<48x128xf32, #tpu.memory_space<vmem>>, vector<1x16xf32>,
        %broadcast_in_dim3A_347 = arith.constant 6 : i32
        %broadcast_in_dim3A_348 = vector.broadcast %broadcast_in_dim3A_347 : i32 to vector<16x1xi32>
        %gather3A_349 = vector.shape_cast %broadcast_in_dim3A_348 : vector<16x1xi32> to vector<16xi32>
        %gather3A_350 = tpu.dynamic_gather %exp3A[%gather3A_349] in [0] : vector<16xf32>, vector<16xi32> -> vector<16xf32>
        %get3A_351 = arith.index_cast %scan3A_102 : i32 to index
        %get3A_352 = arith.constant 96 : index
        %get3A_353 = tpu.vector_load %arg12[%get3A_351, %get3A_352] {strides = array<i32>} : memref<48x128xf32, #tpu.memory_space<vmem>>, vector<1x16xf32>,
        %get3A_354 = vector.shape_cast %get3A_353 : vector<1x16xf32> to vector<16xf32>
        %mul3A_355 = arith.mulf %get3A_354, %gather3A_350 : vector<16xf32>
        %swap3A_356 = arith.index_cast %scan3A_102 : i32 to index
        %swap3A_357 = arith.constant 96 : index
        %swap3A_358 = tpu.vector_load %arg12[%swap3A_356, %swap3A_357] {strides = array<i32>} : memref<48x128xf32, #tpu.memory_space<vmem>>, vector<1x16xf32>,
        %swap3A_359 = vector.shape_cast %swap3A_358 : vector<1x16xf32> to vector<16xf32>
        %swap3A_360 = vector.shape_cast %mul3A_355 : vector<16xf32> to vector<1x16xf32>
        tpu.vector_store %arg12[%swap3A_356, %swap3A_357], %swap3A_360 {strides = array<i32>} : memref<48x128xf32, #tpu.memory_space<vmem>>, vector<1x16xf32>,
        %broadcast_in_dim3A_361 = arith.constant 7 : i32
        %broadcast_in_dim3A_362 = vector.broadcast %broadcast_in_dim3A_361 : i32 to vector<16x1xi32>
        %gather3A_363 = vector.shape_cast %broadcast_in_dim3A_362 : vector<16x1xi32> to vector<16xi32>
        %gather3A_364 = tpu.dynamic_gather %exp3A[%gather3A_363] in [0] : vector<16xf32>, vector<16xi32> -> vector<16xf32>
        %get3A_365 = arith.index_cast %scan3A_102 : i32 to index
        %get3A_366 = arith.constant 112 : index
        %get3A_367 = tpu.vector_load %arg12[%get3A_365, %get3A_366] {strides = array<i32>} : memref<48x128xf32, #tpu.memory_space<vmem>>, vector<1x16xf32>,
        %get3A_368 = vector.shape_cast %get3A_367 : vector<1x16xf32> to vector<16xf32>
        %mul3A_369 = arith.mulf %get3A_368, %gather3A_364 : vector<16xf32>
        %swap3A_370 = arith.index_cast %scan3A_102 : i32 to index
        %swap3A_371 = arith.constant 112 : index
        %swap3A_372 = tpu.vector_load %arg12[%swap3A_370, %swap3A_371] {strides = array<i32>} : memref<48x128xf32, #tpu.memory_space<vmem>>, vector<1x16xf32>,
        %swap3A_373 = vector.shape_cast %swap3A_372 : vector<1x16xf32> to vector<16xf32>
        %swap3A_374 = vector.shape_cast %mul3A_369 : vector<16xf32> to vector<1x16xf32>
        tpu.vector_store %arg12[%swap3A_370, %swap3A_371], %swap3A_374 {strides = array<i32>} : memref<48x128xf32, #tpu.memory_space<vmem>>, vector<1x16xf32>,
        %scan3A_375 = arith.constant 0 : i32
        scf.yield %scan3A_375 : i32
      }
      %scan3A_100 = arith.constant 48 : i32
      "tpu.region"() ({
        %run_scoped3A = tpu.sem_alloc : memref<!tpu.dma_semaphore, #tpu.memory_space<semaphore_mem>>
        %dma_start3A_102 = arith.constant 0 : i32
        %dma_start3A_103 = arith.constant 0 : i32
        %dma_start3A_104 = tpu.memref_slice %arg16[%dma_start3A_102, %dma_start3A_103] : memref<10240x128xf32, #tpu.memory_space<vmem_shared>> -> memref<10240x128xf32, #tpu.memory_space<vmem_shared>>
        tpu.enqueue_indirect_dma source(%arg12 : memref<48x128xf32, #tpu.memory_space<vmem>>) target(%dma_start3A_104 : memref<10240x128xf32, #tpu.memory_space<vmem_shared>>) offsets(%arg10 : memref<48xi32, #tpu.memory_space<vmem>>) semaphore(%run_scoped3A : memref<!tpu.dma_semaphore, #tpu.memory_space<semaphore_mem>>) {add = true}
        %dma_wait3A_105 = arith.constant 0 : i32
        %dma_wait3A_106 = arith.constant 0 : i32
        %dma_wait3A_107 = tpu.memref_slice %arg16[%dma_wait3A_105, %dma_wait3A_106] : memref<10240x128xf32, #tpu.memory_space<vmem_shared>> -> memref<10240x128xf32, #tpu.memory_space<vmem_shared>>
        tpu.wait_indirect_dma semaphore(%run_scoped3A : memref<!tpu.dma_semaphore, #tpu.memory_space<semaphore_mem>>) src(%arg12 : memref<48x128xf32, #tpu.memory_space<vmem>>) dst(%dma_wait3A_107 : memref<10240x128xf32, #tpu.memory_space<vmem_shared>>)
        tpu.yield
      }) : () -> ()
      "tpu.region"() ({
        %run_scoped3A = tpu.sem_alloc : memref<!tpu.dma_semaphore, #tpu.memory_space<semaphore_mem>>
        %dma_start3A_102 = arith.constant 0 : i32
        %dma_start3A_103 = arith.constant 0 : i32
        %dma_start3A_104 = tpu.memref_slice %arg17[%dma_start3A_102, %dma_start3A_103] : memref<1280x128xf32, #tpu.memory_space<vmem_shared>> -> memref<1280x128xf32, #tpu.memory_space<vmem_shared>>
        tpu.enqueue_indirect_dma source(%arg15 : memref<48x128xf32, #tpu.memory_space<vmem>>) target(%dma_start3A_104 : memref<1280x128xf32, #tpu.memory_space<vmem_shared>>) offsets(%arg11 : memref<48xi32, #tpu.memory_space<vmem>>) semaphore(%run_scoped3A : memref<!tpu.dma_semaphore, #tpu.memory_space<semaphore_mem>>) {add = true}
        %dma_wait3A_105 = arith.constant 0 : i32
        %dma_wait3A_106 = arith.constant 0 : i32
        %dma_wait3A_107 = tpu.memref_slice %arg17[%dma_wait3A_105, %dma_wait3A_106] : memref<1280x128xf32, #tpu.memory_space<vmem_shared>> -> memref<1280x128xf32, #tpu.memory_space<vmem_shared>>
        tpu.wait_indirect_dma semaphore(%run_scoped3A : memref<!tpu.dma_semaphore, #tpu.memory_space<semaphore_mem>>) src(%arg15 : memref<48x128xf32, #tpu.memory_space<vmem>>) dst(%dma_wait3A_107 : memref<1280x128xf32, #tpu.memory_space<vmem_shared>>)
        tpu.yield
      }) : () -> ()
      %scan3A_101 = arith.constant 0 : i32
      scf.yield %scan3A_101 : i32
    }
    %scan3A_28 = arith.constant 216 : i32
    %barrier3A_29 = arith.constant 0 : index
    tpu.barrier barrier_id(%barrier3A_29)
    %scan3A_30 = arith.constant 0 : i32
    %scan3A_31 = arith.constant 0 : i32
    %scan3A_32 = arith.constant 20 : i32
    %scan3A_33 = arith.addi %scan3A_31, %scan3A_32 : i32
    %scan3A_34 = arith.constant 1 : i32
    %scan3A_35 = scf.for %scan3A_44 = %scan3A_31 to %scan3A_33 step %scan3A_34 iter_args(%scan3A_45 = %scan3A_30) -> (i32)  : i32 {
      %mul3A_46 = arith.constant 640 : i32
      %mul3A_47 = arith.muli %arg1, %mul3A_46 : i32
      %mul3A_48 = arith.constant 32 : i32
      %mul3A_49 = arith.muli %scan3A_44, %mul3A_48 : i32
      %add3A_50 = arith.addi %mul3A_47, %mul3A_49 : i32
      "tpu.region"() ({
        %run_scoped3A = tpu.sem_alloc : memref<!tpu.dma_semaphore, #tpu.memory_space<semaphore_mem>>
        %dma_start3A = arith.constant 0 : i32
        %dma_start3A_52 = arith.constant 0 : i32
        %dma_start3A_53 = tpu.memref_slice %arg12[%dma_start3A, %dma_start3A_52] : memref<48x128xf32, #tpu.memory_space<vmem>> -> memref<32x128xf32, #tpu.memory_space<vmem>>
        %dma_start3A_54 = arith.constant 0 : i32
        %dma_start3A_55 = tpu.memref_slice %arg16[%add3A_50, %dma_start3A_54] : memref<10240x128xf32, #tpu.memory_space<vmem_shared>> -> memref<32x128xf32, #tpu.memory_space<vmem_shared>>
        %dma_start3A_56 = arith.constant 0 : i32
        %dma_start3A_57 = arith.constant 0 : i32
        %dma_start3A_58 = tpu.memref_slice %arg12[%dma_start3A_56, %dma_start3A_57] : memref<48x128xf32, #tpu.memory_space<vmem>> -> memref<32x128xf32, #tpu.memory_space<vmem>>
        %dma_start3A_59 = arith.constant 0 : i32
        %dma_start3A_60 = tpu.memref_slice %arg16[%add3A_50, %dma_start3A_59] : memref<10240x128xf32, #tpu.memory_space<vmem_shared>> -> memref<32x128xf32, #tpu.memory_space<vmem_shared>>
        tpu.enqueue_dma source(%dma_start3A_60 : memref<32x128xf32, #tpu.memory_space<vmem_shared>>) target(%dma_start3A_58 : memref<32x128xf32, #tpu.memory_space<vmem>>) target_semaphore(%run_scoped3A : memref<!tpu.dma_semaphore, #tpu.memory_space<semaphore_mem>>)
        %dma_wait3A = arith.constant 0 : i32
        %dma_wait3A_61 = arith.constant 0 : i32
        %dma_wait3A_62 = tpu.memref_slice %arg12[%dma_wait3A, %dma_wait3A_61] : memref<48x128xf32, #tpu.memory_space<vmem>> -> memref<32x128xf32, #tpu.memory_space<vmem>>
        %dma_wait3A_63 = arith.constant 0 : i32
        %dma_wait3A_64 = tpu.memref_slice %arg16[%add3A_50, %dma_wait3A_63] : memref<10240x128xf32, #tpu.memory_space<vmem_shared>> -> memref<32x128xf32, #tpu.memory_space<vmem_shared>>
        %dma_wait3A_65 = arith.constant 0 : i32
        %dma_wait3A_66 = arith.constant 0 : i32
        %dma_wait3A_67 = tpu.memref_slice %arg12[%dma_wait3A_65, %dma_wait3A_66] : memref<48x128xf32, #tpu.memory_space<vmem>> -> memref<32x128xf32, #tpu.memory_space<vmem>>
        %dma_wait3A_68 = arith.constant 0 : i32
        %dma_wait3A_69 = tpu.memref_slice %arg16[%add3A_50, %dma_wait3A_68] : memref<10240x128xf32, #tpu.memory_space<vmem_shared>> -> memref<32x128xf32, #tpu.memory_space<vmem_shared>>
        tpu.wait_dma2 semaphore(%run_scoped3A : memref<!tpu.dma_semaphore, #tpu.memory_space<semaphore_mem>>) src(%dma_wait3A_69 : memref<32x128xf32, #tpu.memory_space<vmem_shared>>) dst(%dma_wait3A_67 : memref<32x128xf32, #tpu.memory_space<vmem>>)
        tpu.yield
      }) : () -> ()
      "tpu.region"() ({
        %run_scoped3A = tpu.sem_alloc : memref<!tpu.dma_semaphore, #tpu.memory_space<semaphore_mem>>
        %dma_start3A = arith.constant 0 : i32
        %dma_start3A_52 = arith.constant 0 : i32
        %dma_start3A_53 = tpu.memref_slice %arg12[%dma_start3A, %dma_start3A_52] : memref<48x128xf32, #tpu.memory_space<vmem>> -> memref<32x128xf32, #tpu.memory_space<vmem>>
        %dma_start3A_54 = arith.constant 0 : i32
        %dma_start3A_55 = tpu.memref_slice %arg7[%arg0, %add3A_50, %dma_start3A_54] : memref<2x10240x128xf32, #tpu.memory_space<hbm>> -> memref<1x32x128xf32, #tpu.memory_space<hbm>>
        %dma_start3A_56 = tpu.memref_squeeze %dma_start3A_55 : memref<1x32x128xf32, #tpu.memory_space<hbm>> -> memref<32x128xf32, #tpu.memory_space<hbm>>
        %dma_start3A_57 = arith.constant 0 : i32
        %dma_start3A_58 = tpu.memref_slice %arg7[%arg0, %add3A_50, %dma_start3A_57] : memref<2x10240x128xf32, #tpu.memory_space<hbm>> -> memref<1x32x128xf32, #tpu.memory_space<hbm>>
        %dma_start3A_59 = tpu.memref_squeeze %dma_start3A_58 : memref<1x32x128xf32, #tpu.memory_space<hbm>> -> memref<32x128xf32, #tpu.memory_space<hbm>>
        %dma_start3A_60 = arith.constant 0 : i32
        %dma_start3A_61 = arith.constant 0 : i32
        %dma_start3A_62 = tpu.memref_slice %arg12[%dma_start3A_60, %dma_start3A_61] : memref<48x128xf32, #tpu.memory_space<vmem>> -> memref<32x128xf32, #tpu.memory_space<vmem>>
        tpu.enqueue_dma source(%dma_start3A_62 : memref<32x128xf32, #tpu.memory_space<vmem>>) target(%dma_start3A_59 : memref<32x128xf32, #tpu.memory_space<hbm>>) target_semaphore(%run_scoped3A : memref<!tpu.dma_semaphore, #tpu.memory_space<semaphore_mem>>)
        %dma_wait3A = arith.constant 0 : i32
        %dma_wait3A_63 = arith.constant 0 : i32
        %dma_wait3A_64 = tpu.memref_slice %arg12[%dma_wait3A, %dma_wait3A_63] : memref<48x128xf32, #tpu.memory_space<vmem>> -> memref<32x128xf32, #tpu.memory_space<vmem>>
        %dma_wait3A_65 = arith.constant 0 : i32
        %dma_wait3A_66 = tpu.memref_slice %arg7[%arg0, %add3A_50, %dma_wait3A_65] : memref<2x10240x128xf32, #tpu.memory_space<hbm>> -> memref<1x32x128xf32, #tpu.memory_space<hbm>>
        %dma_wait3A_67 = tpu.memref_squeeze %dma_wait3A_66 : memref<1x32x128xf32, #tpu.memory_space<hbm>> -> memref<32x128xf32, #tpu.memory_space<hbm>>
        %dma_wait3A_68 = arith.constant 0 : i32
        %dma_wait3A_69 = tpu.memref_slice %arg7[%arg0, %add3A_50, %dma_wait3A_68] : memref<2x10240x128xf32, #tpu.memory_space<hbm>> -> memref<1x32x128xf32, #tpu.memory_space<hbm>>
        %dma_wait3A_70 = tpu.memref_squeeze %dma_wait3A_69 : memref<1x32x128xf32, #tpu.memory_space<hbm>> -> memref<32x128xf32, #tpu.memory_space<hbm>>
        %dma_wait3A_71 = arith.constant 0 : i32
        %dma_wait3A_72 = arith.constant 0 : i32
        %dma_wait3A_73 = tpu.memref_slice %arg12[%dma_wait3A_71, %dma_wait3A_72] : memref<48x128xf32, #tpu.memory_space<vmem>> -> memref<32x128xf32, #tpu.memory_space<vmem>>
        tpu.wait_dma2 semaphore(%run_scoped3A : memref<!tpu.dma_semaphore, #tpu.memory_space<semaphore_mem>>) src(%dma_wait3A_73 : memref<32x128xf32, #tpu.memory_space<vmem>>) dst(%dma_wait3A_70 : memref<32x128xf32, #tpu.memory_space<hbm>>)
        tpu.yield
      }) : () -> ()
      %scan3A_51 = arith.constant 0 : i32
      scf.yield %scan3A_51 : i32
    }
    %scan3A_36 = arith.constant 20 : i32
    %scan3A_37 = arith.constant 0 : i32
    %scan3A_38 = arith.constant 0 : i32
    %scan3A_39 = arith.constant 5 : i32
    %scan3A_40 = arith.addi %scan3A_38, %scan3A_39 : i32
    %scan3A_41 = arith.constant 1 : i32
    %scan3A_42 = scf.for %scan3A_44 = %scan3A_38 to %scan3A_40 step %scan3A_41 iter_args(%scan3A_45 = %scan3A_37) -> (i32)  : i32 {
      %mul3A_46 = arith.constant 80 : i32
      %mul3A_47 = arith.muli %arg1, %mul3A_46 : i32
      %mul3A_48 = arith.constant 16 : i32
      %mul3A_49 = arith.muli %scan3A_44, %mul3A_48 : i32
      %add3A_50 = arith.addi %mul3A_47, %mul3A_49 : i32
      "tpu.region"() ({
        %run_scoped3A = tpu.sem_alloc : memref<!tpu.dma_semaphore, #tpu.memory_space<semaphore_mem>>
        %dma_start3A = arith.constant 0 : i32
        %dma_start3A_52 = arith.constant 0 : i32
        %dma_start3A_53 = tpu.memref_slice %arg12[%dma_start3A, %dma_start3A_52] : memref<48x128xf32, #tpu.memory_space<vmem>> -> memref<16x128xf32, #tpu.memory_space<vmem>>
        %dma_start3A_54 = arith.constant 0 : i32
        %dma_start3A_55 = tpu.memref_slice %arg17[%add3A_50, %dma_start3A_54] : memref<1280x128xf32, #tpu.memory_space<vmem_shared>> -> memref<16x128xf32, #tpu.memory_space<vmem_shared>>
        %dma_start3A_56 = arith.constant 0 : i32
        %dma_start3A_57 = arith.constant 0 : i32
        %dma_start3A_58 = tpu.memref_slice %arg12[%dma_start3A_56, %dma_start3A_57] : memref<48x128xf32, #tpu.memory_space<vmem>> -> memref<16x128xf32, #tpu.memory_space<vmem>>
        %dma_start3A_59 = arith.constant 0 : i32
        %dma_start3A_60 = tpu.memref_slice %arg17[%add3A_50, %dma_start3A_59] : memref<1280x128xf32, #tpu.memory_space<vmem_shared>> -> memref<16x128xf32, #tpu.memory_space<vmem_shared>>
        tpu.enqueue_dma source(%dma_start3A_60 : memref<16x128xf32, #tpu.memory_space<vmem_shared>>) target(%dma_start3A_58 : memref<16x128xf32, #tpu.memory_space<vmem>>) target_semaphore(%run_scoped3A : memref<!tpu.dma_semaphore, #tpu.memory_space<semaphore_mem>>)
        %dma_wait3A = arith.constant 0 : i32
        %dma_wait3A_61 = arith.constant 0 : i32
        %dma_wait3A_62 = tpu.memref_slice %arg12[%dma_wait3A, %dma_wait3A_61] : memref<48x128xf32, #tpu.memory_space<vmem>> -> memref<16x128xf32, #tpu.memory_space<vmem>>
        %dma_wait3A_63 = arith.constant 0 : i32
        %dma_wait3A_64 = tpu.memref_slice %arg17[%add3A_50, %dma_wait3A_63] : memref<1280x128xf32, #tpu.memory_space<vmem_shared>> -> memref<16x128xf32, #tpu.memory_space<vmem_shared>>
        %dma_wait3A_65 = arith.constant 0 : i32
        %dma_wait3A_66 = arith.constant 0 : i32
        %dma_wait3A_67 = tpu.memref_slice %arg12[%dma_wait3A_65, %dma_wait3A_66] : memref<48x128xf32, #tpu.memory_space<vmem>> -> memref<16x128xf32, #tpu.memory_space<vmem>>
        %dma_wait3A_68 = arith.constant 0 : i32
        %dma_wait3A_69 = tpu.memref_slice %arg17[%add3A_50, %dma_wait3A_68] : memref<1280x128xf32, #tpu.memory_space<vmem_shared>> -> memref<16x128xf32, #tpu.memory_space<vmem_shared>>
        tpu.wait_dma2 semaphore(%run_scoped3A : memref<!tpu.dma_semaphore, #tpu.memory_space<semaphore_mem>>) src(%dma_wait3A_69 : memref<16x128xf32, #tpu.memory_space<vmem_shared>>) dst(%dma_wait3A_67 : memref<16x128xf32, #tpu.memory_space<vmem>>)
        tpu.yield
      }) : () -> ()
      "tpu.region"() ({
        %run_scoped3A = tpu.sem_alloc : memref<!tpu.dma_semaphore, #tpu.memory_space<semaphore_mem>>
        %dma_start3A = arith.constant 0 : i32
        %dma_start3A_52 = arith.constant 0 : i32
        %dma_start3A_53 = tpu.memref_slice %arg12[%dma_start3A, %dma_start3A_52] : memref<48x128xf32, #tpu.memory_space<vmem>> -> memref<16x128xf32, #tpu.memory_space<vmem>>
        %dma_start3A_54 = arith.constant 0 : i32
        %dma_start3A_55 = tpu.memref_slice %arg8[%arg0, %add3A_50, %dma_start3A_54] : memref<2x1280x128xf32, #tpu.memory_space<hbm>> -> memref<1x16x128xf32, #tpu.memory_space<hbm>>
        %dma_start3A_56 = tpu.memref_squeeze %dma_start3A_55 : memref<1x16x128xf32, #tpu.memory_space<hbm>> -> memref<16x128xf32, #tpu.memory_space<hbm>>
        %dma_start3A_57 = arith.constant 0 : i32
        %dma_start3A_58 = tpu.memref_slice %arg8[%arg0, %add3A_50, %dma_start3A_57] : memref<2x1280x128xf32, #tpu.memory_space<hbm>> -> memref<1x16x128xf32, #tpu.memory_space<hbm>>
        %dma_start3A_59 = tpu.memref_squeeze %dma_start3A_58 : memref<1x16x128xf32, #tpu.memory_space<hbm>> -> memref<16x128xf32, #tpu.memory_space<hbm>>
        %dma_start3A_60 = arith.constant 0 : i32
        %dma_start3A_61 = arith.constant 0 : i32
        %dma_start3A_62 = tpu.memref_slice %arg12[%dma_start3A_60, %dma_start3A_61] : memref<48x128xf32, #tpu.memory_space<vmem>> -> memref<16x128xf32, #tpu.memory_space<vmem>>
        tpu.enqueue_dma source(%dma_start3A_62 : memref<16x128xf32, #tpu.memory_space<vmem>>) target(%dma_start3A_59 : memref<16x128xf32, #tpu.memory_space<hbm>>) target_semaphore(%run_scoped3A : memref<!tpu.dma_semaphore, #tpu.memory_space<semaphore_mem>>)
        %dma_wait3A = arith.constant 0 : i32
        %dma_wait3A_63 = arith.constant 0 : i32
        %dma_wait3A_64 = tpu.memref_slice %arg12[%dma_wait3A, %dma_wait3A_63] : memref<48x128xf32, #tpu.memory_space<vmem>> -> memref<16x128xf32, #tpu.memory_space<vmem>>
        %dma_wait3A_65 = arith.constant 0 : i32
        %dma_wait3A_66 = tpu.memref_slice %arg8[%arg0, %add3A_50, %dma_wait3A_65] : memref<2x1280x128xf32, #tpu.memory_space<hbm>> -> memref<1x16x128xf32, #tpu.memory_space<hbm>>
        %dma_wait3A_67 = tpu.memref_squeeze %dma_wait3A_66 : memref<1x16x128xf32, #tpu.memory_space<hbm>> -> memref<16x128xf32, #tpu.memory_space<hbm>>
        %dma_wait3A_68 = arith.constant 0 : i32
        %dma_wait3A_69 = tpu.memref_slice %arg8[%arg0, %add3A_50, %dma_wait3A_68] : memref<2x1280x128xf32, #tpu.memory_space<hbm>> -> memref<1x16x128xf32, #tpu.memory_space<hbm>>
        %dma_wait3A_70 = tpu.memref_squeeze %dma_wait3A_69 : memref<1x16x128xf32, #tpu.memory_space<hbm>> -> memref<16x128xf32, #tpu.memory_space<hbm>>
        %dma_wait3A_71 = arith.constant 0 : i32
        %dma_wait3A_72 = arith.constant 0 : i32
        %dma_wait3A_73 = tpu.memref_slice %arg12[%dma_wait3A_71, %dma_wait3A_72] : memref<48x128xf32, #tpu.memory_space<vmem>> -> memref<16x128xf32, #tpu.memory_space<vmem>>
        tpu.wait_dma2 semaphore(%run_scoped3A : memref<!tpu.dma_semaphore, #tpu.memory_space<semaphore_mem>>) src(%dma_wait3A_73 : memref<16x128xf32, #tpu.memory_space<vmem>>) dst(%dma_wait3A_70 : memref<16x128xf32, #tpu.memory_space<hbm>>)
        tpu.yield
      }) : () -> ()
      %scan3A_51 = arith.constant 0 : i32
      scf.yield %scan3A_51 : i32
    }
    %scan3A_43 = arith.constant 5 : i32
    return
  }
}

module attributes {stable_mosaic.version = 14 : i64} {
  func.func @f(%arg0: memref<10240x128xf32, #tpu.memory_space<vmem>>, %arg1: memref<128x128xf32, #tpu.memory_space<vmem>>, %arg2: memref<128x128xf32, #tpu.memory_space<vmem>>, %arg3: memref<128x128xf32, #tpu.memory_space<vmem>>, %arg4: memref<10240x128xf32, #tpu.memory_space<vmem>>, %arg5: memref<10240x128xf32, #tpu.memory_space<vmem>>, %arg6: memref<10240x128xf32, #tpu.memory_space<vmem>>) attributes {dimension_semantics = [], scalar_prefetch = 0 : i64, scratch_operands = 0 : i64, tpu.core_type = #tpu.core_type<tc>} {
    %get3A = arith.constant 0 : index
    %get3A_0 = arith.constant 0 : index
    %get3A_1 = vector.load %arg0[%get3A, %get3A_0] : memref<10240x128xf32, #tpu.memory_space<vmem>>, vector<10240x128xf32>
    %get3A_2 = arith.constant 0 : index
    %get3A_3 = arith.constant 0 : index
    %get3A_4 = vector.load %arg1[%get3A_2, %get3A_3] : memref<128x128xf32, #tpu.memory_space<vmem>>, vector<128x128xf32>
    %dot_general3A = arith.constant dense<0.000000e+00> : vector<10240x128xf32>
    %dot_general3A_5 = tpu.matmul %get3A_1, %get3A_4, %dot_general3A {dimension_numbers = #tpu.dot_dimension_numbers<[1], [0], [0], [1], [0, 0, 1, 1], [], []>, transpose_lhs_hint = false} : vector<10240x128xf32>, vector<128x128xf32>, vector<10240x128xf32> -> vector<10240x128xf32>
    %swap3A = arith.constant 0 : index
    %swap3A_6 = arith.constant 0 : index
    %swap3A_7 = vector.load %arg4[%swap3A, %swap3A_6] : memref<10240x128xf32, #tpu.memory_space<vmem>>, vector<10240x128xf32>
    tpu.vector_store %arg4[%swap3A, %swap3A_6], %dot_general3A_5 {strides = array<i32>} : memref<10240x128xf32, #tpu.memory_space<vmem>>, vector<10240x128xf32>,
    %get3A_8 = arith.constant 0 : index
    %get3A_9 = arith.constant 0 : index
    %get3A_10 = vector.load %arg2[%get3A_8, %get3A_9] : memref<128x128xf32, #tpu.memory_space<vmem>>, vector<128x128xf32>
    %dot_general3A_11 = arith.constant dense<0.000000e+00> : vector<10240x128xf32>
    %dot_general3A_12 = tpu.matmul %dot_general3A_5, %get3A_10, %dot_general3A_11 {dimension_numbers = #tpu.dot_dimension_numbers<[1], [0], [0], [1], [0, 0, 1, 1], [], []>, transpose_lhs_hint = false} : vector<10240x128xf32>, vector<128x128xf32>, vector<10240x128xf32> -> vector<10240x128xf32>
    %swap3A_13 = arith.constant 0 : index
    %swap3A_14 = arith.constant 0 : index
    %swap3A_15 = vector.load %arg5[%swap3A_13, %swap3A_14] : memref<10240x128xf32, #tpu.memory_space<vmem>>, vector<10240x128xf32>
    tpu.vector_store %arg5[%swap3A_13, %swap3A_14], %dot_general3A_12 {strides = array<i32>} : memref<10240x128xf32, #tpu.memory_space<vmem>>, vector<10240x128xf32>,
    %get3A_16 = arith.constant 0 : index
    %get3A_17 = arith.constant 0 : index
    %get3A_18 = vector.load %arg3[%get3A_16, %get3A_17] : memref<128x128xf32, #tpu.memory_space<vmem>>, vector<128x128xf32>
    %dot_general3A_19 = arith.constant dense<0.000000e+00> : vector<10240x128xf32>
    %dot_general3A_20 = tpu.matmul %dot_general3A_5, %get3A_18, %dot_general3A_19 {dimension_numbers = #tpu.dot_dimension_numbers<[1], [0], [0], [1], [0, 0, 1, 1], [], []>, transpose_lhs_hint = false} : vector<10240x128xf32>, vector<128x128xf32>, vector<10240x128xf32> -> vector<10240x128xf32>
    %swap3A_21 = arith.constant 0 : index
    %swap3A_22 = arith.constant 0 : index
    %swap3A_23 = vector.load %arg6[%swap3A_21, %swap3A_22] : memref<10240x128xf32, #tpu.memory_space<vmem>>, vector<10240x128xf32>
    tpu.vector_store %arg6[%swap3A_21, %swap3A_22], %dot_general3A_20 {strides = array<i32>} : memref<10240x128xf32, #tpu.memory_space<vmem>>, vector<10240x128xf32>,
    return
  }
}

module attributes {stable_mosaic.version = 14 : i64} {
  func.func @f(%arg0: memref<2x10240x128xf32, #tpu.memory_space<vmem>>, %arg1: memref<2x10240x16xf32, #tpu.memory_space<vmem>>, %arg2: memref<16x128xf32, #tpu.memory_space<vmem>>, %arg3: memref<1x128xf32, #tpu.memory_space<vmem>>, %arg4: memref<128x128xf32, #tpu.memory_space<vmem>>, %arg5: memref<128x128xf32, #tpu.memory_space<vmem>>, %arg6: memref<128x128xf32, #tpu.memory_space<vmem>>, %arg7: memref<10240x128xf32, #tpu.memory_space<vmem>>, %arg8: memref<10240x128xf32, #tpu.memory_space<vmem>>, %arg9: memref<10240x128xf32, #tpu.memory_space<vmem>>) attributes {dimension_semantics = [], scalar_prefetch = 0 : i64, scratch_operands = 0 : i64, tpu.core_type = #tpu.core_type<tc>} {
    %get3A = arith.constant 0 : index
    %get3A_0 = arith.constant 0 : index
    %get3A_1 = arith.constant 0 : index
    %get3A_2 = vector.load %arg0[%get3A, %get3A_0, %get3A_1] : memref<2x10240x128xf32, #tpu.memory_space<vmem>>, vector<1x10240x128xf32>
    %get3A_3 = vector.shape_cast %get3A_2 : vector<1x10240x128xf32> to vector<10240x128xf32>
    %get3A_4 = arith.constant 1 : index
    %get3A_5 = arith.constant 0 : index
    %get3A_6 = arith.constant 0 : index
    %get3A_7 = vector.load %arg0[%get3A_4, %get3A_5, %get3A_6] : memref<2x10240x128xf32, #tpu.memory_space<vmem>>, vector<1x10240x128xf32>
    %get3A_8 = vector.shape_cast %get3A_7 : vector<1x10240x128xf32> to vector<10240x128xf32>
    %add3A = arith.addf %get3A_3, %get3A_8 : vector<10240x128xf32>
    %get3A_9 = arith.constant 0 : index
    %get3A_10 = arith.constant 0 : index
    %get3A_11 = arith.constant 0 : index
    %get3A_12 = vector.load %arg1[%get3A_9, %get3A_10, %get3A_11] : memref<2x10240x16xf32, #tpu.memory_space<vmem>>, vector<1x10240x16xf32>
    %get3A_13 = vector.shape_cast %get3A_12 : vector<1x10240x16xf32> to vector<10240x16xf32>
    %get3A_14 = arith.constant 1 : index
    %get3A_15 = arith.constant 0 : index
    %get3A_16 = arith.constant 0 : index
    %get3A_17 = vector.load %arg1[%get3A_14, %get3A_15, %get3A_16] : memref<2x10240x16xf32, #tpu.memory_space<vmem>>, vector<1x10240x16xf32>
    %get3A_18 = vector.shape_cast %get3A_17 : vector<1x10240x16xf32> to vector<10240x16xf32>
    %add3A_19 = arith.addf %get3A_13, %get3A_18 : vector<10240x16xf32>
    %get3A_20 = arith.constant 0 : index
    %get3A_21 = arith.constant 0 : index
    %get3A_22 = vector.load %arg2[%get3A_20, %get3A_21] : memref<16x128xf32, #tpu.memory_space<vmem>>, vector<16x128xf32>
    %dot_general3A = arith.constant dense<0.000000e+00> : vector<10240x128xf32>
    %dot_general3A_23 = tpu.matmul %add3A_19, %get3A_22, %dot_general3A {dimension_numbers = #tpu.dot_dimension_numbers<[1], [0], [0], [1], [0, 0, 1, 1], [], []>, transpose_lhs_hint = false} : vector<10240x16xf32>, vector<16x128xf32>, vector<10240x128xf32> -> vector<10240x128xf32>
    %add3A_24 = arith.constant 1.000000e-16 : f32
    %add3A_25 = vector.broadcast %add3A_24 : f32 to vector<10240x128xf32>
    %add3A_26 = arith.addf %dot_general3A_23, %add3A_25 : vector<10240x128xf32>
    %div3A = arith.divf %add3A, %add3A_26 : vector<10240x128xf32>
    %get3A_27 = arith.constant 0 : index
    %get3A_28 = arith.constant 0 : index
    %get3A_29 = vector.load %arg3[%get3A_27, %get3A_28] : memref<1x128xf32, #tpu.memory_space<vmem>>, vector<1x128xf32>
    %add3A_30 = vector.broadcast %get3A_29 : vector<1x128xf32> to vector<10240x128xf32>
    %add3A_31 = arith.addf %div3A, %add3A_30 : vector<10240x128xf32>
    %get3A_32 = arith.constant 0 : index
    %get3A_33 = arith.constant 0 : index
    %get3A_34 = vector.load %arg4[%get3A_32, %get3A_33] : memref<128x128xf32, #tpu.memory_space<vmem>>, vector<128x128xf32>
    %dot_general3A_35 = arith.constant dense<0.000000e+00> : vector<10240x128xf32>
    %dot_general3A_36 = tpu.matmul %add3A_31, %get3A_34, %dot_general3A_35 {dimension_numbers = #tpu.dot_dimension_numbers<[1], [0], [0], [1], [0, 0, 1, 1], [], []>, transpose_lhs_hint = false} : vector<10240x128xf32>, vector<128x128xf32>, vector<10240x128xf32> -> vector<10240x128xf32>
    %swap3A = arith.constant 0 : index
    %swap3A_37 = arith.constant 0 : index
    %swap3A_38 = vector.load %arg7[%swap3A, %swap3A_37] : memref<10240x128xf32, #tpu.memory_space<vmem>>, vector<10240x128xf32>
    tpu.vector_store %arg7[%swap3A, %swap3A_37], %dot_general3A_36 {strides = array<i32>} : memref<10240x128xf32, #tpu.memory_space<vmem>>, vector<10240x128xf32>,
    %get3A_39 = arith.constant 0 : index
    %get3A_40 = arith.constant 0 : index
    %get3A_41 = vector.load %arg5[%get3A_39, %get3A_40] : memref<128x128xf32, #tpu.memory_space<vmem>>, vector<128x128xf32>
    %dot_general3A_42 = arith.constant dense<0.000000e+00> : vector<10240x128xf32>
    %dot_general3A_43 = tpu.matmul %dot_general3A_36, %get3A_41, %dot_general3A_42 {dimension_numbers = #tpu.dot_dimension_numbers<[1], [0], [0], [1], [0, 0, 1, 1], [], []>, transpose_lhs_hint = false} : vector<10240x128xf32>, vector<128x128xf32>, vector<10240x128xf32> -> vector<10240x128xf32>
    %swap3A_44 = arith.constant 0 : index
    %swap3A_45 = arith.constant 0 : index
    %swap3A_46 = vector.load %arg8[%swap3A_44, %swap3A_45] : memref<10240x128xf32, #tpu.memory_space<vmem>>, vector<10240x128xf32>
    tpu.vector_store %arg8[%swap3A_44, %swap3A_45], %dot_general3A_43 {strides = array<i32>} : memref<10240x128xf32, #tpu.memory_space<vmem>>, vector<10240x128xf32>,
    %get3A_47 = arith.constant 0 : index
    %get3A_48 = arith.constant 0 : index
    %get3A_49 = vector.load %arg6[%get3A_47, %get3A_48] : memref<128x128xf32, #tpu.memory_space<vmem>>, vector<128x128xf32>
    %dot_general3A_50 = arith.constant dense<0.000000e+00> : vector<10240x128xf32>
    %dot_general3A_51 = tpu.matmul %dot_general3A_36, %get3A_49, %dot_general3A_50 {dimension_numbers = #tpu.dot_dimension_numbers<[1], [0], [0], [1], [0, 0, 1, 1], [], []>, transpose_lhs_hint = false} : vector<10240x128xf32>, vector<128x128xf32>, vector<10240x128xf32> -> vector<10240x128xf32>
    %swap3A_52 = arith.constant 0 : index
    %swap3A_53 = arith.constant 0 : index
    %swap3A_54 = vector.load %arg9[%swap3A_52, %swap3A_53] : memref<10240x128xf32, #tpu.memory_space<vmem>>, vector<10240x128xf32>
    tpu.vector_store %arg9[%swap3A_52, %swap3A_53], %dot_general3A_51 {strides = array<i32>} : memref<10240x128xf32, #tpu.memory_space<vmem>>, vector<10240x128xf32>,
    return
  }
}

module attributes {stable_mosaic.version = 14 : i64} {
  func.func @f(%arg0: memref<2x10240x128xf32, #tpu.memory_space<vmem>>, %arg1: memref<2x10240x16xf32, #tpu.memory_space<vmem>>, %arg2: memref<2x10240x16xf32, #tpu.memory_space<vmem>>, %arg3: memref<16x128xf32, #tpu.memory_space<vmem>>, %arg4: memref<16x1xf32, #tpu.memory_space<vmem>>, %arg5: memref<1x128xf32, #tpu.memory_space<vmem>>, %arg6: memref<10240x128xf32, #tpu.memory_space<vmem>>) attributes {dimension_semantics = [], scalar_prefetch = 0 : i64, scratch_operands = 0 : i64, tpu.core_type = #tpu.core_type<tc>} {
    %get3A = arith.constant 0 : index
    %get3A_0 = arith.constant 0 : index
    %get3A_1 = arith.constant 0 : index
    %get3A_2 = vector.load %arg2[%get3A, %get3A_0, %get3A_1] : memref<2x10240x16xf32, #tpu.memory_space<vmem>>, vector<1x10240x16xf32>
    %get3A_3 = vector.shape_cast %get3A_2 : vector<1x10240x16xf32> to vector<10240x16xf32>
    %get3A_4 = arith.constant 1 : index
    %get3A_5 = arith.constant 0 : index
    %get3A_6 = arith.constant 0 : index
    %get3A_7 = vector.load %arg2[%get3A_4, %get3A_5, %get3A_6] : memref<2x10240x16xf32, #tpu.memory_space<vmem>>, vector<1x10240x16xf32>
    %get3A_8 = vector.shape_cast %get3A_7 : vector<1x10240x16xf32> to vector<10240x16xf32>
    %add3A = arith.addf %get3A_3, %get3A_8 : vector<10240x16xf32>
    %get3A_9 = arith.constant 0 : index
    %get3A_10 = arith.constant 0 : index
    %get3A_11 = vector.load %arg4[%get3A_9, %get3A_10] : memref<16x1xf32, #tpu.memory_space<vmem>>, vector<16x1xf32>
    %dot_general3A = arith.constant dense<0.000000e+00> : vector<10240x1xf32>
    %dot_general3A_12 = tpu.matmul %add3A, %get3A_11, %dot_general3A {dimension_numbers = #tpu.dot_dimension_numbers<[1], [0], [0], [1], [0, 0, 1, 1], [], []>, transpose_lhs_hint = false} : vector<10240x16xf32>, vector<16x1xf32>, vector<10240x1xf32> -> vector<10240x1xf32>
    %gt3A = arith.constant 0.000000e+00 : f32
    %gt3A_13 = vector.broadcast %gt3A : f32 to vector<10240x1xf32>
    %gt3A_14 = arith.cmpf ogt, %dot_general3A_12, %gt3A_13 : vector<10240x1xf32>
    %rsqrt3A = math.rsqrt %dot_general3A_12 : vector<10240x1xf32>
    %jit3A = arith.constant 0.000000e+00 : f32
    %broadcast_in_dim3A = vector.broadcast %jit3A : f32 to vector<10240x1xf32>
    %select_n3A = arith.select %gt3A_14, %rsqrt3A, %broadcast_in_dim3A : vector<10240x1xi1>, vector<10240x1xf32>
    %get3A_15 = arith.constant 0 : index
    %get3A_16 = arith.constant 0 : index
    %get3A_17 = arith.constant 0 : index
    %get3A_18 = vector.load %arg0[%get3A_15, %get3A_16, %get3A_17] : memref<2x10240x128xf32, #tpu.memory_space<vmem>>, vector<1x10240x128xf32>
    %get3A_19 = vector.shape_cast %get3A_18 : vector<1x10240x128xf32> to vector<10240x128xf32>
    %get3A_20 = arith.constant 1 : index
    %get3A_21 = arith.constant 0 : index
    %get3A_22 = arith.constant 0 : index
    %get3A_23 = vector.load %arg0[%get3A_20, %get3A_21, %get3A_22] : memref<2x10240x128xf32, #tpu.memory_space<vmem>>, vector<1x10240x128xf32>
    %get3A_24 = vector.shape_cast %get3A_23 : vector<1x10240x128xf32> to vector<10240x128xf32>
    %add3A_25 = arith.addf %get3A_19, %get3A_24 : vector<10240x128xf32>
    %get3A_26 = arith.constant 0 : index
    %get3A_27 = arith.constant 0 : index
    %get3A_28 = arith.constant 0 : index
    %get3A_29 = vector.load %arg1[%get3A_26, %get3A_27, %get3A_28] : memref<2x10240x16xf32, #tpu.memory_space<vmem>>, vector<1x10240x16xf32>
    %get3A_30 = vector.shape_cast %get3A_29 : vector<1x10240x16xf32> to vector<10240x16xf32>
    %get3A_31 = arith.constant 1 : index
    %get3A_32 = arith.constant 0 : index
    %get3A_33 = arith.constant 0 : index
    %get3A_34 = vector.load %arg1[%get3A_31, %get3A_32, %get3A_33] : memref<2x10240x16xf32, #tpu.memory_space<vmem>>, vector<1x10240x16xf32>
    %get3A_35 = vector.shape_cast %get3A_34 : vector<1x10240x16xf32> to vector<10240x16xf32>
    %add3A_36 = arith.addf %get3A_30, %get3A_35 : vector<10240x16xf32>
    %get3A_37 = arith.constant 0 : index
    %get3A_38 = arith.constant 0 : index
    %get3A_39 = vector.load %arg3[%get3A_37, %get3A_38] : memref<16x128xf32, #tpu.memory_space<vmem>>, vector<16x128xf32>
    %dot_general3A_40 = arith.constant dense<0.000000e+00> : vector<10240x128xf32>
    %dot_general3A_41 = tpu.matmul %add3A_36, %get3A_39, %dot_general3A_40 {dimension_numbers = #tpu.dot_dimension_numbers<[1], [0], [0], [1], [0, 0, 1, 1], [], []>, transpose_lhs_hint = false} : vector<10240x16xf32>, vector<16x128xf32>, vector<10240x128xf32> -> vector<10240x128xf32>
    %add3A_42 = arith.constant 1.000000e-16 : f32
    %add3A_43 = vector.broadcast %add3A_42 : f32 to vector<10240x128xf32>
    %add3A_44 = arith.addf %dot_general3A_41, %add3A_43 : vector<10240x128xf32>
    %div3A = arith.divf %add3A_25, %add3A_44 : vector<10240x128xf32>
    %get3A_45 = arith.constant 0 : index
    %get3A_46 = arith.constant 0 : index
    %get3A_47 = vector.load %arg5[%get3A_45, %get3A_46] : memref<1x128xf32, #tpu.memory_space<vmem>>, vector<1x128xf32>
    %add3A_48 = vector.broadcast %get3A_47 : vector<1x128xf32> to vector<10240x128xf32>
    %add3A_49 = arith.addf %div3A, %add3A_48 : vector<10240x128xf32>
    %mul3A = vector.broadcast %select_n3A : vector<10240x1xf32> to vector<10240x128xf32>
    %mul3A_50 = arith.mulf %add3A_49, %mul3A : vector<10240x128xf32>
    %swap3A = arith.constant 0 : index
    %swap3A_51 = arith.constant 0 : index
    %swap3A_52 = vector.load %arg6[%swap3A, %swap3A_51] : memref<10240x128xf32, #tpu.memory_space<vmem>>, vector<10240x128xf32>
    tpu.vector_store %arg6[%swap3A, %swap3A_51], %mul3A_50 {strides = array<i32>} : memref<10240x128xf32, #tpu.memory_space<vmem>>, vector<10240x128xf32>,
    return
  }
}

module attributes {stable_mosaic.version = 14 : i64} {
  func.func @f(%arg0: memref<2x10240x128xf32, #tpu.memory_space<vmem>>, %arg1: memref<2x10240x16xf32, #tpu.memory_space<vmem>>, %arg2: memref<16x1xf32, #tpu.memory_space<vmem>>, %arg3: memref<128x128xf32, #tpu.memory_space<vmem>>, %arg4: memref<1x128xf32, #tpu.memory_space<vmem>>, %arg5: memref<10240x128xf32, #tpu.memory_space<vmem>>) attributes {dimension_semantics = [], scalar_prefetch = 0 : i64, scratch_operands = 0 : i64, tpu.core_type = #tpu.core_type<tc>} {
    %get3A = arith.constant 0 : index
    %get3A_0 = arith.constant 0 : index
    %get3A_1 = arith.constant 0 : index
    %get3A_2 = vector.load %arg1[%get3A, %get3A_0, %get3A_1] : memref<2x10240x16xf32, #tpu.memory_space<vmem>>, vector<1x10240x16xf32>
    %get3A_3 = vector.shape_cast %get3A_2 : vector<1x10240x16xf32> to vector<10240x16xf32>
    %get3A_4 = arith.constant 1 : index
    %get3A_5 = arith.constant 0 : index
    %get3A_6 = arith.constant 0 : index
    %get3A_7 = vector.load %arg1[%get3A_4, %get3A_5, %get3A_6] : memref<2x10240x16xf32, #tpu.memory_space<vmem>>, vector<1x10240x16xf32>
    %get3A_8 = vector.shape_cast %get3A_7 : vector<1x10240x16xf32> to vector<10240x16xf32>
    %add3A = arith.addf %get3A_3, %get3A_8 : vector<10240x16xf32>
    %get3A_9 = arith.constant 0 : index
    %get3A_10 = arith.constant 0 : index
    %get3A_11 = vector.load %arg2[%get3A_9, %get3A_10] : memref<16x1xf32, #tpu.memory_space<vmem>>, vector<16x1xf32>
    %dot_general3A = arith.constant dense<0.000000e+00> : vector<10240x1xf32>
    %dot_general3A_12 = tpu.matmul %add3A, %get3A_11, %dot_general3A {dimension_numbers = #tpu.dot_dimension_numbers<[1], [0], [0], [1], [0, 0, 1, 1], [], []>, transpose_lhs_hint = false} : vector<10240x16xf32>, vector<16x1xf32>, vector<10240x1xf32> -> vector<10240x1xf32>
    %gt3A = arith.constant 0.000000e+00 : f32
    %gt3A_13 = vector.broadcast %gt3A : f32 to vector<10240x1xf32>
    %gt3A_14 = arith.cmpf ogt, %dot_general3A_12, %gt3A_13 : vector<10240x1xf32>
    %rsqrt3A = math.rsqrt %dot_general3A_12 : vector<10240x1xf32>
    %jit3A = arith.constant 0.000000e+00 : f32
    %broadcast_in_dim3A = vector.broadcast %jit3A : f32 to vector<10240x1xf32>
    %select_n3A = arith.select %gt3A_14, %rsqrt3A, %broadcast_in_dim3A : vector<10240x1xi1>, vector<10240x1xf32>
    %get3A_15 = arith.constant 0 : index
    %get3A_16 = arith.constant 0 : index
    %get3A_17 = arith.constant 0 : index
    %get3A_18 = vector.load %arg0[%get3A_15, %get3A_16, %get3A_17] : memref<2x10240x128xf32, #tpu.memory_space<vmem>>, vector<1x10240x128xf32>
    %get3A_19 = vector.shape_cast %get3A_18 : vector<1x10240x128xf32> to vector<10240x128xf32>
    %get3A_20 = arith.constant 1 : index
    %get3A_21 = arith.constant 0 : index
    %get3A_22 = arith.constant 0 : index
    %get3A_23 = vector.load %arg0[%get3A_20, %get3A_21, %get3A_22] : memref<2x10240x128xf32, #tpu.memory_space<vmem>>, vector<1x10240x128xf32>
    %get3A_24 = vector.shape_cast %get3A_23 : vector<1x10240x128xf32> to vector<10240x128xf32>
    %add3A_25 = arith.addf %get3A_19, %get3A_24 : vector<10240x128xf32>
    %mul3A = vector.broadcast %select_n3A : vector<10240x1xf32> to vector<10240x128xf32>
    %mul3A_26 = arith.mulf %add3A_25, %mul3A : vector<10240x128xf32>
    %get3A_27 = arith.constant 0 : index
    %get3A_28 = arith.constant 0 : index
    %get3A_29 = vector.load %arg3[%get3A_27, %get3A_28] : memref<128x128xf32, #tpu.memory_space<vmem>>, vector<128x128xf32>
    %dot_general3A_30 = arith.constant dense<0.000000e+00> : vector<10240x128xf32>
    %dot_general3A_31 = tpu.matmul %mul3A_26, %get3A_29, %dot_general3A_30 {dimension_numbers = #tpu.dot_dimension_numbers<[1], [0], [0], [1], [0, 0, 1, 1], [], []>, transpose_lhs_hint = false} : vector<10240x128xf32>, vector<128x128xf32>, vector<10240x128xf32> -> vector<10240x128xf32>
    %get3A_32 = arith.constant 0 : index
    %get3A_33 = arith.constant 0 : index
    %get3A_34 = vector.load %arg4[%get3A_32, %get3A_33] : memref<1x128xf32, #tpu.memory_space<vmem>>, vector<1x128xf32>
    %add3A_35 = vector.broadcast %get3A_34 : vector<1x128xf32> to vector<10240x128xf32>
    %add3A_36 = arith.addf %dot_general3A_31, %add3A_35 : vector<10240x128xf32>
    %max3A = arith.constant 0.000000e+00 : f32
    %max3A_37 = vector.broadcast %max3A : f32 to vector<10240x128xf32>
    %max3A_38 = arith.maximumf %add3A_36, %max3A_37 : vector<10240x128xf32>
    %mul3A_39 = vector.broadcast %select_n3A : vector<10240x1xf32> to vector<10240x128xf32>
    %mul3A_40 = arith.mulf %max3A_38, %mul3A_39 : vector<10240x128xf32>
    %swap3A = arith.constant 0 : index
    %swap3A_41 = arith.constant 0 : index
    %swap3A_42 = vector.load %arg5[%swap3A, %swap3A_41] : memref<10240x128xf32, #tpu.memory_space<vmem>>, vector<10240x128xf32>
    tpu.vector_store %arg5[%swap3A, %swap3A_41], %mul3A_40 {strides = array<i32>} : memref<10240x128xf32, #tpu.memory_space<vmem>>, vector<10240x128xf32>,
    return
  }
}

module attributes {stable_mosaic.version = 14 : i64} {
  func.func @f(%arg0: memref<2x10240x128xf32, #tpu.memory_space<vmem>>, %arg1: memref<2x10240x16xf32, #tpu.memory_space<vmem>>, %arg2: memref<16x1xf32, #tpu.memory_space<vmem>>, %arg3: memref<128x128xf32, #tpu.memory_space<vmem>>, %arg4: memref<1x128xf32, #tpu.memory_space<vmem>>, %arg5: memref<128x128xf32, #tpu.memory_space<vmem>>, %arg6: memref<1x128xf32, #tpu.memory_space<vmem>>, %arg7: memref<10240x128xf32, #tpu.memory_space<vmem>>, %arg8: memref<10240x128xf32, #tpu.memory_space<vmem>>) attributes {dimension_semantics = [], scalar_prefetch = 0 : i64, scratch_operands = 0 : i64, tpu.core_type = #tpu.core_type<tc>} {
    %get3A = arith.constant 0 : index
    %get3A_0 = arith.constant 0 : index
    %get3A_1 = arith.constant 0 : index
    %get3A_2 = vector.load %arg1[%get3A, %get3A_0, %get3A_1] : memref<2x10240x16xf32, #tpu.memory_space<vmem>>, vector<1x10240x16xf32>
    %get3A_3 = vector.shape_cast %get3A_2 : vector<1x10240x16xf32> to vector<10240x16xf32>
    %get3A_4 = arith.constant 1 : index
    %get3A_5 = arith.constant 0 : index
    %get3A_6 = arith.constant 0 : index
    %get3A_7 = vector.load %arg1[%get3A_4, %get3A_5, %get3A_6] : memref<2x10240x16xf32, #tpu.memory_space<vmem>>, vector<1x10240x16xf32>
    %get3A_8 = vector.shape_cast %get3A_7 : vector<1x10240x16xf32> to vector<10240x16xf32>
    %add3A = arith.addf %get3A_3, %get3A_8 : vector<10240x16xf32>
    %get3A_9 = arith.constant 0 : index
    %get3A_10 = arith.constant 0 : index
    %get3A_11 = vector.load %arg2[%get3A_9, %get3A_10] : memref<16x1xf32, #tpu.memory_space<vmem>>, vector<16x1xf32>
    %dot_general3A = arith.constant dense<0.000000e+00> : vector<10240x1xf32>
    %dot_general3A_12 = tpu.matmul %add3A, %get3A_11, %dot_general3A {dimension_numbers = #tpu.dot_dimension_numbers<[1], [0], [0], [1], [0, 0, 1, 1], [], []>, transpose_lhs_hint = false} : vector<10240x16xf32>, vector<16x1xf32>, vector<10240x1xf32> -> vector<10240x1xf32>
    %gt3A = arith.constant 0.000000e+00 : f32
    %gt3A_13 = vector.broadcast %gt3A : f32 to vector<10240x1xf32>
    %gt3A_14 = arith.cmpf ogt, %dot_general3A_12, %gt3A_13 : vector<10240x1xf32>
    %rsqrt3A = math.rsqrt %dot_general3A_12 : vector<10240x1xf32>
    %jit3A = arith.constant 0.000000e+00 : f32
    %broadcast_in_dim3A = vector.broadcast %jit3A : f32 to vector<10240x1xf32>
    %select_n3A = arith.select %gt3A_14, %rsqrt3A, %broadcast_in_dim3A : vector<10240x1xi1>, vector<10240x1xf32>
    %get3A_15 = arith.constant 0 : index
    %get3A_16 = arith.constant 0 : index
    %get3A_17 = arith.constant 0 : index
    %get3A_18 = vector.load %arg0[%get3A_15, %get3A_16, %get3A_17] : memref<2x10240x128xf32, #tpu.memory_space<vmem>>, vector<1x10240x128xf32>
    %get3A_19 = vector.shape_cast %get3A_18 : vector<1x10240x128xf32> to vector<10240x128xf32>
    %get3A_20 = arith.constant 1 : index
    %get3A_21 = arith.constant 0 : index
    %get3A_22 = arith.constant 0 : index
    %get3A_23 = vector.load %arg0[%get3A_20, %get3A_21, %get3A_22] : memref<2x10240x128xf32, #tpu.memory_space<vmem>>, vector<1x10240x128xf32>
    %get3A_24 = vector.shape_cast %get3A_23 : vector<1x10240x128xf32> to vector<10240x128xf32>
    %add3A_25 = arith.addf %get3A_19, %get3A_24 : vector<10240x128xf32>
    %mul3A = vector.broadcast %select_n3A : vector<10240x1xf32> to vector<10240x128xf32>
    %mul3A_26 = arith.mulf %add3A_25, %mul3A : vector<10240x128xf32>
    %get3A_27 = arith.constant 0 : index
    %get3A_28 = arith.constant 0 : index
    %get3A_29 = vector.load %arg3[%get3A_27, %get3A_28] : memref<128x128xf32, #tpu.memory_space<vmem>>, vector<128x128xf32>
    %dot_general3A_30 = arith.constant dense<0.000000e+00> : vector<10240x128xf32>
    %dot_general3A_31 = tpu.matmul %mul3A_26, %get3A_29, %dot_general3A_30 {dimension_numbers = #tpu.dot_dimension_numbers<[1], [0], [0], [1], [0, 0, 1, 1], [], []>, transpose_lhs_hint = false} : vector<10240x128xf32>, vector<128x128xf32>, vector<10240x128xf32> -> vector<10240x128xf32>
    %get3A_32 = arith.constant 0 : index
    %get3A_33 = arith.constant 0 : index
    %get3A_34 = vector.load %arg4[%get3A_32, %get3A_33] : memref<1x128xf32, #tpu.memory_space<vmem>>, vector<1x128xf32>
    %add3A_35 = vector.broadcast %get3A_34 : vector<1x128xf32> to vector<10240x128xf32>
    %add3A_36 = arith.addf %dot_general3A_31, %add3A_35 : vector<10240x128xf32>
    %swap3A = arith.constant 0 : index
    %swap3A_37 = arith.constant 0 : index
    %swap3A_38 = vector.load %arg7[%swap3A, %swap3A_37] : memref<10240x128xf32, #tpu.memory_space<vmem>>, vector<10240x128xf32>
    tpu.vector_store %arg7[%swap3A, %swap3A_37], %add3A_36 {strides = array<i32>} : memref<10240x128xf32, #tpu.memory_space<vmem>>, vector<10240x128xf32>,
    %get3A_39 = arith.constant 0 : index
    %get3A_40 = arith.constant 0 : index
    %get3A_41 = vector.load %arg5[%get3A_39, %get3A_40] : memref<128x128xf32, #tpu.memory_space<vmem>>, vector<128x128xf32>
    %dot_general3A_42 = arith.constant dense<0.000000e+00> : vector<10240x128xf32>
    %dot_general3A_43 = tpu.matmul %mul3A_26, %get3A_41, %dot_general3A_42 {dimension_numbers = #tpu.dot_dimension_numbers<[1], [0], [0], [1], [0, 0, 1, 1], [], []>, transpose_lhs_hint = false} : vector<10240x128xf32>, vector<128x128xf32>, vector<10240x128xf32> -> vector<10240x128xf32>
    %get3A_44 = arith.constant 0 : index
    %get3A_45 = arith.constant 0 : index
    %get3A_46 = vector.load %arg6[%get3A_44, %get3A_45] : memref<1x128xf32, #tpu.memory_space<vmem>>, vector<1x128xf32>
    %add3A_47 = vector.broadcast %get3A_46 : vector<1x128xf32> to vector<10240x128xf32>
    %add3A_48 = arith.addf %dot_general3A_43, %add3A_47 : vector<10240x128xf32>
    %swap3A_49 = arith.constant 0 : index
    %swap3A_50 = arith.constant 0 : index
    %swap3A_51 = vector.load %arg8[%swap3A_49, %swap3A_50] : memref<10240x128xf32, #tpu.memory_space<vmem>>, vector<10240x128xf32>
    tpu.vector_store %arg8[%swap3A_49, %swap3A_50], %add3A_48 {strides = array<i32>} : memref<10240x128xf32, #tpu.memory_space<vmem>>, vector<10240x128xf32>,
    return
  }
}

</mosaic_0001>

<sc_bundles>
// kernel: kernel.11.cloned.1.call-start
scs
__scs_entry_jumppad:
0x0: {  	(pc) =	sbr.rel $0x88, $3  }
0x1: {  	(tag) =	ssettag $0x0;
	lr =	simm.s32 $0x1  }
0x2: {  	[smem:$0x3F91] =	sst lr;
	_ =	strace $0xD0000000  }
0x3: {  	_ = 	snop  }
0x4: {  	_ = 	snop  }
0x5: {  	_ = 	snop  }
0x6: {  	_ = 	snop  }
0x7: {  	_ = 	snop  }
__scs_overlays_trampoline_lowered:
0x8: {  	[smem:$0x3FA0] =	sst s0  }
0x9: {  	[smem:$0x3FA1] =	sst s1  }
0xa: {  	[smem:$0x3FA2] =	sst s2  }
0xb: {  	[smem:$0x3FA3] =	sst s3  }
0xc: {  	[smem:$0x3FA4] =	sst s4  }
0xd: {  	[smem:$0x3FA5] =	sst s5  }
0xe: {  	[smem:$0x3FA6] =	sst s6  }
0xf: {  	[smem:$0x3FA7] =	sst s7  }
0x10: {  	[smem:$0x3FA8] =	sst s8  }
0x11: {  	[smem:$0x3FA9] =	sst s9;
	s0 =	simm.s32 @!p0 $0x0  }
0x12: {  	s1 =	sld [smem:$0x3F8F];
	s0 =	simm.s32 @p0 $0x1  }
0x13: {  	[smem:$0x3FAA] =	sst s0;
	s0 =	simm.s32 @!p1 $0x0  }
0x14: {  	s2 =	sld [smem:$0x3F8E];
	s0 =	simm.s32 @p1 $0x1  }
0x15: {  	[smem:$0x3FAB] =	sst s0;
	s0 =	simm.s32 @!p2 $0x0  }
0x16: {  	s3 =	sld [smem:$0x3FDB];
	s0 =	simm.s32 @p2 $0x1  }
0x17: {  	s4 =	simm.s32 $0x1BF5;
	[smem:$0x3FAD] =	sst s0  }
0x18: {  	s0 =	sld [smem:$0x3F90];
	_ =	swait.ge [sflag:s4], $0x0  }
0x19: {  	s7 =	sld [smem:$0x3F91]  }
0x1a: {  	s8 =	sadd.s32 $0xFFFFE003, lr  }
0x1b: {  	s9 =	sadd.s32 $0xFFFFFEF7, lr;
	s5 =	simm.s32 $0xFFFFFFFF;
	p2 =	slt.u32 s8, $0xFFFFF086  }
0x1c: {  	p1 =	slt.u32 s9, $0xF7A;
	s5 =	simm.s32 @!p2 $0x0  }
0x1d: {  	s5 =	simm.s32 @p1 $0x1;
	p0 =	seq.s32 s7, s2  }
0x1e: {  	s7 =	smul.u32 @!p0 $0xF7A, s2;
	p2 =	seq.s32 @!p0 s5, $0x0  }
0x1f: {  	s9 =	smul.u32 $0xF7A, s1;
	s8 =	simm.s32 @!p0 $0x1BF5;
	p2 =	por !p2, p0  }
0x20: {  	[sflag:s8] =	ssyncset.s32 @!p0 $0xFFFFF086;
	s6 =	sadd.s32 @!p0 s3, s7;
	s7 =	simm.s32 @!p0 $0x108  }
0x21: {  	s3 =	sadd.s32 s3, s9;
	s6 =	sadd.s32 @!p0 $0x88, s6;
	s7 =	simm.s32 @p2 $0x1082  }
0x22: {  	[simem:s7], [sflag:s8] =	dma.local @!p0 [hbm:s6], $0xF7A  }
0x23: {  	s9 =	sor.u32 $0xD0000000, s2;
	s6 =	simm.s32 $0x108;
	_ =	swait.ge @!p0 [sflag:s8], $0x0  }
0x24: {  	s3 =	sadd.s32 $0x88, s3;
	s6 =	simm.s32 @!p1 $0x1082;
	[sflag:s4] =	ssyncset.s32 $0xFFFFF086  }
0x25: {  	[simem:s6], [sflag:s4] =	dma.local [hbm:s3], $0xF7A  }
0x26: {  	[smem:$0x3F91] =	sst s1;
	(tag) =	ssettag s2;
	_ =	strace s9  }
0x27: {  	s1 =	sld [smem:$0x3FA1]  }
0x28: {  	s2 =	sld [smem:$0x3FA2]  }
0x29: {  	s4 =	sld [smem:$0x3FA4]  }
0x2a: {  	p0 =	seq.s32 s5, $0x0;
	s5 =	sld [smem:$0x3FA5]  }
0x2b: {  	s6 =	sld [smem:$0x3FA6]  }
0x2c: {  	s7 =	sld [smem:$0x3FA7]  }
0x2d: {  	s3 =	simm.s32 $0x108;
	s8 =	sld [smem:$0x3FA8]  }
0x2e: {  	s3 =	simm.s32 @!p0 $0x1082;
	s9 =	sld [smem:$0x3FA9]  }
0x2f: {  	lr =	sadd.s32 s0, s3;
	s0 =	sld [smem:$0x3FA0]  }
0x30: {  	s3 =	sld [smem:$0x3FA3]  }
0x31: {  	[smem:$0x3FAC] =	sst s10  }
0x32: {  	s10 =	sld [smem:$0x3FAA];
	_ =	sdelay $0x3  }
0x33: {  	p0 =	seq.s32 s10, $0x1;
	s10 =	sld [smem:$0x3FAC];
	_ =	sdelay $0x3  }
0x34: {  	[smem:$0x3FAC] =	sst s10  }
0x35: {  	s10 =	sld [smem:$0x3FAB];
	_ =	sdelay $0x3  }
0x36: {  	p1 =	seq.s32 s10, $0x1;
	s10 =	sld [smem:$0x3FAC];
	_ =	sdelay $0x3  }
0x37: {  	[smem:$0x3FAC] =	sst s10  }
0x38: {  	s10 =	sld [smem:$0x3FAD]  }
0x39: {  	_ = 	snop;
	(pc) =	sbr.ind lr, $3  }
0x3a: {  	_ = 	snop  }
0x3b: {  	_ = 	snop  }
0x3c: {  	p2 =	seq.s32 s10, $0x1;
	s10 =	sld [smem:$0x3FAC]  }
0x3d: {  	_ =	shalt  }
0x3e: {  	_ =	shalt  }
0x3f: {  	_ =	shalt  }
0x40: {  	_ =	shalt  }
0x41: {  	_ =	shalt  }
0x42: {  	_ =	shalt  }
0x43: {  	_ =	shalt  }
0x44: {  	_ =	shalt  }
0x45: {  	_ =	shalt  }
0x46: {  	_ =	shalt  }
0x47: {  	_ =	shalt  }
0x48: {  	_ =	shalt  }
0x49: {  	_ =	shalt  }
0x4a: {  	_ =	shalt  }
0x4b: {  	_ =	shalt  }
0x4c: {  	_ =	shalt  }
0x4d: {  	_ =	shalt  }
0x4e: {  	_ =	shalt  }
0x4f: {  	_ =	shalt  }
0x50: {  	_ =	shalt  }
0x51: {  	_ =	shalt  }
0x52: {  	_ =	shalt  }
0x53: {  	_ =	shalt  }
0x54: {  	_ =	shalt  }
0x55: {  	_ =	shalt  }
0x56: {  	_ =	shalt  }
0x57: {  	_ =	shalt  }
0x58: {  	_ =	shalt  }
0x59: {  	_ =	shalt  }
0x5a: {  	_ =	shalt  }
0x5b: {  	_ =	shalt  }
0x5c: {  	_ =	shalt  }
0x5d: {  	_ =	shalt  }
0x5e: {  	_ =	shalt  }
0x5f: {  	_ =	shalt  }
0x60: {  	_ =	shalt  }
0x61: {  	_ =	shalt  }
0x62: {  	_ =	shalt  }
0x63: {  	_ =	shalt  }
0x64: {  	_ =	shalt  }
0x65: {  	_ =	shalt  }
0x66: {  	_ =	shalt  }
0x67: {  	_ =	shalt  }
0x68: {  	_ =	shalt  }
0x69: {  	_ =	shalt  }
0x6a: {  	_ =	shalt  }
0x6b: {  	_ =	shalt  }
0x6c: {  	_ =	shalt  }
0x6d: {  	_ =	shalt  }
0x6e: {  	_ =	shalt  }
0x6f: {  	_ =	shalt  }
0x70: {  	_ =	shalt  }
0x71: {  	_ =	shalt  }
0x72: {  	_ =	shalt  }
0x73: {  	_ =	shalt  }
0x74: {  	_ =	shalt  }
0x75: {  	_ =	shalt  }
0x76: {  	_ =	shalt  }
0x77: {  	_ =	shalt  }
0x78: {  	_ =	shalt  }
0x79: {  	_ =	shalt  }
0x7a: {  	_ =	shalt  }
0x7b: {  	_ =	shalt  }
0x7c: {  	_ =	shalt  }
0x7d: {  	_ =	shalt  }
0x7e: {  	_ =	shalt  }
0x7f: {  	_ =	shalt  }
0x80: {  	_ =	shalt  }
0x81: {  	_ =	shalt  }
0x82: {  	_ =	shalt  }
0x83: {  	_ =	shalt  }
0x84: {  	_ =	shalt  }
0x85: {  	_ =	shalt  }
0x86: {  	_ =	shalt  }
0x87: {  	_ =	shalt  }
.Lfunc_end0:
.L_simem_size_0:
called_computation_lowered:
.L_overlay_start_0:
0x88: {  	s2 =	sld [smem:$0x3FD9]  }
0x89: {  	s3 =	sld [smem:$0x3FFE];
	_ =	sdelay $0x1  }
0x8a: {  	s1 =	srdreg.scid  }
0x8b: {  	s0 =	sand.u32 $0x1, s1  }
0x8c: {  	s14 =	sshll.u32 s0, $0xA;
	s2 =	sadd.s32 s3, s2  }
0x8d: {  	s2 =	sadd.s32 s2, s14  }
0x8e: {  	[smem:$0x3FB8] =	sst s2  }
0x8f: {  	_ = 	snop  }
0x90: {  	s2 =	sld [smem:$0x3FD0];
	_ =	sdelay $0x2  }
0x91: {  	s15 =	simm.s32 $0xA;
	s4 =	simm.s32 $0x10  }
0x92: {  	[smem:s4], [sflag:s15] =	dma.local [hbm:s2], $0x1  }
0x93: {  	_ =	swait.eq [sflag:s15], $0x1  }
0x94: {  	[sflag:s15] =	ssyncset.done $0x0  }
0x95: {  	s16 =	sld [smem:$0x10];
	[sflag:s15] =	ssyncadd.s32 $0xFFFFFFFF  }
0x96: {  	s17 =	sld [smem:$0x11];
	(tm) =	ssettm $0x1  }
0x97: {  	s18 =	sld [smem:$0x3FFB];
	_ =	sdelay $0x3  }
0x98: {  	_ =	strace s18  }
0x99: {  	s4 =	sld [smem:$0x3FFC];
	_ =	sdelay $0x3  }
0x9a: {  	_ =	strace s4  }
0x9b: {  	s4 =	sld [smem:$0x3FFD];
	_ =	sdelay $0x3  }
0x9c: {  	_ =	strace s4  }
0x9d: {  	_ =	strace $0x8FFFFFFF  }
0x9e: {  	s19 =	sld [smem:$0x3FDB];
	_ =	sdelay $0x1  }
0x9f: {  	s5 =	simm.s32 $_scs_section_size  }
0xa0: {  	s6 =	simm.s32 $_size__tile_overlayer_lowered;
	s7 =	simm.s32 $_tile_overlayer_lowered  }
0xa1: {  	s22 =	simm.s32 $0x1BFF;
	s21 =	sshll.u32 s7, $0x1;
	s4 =	sadd.s32 s5, s19  }
0xa2: {  	s8 =	simm.s32 $0x0;
	s20 =	sshll.u32 s6, $0x1;
	s6 =	sadd.s32 s21, s4  }
0xa3: {  	[timem:s8], [sflag:s22] =	dma.local [hbm:s6], s20  }
0xa4: {  	_ =	swait.ge [sflag:s22], s20  }
0xa5: {  	s5 =	ssub.s32 $0x0, s20;
	[sflag:s22] =	ssyncset.done $0x0  }
0xa6: {  	[sflag:s22] =	ssyncadd.s32 s5;
	_ =	sdelay $0x1  }
0xa7: {  	s23 =	simm.s32 $0x1B8B  }
0xa8: {  	_ =	swait.ge [sflag:s23], $0x1  }
0xa9: {  	[sflag:s23] =	ssyncset.done $0x0  }
0xaa: {  	s25 =	simm.s32 $0x1B8E;
	s24 =	sld [smem:$0x3FFE];
	[sflag:s23] =	ssyncadd.s32 $0xFFFFFFFF  }
0xab: {  	s26 =	simm.s32 $execute0_lowered;
	[smem:$0x3FD2] =	sst s25  }
0xac: {  	s6 =	sshll.u32 s26, $0x1;
	_ =	strace $0x80000046;
	[dreg:$0x1] =	wrdreg $0xFFFFFFFF  }
0xad: {  	s28 =	simm.s32 $_size_execute0_lowered;
	s4 =	sadd.s32 s4, s6;
	[dreg:$0x0] =	wrdreg $0x0  }
0xae: {  	s6 =	sshll.u32 s28, $0x1;
	[dreg:$0x2] =	wrdreg s4  }
0xaf: {  	[dreg:$0x3] =	wrdreg s6  }
0xb0: {  	[dreg:$0x4] =	wrdreg $0xC0  }
0xb1: {  	_ =	task [dreg:s8], $0x5FFFF  }
0xb2: {  	[dreg:$0x1] =	wrdreg $0xFFFFFFFF  }
0xb3: {  	[dreg:$0x0] =	wrdreg $0x60  }
0xb4: {  	[dreg:$0x2] =	wrdreg s24  }
0xb5: {  	[dreg:$0x3] =	wrdreg s17  }
0xb6: {  	[dreg:$0x4] =	wrdreg s16  }
0xb7: {  	[dreg:$0x5] =	wrdreg $0x61800  }
0xb8: {  	[dreg:$0x6] =	wrdreg $0x1A1800  }
0xb9: {  	[dreg:$0x7] =	wrdreg $0x9  }
0xba: {  	_ =	task.clear_ibuf [dreg:s8], $0x8FFFF;
	_ =	strace $0x90000046  }
0xbb: {  	s29 =	simm.s32 $0x9;
	_ =	strace $0x80000048  }
0xbc: {  	_ =	swait.ge [sflag:s29], $0x1  }
0xbd: {  	[sflag:s29] =	ssyncadd.s32 $0xFFFFFFFF  }
0xbe: {  	_ =	strace $0x90000048  }
0xbf: {  	_ =	sfence  }
0xc0: {  	s30 =	sld [smem:$0x0];
	_ =	sdelay $0x2  }
0xc1: {  	s31 =	sshll.u32 s1, $0xD;
	s1 =	sshrl.u32 s1, $0x2  }
0xc2: {  	s3 =	sand.u32 $0x4000, s31;
	s1 =	sadd.s32 s1, s30  }
0xc3: {  	s0 =	sor.u32 s3, s0;
	s1 =	sshll.u32 s1, $0x11  }
0xc4: {  	s0 =	sor.u32 s1, s0  }
0xc5: {  	s0 =	sadd.s32 $0x8F2B, s0  }
0xc6: {  	[sflag:s0] =	ssyncadd.remote.s32 $0x1  }
0xc7: {  	_ =	sfence.sel $0xFFFF  }
0xc8: {  	[dreg:$0x0] =	wrdreg $0xFFFFFFFF;
	(pc) =	sbr.abs _section_cstart, $3  }
0xc9: {  	[dreg:$0x1] =	wrdreg $0xFFFFFFFF  }
0xca: {  	_ =	task.clear_ibuf [dreg:s8], $0x2FFFF;
	_ =	strace $0x9FFFFFFF  }
0xcb: {  	(tm) =	ssettm $0x7FFFFFFF  }
tec
execute0_lowered:
.L_overlay_start_1:
0x0: {  	(tag) =	ssettag $0x1  }
0x1: {  	s2 =	rddreg [dreg:$0x0]  }
0x2: {  	s0 =	rddreg [dreg:$0x1]  }
0x3: {  	s1 =	rddreg [dreg:$0x2];
	s16 =	stileid.u32  }
0x4: {  	s4 =	rddreg [dreg:$0x3];
	s8 =	smul.u32 $0x14000, s16  }
0x5: {  	s3 =	srdreg.scid;
	s13 =	smul.u32 $0x50000, s16  }
0x6: {  	s5 =	rddreg [dreg:$0x4];
	s28 =	smul.u32 $0xA000, s16  }
0x7: {  	s6 =	simm.s32 $0x0;
	s3 =	sand.u32 $0x1, s3;
	s18 =	smul.u32 $0x2800, s16  }
0x8: {  	[smem:$0x7FF] =	sst s6;
	s7 =	smul.u32 $0x140000, s3  }
0x9: {  	_ =	strace $0x80000047;
	s25 =	ssub.s32 $0x2, s3;
	s26 =	sshll.u32 s3, $0x4  }
0xa: {  	s3 =	smul.u32 $0x28000, s3;
	s12 =	sshrl.u32 s25, $0x1;
	s15 =	sor.u32 s16, s26  }
0xb: {  	s17 =	sshrl.u32 s13, $0x2;
	s20 =	sadd.s32 $0x800, s18;
	s24 =	sadd.s32 $0x1000, s18  }
0xc: {  	s26 =	sadd.s32 $0x1800, s18;
	s13 =	sadd.s32 $0x2000, s18;
	s9 =	sadd.s32 s8, s7  }
0xd: {  	s14 =	ssub.s32 s25, s12;
	s19 =	sadd.s32 s17, s4;
	s12 =	sshrl.u32 s28, $0x2  }
0xe: {  	s21 =	sadd.s32 s3, s18;
	s22 =	sadd.s32 s3, s20;
	s18 =	sadd.s32 s3, s26  }
0xf: {  	s10 =	sshrl.u32 s9, $0x3;
	s14 =	smax.u32 s14, $0x1;
	[dreg:$0x6] =	wrdreg s19  }
0x10: {  	s17 =	sadd.s32 $0x1000, s19;
	s16 =	sshrl.u32 s22, $0x3;
	[dreg:$0x8] =	wrdreg s14  }
0x11: {  	s28 =	sshrl.u32 s18, $0x3;
	s18 =	sadd.s32 s26, s5;
	[dreg:$0x9] =	wrdreg s17  }
0x12: {  	s22 =	sadd.s32 $0x4000, s19;
	s26 =	sadd.s32 $0x7000, s19;
	[dreg:$0x12] =	wrdreg s18  }
0x13: {  	s11 =	sadd.s32 s10, s2;
	s10 =	sadd.s32 s12, s5;
	[dreg:$0x15] =	wrdreg s22  }
0x14: {  	s12 =	smul.u32 $0x2880, s15;
	s15 =	sadd.s32 s20, s5;
	[dreg:$0x18] =	wrdreg s26  }
0x15: {  	s25 =	sadd.s32 s3, s24;
	s20 =	sadd.s32 s13, s5;
	[dreg:$0x10] =	wrdreg s15  }
0x16: {  	s14 =	sshrl.u32 s21, $0x3;
	s21 =	sadd.s32 $0x3000, s19;
	[dreg:$0x13] =	wrdreg s20  }
0x17: {  	s3 =	sadd.s32 s3, s13;
	s13 =	sadd.s32 $0xB000, s19;
	[dreg:$0x14] =	wrdreg s21  }
0x18: {  	s17 =	sadd.s32 $0xF000, s19;
	[dreg:$0x1c] =	wrdreg s13  }
0x19: {  	s7 =	sadd.s32 $0x3E00, s2;
	s18 =	sadd.s32 $0x10000, s19;
	[smem:$0x7F5] =	sst s17  }
0x1a: {  	s8 =	sadd.s32 $0x2BE00, s2;
	s22 =	sadd.s32 $0x13000, s19;
	[smem:$0x7F6] =	sst s18  }
0x1b: {  	s9 =	sadd.s32 $0x53E00, s2;
	s2 =	sadd.s32 $0x7BE00, s2;
	[smem:$0x7F9] =	sst s22  }
0x1c: {  	s14 =	sadd.s32 s2, s14;
	[dreg:$0x7] =	wrdreg s10  }
0x1d: {  	s23 =	sadd.s32 s2, s16;
	s16 =	sshrl.u32 s25, $0x3;
	[dreg:$0xa] =	wrdreg s14  }
0x1e: {  	s25 =	sadd.s32 $0x85E00, s11;
	s11 =	sadd.s32 $0xA000, s19;
	[dreg:$0xb] =	wrdreg s23  }
0x1f: {  	s15 =	sadd.s32 $0xD000, s19;
	[dreg:$0x1b] =	wrdreg s11  }
0x20: {  	s20 =	sadd.s32 $0x11000, s19;
	[dreg:$0x1e] =	wrdreg s15  }
0x21: {  	s21 =	sadd.s32 $0x12000, s19;
	[smem:$0x7F7] =	sst s20  }
0x22: {  	s26 =	sadd.s32 $0x1800, s10;
	[smem:$0x7F8] =	sst s21  }
0x23: {  	s16 =	sadd.s32 s2, s16;
	[smem:$0x7FC] =	sst s26  }
0x24: {  	s23 =	sadd.s32 $0x5000, s19;
	[dreg:$0xc] =	wrdreg s16  }
0x25: {  	s14 =	sadd.s32 $0xC000, s19;
	[dreg:$0x16] =	wrdreg s23  }
0x26: {  	s3 =	sshrl.u32 s3, $0x3;
	s16 =	sadd.s32 s2, s28;
	[dreg:$0x1d] =	wrdreg s14  }
0x27: {  	s2 =	sadd.s32 s2, s3;
	[dreg:$0xd] =	wrdreg s16  }
0x28: {  	s3 =	sadd.s32 $0x2000, s19;
	[dreg:$0xe] =	wrdreg s2  }
0x29: {  	s29 =	simm.s32 $0x180;
	s28 =	sadd.s32 $0x8000, s19;
	[dreg:$0xf] =	wrdreg s3  }
0x2a: {  	s30 =	simm.s32 $0x4;
	s23 =	sadd.s32 $0x800, s10;
	[dreg:$0x19] =	wrdreg s28  }
0x2b: {  	s31 =	simm.s32 $0x80;
	s16 =	sadd.s32 s24, s5;
	[smem:$0x7FA] =	sst s23  }
0x2c: {  	s13 =	simm.s32 $0x2;
	s24 =	sadd.s32 $0x6000, s19;
	[dreg:$0x11] =	wrdreg s16  }
0x2d: {  	s17 =	simm.s32 $0x0;
	s3 =	sadd.s32 $0x9000, s19;
	[dreg:$0x17] =	wrdreg s24  }
0x2e: {  	s15 =	simm.s32 $0x100;
	s28 =	sadd.s32 $0x2000, s10;
	[dreg:$0x1a] =	wrdreg s3  }
0x2f: {  	v0 =	vimm.f32 $0.0e+00;
	v1 =	vimm.s32 $0x7;
	v2 =	vimm.s32 $0x0;
	s14 =	simm.s32 $0x3;
	s16 =	sadd.s32 $0xE000, s19;
	[smem:$0x7FD] =	sst s28  }
0x30: {  	v3 =	vimm.s32 $0x1;
	v4 =	vimm.s32 $0x2;
	v5 =	vimm.s32 $0x3;
	s2 =	simm.s32 $0x30;
	s24 =	sadd.s32 $0x1000, s10;
	[dreg:$0x1f] =	wrdreg s16  }
0x31: {  	v6 =	vimm.s32 $0x4;
	v7 =	vimm.s32 $0x5;
	v8 =	vimm.s32 $0x6;
	s3 =	simm.s32 $0x1;
	[smem:$0x7FB] =	sst s24;
	s16 =	simm.s32 $0x4980  }
.LBB2_1:
0x32: {  	s11 =	simm.s32 $0x0;
	s18 =	simm.s32 $0x200  }
.LBB2_2:
0x33: {  	p0 =	sne.s32 s18, $0x3E00;
	[tilespmem:s11+$0x1F0] =	vst v0  }
0x34: {  	[tilespmem:s11+$0x180] =	vst v0  }
0x35: {  	[tilespmem:s11+$0x190] =	vst v0  }
.Ltmp0:
0x36: {  	[tilespmem:s11+$0x1A0] =	vst v0;
	(pc) =	sbr.rel @p0 .LBB2_2-.Ltmp0, $4  }
0x37: {  	[tilespmem:s11+$0x1B0] =	vst v0  }
0x38: {  	[tilespmem:s11+$0x1C0] =	vst v0  }
0x39: {  	[tilespmem:s11+$0x1D0] =	vst v0  }
0x3a: {  	[tilespmem:s11+$0x1E0] =	vst v0;
	s11 =	sshra.s32 s18, $0x2;
	s18 =	sadd.s32 $0x200, s18  }
0x3b: {  	[tilespmem:s11+$0x1F0] =	vst v0  }
0x3c: {  	[tilespmem:s11+$0x180] =	vst v0  }
0x3d: {  	[tilespmem:s11+$0x190] =	vst v0  }
0x3e: {  	[tilespmem:s11+$0x1A0] =	vst v0  }
0x3f: {  	[tilespmem:s11+$0x1B0] =	vst v0  }
0x40: {  	[tilespmem:s11+$0x1C0] =	vst v0  }
0x41: {  	[tilespmem:s11+$0x1D0] =	vst v0  }
0x42: {  	[tilespmem:s11+$0x1E0] =	vst v0  }
0x43: {  	[spmem:s19] =	stream.linear.scatter [tilespmem:s29], [sflag:$0x4], $0x1000, $0x38;
	[tilespmem:$0x1C980] =	vst v63  }
0x44: {  	_ =	swait.ge [sflag:s30], $0x1000  }
0x45: {  	[sflag:s30] =	ssyncset.done $0x0  }
0x46: {  	s22 =	rddreg [dreg:$0x9];
	[sflag:s30] =	ssyncadd.s32 $0xFFFFF000  }
0x47: {  	[spmem:s22] =	stream.linear.scatter [tilespmem:s29], [sflag:$0x4], $0x1000, $0x38;
	[tilespmem:$0x1C980] =	vst v63  }
0x48: {  	_ =	swait.ge [sflag:s30], $0x1000  }
0x49: {  	[sflag:s30] =	ssyncset.done $0x0  }
0x4a: {  	s23 =	rddreg [dreg:$0xf];
	[sflag:s30] =	ssyncadd.s32 $0xFFFFF000  }
0x4b: {  	[spmem:s23] =	stream.linear.scatter [tilespmem:s29], [sflag:$0x4], $0x1000, $0x38;
	[tilespmem:$0x1C980] =	vst v63  }
0x4c: {  	_ =	swait.ge [sflag:s30], $0x1000  }
0x4d: {  	[sflag:s30] =	ssyncset.done $0x0  }
0x4e: {  	s24 =	rddreg [dreg:$0x14];
	[sflag:s30] =	ssyncadd.s32 $0xFFFFF000  }
0x4f: {  	[spmem:s24] =	stream.linear.scatter [tilespmem:s29], [sflag:$0x4], $0x1000, $0x38;
	[tilespmem:$0x1C980] =	vst v63  }
0x50: {  	_ =	swait.ge [sflag:s30], $0x1000  }
0x51: {  	[sflag:s30] =	ssyncset.done $0x0  }
0x52: {  	s26 =	rddreg [dreg:$0x15];
	[sflag:s30] =	ssyncadd.s32 $0xFFFFF000  }
0x53: {  	[spmem:s26] =	stream.linear.scatter [tilespmem:s29], [sflag:$0x4], $0x1000, $0x38;
	[tilespmem:$0x1C980] =	vst v63  }
0x54: {  	_ =	swait.ge [sflag:s30], $0x1000  }
0x55: {  	[sflag:s30] =	ssyncset.done $0x0  }
0x56: {  	s28 =	rddreg [dreg:$0x16];
	[sflag:s30] =	ssyncadd.s32 $0xFFFFF000  }
0x57: {  	[spmem:s28] =	stream.linear.scatter [tilespmem:s29], [sflag:$0x4], $0x1000, $0x38;
	[tilespmem:$0x1C980] =	vst v63  }
0x58: {  	_ =	swait.ge [sflag:s30], $0x1000  }
0x59: {  	[sflag:s30] =	ssyncset.done $0x0  }
0x5a: {  	s18 =	rddreg [dreg:$0x17];
	[sflag:s30] =	ssyncadd.s32 $0xFFFFF000  }
0x5b: {  	[spmem:s18] =	stream.linear.scatter [tilespmem:s29], [sflag:$0x4], $0x1000, $0x38;
	[tilespmem:$0x1C980] =	vst v63  }
0x5c: {  	_ =	swait.ge [sflag:s30], $0x1000  }
0x5d: {  	[sflag:s30] =	ssyncset.done $0x0  }
0x5e: {  	s19 =	rddreg [dreg:$0x18];
	[sflag:s30] =	ssyncadd.s32 $0xFFFFF000  }
0x5f: {  	[spmem:s19] =	stream.linear.scatter [tilespmem:s29], [sflag:$0x4], $0x1000, $0x38;
	[tilespmem:$0x1C980] =	vst v63  }
0x60: {  	_ =	swait.ge [sflag:s30], $0x1000  }
0x61: {  	[sflag:s30] =	ssyncset.done $0x0  }
0x62: {  	s20 =	rddreg [dreg:$0x19];
	[sflag:s30] =	ssyncadd.s32 $0xFFFFF000  }
0x63: {  	[spmem:s20] =	stream.linear.scatter [tilespmem:s29], [sflag:$0x4], $0x1000, $0x38;
	[tilespmem:$0x1C980] =	vst v63  }
0x64: {  	_ =	swait.ge [sflag:s30], $0x1000  }
0x65: {  	[sflag:s30] =	ssyncset.done $0x0  }
0x66: {  	s21 =	rddreg [dreg:$0x1a];
	[sflag:s30] =	ssyncadd.s32 $0xFFFFF000  }
0x67: {  	[spmem:s21] =	stream.linear.scatter [tilespmem:s29], [sflag:$0x4], $0x1000, $0x38;
	[tilespmem:$0x1C980] =	vst v63  }
0x68: {  	_ =	swait.ge [sflag:s30], $0x1000  }
0x69: {  	[sflag:s30] =	ssyncset.done $0x0  }
0x6a: {  	s22 =	rddreg [dreg:$0x1b];
	[sflag:s30] =	ssyncadd.s32 $0xFFFFF000  }
0x6b: {  	[spmem:s22] =	stream.linear.scatter [tilespmem:s29], [sflag:$0x4], $0x1000, $0x38;
	[tilespmem:$0x1C980] =	vst v63  }
0x6c: {  	_ =	swait.ge [sflag:s30], $0x1000  }
0x6d: {  	[sflag:s30] =	ssyncset.done $0x0  }
0x6e: {  	s23 =	rddreg [dreg:$0x1c];
	[sflag:s30] =	ssyncadd.s32 $0xFFFFF000  }
0x6f: {  	[spmem:s23] =	stream.linear.scatter [tilespmem:s29], [sflag:$0x4], $0x1000, $0x38;
	[tilespmem:$0x1C980] =	vst v63  }
0x70: {  	_ =	swait.ge [sflag:s30], $0x1000  }
0x71: {  	[sflag:s30] =	ssyncset.done $0x0  }
0x72: {  	s24 =	rddreg [dreg:$0x1d];
	[sflag:s30] =	ssyncadd.s32 $0xFFFFF000  }
0x73: {  	[spmem:s24] =	stream.linear.scatter [tilespmem:s29], [sflag:$0x4], $0x1000, $0x38;
	[tilespmem:$0x1C980] =	vst v63  }
0x74: {  	_ =	swait.ge [sflag:s30], $0x1000  }
0x75: {  	[sflag:s30] =	ssyncset.done $0x0  }
0x76: {  	s26 =	rddreg [dreg:$0x1e];
	[sflag:s30] =	ssyncadd.s32 $0xFFFFF000  }
0x77: {  	[spmem:s26] =	stream.linear.scatter [tilespmem:s29], [sflag:$0x4], $0x1000, $0x38;
	[tilespmem:$0x1C980] =	vst v63  }
0x78: {  	_ =	swait.ge [sflag:s30], $0x1000  }
0x79: {  	[sflag:s30] =	ssyncset.done $0x0  }
0x7a: {  	s28 =	rddreg [dreg:$0x1f];
	[sflag:s30] =	ssyncadd.s32 $0xFFFFF000  }
0x7b: {  	[spmem:s28] =	stream.linear.scatter [tilespmem:s29], [sflag:$0x4], $0x1000, $0x38;
	[tilespmem:$0x1C980] =	vst v63  }
0x7c: {  	_ =	swait.ge [sflag:s30], $0x1000  }
0x7d: {  	s18 =	sld [smem:$0x7F5]  }
0x7e: {  	[sflag:s30] =	ssyncset.done $0x0  }
0x7f: {  	[sflag:s30] =	ssyncadd.s32 $0xFFFFF000  }
0x80: {  	[spmem:s18] =	stream.linear.scatter [tilespmem:s29], [sflag:$0x4], $0x1000, $0x38;
	[tilespmem:$0x1C980] =	vst v63  }
0x81: {  	_ =	swait.ge [sflag:s30], $0x1000  }
0x82: {  	s19 =	sld [smem:$0x7F6]  }
0x83: {  	[sflag:s30] =	ssyncset.done $0x0  }
0x84: {  	[sflag:s30] =	ssyncadd.s32 $0xFFFFF000  }
0x85: {  	[spmem:s19] =	stream.linear.scatter [tilespmem:s29], [sflag:$0x4], $0x1000, $0x38;
	[tilespmem:$0x1C980] =	vst v63  }
0x86: {  	_ =	swait.ge [sflag:s30], $0x1000  }
0x87: {  	s20 =	sld [smem:$0x7F7]  }
0x88: {  	[sflag:s30] =	ssyncset.done $0x0  }
0x89: {  	[sflag:s30] =	ssyncadd.s32 $0xFFFFF000  }
0x8a: {  	[spmem:s20] =	stream.linear.scatter [tilespmem:s29], [sflag:$0x4], $0x1000, $0x38;
	[tilespmem:$0x1C980] =	vst v63  }
0x8b: {  	_ =	swait.ge [sflag:s30], $0x1000  }
0x8c: {  	s21 =	sld [smem:$0x7F8]  }
0x8d: {  	[sflag:s30] =	ssyncset.done $0x0  }
0x8e: {  	[sflag:s30] =	ssyncadd.s32 $0xFFFFF000  }
0x8f: {  	[spmem:s21] =	stream.linear.scatter [tilespmem:s29], [sflag:$0x4], $0x1000, $0x38;
	[tilespmem:$0x1C980] =	vst v63  }
0x90: {  	_ =	swait.ge [sflag:s30], $0x1000  }
0x91: {  	s22 =	sld [smem:$0x7F9]  }
0x92: {  	[sflag:s30] =	ssyncset.done $0x0  }
0x93: {  	[sflag:s30] =	ssyncadd.s32 $0xFFFFF000  }
0x94: {  	[spmem:s22] =	stream.linear.scatter [tilespmem:s29], [sflag:$0x4], $0x1000, $0x38;
	[tilespmem:$0x1C980] =	vst v63  }
0x95: {  	_ =	swait.ge [sflag:s30], $0x1000  }
0x96: {  	[sflag:s30] =	ssyncset.done $0x0  }
0x97: {  	[sflag:s30] =	ssyncadd.s32 $0xFFFFF000  }
0x98: {  	[spmem:s10] =	stream.linear.scatter [tilespmem:s29], [sflag:$0x4], $0x800, $0x38;
	[tilespmem:$0x1C980] =	vst v63  }
0x99: {  	_ =	swait.ge [sflag:s30], $0x800  }
0x9a: {  	s23 =	sld [smem:$0x7FA]  }
0x9b: {  	[sflag:s30] =	ssyncset.done $0x0  }
0x9c: {  	[sflag:s30] =	ssyncadd.s32 $0xFFFFF800  }
0x9d: {  	[spmem:s23] =	stream.linear.scatter [tilespmem:s29], [sflag:$0x4], $0x800, $0x38;
	[tilespmem:$0x1C980] =	vst v63  }
0x9e: {  	_ =	swait.ge [sflag:s30], $0x800  }
0x9f: {  	s24 =	sld [smem:$0x7FB]  }
0xa0: {  	[sflag:s30] =	ssyncset.done $0x0  }
0xa1: {  	[sflag:s30] =	ssyncadd.s32 $0xFFFFF800  }
0xa2: {  	[spmem:s24] =	stream.linear.scatter [tilespmem:s29], [sflag:$0x4], $0x800, $0x38;
	[tilespmem:$0x1C980] =	vst v63  }
0xa3: {  	_ =	swait.ge [sflag:s30], $0x800  }
0xa4: {  	s26 =	sld [smem:$0x7FC]  }
0xa5: {  	[sflag:s30] =	ssyncset.done $0x0  }
0xa6: {  	[sflag:s30] =	ssyncadd.s32 $0xFFFFF800  }
0xa7: {  	[spmem:s26] =	stream.linear.scatter [tilespmem:s29], [sflag:$0x4], $0x800, $0x38;
	[tilespmem:$0x1C980] =	vst v63  }
0xa8: {  	_ =	swait.ge [sflag:s30], $0x800  }
0xa9: {  	s28 =	sld [smem:$0x7FD]  }
0xaa: {  	[sflag:s30] =	ssyncset.done $0x0  }
0xab: {  	[sflag:s30] =	ssyncadd.s32 $0xFFFFF800  }
0xac: {  	[spmem:s28] =	stream.linear.scatter [tilespmem:s29], [sflag:$0x4], $0x800, $0x38;
	[tilespmem:$0x1C980] =	vst v63  }
0xad: {  	_ =	swait.ge [sflag:s30], $0x800  }
0xae: {  	[sflag:s30] =	ssyncset.done $0x0  }
0xaf: {  	[sflag:s30] =	ssyncadd.s32 $0xFFFFF800  }
0xb0: {  	s18 =	simm.s32 $0x0;
	s19 =	simm.s32 $0x0;
	[bflag:$0x0] =	sbarrier.arrive $0xFFFF  }
.LBB2_4:
0xb1: {  	s11 =	smul.u32 $0x30, s19;
	_ =	sdelay $0x1  }
0xb2: {  	s11 =	sadd.s32 s12, s11  }
0xb3: {  	s11 =	sshrl.u32 s11, $0x3  }
0xb4: {  	s20 =	sadd.s32 s0, s11  }
0xb5: {  	[tilespmem:s18], [sflag:$0x4] =	stream.linear.gather [hbm4b:s20+s18], $0x30, $0x38;
	[tilespmem:$0x1C980] =	vst v63  }
0xb6: {  	_ =	swait.ge [sflag:s30], $0x30  }
0xb7: {  	[sflag:s30] =	ssyncset.done $0x0  }
0xb8: {  	s11 =	sadd.s32 s1, s11;
	[sflag:s30] =	ssyncadd.s32 $0xFFFFFFD0  }
0xb9: {  	[tilespmem:s31], [sflag:$0x4] =	stream.linear.gather [hbm4b:s11+s18], $0x30, $0x38;
	[tilespmem:$0x1C980] =	vst v63  }
0xba: {  	_ =	swait.ge [sflag:s30], $0x30  }
0xbb: {  	[sflag:s30] =	ssyncset.done $0x0  }
0xbc: {  	[sflag:s30] =	ssyncadd.s32 $0xFFFFFFD0  }
0xbd: {  	v9 =	vld [tilespmem:$0x80]  }
0xbe: {  	v10 =	vld [tilespmem:$0x90]  }
0xbf: {  	v11 =	vld [tilespmem:$0xA0];
	_ =	sdelay $0x2  }
0xc0: {  	v9 =	vshra.s32 v9, $0x3  }
0xc1: {  	[tilespmem:$0x100] =	vst v9;
	v9 =	vshra.s32 v10, $0x3  }
0xc2: {  	[tilespmem:$0x110] =	vst v9;
	v9 =	vshra.s32 v11, $0x3  }
0xc3: {  	[tilespmem:$0x120] =	vst v9  }
0xc4: {  	[tilespmem:s29], [sflag:$0x1] =	stream.indirect.gather [hbm4b:s7+s2], $0x80, s18, s2, $0xb8;
	[tilespmem:$0x1C980] =	vst v63  }
0xc5: {  	s20 =	simm.s32 $0x1980  }
0xc6: {  	[tilespmem:s20], [sflag:$0x2] =	stream.indirect.gather [hbm4b:s8+s2], $0x80, s18, s2, $0xb8;
	[tilespmem:$0x1C980] =	vst v63  }
0xc7: {  	s21 =	simm.s32 $0x3180  }
0xc8: {  	[tilespmem:s21], [sflag:$0x3] =	stream.indirect.gather [hbm4b:s9+s2], $0x80, s31, s2, $0xb8;
	[tilespmem:$0x1C980] =	vst v63  }
0xc9: {  	_ =	swait.ge [sflag:s3], $0x1800  }
0xca: {  	[sflag:s3] =	ssyncset.done $0x0  }
0xcb: {  	[sflag:s3] =	ssyncadd.s32 $0xFFFFE800  }
0xcc: {  	_ =	swait.ge [sflag:s13], $0x1800  }
0xcd: {  	[sflag:s13] =	ssyncset.done $0x0  }
0xce: {  	[sflag:s13] =	ssyncadd.s32 $0xFFFFE800  }
0xcf: {  	_ =	swait.ge [sflag:s14], $0x1800  }
0xd0: {  	[sflag:s14] =	ssyncset.done $0x0  }
0xd1: {  	[sflag:s14] =	ssyncadd.s32 $0xFFFFE800  }
0xd2: {  	v9 =	vld [tilespmem:s21+$0x0]  }
0xd3: {  	v10 =	vld [tilespmem:s20+$0x0];
	_ =	sdelay $0x4  }
0xd4: {  	v9 =	vadd.f32 v9, v10;
	_ =	sdelay $0x1  }
0xd5: {  	v10 =	vmul.f32 $2.000000030e-01, v9  }
0xd6: {  	vm0 =	vge.f32 v9, $0.0e+00  }
0xd7: {  	v9 =	vsel vm0, v9, v10  }
0xd8: {  	s26 =	sand.u32 $0x30, s18;
	v9 =	vmul.f32 $1.442695020e+00, v9  }
0xd9: {  	v10 =	vld [tilespmem:s26+$0x80]  }
0xda: {  	(erf) = vpow2.f32 v9;
	_ =	sdelay $0x2  }
0xdb: {  	v9 =	vmov s18  }
0xdc: {  	v9 =	vperm.xlane v10, v9;
	_ =	sdelay $0x1  }
0xdd: {  	v10 =	vand.u32 $0x7, v9  }
0xde: {  	vm13 =	veq.s32 v10, $0x1  }
0xdf: {  	vm1 =	veq.s32 v10, $0x6;
	vm2 =	veq.s32 v10, $0x7;
	vm3 =	veq.s32 v10, $0x5  }
0xe0: {  	vm4 =	veq.s32 v10, $0x0;
	vm5 =	veq.s32 v10, $0x3;
	v11 =	vsel vm3, $0x3F800000, v2;
	v9 =	vpop (erf)  }
0xe1: {  	vm14 =	veq.s32 v10, $0x2;
	v12 =	vsel vm5, $0x3F800000, v2;
	v11 =	vmul.f32 v11, v9  }
0xe2: {  	s23 =	simm.s32 $0x49C0;
	vm15 =	veq.s32 v10, $0x4;
	v13 =	vsel vm4, $0x3F800000, v2;
	v12 =	vmul.f32 v12, v9  }
0xe3: {  	v14 =	vsel vm13, $0x3F800000, v2;
	v15 =	vsel vm1, $0x3F800000, v2;
	v16 =	vmul.f32 v13, v9;
	[tilespmem:s23+$0x10] =	vst v11  }
0xe4: {  	v10 =	vsel vm14, $0x3F800000, v2;
	v15 =	vmul.f32 v15, v9;
	v11 =	vsel vm2, $0x3F800000, v2;
	[tilespmem:s23+$0xFFFFFFF0] =	vst v12  }
0xe5: {  	s24 =	simm.s32 $0x1C0;
	v10 =	vmul.f32 v10, v9;
	v12 =	vsel vm15, $0x3F800000, v2;
	[tilespmem:s23+$0xFFFFFFC0] =	vst v16;
	v13 =	vmul.f32 v11, v9  }
0xe6: {  	s28 =	simm.s32 $0x4A40;
	s22 =	simm.s32 $0x1C0;
	s26 =	simm.s32 $0x1;
	[tilespmem:s23+$0x20] =	vst v15;
	v11 =	vmul.f32 v12, v9;
	v12 =	vmul.f32 v14, v9  }
.LBB2_5:
0xe7: {  	[tilespmem:s23+$0x30] =	vst v13;
	s21 =	sadd.s32 $0x80, s21;
	s20 =	sadd.s32 $0x80, s20;
	s24 =	sadd.s32 $0x80, s24  }
0xe8: {  	p0 =	sne.s32 s26, $0x2F;
	s11 =	smov.u32 s26;
	s26 =	sadd.s32 $0x1, s26;
	[tilespmem:s23+$0xFFFFFFE0] =	vst v10  }
0xe9: {  	[tilespmem:s23+$0xFFFFFFD0] =	vst v12  }
0xea: {  	[tilespmem:s23+$0x0] =	vst v11;
	s23 =	smov.u32 s28  }
0xeb: {  	v11 =	vperm.xlane v9, v8;
	v10 =	vld [tilespmem:s22+$0xFFFFFFC0]  }
0xec: {  	v13 =	vperm.xlane v9, v1;
	v12 =	vld [tilespmem:s22+$0xFFFFFFD0]  }
0xed: {  	v14 =	vld [tilespmem:s22+$0xFFFFFFE0]  }
0xee: {  	v15 =	vperm.xlane v9, v2;
	v16 =	vld [tilespmem:s22+$0xFFFFFFF0]  }
0xef: {  	v17 =	vperm.xlane v9, v3;
	v18 =	vld [tilespmem:s22+$0x0]  }
0xf0: {  	v10 =	vmul.f32 v10, v15;
	v15 =	vperm.xlane v9, v4;
	v19 =	vld [tilespmem:s22+$0x10]  }
0xf1: {  	v12 =	vmul.f32 v12, v17;
	v17 =	vperm.xlane v9, v5;
	v20 =	vld [tilespmem:s22+$0x20]  }
0xf2: {  	[tilespmem:s22+$0xFFFFFFC0] =	vst v10;
	v10 =	vmul.f32 v14, v15;
	v14 =	vperm.xlane v9, v6;
	v15 =	vld [tilespmem:s22+$0x30]  }
0xf3: {  	v9 =	vperm.xlane v9, v7;
	[tilespmem:s22+$0xFFFFFFD0] =	vst v12;
	v12 =	vmul.f32 v16, v17  }
0xf4: {  	[tilespmem:s22+$0xFFFFFFE0] =	vst v10;
	v10 =	vmul.f32 v18, v14  }
0xf5: {  	[tilespmem:s22+$0xFFFFFFF0] =	vst v12;
	v9 =	vmul.f32 v19, v9  }
0xf6: {  	[tilespmem:s22+$0x0] =	vst v10;
	v10 =	vmul.f32 v20, v11  }
0xf7: {  	[tilespmem:s22+$0x10] =	vst v9;
	v9 =	vmul.f32 v15, v13  }
0xf8: {  	[tilespmem:s22+$0x20] =	vst v10  }
0xf9: {  	[tilespmem:s22+$0x30] =	vst v9;
	s22 =	smov.u32 s24  }
0xfa: {  	v9 =	vld [tilespmem:s21+$0x0]  }
0xfb: {  	v10 =	vld [tilespmem:s20+$0x0];
	_ =	sdelay $0x4  }
0xfc: {  	v9 =	vadd.f32 v9, v10;
	_ =	sdelay $0x1  }
0xfd: {  	v10 =	vmul.f32 $2.000000030e-01, v9  }
0xfe: {  	s10 =	sand.u32 $0x30, s11;
	vm0 =	vge.f32 v9, $0.0e+00  }
0xff: {  	v9 =	vsel vm0, v9, v10;
	v10 =	vld [tilespmem:s10+$0x80]  }
0x100: {  	v9 =	vmul.f32 $1.442695020e+00, v9;
	_ =	sdelay $0x1  }
0x101: {  	(erf) = vpow2.f32 v9  }
0x102: {  	v9 =	vmov s11  }
0x103: {  	v9 =	vperm.xlane v10, v9;
	_ =	sdelay $0x1  }
0x104: {  	v9 =	vand.u32 $0x7, v9  }
0x105: {  	vm0 =	veq.s32 v9, $0x1;
	vm1 =	veq.s32 v9, $0x6;
	vm2 =	veq.s32 v9, $0x7  }
0x106: {  	vm3 =	veq.s32 v9, $0x0;
	vm4 =	veq.s32 v9, $0x2;
	vm5 =	veq.s32 v9, $0x3  }
0x107: {  	v12 =	vsel vm0, $0x3F800000, v2;
	vm0 =	veq.s32 v9, $0x5;
	v14 =	vsel vm1, $0x3F800000, v2  }
0x108: {  	v11 =	vsel vm3, $0x3F800000, v2;
	vm1 =	veq.s32 v9, $0x4;
	v13 =	vsel vm0, $0x3F800000, v2  }
0x109: {  	v10 =	vsel vm4, $0x3F800000, v2;
	v15 =	vsel vm2, $0x3F800000, v2;
	v9 =	vpop (erf)  }
0x10a: {  	v16 =	vsel vm5, $0x3F800000, v2;
	v10 =	vmul.f32 v10, v9;
	v17 =	vmul.f32 v13, v9  }
.Ltmp1:
0x10b: {  	v18 =	vsel vm1, $0x3F800000, v2;
	v16 =	vmul.f32 v16, v9;
	v13 =	vmul.f32 v15, v9;
	(pc) =	sbr.rel @p0 .LBB2_5-.Ltmp1, $4  }
0x10c: {  	v15 =	vmul.f32 v11, v9;
	v11 =	vmul.f32 v18, v9;
	[tilespmem:s28+$0x10] =	vst v17  }
0x10d: {  	v12 =	vmul.f32 v12, v9;
	v14 =	vmul.f32 v14, v9;
	[tilespmem:s28+$0xFFFFFFF0] =	vst v16  }
0x10e: {  	[tilespmem:s28+$0xFFFFFFC0] =	vst v15  }
0x10f: {  	s28 =	sadd.s32 $0x80, s28;
	[tilespmem:s23+$0x20] =	vst v14  }
0x110: {  	[tilespmem:s23+$0x30] =	vst v13  }
0x111: {  	[tilespmem:s23+$0xFFFFFFE0] =	vst v10  }
0x112: {  	[tilespmem:s23+$0xFFFFFFD0] =	vst v12  }
0x113: {  	[tilespmem:s23+$0x0] =	vst v11  }
0x114: {  	v10 =	vld [tilespmem:s22+$0xFFFFFFC0]  }
0x115: {  	v57 =	vperm.xlane v9, v2;
	v11 =	vld [tilespmem:s22+$0xFFFFFFD0]  }
0x116: {  	v15 =	vperm.xlane v9, v3;
	v58 =	vperm.xlane v9, v4;
	v61 =	vld [tilespmem:s22+$0x30]  }
0x117: {  	v59 =	vperm.xlane v9, v5;
	v60 =	vperm.xlane v9, v6;
	v12 =	vld [tilespmem:s22+$0xFFFFFFE0]  }
0x118: {  	v62 =	vperm.xlane v9, v7;
	v63 =	vperm.xlane v9, v8;
	v14 =	vld [tilespmem:s22+$0xFFFFFFF0]  }
0x119: {  	v9 =	vperm.xlane v9, v1;
	v16 =	vld [tilespmem:s22+$0x0];
	v10 =	vmul.f32 v10, v57  }
0x11a: {  	v17 =	vld [tilespmem:s22+$0x10];
	v11 =	vmul.f32 v11, v15  }
0x11b: {  	v18 =	vld [tilespmem:s22+$0x20];
	v9 =	vmul.f32 v61, v9;
	[tilespmem:s22+$0xFFFFFFC0] =	vst v10  }
0x11c: {  	v10 =	vmul.f32 v12, v58;
	[tilespmem:s22+$0xFFFFFFD0] =	vst v11  }
0x11d: {  	v11 =	vmul.f32 v14, v59;
	[tilespmem:s22+$0x30] =	vst v9  }
0x11e: {  	[tilespmem:s22+$0xFFFFFFE0] =	vst v10;
	v10 =	vmul.f32 v16, v60  }
0x11f: {  	[tilespmem:s22+$0xFFFFFFF0] =	vst v11;
	v11 =	vmul.f32 v17, v62  }
0x120: {  	[tilespmem:s22+$0x0] =	vst v10;
	v10 =	vmul.f32 v18, v63  }
0x121: {  	[tilespmem:s22+$0x10] =	vst v11  }
0x122: {  	[tilespmem:s22+$0x20] =	vst v10  }
0x123: {  	[spmem:s4] =	stream.indirect.scatter.add.f32 [tilespmem:s29], [sflag:$0x4], $0x80, s31, s2, $0xb8;
	[tilespmem:$0x1C980] =	vst v63  }
0x124: {  	s19 =	sadd.s32 $0x1, s19;
	_ =	swait.ge [sflag:s30], $0x1800  }
0x125: {  	p0 =	sne.s32 s19, $0xD8;
	[sflag:s30] =	ssyncset.done $0x0  }
.Ltmp2:
0x126: {  	[sflag:s30] =	ssyncadd.s32 $0xFFFFE800;
	(pc) =	sbr.rel @p0 .LBB2_4-.Ltmp2, $4  }
0x127: {  	[spmem:s5] =	stream.indirect.scatter.add.f32 [tilespmem:s16], [sflag:$0x4], $0x80, s15, s2, $0xb8;
	[tilespmem:$0x1C980] =	vst v63  }
0x128: {  	_ =	swait.ge [sflag:s30], $0x1800  }
0x129: {  	[sflag:s30] =	ssyncset.done $0x0  }
0x12a: {  	[sflag:s30] =	ssyncadd.s32 $0xFFFFE800  }
0x12b: {  	[bflag:$0x0] =	sbarrier.arrive $0xFFFF  }
0x12c: {  	s19 =	rddreg [dreg:$0x6]  }
0x12d: {  	[tilespmem:s29], [sflag:$0x4] =	stream.linear.gather [spmem:s19], $0x1000, $0x38;
	[tilespmem:$0x1C980] =	vst v63  }
0x12e: {  	_ =	swait.ge [sflag:s30], $0x1000  }
0x12f: {  	[sflag:s30] =	ssyncset.done $0x0  }
0x130: {  	s10 =	sadd.s32 $0x0, s25;
	[sflag:s30] =	ssyncadd.s32 $0xFFFFF000  }
0x131: {  	[hbm4b:s10+s6] =	stream.linear.scatter [tilespmem:s29], [sflag:$0x4], $0x1000, $0x38;
	[tilespmem:$0x1C980] =	vst v63  }
0x132: {  	_ =	swait.ge [sflag:s30], $0x1000  }
0x133: {  	s11 =	simm.s32 $0x200;
	s18 =	smov.u32 s19;
	[sflag:s30] =	ssyncset.done $0x0  }
.LBB2_8:
0x134: {  	p0 =	seq.s32 s11, $0x2600;
	[sflag:s30] =	ssyncadd.s32 $0xFFFFF000;
	s18 =	sadd.s32 $0x1000, s18  }
0x135: {  	[tilespmem:s29], [sflag:$0x4] =	stream.linear.gather [spmem:s18], $0x1000, $0x38;
	[tilespmem:$0x1C980] =	vst v63  }
0x136: {  	s10 =	smov.u32 s11;
	s11 =	sadd.s32 $0x200, s11;
	_ =	swait.ge [sflag:s30], $0x1000  }
.Ltmp3:
0x137: {  	[sflag:s30] =	ssyncset.done $0x0;
	(pc) =	sbr.rel @!p0 .LBB2_8-.Ltmp3, $4  }
0x138: {  	s10 =	sadd.s32 s10, s25;
	[sflag:s30] =	ssyncadd.s32 $0xFFFFF000  }
0x139: {  	[hbm4b:s10+s6] =	stream.linear.scatter [tilespmem:s29], [sflag:$0x4], $0x1000, $0x38;
	[tilespmem:$0x1C980] =	vst v63  }
0x13a: {  	_ =	swait.ge [sflag:s30], $0x1000  }
0x13b: {  	[sflag:s30] =	ssyncset.done $0x0  }
0x13c: {  	[sflag:s30] =	ssyncadd.s32 $0xFFFFF000;
	s10 =	rddreg [dreg:$0x7]  }
0x13d: {  	[tilespmem:s29], [sflag:$0x4] =	stream.linear.gather [spmem:s10], $0x800, $0x38;
	[tilespmem:$0x1C980] =	vst v63  }
0x13e: {  	_ =	swait.ge [sflag:s30], $0x800  }
0x13f: {  	[sflag:s30] =	ssyncset.done $0x0  }
0x140: {  	s11 =	rddreg [dreg:$0xa];
	[sflag:s30] =	ssyncadd.s32 $0xFFFFF800  }
0x141: {  	[hbm4b:s11+s6] =	stream.linear.scatter [tilespmem:s29], [sflag:$0x4], $0x800, $0x38;
	[tilespmem:$0x1C980] =	vst v63  }
0x142: {  	_ =	swait.ge [sflag:s30], $0x800  }
0x143: {  	[sflag:s30] =	ssyncset.done $0x0  }
0x144: {  	s28 =	rddreg [dreg:$0x10];
	[sflag:s30] =	ssyncadd.s32 $0xFFFFF800  }
0x145: {  	[tilespmem:s29], [sflag:$0x4] =	stream.linear.gather [spmem:s28], $0x800, $0x38;
	[tilespmem:$0x1C980] =	vst v63  }
0x146: {  	_ =	swait.ge [sflag:s30], $0x800  }
0x147: {  	[sflag:s30] =	ssyncset.done $0x0  }
0x148: {  	s18 =	rddreg [dreg:$0xb];
	[sflag:s30] =	ssyncadd.s32 $0xFFFFF800  }
0x149: {  	[hbm4b:s18+s6] =	stream.linear.scatter [tilespmem:s29], [sflag:$0x4], $0x800, $0x38;
	[tilespmem:$0x1C980] =	vst v63  }
0x14a: {  	_ =	swait.ge [sflag:s30], $0x800  }
0x14b: {  	[sflag:s30] =	ssyncset.done $0x0  }
0x14c: {  	s20 =	rddreg [dreg:$0x11];
	[sflag:s30] =	ssyncadd.s32 $0xFFFFF800  }
0x14d: {  	[tilespmem:s29], [sflag:$0x4] =	stream.linear.gather [spmem:s20], $0x800, $0x38;
	[tilespmem:$0x1C980] =	vst v63  }
0x14e: {  	_ =	swait.ge [sflag:s30], $0x800  }
0x14f: {  	[sflag:s30] =	ssyncset.done $0x0  }
0x150: {  	s21 =	rddreg [dreg:$0xc];
	[sflag:s30] =	ssyncadd.s32 $0xFFFFF800  }
0x151: {  	[hbm4b:s21+s6] =	stream.linear.scatter [tilespmem:s29], [sflag:$0x4], $0x800, $0x38;
	[tilespmem:$0x1C980] =	vst v63  }
0x152: {  	_ =	swait.ge [sflag:s30], $0x800  }
0x153: {  	[sflag:s30] =	ssyncset.done $0x0  }
0x154: {  	s22 =	rddreg [dreg:$0x12];
	[sflag:s30] =	ssyncadd.s32 $0xFFFFF800  }
0x155: {  	[tilespmem:s29], [sflag:$0x4] =	stream.linear.gather [spmem:s22], $0x800, $0x38;
	[tilespmem:$0x1C980] =	vst v63  }
0x156: {  	_ =	swait.ge [sflag:s30], $0x800  }
0x157: {  	[sflag:s30] =	ssyncset.done $0x0  }
0x158: {  	s23 =	rddreg [dreg:$0xd];
	[sflag:s30] =	ssyncadd.s32 $0xFFFFF800  }
0x159: {  	[hbm4b:s23+s6] =	stream.linear.scatter [tilespmem:s29], [sflag:$0x4], $0x800, $0x38;
	[tilespmem:$0x1C980] =	vst v63  }
0x15a: {  	_ =	swait.ge [sflag:s30], $0x800  }
0x15b: {  	[sflag:s30] =	ssyncset.done $0x0  }
0x15c: {  	s24 =	rddreg [dreg:$0x13];
	[sflag:s30] =	ssyncadd.s32 $0xFFFFF800  }
0x15d: {  	[tilespmem:s29], [sflag:$0x4] =	stream.linear.gather [spmem:s24], $0x800, $0x38;
	[tilespmem:$0x1C980] =	vst v63  }
0x15e: {  	_ =	swait.ge [sflag:s30], $0x800  }
0x15f: {  	[sflag:s30] =	ssyncset.done $0x0  }
0x160: {  	s26 =	rddreg [dreg:$0xe];
	[sflag:s30] =	ssyncadd.s32 $0xFFFFF800  }
0x161: {  	[hbm4b:s26+s6] =	stream.linear.scatter [tilespmem:s29], [sflag:$0x4], $0x800, $0x38;
	[tilespmem:$0x1C980] =	vst v63  }
0x162: {  	_ =	swait.ge [sflag:s30], $0x800  }
0x163: {  	s17 =	sadd.s32 $0x1, s17;
	s28 =	rddreg [dreg:$0x8]  }
0x164: {  	p0 =	seq.s32 s17, s28  }
.Ltmp4:
0x165: {  	_ = 	snop;
	(pc) =	sbr.rel @!p0 .LBB2_1-.Ltmp4, $3  }
0x166: {  	_ =	sdelay $0x1  }
0x167: {  	[sflag:s30] =	ssyncset.done $0x0  }
0x168: {  	[sflag:s30] =	ssyncadd.s32 $0xFFFFF800  }
0x169: {  	_ =	sfence.sel $0x180000  }
0x16a: {  	[bflag:$0x0] =	sbarrier.arrive $0xFFFF  }
0x16b: {  	_ =	strace $0x90000047  }
0x16c: {  	s0 =	stileid.u32;
	[bflag:$0x2] =	sbarrier.arrive $0xFFFF  }
0x16d: {  	p0 =	sne.s32 s0, $0x0;
	s0 =	rddreg [dreg:$0x5]  }
0x16e: {  	s0 =	sadd.s32 @!p0 $0x100000, s0  }
0x16f: {  	[sflag:s0] =	ssyncadd.tile.s32 @!p0 $0x1;
	_ =	shalt  }
.Lfunc_end2:
_tile_overlayer_lowered:
.L_overlay_start_2:
0x170: {  	(tag) =	ssettag $0x2  }
0x171: {  	s0 =	rddreg [dreg:$0x0];
	s2 =	stileid.u32  }
0x172: {  	s1 =	rddreg [dreg:$0x1];
	p0 =	sne.s32 s2, $0x0  }
0x173: {  	s3 =	rddreg [dreg:$0x2];
	[bflag:$0x3] =	sbarrier.arrive $0xFFFF;
	s2 =	simm.s32 @!p0 $0x1C04  }
0x174: {  	[timem:s3], [sflag:s2] =	dma.local @!p0 [hbm:s0], s1  }
0x175: {  	s0 =	simm.s32 @!p0 $0x4  }
0x176: {  	_ =	swait.ge @!p0 [sflag:s0], s1  }
0x177: {  	s1 =	ssub.s32 @!p0 $0x0, s1;
	[sflag:s0] =	ssyncset.done @!p0 $0x0  }
0x178: {  	[sflag:s0] =	ssyncadd.s32 @!p0 s1  }
0x179: {  	[bflag:$0x3] =	sbarrier.arrive $0xFFFF  }
0x17a: {  	_ =	shalt  }

// kernel: kernel.14.cloned.1.call-start
scs
__scs_entry_jumppad:
0x0: {  	(pc) =	sbr.rel $0x88, $3  }
0x1: {  	(tag) =	ssettag $0x0;
	lr =	simm.s32 $0x1  }
0x2: {  	[smem:$0x3F91] =	sst lr;
	_ =	strace $0xD0000000  }
0x3: {  	_ = 	snop  }
0x4: {  	_ = 	snop  }
0x5: {  	_ = 	snop  }
0x6: {  	_ = 	snop  }
0x7: {  	_ = 	snop  }
__scs_overlays_trampoline_lowered:
0x8: {  	[smem:$0x3FA0] =	sst s0  }
0x9: {  	[smem:$0x3FA1] =	sst s1  }
0xa: {  	[smem:$0x3FA2] =	sst s2  }
0xb: {  	[smem:$0x3FA3] =	sst s3  }
0xc: {  	[smem:$0x3FA4] =	sst s4  }
0xd: {  	[smem:$0x3FA5] =	sst s5  }
0xe: {  	[smem:$0x3FA6] =	sst s6  }
0xf: {  	[smem:$0x3FA7] =	sst s7  }
0x10: {  	[smem:$0x3FA8] =	sst s8  }
0x11: {  	[smem:$0x3FA9] =	sst s9;
	s0 =	simm.s32 @!p0 $0x0  }
0x12: {  	s1 =	sld [smem:$0x3F8F];
	s0 =	simm.s32 @p0 $0x1  }
0x13: {  	[smem:$0x3FAA] =	sst s0;
	s0 =	simm.s32 @!p1 $0x0  }
0x14: {  	s2 =	sld [smem:$0x3F8E];
	s0 =	simm.s32 @p1 $0x1  }
0x15: {  	[smem:$0x3FAB] =	sst s0;
	s0 =	simm.s32 @!p2 $0x0  }
0x16: {  	s3 =	sld [smem:$0x3FDB];
	s0 =	simm.s32 @p2 $0x1  }
0x17: {  	s4 =	simm.s32 $0x1BF5;
	[smem:$0x3FAD] =	sst s0  }
0x18: {  	s0 =	sld [smem:$0x3F90];
	_ =	swait.ge [sflag:s4], $0x0  }
0x19: {  	s7 =	sld [smem:$0x3F91]  }
0x1a: {  	s8 =	sadd.s32 $0xFFFFE003, lr  }
0x1b: {  	s9 =	sadd.s32 $0xFFFFFEF7, lr;
	s5 =	simm.s32 $0xFFFFFFFF;
	p2 =	slt.u32 s8, $0xFFFFF086  }
0x1c: {  	p1 =	slt.u32 s9, $0xF7A;
	s5 =	simm.s32 @!p2 $0x0  }
0x1d: {  	s5 =	simm.s32 @p1 $0x1;
	p0 =	seq.s32 s7, s2  }
0x1e: {  	s7 =	smul.u32 @!p0 $0xF7A, s2;
	p2 =	seq.s32 @!p0 s5, $0x0  }
0x1f: {  	s9 =	smul.u32 $0xF7A, s1;
	s8 =	simm.s32 @!p0 $0x1BF5;
	p2 =	por !p2, p0  }
0x20: {  	[sflag:s8] =	ssyncset.s32 @!p0 $0xFFFFF086;
	s6 =	sadd.s32 @!p0 s3, s7;
	s7 =	simm.s32 @!p0 $0x108  }
0x21: {  	s3 =	sadd.s32 s3, s9;
	s6 =	sadd.s32 @!p0 $0x88, s6;
	s7 =	simm.s32 @p2 $0x1082  }
0x22: {  	[simem:s7], [sflag:s8] =	dma.local @!p0 [hbm:s6], $0xF7A  }
0x23: {  	s9 =	sor.u32 $0xD0000000, s2;
	s6 =	simm.s32 $0x108;
	_ =	swait.ge @!p0 [sflag:s8], $0x0  }
0x24: {  	s3 =	sadd.s32 $0x88, s3;
	s6 =	simm.s32 @!p1 $0x1082;
	[sflag:s4] =	ssyncset.s32 $0xFFFFF086  }
0x25: {  	[simem:s6], [sflag:s4] =	dma.local [hbm:s3], $0xF7A  }
0x26: {  	[smem:$0x3F91] =	sst s1;
	(tag) =	ssettag s2;
	_ =	strace s9  }
0x27: {  	s1 =	sld [smem:$0x3FA1]  }
0x28: {  	s2 =	sld [smem:$0x3FA2]  }
0x29: {  	s4 =	sld [smem:$0x3FA4]  }
0x2a: {  	p0 =	seq.s32 s5, $0x0;
	s5 =	sld [smem:$0x3FA5]  }
0x2b: {  	s6 =	sld [smem:$0x3FA6]  }
0x2c: {  	s7 =	sld [smem:$0x3FA7]  }
0x2d: {  	s3 =	simm.s32 $0x108;
	s8 =	sld [smem:$0x3FA8]  }
0x2e: {  	s3 =	simm.s32 @!p0 $0x1082;
	s9 =	sld [smem:$0x3FA9]  }
0x2f: {  	lr =	sadd.s32 s0, s3;
	s0 =	sld [smem:$0x3FA0]  }
0x30: {  	s3 =	sld [smem:$0x3FA3]  }
0x31: {  	[smem:$0x3FAC] =	sst s10  }
0x32: {  	s10 =	sld [smem:$0x3FAA];
	_ =	sdelay $0x3  }
0x33: {  	p0 =	seq.s32 s10, $0x1;
	s10 =	sld [smem:$0x3FAC];
	_ =	sdelay $0x3  }
0x34: {  	[smem:$0x3FAC] =	sst s10  }
0x35: {  	s10 =	sld [smem:$0x3FAB];
	_ =	sdelay $0x3  }
0x36: {  	p1 =	seq.s32 s10, $0x1;
	s10 =	sld [smem:$0x3FAC];
	_ =	sdelay $0x3  }
0x37: {  	[smem:$0x3FAC] =	sst s10  }
0x38: {  	s10 =	sld [smem:$0x3FAD]  }
0x39: {  	_ = 	snop;
	(pc) =	sbr.ind lr, $3  }
0x3a: {  	_ = 	snop  }
0x3b: {  	_ = 	snop  }
0x3c: {  	p2 =	seq.s32 s10, $0x1;
	s10 =	sld [smem:$0x3FAC]  }
0x3d: {  	_ =	shalt  }
0x3e: {  	_ =	shalt  }
0x3f: {  	_ =	shalt  }
0x40: {  	_ =	shalt  }
0x41: {  	_ =	shalt  }
0x42: {  	_ =	shalt  }
0x43: {  	_ =	shalt  }
0x44: {  	_ =	shalt  }
0x45: {  	_ =	shalt  }
0x46: {  	_ =	shalt  }
0x47: {  	_ =	shalt  }
0x48: {  	_ =	shalt  }
0x49: {  	_ =	shalt  }
0x4a: {  	_ =	shalt  }
0x4b: {  	_ =	shalt  }
0x4c: {  	_ =	shalt  }
0x4d: {  	_ =	shalt  }
0x4e: {  	_ =	shalt  }
0x4f: {  	_ =	shalt  }
0x50: {  	_ =	shalt  }
0x51: {  	_ =	shalt  }
0x52: {  	_ =	shalt  }
0x53: {  	_ =	shalt  }
0x54: {  	_ =	shalt  }
0x55: {  	_ =	shalt  }
0x56: {  	_ =	shalt  }
0x57: {  	_ =	shalt  }
0x58: {  	_ =	shalt  }
0x59: {  	_ =	shalt  }
0x5a: {  	_ =	shalt  }
0x5b: {  	_ =	shalt  }
0x5c: {  	_ =	shalt  }
0x5d: {  	_ =	shalt  }
0x5e: {  	_ =	shalt  }
0x5f: {  	_ =	shalt  }
0x60: {  	_ =	shalt  }
0x61: {  	_ =	shalt  }
0x62: {  	_ =	shalt  }
0x63: {  	_ =	shalt  }
0x64: {  	_ =	shalt  }
0x65: {  	_ =	shalt  }
0x66: {  	_ =	shalt  }
0x67: {  	_ =	shalt  }
0x68: {  	_ =	shalt  }
0x69: {  	_ =	shalt  }
0x6a: {  	_ =	shalt  }
0x6b: {  	_ =	shalt  }
0x6c: {  	_ =	shalt  }
0x6d: {  	_ =	shalt  }
0x6e: {  	_ =	shalt  }
0x6f: {  	_ =	shalt  }
0x70: {  	_ =	shalt  }
0x71: {  	_ =	shalt  }
0x72: {  	_ =	shalt  }
0x73: {  	_ =	shalt  }
0x74: {  	_ =	shalt  }
0x75: {  	_ =	shalt  }
0x76: {  	_ =	shalt  }
0x77: {  	_ =	shalt  }
0x78: {  	_ =	shalt  }
0x79: {  	_ =	shalt  }
0x7a: {  	_ =	shalt  }
0x7b: {  	_ =	shalt  }
0x7c: {  	_ =	shalt  }
0x7d: {  	_ =	shalt  }
0x7e: {  	_ =	shalt  }
0x7f: {  	_ =	shalt  }
0x80: {  	_ =	shalt  }
0x81: {  	_ =	shalt  }
0x82: {  	_ =	shalt  }
0x83: {  	_ =	shalt  }
0x84: {  	_ =	shalt  }
0x85: {  	_ =	shalt  }
0x86: {  	_ =	shalt  }
0x87: {  	_ =	shalt  }
.Lfunc_end0:
.L_simem_size_0:
called_computation.1_lowered:
.L_overlay_start_0:
0x88: {  	s2 =	sld [smem:$0x3FD9]  }
0x89: {  	s3 =	sld [smem:$0x3FFE];
	_ =	sdelay $0x1  }
0x8a: {  	s1 =	srdreg.scid  }
0x8b: {  	s0 =	sand.u32 $0x1, s1  }
0x8c: {  	s14 =	sshll.u32 s0, $0xA;
	s2 =	sadd.s32 s3, s2  }
0x8d: {  	s2 =	sadd.s32 s2, s14  }
0x8e: {  	[smem:$0x3FB8] =	sst s2  }
0x8f: {  	_ = 	snop  }
0x90: {  	s2 =	sld [smem:$0x3FD0];
	_ =	sdelay $0x2  }
0x91: {  	s15 =	simm.s32 $0xA;
	s4 =	simm.s32 $0x10  }
0x92: {  	[smem:s4], [sflag:s15] =	dma.local [hbm:s2], $0x1  }
0x93: {  	_ =	swait.eq [sflag:s15], $0x1  }
0x94: {  	[sflag:s15] =	ssyncset.done $0x0  }
0x95: {  	s16 =	sld [smem:$0x10];
	[sflag:s15] =	ssyncadd.s32 $0xFFFFFFFF  }
0x96: {  	s17 =	sld [smem:$0x11];
	(tm) =	ssettm $0x1  }
0x97: {  	s18 =	sld [smem:$0x3FFB];
	_ =	sdelay $0x3  }
0x98: {  	_ =	strace s18  }
0x99: {  	s4 =	sld [smem:$0x3FFC];
	_ =	sdelay $0x3  }
0x9a: {  	_ =	strace s4  }
0x9b: {  	s4 =	sld [smem:$0x3FFD];
	_ =	sdelay $0x3  }
0x9c: {  	_ =	strace s4  }
0x9d: {  	_ =	strace $0x8FFFFFFF  }
0x9e: {  	s19 =	sld [smem:$0x3FDB];
	_ =	sdelay $0x1  }
0x9f: {  	s5 =	simm.s32 $_scs_section_size  }
0xa0: {  	s6 =	simm.s32 $_size__tile_overlayer_lowered;
	s7 =	simm.s32 $_tile_overlayer_lowered  }
0xa1: {  	s22 =	simm.s32 $0x1BFF;
	s21 =	sshll.u32 s7, $0x1;
	s4 =	sadd.s32 s5, s19  }
0xa2: {  	s8 =	simm.s32 $0x0;
	s20 =	sshll.u32 s6, $0x1;
	s6 =	sadd.s32 s21, s4  }
0xa3: {  	[timem:s8], [sflag:s22] =	dma.local [hbm:s6], s20  }
0xa4: {  	_ =	swait.ge [sflag:s22], s20  }
0xa5: {  	s5 =	ssub.s32 $0x0, s20;
	[sflag:s22] =	ssyncset.done $0x0  }
0xa6: {  	[sflag:s22] =	ssyncadd.s32 s5;
	_ =	sdelay $0x1  }
0xa7: {  	s23 =	simm.s32 $0x1B8B  }
0xa8: {  	_ =	swait.ge [sflag:s23], $0x1  }
0xa9: {  	[sflag:s23] =	ssyncset.done $0x0  }
0xaa: {  	s25 =	simm.s32 $0x1B8E;
	s24 =	sld [smem:$0x3FFE];
	[sflag:s23] =	ssyncadd.s32 $0xFFFFFFFF  }
0xab: {  	s26 =	simm.s32 $execute0_lowered;
	[smem:$0x3FD2] =	sst s25  }
0xac: {  	s6 =	sshll.u32 s26, $0x1;
	_ =	strace $0x80000049;
	[dreg:$0x1] =	wrdreg $0xFFFFFFFF  }
0xad: {  	s28 =	simm.s32 $_size_execute0_lowered;
	s4 =	sadd.s32 s4, s6;
	[dreg:$0x0] =	wrdreg $0x0  }
0xae: {  	s6 =	sshll.u32 s28, $0x1;
	[dreg:$0x2] =	wrdreg s4  }
0xaf: {  	[dreg:$0x3] =	wrdreg s6  }
0xb0: {  	[dreg:$0x4] =	wrdreg $0xC0  }
0xb1: {  	_ =	task [dreg:s8], $0x5FFFF  }
0xb2: {  	[dreg:$0x1] =	wrdreg $0xFFFFFFFF  }
0xb3: {  	[dreg:$0x0] =	wrdreg $0x60  }
0xb4: {  	[dreg:$0x2] =	wrdreg s24  }
0xb5: {  	[dreg:$0x3] =	wrdreg s17  }
0xb6: {  	[dreg:$0x4] =	wrdreg s16  }
0xb7: {  	[dreg:$0x5] =	wrdreg $0x61800  }
0xb8: {  	[dreg:$0x6] =	wrdreg $0x1A1800  }
0xb9: {  	[dreg:$0x7] =	wrdreg $0x9  }
0xba: {  	_ =	task.clear_ibuf [dreg:s8], $0x8FFFF;
	_ =	strace $0x90000049  }
0xbb: {  	s29 =	simm.s32 $0x9;
	_ =	strace $0x8000004B  }
0xbc: {  	_ =	swait.ge [sflag:s29], $0x1  }
0xbd: {  	[sflag:s29] =	ssyncadd.s32 $0xFFFFFFFF  }
0xbe: {  	_ =	strace $0x9000004B  }
0xbf: {  	_ =	sfence  }
0xc0: {  	s30 =	sld [smem:$0x0];
	_ =	sdelay $0x2  }
0xc1: {  	s31 =	sshll.u32 s1, $0xD;
	s1 =	sshrl.u32 s1, $0x2  }
0xc2: {  	s3 =	sand.u32 $0x4000, s31;
	s1 =	sadd.s32 s1, s30  }
0xc3: {  	s0 =	sor.u32 s3, s0;
	s1 =	sshll.u32 s1, $0x11  }
0xc4: {  	s0 =	sor.u32 s1, s0  }
0xc5: {  	s0 =	sadd.s32 $0x8F2B, s0  }
0xc6: {  	[sflag:s0] =	ssyncadd.remote.s32 $0x1  }
0xc7: {  	_ =	sfence.sel $0xFFFF  }
0xc8: {  	[dreg:$0x0] =	wrdreg $0xFFFFFFFF;
	(pc) =	sbr.abs _section_cstart, $3  }
0xc9: {  	[dreg:$0x1] =	wrdreg $0xFFFFFFFF  }
0xca: {  	_ =	task.clear_ibuf [dreg:s8], $0x2FFFF;
	_ =	strace $0x9FFFFFFF  }
0xcb: {  	(tm) =	ssettm $0x7FFFFFFF  }
tec
execute0_lowered:
.L_overlay_start_1:
0x0: {  	(tag) =	ssettag $0x1  }
0x1: {  	s2 =	rddreg [dreg:$0x0]  }
0x2: {  	s0 =	rddreg [dreg:$0x1]  }
0x3: {  	s1 =	rddreg [dreg:$0x2];
	s16 =	stileid.u32  }
0x4: {  	s4 =	rddreg [dreg:$0x3];
	s8 =	smul.u32 $0x14000, s16  }
0x5: {  	s3 =	srdreg.scid;
	s13 =	smul.u32 $0x50000, s16  }
0x6: {  	s5 =	rddreg [dreg:$0x4];
	s28 =	smul.u32 $0xA000, s16  }
0x7: {  	s6 =	simm.s32 $0x0;
	s3 =	sand.u32 $0x1, s3;
	s18 =	smul.u32 $0x2800, s16  }
0x8: {  	[smem:$0x7FF] =	sst s6;
	s7 =	smul.u32 $0x140000, s3  }
0x9: {  	_ =	strace $0x8000004A;
	s25 =	ssub.s32 $0x2, s3;
	s26 =	sshll.u32 s3, $0x4  }
0xa: {  	s3 =	smul.u32 $0x28000, s3;
	s12 =	sshrl.u32 s25, $0x1;
	s15 =	sor.u32 s16, s26  }
0xb: {  	s17 =	sshrl.u32 s13, $0x2;
	s20 =	sadd.s32 $0x800, s18;
	s24 =	sadd.s32 $0x1000, s18  }
0xc: {  	s26 =	sadd.s32 $0x1800, s18;
	s13 =	sadd.s32 $0x2000, s18;
	s9 =	sadd.s32 s8, s7  }
0xd: {  	s14 =	ssub.s32 s25, s12;
	s19 =	sadd.s32 s17, s4;
	s12 =	sshrl.u32 s28, $0x2  }
0xe: {  	s21 =	sadd.s32 s3, s18;
	s22 =	sadd.s32 s3, s20;
	s18 =	sadd.s32 s3, s26  }
0xf: {  	s10 =	sshrl.u32 s9, $0x3;
	s14 =	smax.u32 s14, $0x1;
	[dreg:$0x6] =	wrdreg s19  }
0x10: {  	s17 =	sadd.s32 $0x1000, s19;
	s16 =	sshrl.u32 s22, $0x3;
	[dreg:$0x8] =	wrdreg s14  }
0x11: {  	s28 =	sshrl.u32 s18, $0x3;
	s18 =	sadd.s32 s26, s5;
	[dreg:$0x9] =	wrdreg s17  }
0x12: {  	s22 =	sadd.s32 $0x4000, s19;
	s26 =	sadd.s32 $0x7000, s19;
	[dreg:$0x12] =	wrdreg s18  }
0x13: {  	s11 =	sadd.s32 s10, s2;
	s10 =	sadd.s32 s12, s5;
	[dreg:$0x15] =	wrdreg s22  }
0x14: {  	s12 =	smul.u32 $0x2880, s15;
	s15 =	sadd.s32 s20, s5;
	[dreg:$0x18] =	wrdreg s26  }
0x15: {  	s25 =	sadd.s32 s3, s24;
	s20 =	sadd.s32 s13, s5;
	[dreg:$0x10] =	wrdreg s15  }
0x16: {  	s14 =	sshrl.u32 s21, $0x3;
	s21 =	sadd.s32 $0x3000, s19;
	[dreg:$0x13] =	wrdreg s20  }
0x17: {  	s3 =	sadd.s32 s3, s13;
	s13 =	sadd.s32 $0xB000, s19;
	[dreg:$0x14] =	wrdreg s21  }
0x18: {  	s17 =	sadd.s32 $0xF000, s19;
	[dreg:$0x1c] =	wrdreg s13  }
0x19: {  	s7 =	sadd.s32 $0x53E00, s2;
	s18 =	sadd.s32 $0x10000, s19;
	[smem:$0x7F5] =	sst s17  }
0x1a: {  	s8 =	sadd.s32 $0x7BE00, s2;
	s22 =	sadd.s32 $0x13000, s19;
	[smem:$0x7F6] =	sst s18  }
0x1b: {  	s9 =	sadd.s32 $0xA3E00, s2;
	s2 =	sadd.s32 $0xCBE00, s2;
	[smem:$0x7F9] =	sst s22  }
0x1c: {  	s14 =	sadd.s32 s2, s14;
	[dreg:$0x7] =	wrdreg s10  }
0x1d: {  	s23 =	sadd.s32 s2, s16;
	s16 =	sshrl.u32 s25, $0x3;
	[dreg:$0xa] =	wrdreg s14  }
0x1e: {  	s25 =	sadd.s32 $0xD5E00, s11;
	s11 =	sadd.s32 $0xA000, s19;
	[dreg:$0xb] =	wrdreg s23  }
0x1f: {  	s15 =	sadd.s32 $0xD000, s19;
	[dreg:$0x1b] =	wrdreg s11  }
0x20: {  	s20 =	sadd.s32 $0x11000, s19;
	[dreg:$0x1e] =	wrdreg s15  }
0x21: {  	s21 =	sadd.s32 $0x12000, s19;
	[smem:$0x7F7] =	sst s20  }
0x22: {  	s26 =	sadd.s32 $0x1800, s10;
	[smem:$0x7F8] =	sst s21  }
0x23: {  	s16 =	sadd.s32 s2, s16;
	[smem:$0x7FC] =	sst s26  }
0x24: {  	s23 =	sadd.s32 $0x5000, s19;
	[dreg:$0xc] =	wrdreg s16  }
0x25: {  	s14 =	sadd.s32 $0xC000, s19;
	[dreg:$0x16] =	wrdreg s23  }
0x26: {  	s3 =	sshrl.u32 s3, $0x3;
	s16 =	sadd.s32 s2, s28;
	[dreg:$0x1d] =	wrdreg s14  }
0x27: {  	s2 =	sadd.s32 s2, s3;
	[dreg:$0xd] =	wrdreg s16  }
0x28: {  	s3 =	sadd.s32 $0x2000, s19;
	[dreg:$0xe] =	wrdreg s2  }
0x29: {  	s29 =	simm.s32 $0x180;
	s28 =	sadd.s32 $0x8000, s19;
	[dreg:$0xf] =	wrdreg s3  }
0x2a: {  	s30 =	simm.s32 $0x4;
	s23 =	sadd.s32 $0x800, s10;
	[dreg:$0x19] =	wrdreg s28  }
0x2b: {  	s31 =	simm.s32 $0x80;
	s16 =	sadd.s32 s24, s5;
	[smem:$0x7FA] =	sst s23  }
0x2c: {  	s13 =	simm.s32 $0x2;
	s24 =	sadd.s32 $0x6000, s19;
	[dreg:$0x11] =	wrdreg s16  }
0x2d: {  	s17 =	simm.s32 $0x0;
	s3 =	sadd.s32 $0x9000, s19;
	[dreg:$0x17] =	wrdreg s24  }
0x2e: {  	s15 =	simm.s32 $0x100;
	s28 =	sadd.s32 $0x2000, s10;
	[dreg:$0x1a] =	wrdreg s3  }
0x2f: {  	v0 =	vimm.f32 $0.0e+00;
	v1 =	vimm.s32 $0x7;
	v2 =	vimm.s32 $0x0;
	s14 =	simm.s32 $0x3;
	s16 =	sadd.s32 $0xE000, s19;
	[smem:$0x7FD] =	sst s28  }
0x30: {  	v3 =	vimm.s32 $0x1;
	v4 =	vimm.s32 $0x2;
	v5 =	vimm.s32 $0x3;
	s2 =	simm.s32 $0x30;
	s24 =	sadd.s32 $0x1000, s10;
	[dreg:$0x1f] =	wrdreg s16  }
0x31: {  	v6 =	vimm.s32 $0x4;
	v7 =	vimm.s32 $0x5;
	v8 =	vimm.s32 $0x6;
	s3 =	simm.s32 $0x1;
	[smem:$0x7FB] =	sst s24;
	s16 =	simm.s32 $0x4980  }
.LBB2_1:
0x32: {  	s11 =	simm.s32 $0x0;
	s18 =	simm.s32 $0x200  }
.LBB2_2:
0x33: {  	p0 =	sne.s32 s18, $0x3E00;
	[tilespmem:s11+$0x1F0] =	vst v0  }
0x34: {  	[tilespmem:s11+$0x180] =	vst v0  }
0x35: {  	[tilespmem:s11+$0x190] =	vst v0  }
.Ltmp0:
0x36: {  	[tilespmem:s11+$0x1A0] =	vst v0;
	(pc) =	sbr.rel @p0 .LBB2_2-.Ltmp0, $4  }
0x37: {  	[tilespmem:s11+$0x1B0] =	vst v0  }
0x38: {  	[tilespmem:s11+$0x1C0] =	vst v0  }
0x39: {  	[tilespmem:s11+$0x1D0] =	vst v0  }
0x3a: {  	[tilespmem:s11+$0x1E0] =	vst v0;
	s11 =	sshra.s32 s18, $0x2;
	s18 =	sadd.s32 $0x200, s18  }
0x3b: {  	[tilespmem:s11+$0x1F0] =	vst v0  }
0x3c: {  	[tilespmem:s11+$0x180] =	vst v0  }
0x3d: {  	[tilespmem:s11+$0x190] =	vst v0  }
0x3e: {  	[tilespmem:s11+$0x1A0] =	vst v0  }
0x3f: {  	[tilespmem:s11+$0x1B0] =	vst v0  }
0x40: {  	[tilespmem:s11+$0x1C0] =	vst v0  }
0x41: {  	[tilespmem:s11+$0x1D0] =	vst v0  }
0x42: {  	[tilespmem:s11+$0x1E0] =	vst v0  }
0x43: {  	[spmem:s19] =	stream.linear.scatter [tilespmem:s29], [sflag:$0x4], $0x1000, $0x38;
	[tilespmem:$0x1C980] =	vst v63  }
0x44: {  	_ =	swait.ge [sflag:s30], $0x1000  }
0x45: {  	[sflag:s30] =	ssyncset.done $0x0  }
0x46: {  	s22 =	rddreg [dreg:$0x9];
	[sflag:s30] =	ssyncadd.s32 $0xFFFFF000  }
0x47: {  	[spmem:s22] =	stream.linear.scatter [tilespmem:s29], [sflag:$0x4], $0x1000, $0x38;
	[tilespmem:$0x1C980] =	vst v63  }
0x48: {  	_ =	swait.ge [sflag:s30], $0x1000  }
0x49: {  	[sflag:s30] =	ssyncset.done $0x0  }
0x4a: {  	s23 =	rddreg [dreg:$0xf];
	[sflag:s30] =	ssyncadd.s32 $0xFFFFF000  }
0x4b: {  	[spmem:s23] =	stream.linear.scatter [tilespmem:s29], [sflag:$0x4], $0x1000, $0x38;
	[tilespmem:$0x1C980] =	vst v63  }
0x4c: {  	_ =	swait.ge [sflag:s30], $0x1000  }
0x4d: {  	[sflag:s30] =	ssyncset.done $0x0  }
0x4e: {  	s24 =	rddreg [dreg:$0x14];
	[sflag:s30] =	ssyncadd.s32 $0xFFFFF000  }
0x4f: {  	[spmem:s24] =	stream.linear.scatter [tilespmem:s29], [sflag:$0x4], $0x1000, $0x38;
	[tilespmem:$0x1C980] =	vst v63  }
0x50: {  	_ =	swait.ge [sflag:s30], $0x1000  }
0x51: {  	[sflag:s30] =	ssyncset.done $0x0  }
0x52: {  	s26 =	rddreg [dreg:$0x15];
	[sflag:s30] =	ssyncadd.s32 $0xFFFFF000  }
0x53: {  	[spmem:s26] =	stream.linear.scatter [tilespmem:s29], [sflag:$0x4], $0x1000, $0x38;
	[tilespmem:$0x1C980] =	vst v63  }
0x54: {  	_ =	swait.ge [sflag:s30], $0x1000  }
0x55: {  	[sflag:s30] =	ssyncset.done $0x0  }
0x56: {  	s28 =	rddreg [dreg:$0x16];
	[sflag:s30] =	ssyncadd.s32 $0xFFFFF000  }
0x57: {  	[spmem:s28] =	stream.linear.scatter [tilespmem:s29], [sflag:$0x4], $0x1000, $0x38;
	[tilespmem:$0x1C980] =	vst v63  }
0x58: {  	_ =	swait.ge [sflag:s30], $0x1000  }
0x59: {  	[sflag:s30] =	ssyncset.done $0x0  }
0x5a: {  	s18 =	rddreg [dreg:$0x17];
	[sflag:s30] =	ssyncadd.s32 $0xFFFFF000  }
0x5b: {  	[spmem:s18] =	stream.linear.scatter [tilespmem:s29], [sflag:$0x4], $0x1000, $0x38;
	[tilespmem:$0x1C980] =	vst v63  }
0x5c: {  	_ =	swait.ge [sflag:s30], $0x1000  }
0x5d: {  	[sflag:s30] =	ssyncset.done $0x0  }
0x5e: {  	s19 =	rddreg [dreg:$0x18];
	[sflag:s30] =	ssyncadd.s32 $0xFFFFF000  }
0x5f: {  	[spmem:s19] =	stream.linear.scatter [tilespmem:s29], [sflag:$0x4], $0x1000, $0x38;
	[tilespmem:$0x1C980] =	vst v63  }
0x60: {  	_ =	swait.ge [sflag:s30], $0x1000  }
0x61: {  	[sflag:s30] =	ssyncset.done $0x0  }
0x62: {  	s20 =	rddreg [dreg:$0x19];
	[sflag:s30] =	ssyncadd.s32 $0xFFFFF000  }
0x63: {  	[spmem:s20] =	stream.linear.scatter [tilespmem:s29], [sflag:$0x4], $0x1000, $0x38;
	[tilespmem:$0x1C980] =	vst v63  }
0x64: {  	_ =	swait.ge [sflag:s30], $0x1000  }
0x65: {  	[sflag:s30] =	ssyncset.done $0x0  }
0x66: {  	s21 =	rddreg [dreg:$0x1a];
	[sflag:s30] =	ssyncadd.s32 $0xFFFFF000  }
0x67: {  	[spmem:s21] =	stream.linear.scatter [tilespmem:s29], [sflag:$0x4], $0x1000, $0x38;
	[tilespmem:$0x1C980] =	vst v63  }
0x68: {  	_ =	swait.ge [sflag:s30], $0x1000  }
0x69: {  	[sflag:s30] =	ssyncset.done $0x0  }
0x6a: {  	s22 =	rddreg [dreg:$0x1b];
	[sflag:s30] =	ssyncadd.s32 $0xFFFFF000  }
0x6b: {  	[spmem:s22] =	stream.linear.scatter [tilespmem:s29], [sflag:$0x4], $0x1000, $0x38;
	[tilespmem:$0x1C980] =	vst v63  }
0x6c: {  	_ =	swait.ge [sflag:s30], $0x1000  }
0x6d: {  	[sflag:s30] =	ssyncset.done $0x0  }
0x6e: {  	s23 =	rddreg [dreg:$0x1c];
	[sflag:s30] =	ssyncadd.s32 $0xFFFFF000  }
0x6f: {  	[spmem:s23] =	stream.linear.scatter [tilespmem:s29], [sflag:$0x4], $0x1000, $0x38;
	[tilespmem:$0x1C980] =	vst v63  }
0x70: {  	_ =	swait.ge [sflag:s30], $0x1000  }
0x71: {  	[sflag:s30] =	ssyncset.done $0x0  }
0x72: {  	s24 =	rddreg [dreg:$0x1d];
	[sflag:s30] =	ssyncadd.s32 $0xFFFFF000  }
0x73: {  	[spmem:s24] =	stream.linear.scatter [tilespmem:s29], [sflag:$0x4], $0x1000, $0x38;
	[tilespmem:$0x1C980] =	vst v63  }
0x74: {  	_ =	swait.ge [sflag:s30], $0x1000  }
0x75: {  	[sflag:s30] =	ssyncset.done $0x0  }
0x76: {  	s26 =	rddreg [dreg:$0x1e];
	[sflag:s30] =	ssyncadd.s32 $0xFFFFF000  }
0x77: {  	[spmem:s26] =	stream.linear.scatter [tilespmem:s29], [sflag:$0x4], $0x1000, $0x38;
	[tilespmem:$0x1C980] =	vst v63  }
0x78: {  	_ =	swait.ge [sflag:s30], $0x1000  }
0x79: {  	[sflag:s30] =	ssyncset.done $0x0  }
0x7a: {  	s28 =	rddreg [dreg:$0x1f];
	[sflag:s30] =	ssyncadd.s32 $0xFFFFF000  }
0x7b: {  	[spmem:s28] =	stream.linear.scatter [tilespmem:s29], [sflag:$0x4], $0x1000, $0x38;
	[tilespmem:$0x1C980] =	vst v63  }
0x7c: {  	_ =	swait.ge [sflag:s30], $0x1000  }
0x7d: {  	s18 =	sld [smem:$0x7F5]  }
0x7e: {  	[sflag:s30] =	ssyncset.done $0x0  }
0x7f: {  	[sflag:s30] =	ssyncadd.s32 $0xFFFFF000  }
0x80: {  	[spmem:s18] =	stream.linear.scatter [tilespmem:s29], [sflag:$0x4], $0x1000, $0x38;
	[tilespmem:$0x1C980] =	vst v63  }
0x81: {  	_ =	swait.ge [sflag:s30], $0x1000  }
0x82: {  	s19 =	sld [smem:$0x7F6]  }
0x83: {  	[sflag:s30] =	ssyncset.done $0x0  }
0x84: {  	[sflag:s30] =	ssyncadd.s32 $0xFFFFF000  }
0x85: {  	[spmem:s19] =	stream.linear.scatter [tilespmem:s29], [sflag:$0x4], $0x1000, $0x38;
	[tilespmem:$0x1C980] =	vst v63  }
0x86: {  	_ =	swait.ge [sflag:s30], $0x1000  }
0x87: {  	s20 =	sld [smem:$0x7F7]  }
0x88: {  	[sflag:s30] =	ssyncset.done $0x0  }
0x89: {  	[sflag:s30] =	ssyncadd.s32 $0xFFFFF000  }
0x8a: {  	[spmem:s20] =	stream.linear.scatter [tilespmem:s29], [sflag:$0x4], $0x1000, $0x38;
	[tilespmem:$0x1C980] =	vst v63  }
0x8b: {  	_ =	swait.ge [sflag:s30], $0x1000  }
0x8c: {  	s21 =	sld [smem:$0x7F8]  }
0x8d: {  	[sflag:s30] =	ssyncset.done $0x0  }
0x8e: {  	[sflag:s30] =	ssyncadd.s32 $0xFFFFF000  }
0x8f: {  	[spmem:s21] =	stream.linear.scatter [tilespmem:s29], [sflag:$0x4], $0x1000, $0x38;
	[tilespmem:$0x1C980] =	vst v63  }
0x90: {  	_ =	swait.ge [sflag:s30], $0x1000  }
0x91: {  	s22 =	sld [smem:$0x7F9]  }
0x92: {  	[sflag:s30] =	ssyncset.done $0x0  }
0x93: {  	[sflag:s30] =	ssyncadd.s32 $0xFFFFF000  }
0x94: {  	[spmem:s22] =	stream.linear.scatter [tilespmem:s29], [sflag:$0x4], $0x1000, $0x38;
	[tilespmem:$0x1C980] =	vst v63  }
0x95: {  	_ =	swait.ge [sflag:s30], $0x1000  }
0x96: {  	[sflag:s30] =	ssyncset.done $0x0  }
0x97: {  	[sflag:s30] =	ssyncadd.s32 $0xFFFFF000  }
0x98: {  	[spmem:s10] =	stream.linear.scatter [tilespmem:s29], [sflag:$0x4], $0x800, $0x38;
	[tilespmem:$0x1C980] =	vst v63  }
0x99: {  	_ =	swait.ge [sflag:s30], $0x800  }
0x9a: {  	s23 =	sld [smem:$0x7FA]  }
0x9b: {  	[sflag:s30] =	ssyncset.done $0x0  }
0x9c: {  	[sflag:s30] =	ssyncadd.s32 $0xFFFFF800  }
0x9d: {  	[spmem:s23] =	stream.linear.scatter [tilespmem:s29], [sflag:$0x4], $0x800, $0x38;
	[tilespmem:$0x1C980] =	vst v63  }
0x9e: {  	_ =	swait.ge [sflag:s30], $0x800  }
0x9f: {  	s24 =	sld [smem:$0x7FB]  }
0xa0: {  	[sflag:s30] =	ssyncset.done $0x0  }
0xa1: {  	[sflag:s30] =	ssyncadd.s32 $0xFFFFF800  }
0xa2: {  	[spmem:s24] =	stream.linear.scatter [tilespmem:s29], [sflag:$0x4], $0x800, $0x38;
	[tilespmem:$0x1C980] =	vst v63  }
0xa3: {  	_ =	swait.ge [sflag:s30], $0x800  }
0xa4: {  	s26 =	sld [smem:$0x7FC]  }
0xa5: {  	[sflag:s30] =	ssyncset.done $0x0  }
0xa6: {  	[sflag:s30] =	ssyncadd.s32 $0xFFFFF800  }
0xa7: {  	[spmem:s26] =	stream.linear.scatter [tilespmem:s29], [sflag:$0x4], $0x800, $0x38;
	[tilespmem:$0x1C980] =	vst v63  }
0xa8: {  	_ =	swait.ge [sflag:s30], $0x800  }
0xa9: {  	s28 =	sld [smem:$0x7FD]  }
0xaa: {  	[sflag:s30] =	ssyncset.done $0x0  }
0xab: {  	[sflag:s30] =	ssyncadd.s32 $0xFFFFF800  }
0xac: {  	[spmem:s28] =	stream.linear.scatter [tilespmem:s29], [sflag:$0x4], $0x800, $0x38;
	[tilespmem:$0x1C980] =	vst v63  }
0xad: {  	_ =	swait.ge [sflag:s30], $0x800  }
0xae: {  	[sflag:s30] =	ssyncset.done $0x0  }
0xaf: {  	[sflag:s30] =	ssyncadd.s32 $0xFFFFF800  }
0xb0: {  	s18 =	simm.s32 $0x0;
	s19 =	simm.s32 $0x0;
	[bflag:$0x0] =	sbarrier.arrive $0xFFFF  }
.LBB2_4:
0xb1: {  	s11 =	smul.u32 $0x30, s19;
	_ =	sdelay $0x1  }
0xb2: {  	s11 =	sadd.s32 s12, s11  }
0xb3: {  	s11 =	sshrl.u32 s11, $0x3  }
0xb4: {  	s20 =	sadd.s32 s0, s11  }
0xb5: {  	[tilespmem:s18], [sflag:$0x4] =	stream.linear.gather [hbm4b:s20+s18], $0x30, $0x38;
	[tilespmem:$0x1C980] =	vst v63  }
0xb6: {  	_ =	swait.ge [sflag:s30], $0x30  }
0xb7: {  	[sflag:s30] =	ssyncset.done $0x0  }
0xb8: {  	s11 =	sadd.s32 s1, s11;
	[sflag:s30] =	ssyncadd.s32 $0xFFFFFFD0  }
0xb9: {  	[tilespmem:s31], [sflag:$0x4] =	stream.linear.gather [hbm4b:s11+s18], $0x30, $0x38;
	[tilespmem:$0x1C980] =	vst v63  }
0xba: {  	_ =	swait.ge [sflag:s30], $0x30  }
0xbb: {  	[sflag:s30] =	ssyncset.done $0x0  }
0xbc: {  	[sflag:s30] =	ssyncadd.s32 $0xFFFFFFD0  }
0xbd: {  	v9 =	vld [tilespmem:$0x80]  }
0xbe: {  	v10 =	vld [tilespmem:$0x90]  }
0xbf: {  	v11 =	vld [tilespmem:$0xA0];
	_ =	sdelay $0x2  }
0xc0: {  	v9 =	vshra.s32 v9, $0x3  }
0xc1: {  	[tilespmem:$0x100] =	vst v9;
	v9 =	vshra.s32 v10, $0x3  }
0xc2: {  	[tilespmem:$0x110] =	vst v9;
	v9 =	vshra.s32 v11, $0x3  }
0xc3: {  	[tilespmem:$0x120] =	vst v9  }
0xc4: {  	[tilespmem:s29], [sflag:$0x1] =	stream.indirect.gather [hbm4b:s7+s2], $0x80, s18, s2, $0xb8;
	[tilespmem:$0x1C980] =	vst v63  }
0xc5: {  	s20 =	simm.s32 $0x1980  }
0xc6: {  	[tilespmem:s20], [sflag:$0x2] =	stream.indirect.gather [hbm4b:s8+s2], $0x80, s18, s2, $0xb8;
	[tilespmem:$0x1C980] =	vst v63  }
0xc7: {  	s21 =	simm.s32 $0x3180  }
0xc8: {  	[tilespmem:s21], [sflag:$0x3] =	stream.indirect.gather [hbm4b:s9+s2], $0x80, s31, s2, $0xb8;
	[tilespmem:$0x1C980] =	vst v63  }
0xc9: {  	_ =	swait.ge [sflag:s3], $0x1800  }
0xca: {  	[sflag:s3] =	ssyncset.done $0x0  }
0xcb: {  	[sflag:s3] =	ssyncadd.s32 $0xFFFFE800  }
0xcc: {  	_ =	swait.ge [sflag:s13], $0x1800  }
0xcd: {  	[sflag:s13] =	ssyncset.done $0x0  }
0xce: {  	[sflag:s13] =	ssyncadd.s32 $0xFFFFE800  }
0xcf: {  	_ =	swait.ge [sflag:s14], $0x1800  }
0xd0: {  	[sflag:s14] =	ssyncset.done $0x0  }
0xd1: {  	[sflag:s14] =	ssyncadd.s32 $0xFFFFE800  }
0xd2: {  	v9 =	vld [tilespmem:s21+$0x0]  }
0xd3: {  	v10 =	vld [tilespmem:s20+$0x0];
	_ =	sdelay $0x4  }
0xd4: {  	v9 =	vadd.f32 v9, v10;
	_ =	sdelay $0x1  }
0xd5: {  	v10 =	vmul.f32 $2.000000030e-01, v9  }
0xd6: {  	vm0 =	vge.f32 v9, $0.0e+00  }
0xd7: {  	v9 =	vsel vm0, v9, v10  }
0xd8: {  	s26 =	sand.u32 $0x30, s18;
	v9 =	vmul.f32 $1.442695020e+00, v9  }
0xd9: {  	v10 =	vld [tilespmem:s26+$0x80]  }
0xda: {  	(erf) = vpow2.f32 v9;
	_ =	sdelay $0x2  }
0xdb: {  	v9 =	vmov s18  }
0xdc: {  	v9 =	vperm.xlane v10, v9;
	_ =	sdelay $0x1  }
0xdd: {  	v10 =	vand.u32 $0x7, v9  }
0xde: {  	vm13 =	veq.s32 v10, $0x1  }
0xdf: {  	vm1 =	veq.s32 v10, $0x6;
	vm2 =	veq.s32 v10, $0x7;
	vm3 =	veq.s32 v10, $0x5  }
0xe0: {  	vm4 =	veq.s32 v10, $0x0;
	vm5 =	veq.s32 v10, $0x3;
	v11 =	vsel vm3, $0x3F800000, v2;
	v9 =	vpop (erf)  }
0xe1: {  	vm14 =	veq.s32 v10, $0x2;
	v12 =	vsel vm5, $0x3F800000, v2;
	v11 =	vmul.f32 v11, v9  }
0xe2: {  	s23 =	simm.s32 $0x49C0;
	vm15 =	veq.s32 v10, $0x4;
	v13 =	vsel vm4, $0x3F800000, v2;
	v12 =	vmul.f32 v12, v9  }
0xe3: {  	v14 =	vsel vm13, $0x3F800000, v2;
	v15 =	vsel vm1, $0x3F800000, v2;
	v16 =	vmul.f32 v13, v9;
	[tilespmem:s23+$0x10] =	vst v11  }
0xe4: {  	v10 =	vsel vm14, $0x3F800000, v2;
	v15 =	vmul.f32 v15, v9;
	v11 =	vsel vm2, $0x3F800000, v2;
	[tilespmem:s23+$0xFFFFFFF0] =	vst v12  }
0xe5: {  	s24 =	simm.s32 $0x1C0;
	v10 =	vmul.f32 v10, v9;
	v12 =	vsel vm15, $0x3F800000, v2;
	[tilespmem:s23+$0xFFFFFFC0] =	vst v16;
	v13 =	vmul.f32 v11, v9  }
0xe6: {  	s28 =	simm.s32 $0x4A40;
	s22 =	simm.s32 $0x1C0;
	s26 =	simm.s32 $0x1;
	[tilespmem:s23+$0x20] =	vst v15;
	v11 =	vmul.f32 v12, v9;
	v12 =	vmul.f32 v14, v9  }
.LBB2_5:
0xe7: {  	[tilespmem:s23+$0x30] =	vst v13;
	s21 =	sadd.s32 $0x80, s21;
	s20 =	sadd.s32 $0x80, s20;
	s24 =	sadd.s32 $0x80, s24  }
0xe8: {  	p0 =	sne.s32 s26, $0x2F;
	s11 =	smov.u32 s26;
	s26 =	sadd.s32 $0x1, s26;
	[tilespmem:s23+$0xFFFFFFE0] =	vst v10  }
0xe9: {  	[tilespmem:s23+$0xFFFFFFD0] =	vst v12  }
0xea: {  	[tilespmem:s23+$0x0] =	vst v11;
	s23 =	smov.u32 s28  }
0xeb: {  	v11 =	vperm.xlane v9, v8;
	v10 =	vld [tilespmem:s22+$0xFFFFFFC0]  }
0xec: {  	v13 =	vperm.xlane v9, v1;
	v12 =	vld [tilespmem:s22+$0xFFFFFFD0]  }
0xed: {  	v14 =	vld [tilespmem:s22+$0xFFFFFFE0]  }
0xee: {  	v15 =	vperm.xlane v9, v2;
	v16 =	vld [tilespmem:s22+$0xFFFFFFF0]  }
0xef: {  	v17 =	vperm.xlane v9, v3;
	v18 =	vld [tilespmem:s22+$0x0]  }
0xf0: {  	v10 =	vmul.f32 v10, v15;
	v15 =	vperm.xlane v9, v4;
	v19 =	vld [tilespmem:s22+$0x10]  }
0xf1: {  	v12 =	vmul.f32 v12, v17;
	v17 =	vperm.xlane v9, v5;
	v20 =	vld [tilespmem:s22+$0x20]  }
0xf2: {  	[tilespmem:s22+$0xFFFFFFC0] =	vst v10;
	v10 =	vmul.f32 v14, v15;
	v14 =	vperm.xlane v9, v6;
	v15 =	vld [tilespmem:s22+$0x30]  }
0xf3: {  	v9 =	vperm.xlane v9, v7;
	[tilespmem:s22+$0xFFFFFFD0] =	vst v12;
	v12 =	vmul.f32 v16, v17  }
0xf4: {  	[tilespmem:s22+$0xFFFFFFE0] =	vst v10;
	v10 =	vmul.f32 v18, v14  }
0xf5: {  	[tilespmem:s22+$0xFFFFFFF0] =	vst v12;
	v9 =	vmul.f32 v19, v9  }
0xf6: {  	[tilespmem:s22+$0x0] =	vst v10;
	v10 =	vmul.f32 v20, v11  }
0xf7: {  	[tilespmem:s22+$0x10] =	vst v9;
	v9 =	vmul.f32 v15, v13  }
0xf8: {  	[tilespmem:s22+$0x20] =	vst v10  }
0xf9: {  	[tilespmem:s22+$0x30] =	vst v9;
	s22 =	smov.u32 s24  }
0xfa: {  	v9 =	vld [tilespmem:s21+$0x0]  }
0xfb: {  	v10 =	vld [tilespmem:s20+$0x0];
	_ =	sdelay $0x4  }
0xfc: {  	v9 =	vadd.f32 v9, v10;
	_ =	sdelay $0x1  }
0xfd: {  	v10 =	vmul.f32 $2.000000030e-01, v9  }
0xfe: {  	s10 =	sand.u32 $0x30, s11;
	vm0 =	vge.f32 v9, $0.0e+00  }
0xff: {  	v9 =	vsel vm0, v9, v10;
	v10 =	vld [tilespmem:s10+$0x80]  }
0x100: {  	v9 =	vmul.f32 $1.442695020e+00, v9;
	_ =	sdelay $0x1  }
0x101: {  	(erf) = vpow2.f32 v9  }
0x102: {  	v9 =	vmov s11  }
0x103: {  	v9 =	vperm.xlane v10, v9;
	_ =	sdelay $0x1  }
0x104: {  	v9 =	vand.u32 $0x7, v9  }
0x105: {  	vm0 =	veq.s32 v9, $0x1;
	vm1 =	veq.s32 v9, $0x6;
	vm2 =	veq.s32 v9, $0x7  }
0x106: {  	vm3 =	veq.s32 v9, $0x0;
	vm4 =	veq.s32 v9, $0x2;
	vm5 =	veq.s32 v9, $0x3  }
0x107: {  	v12 =	vsel vm0, $0x3F800000, v2;
	vm0 =	veq.s32 v9, $0x5;
	v14 =	vsel vm1, $0x3F800000, v2  }
0x108: {  	v11 =	vsel vm3, $0x3F800000, v2;
	vm1 =	veq.s32 v9, $0x4;
	v13 =	vsel vm0, $0x3F800000, v2  }
0x109: {  	v10 =	vsel vm4, $0x3F800000, v2;
	v15 =	vsel vm2, $0x3F800000, v2;
	v9 =	vpop (erf)  }
0x10a: {  	v16 =	vsel vm5, $0x3F800000, v2;
	v10 =	vmul.f32 v10, v9;
	v17 =	vmul.f32 v13, v9  }
.Ltmp1:
0x10b: {  	v18 =	vsel vm1, $0x3F800000, v2;
	v16 =	vmul.f32 v16, v9;
	v13 =	vmul.f32 v15, v9;
	(pc) =	sbr.rel @p0 .LBB2_5-.Ltmp1, $4  }
0x10c: {  	v15 =	vmul.f32 v11, v9;
	v11 =	vmul.f32 v18, v9;
	[tilespmem:s28+$0x10] =	vst v17  }
0x10d: {  	v12 =	vmul.f32 v12, v9;
	v14 =	vmul.f32 v14, v9;
	[tilespmem:s28+$0xFFFFFFF0] =	vst v16  }
0x10e: {  	[tilespmem:s28+$0xFFFFFFC0] =	vst v15  }
0x10f: {  	s28 =	sadd.s32 $0x80, s28;
	[tilespmem:s23+$0x20] =	vst v14  }
0x110: {  	[tilespmem:s23+$0x30] =	vst v13  }
0x111: {  	[tilespmem:s23+$0xFFFFFFE0] =	vst v10  }
0x112: {  	[tilespmem:s23+$0xFFFFFFD0] =	vst v12  }
0x113: {  	[tilespmem:s23+$0x0] =	vst v11  }
0x114: {  	v10 =	vld [tilespmem:s22+$0xFFFFFFC0]  }
0x115: {  	v57 =	vperm.xlane v9, v2;
	v11 =	vld [tilespmem:s22+$0xFFFFFFD0]  }
0x116: {  	v15 =	vperm.xlane v9, v3;
	v58 =	vperm.xlane v9, v4;
	v61 =	vld [tilespmem:s22+$0x30]  }
0x117: {  	v59 =	vperm.xlane v9, v5;
	v60 =	vperm.xlane v9, v6;
	v12 =	vld [tilespmem:s22+$0xFFFFFFE0]  }
0x118: {  	v62 =	vperm.xlane v9, v7;
	v63 =	vperm.xlane v9, v8;
	v14 =	vld [tilespmem:s22+$0xFFFFFFF0]  }
0x119: {  	v9 =	vperm.xlane v9, v1;
	v16 =	vld [tilespmem:s22+$0x0];
	v10 =	vmul.f32 v10, v57  }
0x11a: {  	v17 =	vld [tilespmem:s22+$0x10];
	v11 =	vmul.f32 v11, v15  }
0x11b: {  	v18 =	vld [tilespmem:s22+$0x20];
	v9 =	vmul.f32 v61, v9;
	[tilespmem:s22+$0xFFFFFFC0] =	vst v10  }
0x11c: {  	v10 =	vmul.f32 v12, v58;
	[tilespmem:s22+$0xFFFFFFD0] =	vst v11  }
0x11d: {  	v11 =	vmul.f32 v14, v59;
	[tilespmem:s22+$0x30] =	vst v9  }
0x11e: {  	[tilespmem:s22+$0xFFFFFFE0] =	vst v10;
	v10 =	vmul.f32 v16, v60  }
0x11f: {  	[tilespmem:s22+$0xFFFFFFF0] =	vst v11;
	v11 =	vmul.f32 v17, v62  }
0x120: {  	[tilespmem:s22+$0x0] =	vst v10;
	v10 =	vmul.f32 v18, v63  }
0x121: {  	[tilespmem:s22+$0x10] =	vst v11  }
0x122: {  	[tilespmem:s22+$0x20] =	vst v10  }
0x123: {  	[spmem:s4] =	stream.indirect.scatter.add.f32 [tilespmem:s29], [sflag:$0x4], $0x80, s31, s2, $0xb8;
	[tilespmem:$0x1C980] =	vst v63  }
0x124: {  	s19 =	sadd.s32 $0x1, s19;
	_ =	swait.ge [sflag:s30], $0x1800  }
0x125: {  	p0 =	sne.s32 s19, $0xD8;
	[sflag:s30] =	ssyncset.done $0x0  }
.Ltmp2:
0x126: {  	[sflag:s30] =	ssyncadd.s32 $0xFFFFE800;
	(pc) =	sbr.rel @p0 .LBB2_4-.Ltmp2, $4  }
0x127: {  	[spmem:s5] =	stream.indirect.scatter.add.f32 [tilespmem:s16], [sflag:$0x4], $0x80, s15, s2, $0xb8;
	[tilespmem:$0x1C980] =	vst v63  }
0x128: {  	_ =	swait.ge [sflag:s30], $0x1800  }
0x129: {  	[sflag:s30] =	ssyncset.done $0x0  }
0x12a: {  	[sflag:s30] =	ssyncadd.s32 $0xFFFFE800  }
0x12b: {  	[bflag:$0x0] =	sbarrier.arrive $0xFFFF  }
0x12c: {  	s19 =	rddreg [dreg:$0x6]  }
0x12d: {  	[tilespmem:s29], [sflag:$0x4] =	stream.linear.gather [spmem:s19], $0x1000, $0x38;
	[tilespmem:$0x1C980] =	vst v63  }
0x12e: {  	_ =	swait.ge [sflag:s30], $0x1000  }
0x12f: {  	[sflag:s30] =	ssyncset.done $0x0  }
0x130: {  	s10 =	sadd.s32 $0x0, s25;
	[sflag:s30] =	ssyncadd.s32 $0xFFFFF000  }
0x131: {  	[hbm4b:s10+s6] =	stream.linear.scatter [tilespmem:s29], [sflag:$0x4], $0x1000, $0x38;
	[tilespmem:$0x1C980] =	vst v63  }
0x132: {  	_ =	swait.ge [sflag:s30], $0x1000  }
0x133: {  	s11 =	simm.s32 $0x200;
	s18 =	smov.u32 s19;
	[sflag:s30] =	ssyncset.done $0x0  }
.LBB2_8:
0x134: {  	p0 =	seq.s32 s11, $0x2600;
	[sflag:s30] =	ssyncadd.s32 $0xFFFFF000;
	s18 =	sadd.s32 $0x1000, s18  }
0x135: {  	[tilespmem:s29], [sflag:$0x4] =	stream.linear.gather [spmem:s18], $0x1000, $0x38;
	[tilespmem:$0x1C980] =	vst v63  }
0x136: {  	s10 =	smov.u32 s11;
	s11 =	sadd.s32 $0x200, s11;
	_ =	swait.ge [sflag:s30], $0x1000  }
.Ltmp3:
0x137: {  	[sflag:s30] =	ssyncset.done $0x0;
	(pc) =	sbr.rel @!p0 .LBB2_8-.Ltmp3, $4  }
0x138: {  	s10 =	sadd.s32 s10, s25;
	[sflag:s30] =	ssyncadd.s32 $0xFFFFF000  }
0x139: {  	[hbm4b:s10+s6] =	stream.linear.scatter [tilespmem:s29], [sflag:$0x4], $0x1000, $0x38;
	[tilespmem:$0x1C980] =	vst v63  }
0x13a: {  	_ =	swait.ge [sflag:s30], $0x1000  }
0x13b: {  	[sflag:s30] =	ssyncset.done $0x0  }
0x13c: {  	[sflag:s30] =	ssyncadd.s32 $0xFFFFF000;
	s10 =	rddreg [dreg:$0x7]  }
0x13d: {  	[tilespmem:s29], [sflag:$0x4] =	stream.linear.gather [spmem:s10], $0x800, $0x38;
	[tilespmem:$0x1C980] =	vst v63  }
0x13e: {  	_ =	swait.ge [sflag:s30], $0x800  }
0x13f: {  	[sflag:s30] =	ssyncset.done $0x0  }
0x140: {  	s11 =	rddreg [dreg:$0xa];
	[sflag:s30] =	ssyncadd.s32 $0xFFFFF800  }
0x141: {  	[hbm4b:s11+s6] =	stream.linear.scatter [tilespmem:s29], [sflag:$0x4], $0x800, $0x38;
	[tilespmem:$0x1C980] =	vst v63  }
0x142: {  	_ =	swait.ge [sflag:s30], $0x800  }
0x143: {  	[sflag:s30] =	ssyncset.done $0x0  }
0x144: {  	s28 =	rddreg [dreg:$0x10];
	[sflag:s30] =	ssyncadd.s32 $0xFFFFF800  }
0x145: {  	[tilespmem:s29], [sflag:$0x4] =	stream.linear.gather [spmem:s28], $0x800, $0x38;
	[tilespmem:$0x1C980] =	vst v63  }
0x146: {  	_ =	swait.ge [sflag:s30], $0x800  }
0x147: {  	[sflag:s30] =	ssyncset.done $0x0  }
0x148: {  	s18 =	rddreg [dreg:$0xb];
	[sflag:s30] =	ssyncadd.s32 $0xFFFFF800  }
0x149: {  	[hbm4b:s18+s6] =	stream.linear.scatter [tilespmem:s29], [sflag:$0x4], $0x800, $0x38;
	[tilespmem:$0x1C980] =	vst v63  }
0x14a: {  	_ =	swait.ge [sflag:s30], $0x800  }
0x14b: {  	[sflag:s30] =	ssyncset.done $0x0  }
0x14c: {  	s20 =	rddreg [dreg:$0x11];
	[sflag:s30] =	ssyncadd.s32 $0xFFFFF800  }
0x14d: {  	[tilespmem:s29], [sflag:$0x4] =	stream.linear.gather [spmem:s20], $0x800, $0x38;
	[tilespmem:$0x1C980] =	vst v63  }
0x14e: {  	_ =	swait.ge [sflag:s30], $0x800  }
0x14f: {  	[sflag:s30] =	ssyncset.done $0x0  }
0x150: {  	s21 =	rddreg [dreg:$0xc];
	[sflag:s30] =	ssyncadd.s32 $0xFFFFF800  }
0x151: {  	[hbm4b:s21+s6] =	stream.linear.scatter [tilespmem:s29], [sflag:$0x4], $0x800, $0x38;
	[tilespmem:$0x1C980] =	vst v63  }
0x152: {  	_ =	swait.ge [sflag:s30], $0x800  }
0x153: {  	[sflag:s30] =	ssyncset.done $0x0  }
0x154: {  	s22 =	rddreg [dreg:$0x12];
	[sflag:s30] =	ssyncadd.s32 $0xFFFFF800  }
0x155: {  	[tilespmem:s29], [sflag:$0x4] =	stream.linear.gather [spmem:s22], $0x800, $0x38;
	[tilespmem:$0x1C980] =	vst v63  }
0x156: {  	_ =	swait.ge [sflag:s30], $0x800  }
0x157: {  	[sflag:s30] =	ssyncset.done $0x0  }
0x158: {  	s23 =	rddreg [dreg:$0xd];
	[sflag:s30] =	ssyncadd.s32 $0xFFFFF800  }
0x159: {  	[hbm4b:s23+s6] =	stream.linear.scatter [tilespmem:s29], [sflag:$0x4], $0x800, $0x38;
	[tilespmem:$0x1C980] =	vst v63  }
0x15a: {  	_ =	swait.ge [sflag:s30], $0x800  }
0x15b: {  	[sflag:s30] =	ssyncset.done $0x0  }
0x15c: {  	s24 =	rddreg [dreg:$0x13];
	[sflag:s30] =	ssyncadd.s32 $0xFFFFF800  }
0x15d: {  	[tilespmem:s29], [sflag:$0x4] =	stream.linear.gather [spmem:s24], $0x800, $0x38;
	[tilespmem:$0x1C980] =	vst v63  }
0x15e: {  	_ =	swait.ge [sflag:s30], $0x800  }
0x15f: {  	[sflag:s30] =	ssyncset.done $0x0  }
0x160: {  	s26 =	rddreg [dreg:$0xe];
	[sflag:s30] =	ssyncadd.s32 $0xFFFFF800  }
0x161: {  	[hbm4b:s26+s6] =	stream.linear.scatter [tilespmem:s29], [sflag:$0x4], $0x800, $0x38;
	[tilespmem:$0x1C980] =	vst v63  }
0x162: {  	_ =	swait.ge [sflag:s30], $0x800  }
0x163: {  	s17 =	sadd.s32 $0x1, s17;
	s28 =	rddreg [dreg:$0x8]  }
0x164: {  	p0 =	seq.s32 s17, s28  }
.Ltmp4:
0x165: {  	_ = 	snop;
	(pc) =	sbr.rel @!p0 .LBB2_1-.Ltmp4, $3  }
0x166: {  	_ =	sdelay $0x1  }
0x167: {  	[sflag:s30] =	ssyncset.done $0x0  }
0x168: {  	[sflag:s30] =	ssyncadd.s32 $0xFFFFF800  }
0x169: {  	_ =	sfence.sel $0x180000  }
0x16a: {  	[bflag:$0x0] =	sbarrier.arrive $0xFFFF  }
0x16b: {  	_ =	strace $0x9000004A  }
0x16c: {  	s0 =	stileid.u32;
	[bflag:$0x2] =	sbarrier.arrive $0xFFFF  }
0x16d: {  	p0 =	sne.s32 s0, $0x0;
	s0 =	rddreg [dreg:$0x5]  }
0x16e: {  	s0 =	sadd.s32 @!p0 $0x100000, s0  }
0x16f: {  	[sflag:s0] =	ssyncadd.tile.s32 @!p0 $0x1;
	_ =	shalt  }
.Lfunc_end2:
_tile_overlayer_lowered:
.L_overlay_start_2:
0x170: {  	(tag) =	ssettag $0x2  }
0x171: {  	s0 =	rddreg [dreg:$0x0];
	s2 =	stileid.u32  }
0x172: {  	s1 =	rddreg [dreg:$0x1];
	p0 =	sne.s32 s2, $0x0  }
0x173: {  	s3 =	rddreg [dreg:$0x2];
	[bflag:$0x3] =	sbarrier.arrive $0xFFFF;
	s2 =	simm.s32 @!p0 $0x1C04  }
0x174: {  	[timem:s3], [sflag:s2] =	dma.local @!p0 [hbm:s0], s1  }
0x175: {  	s0 =	simm.s32 @!p0 $0x4  }
0x176: {  	_ =	swait.ge @!p0 [sflag:s0], s1  }
0x177: {  	s1 =	ssub.s32 @!p0 $0x0, s1;
	[sflag:s0] =	ssyncset.done @!p0 $0x0  }
0x178: {  	[sflag:s0] =	ssyncadd.s32 @!p0 s1  }
0x179: {  	[bflag:$0x3] =	sbarrier.arrive $0xFFFF  }
0x17a: {  	_ =	shalt  }

// kernel: kernel.17.cloned.1.call-start
scs
__scs_entry_jumppad:
0x0: {  	(pc) =	sbr.rel $0x88, $3  }
0x1: {  	(tag) =	ssettag $0x0;
	lr =	simm.s32 $0x1  }
0x2: {  	[smem:$0x3F91] =	sst lr;
	_ =	strace $0xD0000000  }
0x3: {  	_ = 	snop  }
0x4: {  	_ = 	snop  }
0x5: {  	_ = 	snop  }
0x6: {  	_ = 	snop  }
0x7: {  	_ = 	snop  }
__scs_overlays_trampoline_lowered:
0x8: {  	[smem:$0x3FA0] =	sst s0  }
0x9: {  	[smem:$0x3FA1] =	sst s1  }
0xa: {  	[smem:$0x3FA2] =	sst s2  }
0xb: {  	[smem:$0x3FA3] =	sst s3  }
0xc: {  	[smem:$0x3FA4] =	sst s4  }
0xd: {  	[smem:$0x3FA5] =	sst s5  }
0xe: {  	[smem:$0x3FA6] =	sst s6  }
0xf: {  	[smem:$0x3FA7] =	sst s7  }
0x10: {  	[smem:$0x3FA8] =	sst s8  }
0x11: {  	[smem:$0x3FA9] =	sst s9;
	s0 =	simm.s32 @!p0 $0x0  }
0x12: {  	s1 =	sld [smem:$0x3F8F];
	s0 =	simm.s32 @p0 $0x1  }
0x13: {  	[smem:$0x3FAA] =	sst s0;
	s0 =	simm.s32 @!p1 $0x0  }
0x14: {  	s2 =	sld [smem:$0x3F8E];
	s0 =	simm.s32 @p1 $0x1  }
0x15: {  	[smem:$0x3FAB] =	sst s0;
	s0 =	simm.s32 @!p2 $0x0  }
0x16: {  	s3 =	sld [smem:$0x3FDB];
	s0 =	simm.s32 @p2 $0x1  }
0x17: {  	s4 =	simm.s32 $0x1BF5;
	[smem:$0x3FAD] =	sst s0  }
0x18: {  	s0 =	sld [smem:$0x3F90];
	_ =	swait.ge [sflag:s4], $0x0  }
0x19: {  	s7 =	sld [smem:$0x3F91]  }
0x1a: {  	s8 =	sadd.s32 $0xFFFFE003, lr  }
0x1b: {  	s9 =	sadd.s32 $0xFFFFFEF7, lr;
	s5 =	simm.s32 $0xFFFFFFFF;
	p2 =	slt.u32 s8, $0xFFFFF086  }
0x1c: {  	p1 =	slt.u32 s9, $0xF7A;
	s5 =	simm.s32 @!p2 $0x0  }
0x1d: {  	s5 =	simm.s32 @p1 $0x1;
	p0 =	seq.s32 s7, s2  }
0x1e: {  	s7 =	smul.u32 @!p0 $0xF7A, s2;
	p2 =	seq.s32 @!p0 s5, $0x0  }
0x1f: {  	s9 =	smul.u32 $0xF7A, s1;
	s8 =	simm.s32 @!p0 $0x1BF5;
	p2 =	por !p2, p0  }
0x20: {  	[sflag:s8] =	ssyncset.s32 @!p0 $0xFFFFF086;
	s6 =	sadd.s32 @!p0 s3, s7;
	s7 =	simm.s32 @!p0 $0x108  }
0x21: {  	s3 =	sadd.s32 s3, s9;
	s6 =	sadd.s32 @!p0 $0x88, s6;
	s7 =	simm.s32 @p2 $0x1082  }
0x22: {  	[simem:s7], [sflag:s8] =	dma.local @!p0 [hbm:s6], $0xF7A  }
0x23: {  	s9 =	sor.u32 $0xD0000000, s2;
	s6 =	simm.s32 $0x108;
	_ =	swait.ge @!p0 [sflag:s8], $0x0  }
0x24: {  	s3 =	sadd.s32 $0x88, s3;
	s6 =	simm.s32 @!p1 $0x1082;
	[sflag:s4] =	ssyncset.s32 $0xFFFFF086  }
0x25: {  	[simem:s6], [sflag:s4] =	dma.local [hbm:s3], $0xF7A  }
0x26: {  	[smem:$0x3F91] =	sst s1;
	(tag) =	ssettag s2;
	_ =	strace s9  }
0x27: {  	s1 =	sld [smem:$0x3FA1]  }
0x28: {  	s2 =	sld [smem:$0x3FA2]  }
0x29: {  	s4 =	sld [smem:$0x3FA4]  }
0x2a: {  	p0 =	seq.s32 s5, $0x0;
	s5 =	sld [smem:$0x3FA5]  }
0x2b: {  	s6 =	sld [smem:$0x3FA6]  }
0x2c: {  	s7 =	sld [smem:$0x3FA7]  }
0x2d: {  	s3 =	simm.s32 $0x108;
	s8 =	sld [smem:$0x3FA8]  }
0x2e: {  	s3 =	simm.s32 @!p0 $0x1082;
	s9 =	sld [smem:$0x3FA9]  }
0x2f: {  	lr =	sadd.s32 s0, s3;
	s0 =	sld [smem:$0x3FA0]  }
0x30: {  	s3 =	sld [smem:$0x3FA3]  }
0x31: {  	[smem:$0x3FAC] =	sst s10  }
0x32: {  	s10 =	sld [smem:$0x3FAA];
	_ =	sdelay $0x3  }
0x33: {  	p0 =	seq.s32 s10, $0x1;
	s10 =	sld [smem:$0x3FAC];
	_ =	sdelay $0x3  }
0x34: {  	[smem:$0x3FAC] =	sst s10  }
0x35: {  	s10 =	sld [smem:$0x3FAB];
	_ =	sdelay $0x3  }
0x36: {  	p1 =	seq.s32 s10, $0x1;
	s10 =	sld [smem:$0x3FAC];
	_ =	sdelay $0x3  }
0x37: {  	[smem:$0x3FAC] =	sst s10  }
0x38: {  	s10 =	sld [smem:$0x3FAD]  }
0x39: {  	_ = 	snop;
	(pc) =	sbr.ind lr, $3  }
0x3a: {  	_ = 	snop  }
0x3b: {  	_ = 	snop  }
0x3c: {  	p2 =	seq.s32 s10, $0x1;
	s10 =	sld [smem:$0x3FAC]  }
0x3d: {  	_ =	shalt  }
0x3e: {  	_ =	shalt  }
0x3f: {  	_ =	shalt  }
0x40: {  	_ =	shalt  }
0x41: {  	_ =	shalt  }
0x42: {  	_ =	shalt  }
0x43: {  	_ =	shalt  }
0x44: {  	_ =	shalt  }
0x45: {  	_ =	shalt  }
0x46: {  	_ =	shalt  }
0x47: {  	_ =	shalt  }
0x48: {  	_ =	shalt  }
0x49: {  	_ =	shalt  }
0x4a: {  	_ =	shalt  }
0x4b: {  	_ =	shalt  }
0x4c: {  	_ =	shalt  }
0x4d: {  	_ =	shalt  }
0x4e: {  	_ =	shalt  }
0x4f: {  	_ =	shalt  }
0x50: {  	_ =	shalt  }
0x51: {  	_ =	shalt  }
0x52: {  	_ =	shalt  }
0x53: {  	_ =	shalt  }
0x54: {  	_ =	shalt  }
0x55: {  	_ =	shalt  }
0x56: {  	_ =	shalt  }
0x57: {  	_ =	shalt  }
0x58: {  	_ =	shalt  }
0x59: {  	_ =	shalt  }
0x5a: {  	_ =	shalt  }
0x5b: {  	_ =	shalt  }
0x5c: {  	_ =	shalt  }
0x5d: {  	_ =	shalt  }
0x5e: {  	_ =	shalt  }
0x5f: {  	_ =	shalt  }
0x60: {  	_ =	shalt  }
0x61: {  	_ =	shalt  }
0x62: {  	_ =	shalt  }
0x63: {  	_ =	shalt  }
0x64: {  	_ =	shalt  }
0x65: {  	_ =	shalt  }
0x66: {  	_ =	shalt  }
0x67: {  	_ =	shalt  }
0x68: {  	_ =	shalt  }
0x69: {  	_ =	shalt  }
0x6a: {  	_ =	shalt  }
0x6b: {  	_ =	shalt  }
0x6c: {  	_ =	shalt  }
0x6d: {  	_ =	shalt  }
0x6e: {  	_ =	shalt  }
0x6f: {  	_ =	shalt  }
0x70: {  	_ =	shalt  }
0x71: {  	_ =	shalt  }
0x72: {  	_ =	shalt  }
0x73: {  	_ =	shalt  }
0x74: {  	_ =	shalt  }
0x75: {  	_ =	shalt  }
0x76: {  	_ =	shalt  }
0x77: {  	_ =	shalt  }
0x78: {  	_ =	shalt  }
0x79: {  	_ =	shalt  }
0x7a: {  	_ =	shalt  }
0x7b: {  	_ =	shalt  }
0x7c: {  	_ =	shalt  }
0x7d: {  	_ =	shalt  }
0x7e: {  	_ =	shalt  }
0x7f: {  	_ =	shalt  }
0x80: {  	_ =	shalt  }
0x81: {  	_ =	shalt  }
0x82: {  	_ =	shalt  }
0x83: {  	_ =	shalt  }
0x84: {  	_ =	shalt  }
0x85: {  	_ =	shalt  }
0x86: {  	_ =	shalt  }
0x87: {  	_ =	shalt  }
.Lfunc_end0:
.L_simem_size_0:
called_computation.2_lowered:
.L_overlay_start_0:
0x88: {  	s2 =	sld [smem:$0x3FD9]  }
0x89: {  	s3 =	sld [smem:$0x3FFE];
	_ =	sdelay $0x1  }
0x8a: {  	s1 =	srdreg.scid  }
0x8b: {  	s0 =	sand.u32 $0x1, s1  }
0x8c: {  	s14 =	sshll.u32 s0, $0xA;
	s2 =	sadd.s32 s3, s2  }
0x8d: {  	s2 =	sadd.s32 s2, s14  }
0x8e: {  	[smem:$0x3FB8] =	sst s2  }
0x8f: {  	_ = 	snop  }
0x90: {  	s2 =	sld [smem:$0x3FD0];
	_ =	sdelay $0x2  }
0x91: {  	s15 =	simm.s32 $0xA;
	s4 =	simm.s32 $0x10  }
0x92: {  	[smem:s4], [sflag:s15] =	dma.local [hbm:s2], $0x1  }
0x93: {  	_ =	swait.eq [sflag:s15], $0x1  }
0x94: {  	[sflag:s15] =	ssyncset.done $0x0  }
0x95: {  	s16 =	sld [smem:$0x10];
	[sflag:s15] =	ssyncadd.s32 $0xFFFFFFFF  }
0x96: {  	s17 =	sld [smem:$0x11];
	(tm) =	ssettm $0x1  }
0x97: {  	s18 =	sld [smem:$0x3FFB];
	_ =	sdelay $0x3  }
0x98: {  	_ =	strace s18  }
0x99: {  	s4 =	sld [smem:$0x3FFC];
	_ =	sdelay $0x3  }
0x9a: {  	_ =	strace s4  }
0x9b: {  	s4 =	sld [smem:$0x3FFD];
	_ =	sdelay $0x3  }
0x9c: {  	_ =	strace s4  }
0x9d: {  	_ =	strace $0x8FFFFFFF  }
0x9e: {  	s19 =	sld [smem:$0x3FDB];
	_ =	sdelay $0x1  }
0x9f: {  	s5 =	simm.s32 $_scs_section_size  }
0xa0: {  	s6 =	simm.s32 $_size__tile_overlayer_lowered;
	s7 =	simm.s32 $_tile_overlayer_lowered  }
0xa1: {  	s22 =	simm.s32 $0x1BFF;
	s21 =	sshll.u32 s7, $0x1;
	s4 =	sadd.s32 s5, s19  }
0xa2: {  	s8 =	simm.s32 $0x0;
	s20 =	sshll.u32 s6, $0x1;
	s6 =	sadd.s32 s21, s4  }
0xa3: {  	[timem:s8], [sflag:s22] =	dma.local [hbm:s6], s20  }
0xa4: {  	_ =	swait.ge [sflag:s22], s20  }
0xa5: {  	s5 =	ssub.s32 $0x0, s20;
	[sflag:s22] =	ssyncset.done $0x0  }
0xa6: {  	[sflag:s22] =	ssyncadd.s32 s5;
	_ =	sdelay $0x1  }
0xa7: {  	s23 =	simm.s32 $0x1B8B  }
0xa8: {  	_ =	swait.ge [sflag:s23], $0x1  }
0xa9: {  	[sflag:s23] =	ssyncset.done $0x0  }
0xaa: {  	s25 =	simm.s32 $0x1B8E;
	s24 =	sld [smem:$0x3FFE];
	[sflag:s23] =	ssyncadd.s32 $0xFFFFFFFF  }
0xab: {  	s26 =	simm.s32 $execute0_lowered;
	[smem:$0x3FD2] =	sst s25  }
0xac: {  	s6 =	sshll.u32 s26, $0x1;
	_ =	strace $0x8000004C;
	[dreg:$0x1] =	wrdreg $0xFFFFFFFF  }
0xad: {  	s28 =	simm.s32 $_size_execute0_lowered;
	s4 =	sadd.s32 s4, s6;
	[dreg:$0x0] =	wrdreg $0x0  }
0xae: {  	s6 =	sshll.u32 s28, $0x1;
	[dreg:$0x2] =	wrdreg s4  }
0xaf: {  	[dreg:$0x3] =	wrdreg s6  }
0xb0: {  	[dreg:$0x4] =	wrdreg $0xC0  }
0xb1: {  	_ =	task [dreg:s8], $0x5FFFF  }
0xb2: {  	[dreg:$0x1] =	wrdreg $0xFFFFFFFF  }
0xb3: {  	[dreg:$0x0] =	wrdreg $0x60  }
0xb4: {  	[dreg:$0x2] =	wrdreg s24  }
0xb5: {  	[dreg:$0x3] =	wrdreg s17  }
0xb6: {  	[dreg:$0x4] =	wrdreg s16  }
0xb7: {  	[dreg:$0x5] =	wrdreg $0x92000  }
0xb8: {  	[dreg:$0x6] =	wrdreg $0x9  }
0xb9: {  	_ =	task.clear_ibuf [dreg:s8], $0x7FFFF;
	_ =	strace $0x9000004C  }
0xba: {  	s29 =	simm.s32 $0x9;
	_ =	strace $0x8000004E  }
0xbb: {  	_ =	swait.ge [sflag:s29], $0x1  }
0xbc: {  	[sflag:s29] =	ssyncadd.s32 $0xFFFFFFFF  }
0xbd: {  	_ =	strace $0x9000004E  }
0xbe: {  	_ =	sfence  }
0xbf: {  	s30 =	sld [smem:$0x0];
	_ =	sdelay $0x2  }
0xc0: {  	s31 =	sshll.u32 s1, $0xD;
	s1 =	sshrl.u32 s1, $0x2  }
0xc1: {  	s3 =	sand.u32 $0x4000, s31;
	s1 =	sadd.s32 s1, s30  }
0xc2: {  	s0 =	sor.u32 s3, s0;
	s1 =	sshll.u32 s1, $0x11  }
0xc3: {  	s0 =	sor.u32 s1, s0  }
0xc4: {  	s0 =	sadd.s32 $0x8F2B, s0  }
0xc5: {  	[sflag:s0] =	ssyncadd.remote.s32 $0x1  }
0xc6: {  	_ =	sfence.sel $0xFFFF  }
0xc7: {  	[dreg:$0x0] =	wrdreg $0xFFFFFFFF;
	(pc) =	sbr.abs _section_cstart, $3  }
0xc8: {  	[dreg:$0x1] =	wrdreg $0xFFFFFFFF  }
0xc9: {  	_ =	task.clear_ibuf [dreg:s8], $0x2FFFF;
	_ =	strace $0x9FFFFFFF  }
0xca: {  	(tm) =	ssettm $0x7FFFFFFF  }
0xcb: {  	_ =	shalt  }
tec
execute0_lowered:
.L_overlay_start_1:
0x0: {  	(tag) =	ssettag $0x1  }
0x1: {  	s0 =	rddreg [dreg:$0x0]  }
0x2: {  	s1 =	rddreg [dreg:$0x1]  }
0x3: {  	s2 =	rddreg [dreg:$0x2];
	s11 =	stileid.u32  }
0x4: {  	s4 =	srdreg.scid;
	s7 =	smul.u32 $0x14000, s11  }
0x5: {  	s3 =	rddreg [dreg:$0x3];
	s4 =	sand.u32 $0x1, s4;
	s24 =	smul.u32 $0x50000, s11  }
0x6: {  	s5 =	simm.s32 $0x0;
	s6 =	smul.u32 $0x140000, s4;
	s8 =	sshll.u32 s4, $0x4  }
0x7: {  	[smem:$0x7FF] =	sst s5;
	s15 =	smul.u32 $0x2880, s11;
	s23 =	sor.u32 s11, s8  }
0x8: {  	s10 =	ssub.s32 $0x2, s4;
	s6 =	sadd.s32 s7, s6;
	s7 =	smul.u32 $0x2880, s23  }
0x9: {  	_ =	strace $0x8000004D;
	s4 =	smul.u32 $0x28800, s4;
	s25 =	sshrl.u32 s10, $0x1  }
0xa: {  	s8 =	sshrl.u32 s24, $0x2;
	s9 =	sshrl.u32 s6, $0x3;
	s26 =	sshrl.u32 s7, $0x3  }
0xb: {  	s6 =	sadd.s32 $0x53E00, s0;
	s0 =	sadd.s32 s9, s0;
	s28 =	sadd.s32 s1, s26  }
0xc: {  	s9 =	ssub.s32 s10, s25;
	s29 =	sadd.s32 s2, s26;
	[dreg:$0x5] =	wrdreg s28  }
0xd: {  	s7 =	sadd.s32 s8, s3;
	s10 =	smax.u32 s9, $0x1;
	[dreg:$0x6] =	wrdreg s29  }
0xe: {  	s11 =	simm.s32 $0x80;
	s12 =	sadd.s32 $0x1000, s7;
	[dreg:$0x7] =	wrdreg s10  }
0xf: {  	s4 =	sadd.s32 s15, s4;
	s13 =	sadd.s32 $0x2000, s7;
	[dreg:$0x8] =	wrdreg s12  }
0x10: {  	s15 =	simm.s32 $0x4200;
	s14 =	sadd.s32 $0x3000, s7;
	[dreg:$0x9] =	wrdreg s13  }
0x11: {  	s23 =	sadd.s32 $0x80, s4;
	s16 =	sadd.s32 $0x4000, s7;
	[dreg:$0xa] =	wrdreg s14  }
0x12: {  	s25 =	sshrl.u32 s23, $0x3;
	s17 =	sadd.s32 $0x5000, s7;
	[dreg:$0xb] =	wrdreg s16  }
0x13: {  	s18 =	sadd.s32 $0x6000, s7;
	s19 =	sadd.s32 $0x7000, s7;
	[dreg:$0xc] =	wrdreg s17  }
0x14: {  	s20 =	sadd.s32 $0x8000, s7;
	s21 =	sadd.s32 $0x9000, s7;
	[dreg:$0xd] =	wrdreg s18  }
0x15: {  	s22 =	sadd.s32 $0xA000, s7;
	s24 =	sadd.s32 $0xB000, s7;
	[dreg:$0xe] =	wrdreg s19  }
0x16: {  	s23 =	sadd.s32 s25, s2;
	s26 =	sadd.s32 $0xC000, s7;
	[dreg:$0xf] =	wrdreg s20  }
0x17: {  	s30 =	sadd.s32 $0xF000, s7;
	s31 =	sadd.s32 $0x10000, s7;
	[dreg:$0x10] =	wrdreg s21  }
0x18: {  	s8 =	sadd.s32 $0x13000, s7;
	s9 =	simm.s32 $0x8200;
	[dreg:$0x11] =	wrdreg s22  }
0x19: {  	[dreg:$0x12] =	wrdreg s24;
	s22 =	sadd.s32 $0x100, s4;
	s24 =	sadd.s32 s25, s1  }
0x1a: {  	s25 =	sadd.s32 $0x7BE00, s0;
	[dreg:$0x13] =	wrdreg s26;
	s28 =	sadd.s32 $0xD000, s7  }
0x1b: {  	s29 =	sadd.s32 $0xE000, s7;
	s0 =	sadd.s32 $0x11000, s7;
	s4 =	sadd.s32 $0x12000, s7  }
0x1c: {  	s10 =	simm.s32 $0x3;
	s12 =	simm.s32 $0x100;
	s13 =	simm.s32 $0x4100  }
0x1d: {  	s14 =	simm.s32 $0x4180;
	s16 =	simm.s32 $0x1;
	[dreg:$0x14] =	wrdreg s28  }
0x1e: {  	v0 =	vimm.f32 $0.0e+00;
	s17 =	simm.s32 $0x2;
	s18 =	simm.s32 $0x0;
	[dreg:$0x15] =	wrdreg s29  }
.LBB2_1:
0x1f: {  	s19 =	simm.s32 $0x0;
	s20 =	simm.s32 $0x200  }
.LBB2_2:
0x20: {  	p0 =	sne.s32 s20, $0x3E00;
	[tilespmem:s19+$0x8270] =	vst v0  }
0x21: {  	[tilespmem:s19+$0x8200] =	vst v0  }
0x22: {  	[tilespmem:s19+$0x8210] =	vst v0  }
.Ltmp0:
0x23: {  	[tilespmem:s19+$0x8220] =	vst v0;
	(pc) =	sbr.rel @p0 .LBB2_2-.Ltmp0, $4  }
0x24: {  	[tilespmem:s19+$0x8230] =	vst v0  }
0x25: {  	[tilespmem:s19+$0x8240] =	vst v0  }
0x26: {  	[tilespmem:s19+$0x8250] =	vst v0  }
0x27: {  	[tilespmem:s19+$0x8260] =	vst v0;
	s19 =	sshra.s32 s20, $0x2;
	s20 =	sadd.s32 $0x200, s20  }
0x28: {  	[tilespmem:s19+$0x8270] =	vst v0  }
0x29: {  	[tilespmem:s19+$0x8200] =	vst v0  }
0x2a: {  	[tilespmem:s19+$0x8210] =	vst v0  }
0x2b: {  	[tilespmem:s19+$0x8220] =	vst v0  }
0x2c: {  	[tilespmem:s19+$0x8230] =	vst v0  }
0x2d: {  	[tilespmem:s19+$0x8240] =	vst v0  }
0x2e: {  	[tilespmem:s19+$0x8250] =	vst v0  }
0x2f: {  	[tilespmem:s19+$0x8260] =	vst v0  }
0x30: {  	[spmem:s7] =	stream.linear.scatter [tilespmem:s9], [sflag:$0x3], $0x1000, $0x38;
	[tilespmem:$0x1D200] =	vst v63  }
0x31: {  	_ =	swait.ge [sflag:s10], $0x1000  }
0x32: {  	[sflag:s10] =	ssyncset.done $0x0  }
0x33: {  	s29 =	rddreg [dreg:$0x8];
	[sflag:s10] =	ssyncadd.s32 $0xFFFFF000  }
0x34: {  	[spmem:s29] =	stream.linear.scatter [tilespmem:s9], [sflag:$0x3], $0x1000, $0x38;
	[tilespmem:$0x1D200] =	vst v63  }
0x35: {  	_ =	swait.ge [sflag:s10], $0x1000  }
0x36: {  	[sflag:s10] =	ssyncset.done $0x0  }
0x37: {  	s20 =	rddreg [dreg:$0x9];
	[sflag:s10] =	ssyncadd.s32 $0xFFFFF000  }
0x38: {  	[spmem:s20] =	stream.linear.scatter [tilespmem:s9], [sflag:$0x3], $0x1000, $0x38;
	[tilespmem:$0x1D200] =	vst v63  }
0x39: {  	_ =	swait.ge [sflag:s10], $0x1000  }
0x3a: {  	[sflag:s10] =	ssyncset.done $0x0  }
0x3b: {  	s21 =	rddreg [dreg:$0xa];
	[sflag:s10] =	ssyncadd.s32 $0xFFFFF000  }
0x3c: {  	[spmem:s21] =	stream.linear.scatter [tilespmem:s9], [sflag:$0x3], $0x1000, $0x38;
	[tilespmem:$0x1D200] =	vst v63  }
0x3d: {  	_ =	swait.ge [sflag:s10], $0x1000  }
0x3e: {  	[sflag:s10] =	ssyncset.done $0x0  }
0x3f: {  	s26 =	rddreg [dreg:$0xb];
	[sflag:s10] =	ssyncadd.s32 $0xFFFFF000  }
0x40: {  	[spmem:s26] =	stream.linear.scatter [tilespmem:s9], [sflag:$0x3], $0x1000, $0x38;
	[tilespmem:$0x1D200] =	vst v63  }
0x41: {  	_ =	swait.ge [sflag:s10], $0x1000  }
0x42: {  	[sflag:s10] =	ssyncset.done $0x0  }
0x43: {  	s28 =	rddreg [dreg:$0xc];
	[sflag:s10] =	ssyncadd.s32 $0xFFFFF000  }
0x44: {  	[spmem:s28] =	stream.linear.scatter [tilespmem:s9], [sflag:$0x3], $0x1000, $0x38;
	[tilespmem:$0x1D200] =	vst v63  }
0x45: {  	_ =	swait.ge [sflag:s10], $0x1000  }
0x46: {  	[sflag:s10] =	ssyncset.done $0x0  }
0x47: {  	s29 =	rddreg [dreg:$0xd];
	[sflag:s10] =	ssyncadd.s32 $0xFFFFF000  }
0x48: {  	[spmem:s29] =	stream.linear.scatter [tilespmem:s9], [sflag:$0x3], $0x1000, $0x38;
	[tilespmem:$0x1D200] =	vst v63  }
0x49: {  	_ =	swait.ge [sflag:s10], $0x1000  }
0x4a: {  	[sflag:s10] =	ssyncset.done $0x0  }
0x4b: {  	s20 =	rddreg [dreg:$0xe];
	[sflag:s10] =	ssyncadd.s32 $0xFFFFF000  }
0x4c: {  	[spmem:s20] =	stream.linear.scatter [tilespmem:s9], [sflag:$0x3], $0x1000, $0x38;
	[tilespmem:$0x1D200] =	vst v63  }
0x4d: {  	_ =	swait.ge [sflag:s10], $0x1000  }
0x4e: {  	[sflag:s10] =	ssyncset.done $0x0  }
0x4f: {  	s21 =	rddreg [dreg:$0xf];
	[sflag:s10] =	ssyncadd.s32 $0xFFFFF000  }
0x50: {  	[spmem:s21] =	stream.linear.scatter [tilespmem:s9], [sflag:$0x3], $0x1000, $0x38;
	[tilespmem:$0x1D200] =	vst v63  }
0x51: {  	_ =	swait.ge [sflag:s10], $0x1000  }
0x52: {  	[sflag:s10] =	ssyncset.done $0x0  }
0x53: {  	s26 =	rddreg [dreg:$0x10];
	[sflag:s10] =	ssyncadd.s32 $0xFFFFF000  }
0x54: {  	[spmem:s26] =	stream.linear.scatter [tilespmem:s9], [sflag:$0x3], $0x1000, $0x38;
	[tilespmem:$0x1D200] =	vst v63  }
0x55: {  	_ =	swait.ge [sflag:s10], $0x1000  }
0x56: {  	[sflag:s10] =	ssyncset.done $0x0  }
0x57: {  	s28 =	rddreg [dreg:$0x11];
	[sflag:s10] =	ssyncadd.s32 $0xFFFFF000  }
0x58: {  	[spmem:s28] =	stream.linear.scatter [tilespmem:s9], [sflag:$0x3], $0x1000, $0x38;
	[tilespmem:$0x1D200] =	vst v63  }
0x59: {  	_ =	swait.ge [sflag:s10], $0x1000  }
0x5a: {  	[sflag:s10] =	ssyncset.done $0x0  }
0x5b: {  	s29 =	rddreg [dreg:$0x12];
	[sflag:s10] =	ssyncadd.s32 $0xFFFFF000  }
0x5c: {  	[spmem:s29] =	stream.linear.scatter [tilespmem:s9], [sflag:$0x3], $0x1000, $0x38;
	[tilespmem:$0x1D200] =	vst v63  }
0x5d: {  	_ =	swait.ge [sflag:s10], $0x1000  }
0x5e: {  	[sflag:s10] =	ssyncset.done $0x0  }
0x5f: {  	s20 =	rddreg [dreg:$0x13];
	[sflag:s10] =	ssyncadd.s32 $0xFFFFF000  }
0x60: {  	[spmem:s20] =	stream.linear.scatter [tilespmem:s9], [sflag:$0x3], $0x1000, $0x38;
	[tilespmem:$0x1D200] =	vst v63  }
0x61: {  	_ =	swait.ge [sflag:s10], $0x1000  }
0x62: {  	[sflag:s10] =	ssyncset.done $0x0  }
0x63: {  	s21 =	rddreg [dreg:$0x14];
	[sflag:s10] =	ssyncadd.s32 $0xFFFFF000  }
0x64: {  	[spmem:s21] =	stream.linear.scatter [tilespmem:s9], [sflag:$0x3], $0x1000, $0x38;
	[tilespmem:$0x1D200] =	vst v63  }
0x65: {  	_ =	swait.ge [sflag:s10], $0x1000  }
0x66: {  	[sflag:s10] =	ssyncset.done $0x0  }
0x67: {  	s26 =	rddreg [dreg:$0x15];
	[sflag:s10] =	ssyncadd.s32 $0xFFFFF000  }
0x68: {  	[spmem:s26] =	stream.linear.scatter [tilespmem:s9], [sflag:$0x3], $0x1000, $0x38;
	[tilespmem:$0x1D200] =	vst v63  }
0x69: {  	_ =	swait.ge [sflag:s10], $0x1000  }
0x6a: {  	[sflag:s10] =	ssyncset.done $0x0  }
0x6b: {  	[sflag:s10] =	ssyncadd.s32 $0xFFFFF000  }
0x6c: {  	[spmem:s30] =	stream.linear.scatter [tilespmem:s9], [sflag:$0x3], $0x1000, $0x38;
	[tilespmem:$0x1D200] =	vst v63  }
0x6d: {  	_ =	swait.ge [sflag:s10], $0x1000  }
0x6e: {  	[sflag:s10] =	ssyncset.done $0x0  }
0x6f: {  	[sflag:s10] =	ssyncadd.s32 $0xFFFFF000  }
0x70: {  	[spmem:s31] =	stream.linear.scatter [tilespmem:s9], [sflag:$0x3], $0x1000, $0x38;
	[tilespmem:$0x1D200] =	vst v63  }
0x71: {  	_ =	swait.ge [sflag:s10], $0x1000  }
0x72: {  	[sflag:s10] =	ssyncset.done $0x0  }
0x73: {  	[sflag:s10] =	ssyncadd.s32 $0xFFFFF000  }
0x74: {  	[spmem:s0] =	stream.linear.scatter [tilespmem:s9], [sflag:$0x3], $0x1000, $0x38;
	[tilespmem:$0x1D200] =	vst v63  }
0x75: {  	_ =	swait.ge [sflag:s10], $0x1000  }
0x76: {  	[sflag:s10] =	ssyncset.done $0x0  }
0x77: {  	[sflag:s10] =	ssyncadd.s32 $0xFFFFF000  }
0x78: {  	[spmem:s4] =	stream.linear.scatter [tilespmem:s9], [sflag:$0x3], $0x1000, $0x38;
	[tilespmem:$0x1D200] =	vst v63  }
0x79: {  	_ =	swait.ge [sflag:s10], $0x1000  }
0x7a: {  	[sflag:s10] =	ssyncset.done $0x0  }
0x7b: {  	[sflag:s10] =	ssyncadd.s32 $0xFFFFF000  }
0x7c: {  	[spmem:s8] =	stream.linear.scatter [tilespmem:s9], [sflag:$0x3], $0x1000, $0x38;
	[tilespmem:$0x1D200] =	vst v63  }
0x7d: {  	_ =	swait.ge [sflag:s10], $0x1000  }
0x7e: {  	[sflag:s10] =	ssyncset.done $0x0  }
0x7f: {  	[sflag:s10] =	ssyncadd.s32 $0xFFFFF000  }
0x80: {  	[bflag:$0x0] =	sbarrier.arrive $0xFFFF  }
0x81: {  	s28 =	simm.s32 $0x0;
	s20 =	rddreg [dreg:$0x5]  }
0x82: {  	[tilespmem:s28], [sflag:$0x3] =	stream.linear.gather [hbm4b:s20+s28], $0x80, $0x38;
	[tilespmem:$0x1D200] =	vst v63  }
0x83: {  	_ =	swait.ge [sflag:s10], $0x80  }
0x84: {  	[sflag:s10] =	ssyncset.done $0x0  }
0x85: {  	s29 =	rddreg [dreg:$0x6];
	[sflag:s10] =	ssyncadd.s32 $0xFFFFFF80  }
0x86: {  	[tilespmem:s11], [sflag:$0x3] =	stream.linear.gather [hbm4b:s29+s28], $0x80, $0x38;
	[tilespmem:$0x1D200] =	vst v63  }
0x87: {  	_ =	swait.ge [sflag:s10], $0x80  }
0x88: {  	[sflag:s10] =	ssyncset.done $0x0  }
0x89: {  	[sflag:s10] =	ssyncadd.s32 $0xFFFFFF80  }
0x8a: {  	[tilespmem:s12], [sflag:$0x1] =	stream.indirect.gather [hbm4b:s6+s11], $0x80, s28, s11, $0xb8;
	[tilespmem:$0x1D200] =	vst v63  }
0x8b: {  	s21 =	sadd.s32 $0x0, s24  }
0x8c: {  	[tilespmem:s13], [sflag:$0x3] =	stream.linear.gather [hbm4b:s21+s5], $0x80, $0x38;
	[tilespmem:$0x1D200] =	vst v63  }
0x8d: {  	_ =	swait.ge [sflag:s10], $0x80  }
0x8e: {  	[sflag:s10] =	ssyncset.done $0x0  }
0x8f: {  	s26 =	sadd.s32 $0x0, s23;
	[sflag:s10] =	ssyncadd.s32 $0xFFFFFF80  }
0x90: {  	[tilespmem:s14], [sflag:$0x3] =	stream.linear.gather [hbm4b:s26+s5], $0x80, $0x38;
	[tilespmem:$0x1D200] =	vst v63  }
0x91: {  	_ =	swait.ge [sflag:s10], $0x80  }
0x92: {  	[sflag:s10] =	ssyncset.done $0x0  }
0x93: {  	[sflag:s10] =	ssyncadd.s32 $0xFFFFFF80  }
0x94: {  	[tilespmem:s15], [sflag:$0x2] =	stream.indirect.gather [hbm4b:s6+s11], $0x80, s13, s11, $0xb8;
	[tilespmem:$0x1D200] =	vst v63  }
0x95: {  	_ =	swait.ge [sflag:s16], $0x4000  }
0x96: {  	[sflag:s16] =	ssyncset.done $0x0  }
0x97: {  	[sflag:s16] =	ssyncadd.s32 $0xFFFFC000  }
0x98: {  	[spmem:s3] =	stream.indirect.scatter.add.f32 [tilespmem:s12], [sflag:$0x3], $0x80, s11, s11, $0xb8;
	[tilespmem:$0x1D200] =	vst v63  }
0x99: {  	_ =	swait.ge [sflag:s10], $0x4000  }
0x9a: {  	s28 =	sshrl.u32 s22, $0x3;
	[sflag:s10] =	ssyncset.done $0x0  }
0x9b: {  	s29 =	sadd.s32 s1, s28;
	[sflag:s10] =	ssyncadd.s32 $0xFFFFC000  }
0x9c: {  	[tilespmem:s5], [sflag:$0x3] =	stream.linear.gather [hbm4b:s29+s5], $0x80, $0x38;
	[tilespmem:$0x1D200] =	vst v63  }
0x9d: {  	_ =	swait.ge [sflag:s10], $0x80  }
0x9e: {  	[sflag:s10] =	ssyncset.done $0x0  }
0x9f: {  	s19 =	sadd.s32 s2, s28;
	[sflag:s10] =	ssyncadd.s32 $0xFFFFFF80  }
0xa0: {  	[tilespmem:s11], [sflag:$0x3] =	stream.linear.gather [hbm4b:s19+s5], $0x80, $0x38;
	[tilespmem:$0x1D200] =	vst v63  }
0xa1: {  	_ =	swait.ge [sflag:s10], $0x80  }
0xa2: {  	[sflag:s10] =	ssyncset.done $0x0  }
0xa3: {  	[sflag:s10] =	ssyncadd.s32 $0xFFFFFF80  }
0xa4: {  	[tilespmem:s12], [sflag:$0x1] =	stream.indirect.gather [hbm4b:s6+s11], $0x80, s5, s11, $0xb8;
	[tilespmem:$0x1D200] =	vst v63  }
0xa5: {  	_ =	swait.ge [sflag:s17], $0x4000  }
0xa6: {  	[sflag:s17] =	ssyncset.done $0x0  }
0xa7: {  	[sflag:s17] =	ssyncadd.s32 $0xFFFFC000  }
0xa8: {  	[spmem:s3] =	stream.indirect.scatter.add.f32 [tilespmem:s15], [sflag:$0x3], $0x80, s14, s11, $0xb8;
	[tilespmem:$0x1D200] =	vst v63  }
0xa9: {  	s20 =	simm.s32 $0x20;
	_ =	swait.ge [sflag:s10], $0x4000  }
0xaa: {  	s21 =	simm.s32 $0x40;
	s19 =	sadd.s32 $0x100, s22;
	[sflag:s10] =	ssyncset.done $0x0  }
.LBB2_4:
0xab: {  	s28 =	sadd.s32 s20, s24  }
0xac: {  	[sflag:s10] =	ssyncadd.s32 $0xFFFFC000;
	s29 =	smov.u32 s21;
	s26 =	sadd.s32 $0x20, s21  }
0xad: {  	[tilespmem:s13], [sflag:$0x3] =	stream.linear.gather [hbm4b:s28+s5], $0x80, $0x38;
	[tilespmem:$0x1D200] =	vst v63  }
0xae: {  	p0 =	sne.s32 s21, $0x4E0;
	_ =	swait.ge [sflag:s10], $0x80  }
0xaf: {  	[sflag:s10] =	ssyncset.done $0x0  }
0xb0: {  	s21 =	sadd.s32 s20, s23;
	s20 =	smov.u32 s29;
	[sflag:s10] =	ssyncadd.s32 $0xFFFFFF80  }
0xb1: {  	[tilespmem:s14], [sflag:$0x3] =	stream.linear.gather [hbm4b:s21+s5], $0x80, $0x38;
	[tilespmem:$0x1D200] =	vst v63  }
0xb2: {  	_ =	swait.ge [sflag:s10], $0x80  }
0xb3: {  	[sflag:s10] =	ssyncset.done $0x0  }
0xb4: {  	[sflag:s10] =	ssyncadd.s32 $0xFFFFFF80  }
0xb5: {  	[tilespmem:s15], [sflag:$0x2] =	stream.indirect.gather [hbm4b:s6+s11], $0x80, s13, s11, $0xb8;
	[tilespmem:$0x1D200] =	vst v63  }
0xb6: {  	_ =	swait.ge [sflag:s16], $0x4000  }
0xb7: {  	[sflag:s16] =	ssyncset.done $0x0  }
0xb8: {  	[sflag:s16] =	ssyncadd.s32 $0xFFFFC000  }
0xb9: {  	[spmem:s3] =	stream.indirect.scatter.add.f32 [tilespmem:s12], [sflag:$0x3], $0x80, s11, s11, $0xb8;
	[tilespmem:$0x1D200] =	vst v63  }
0xba: {  	_ =	swait.ge [sflag:s10], $0x4000  }
0xbb: {  	s21 =	sshrl.u32 s19, $0x3;
	[sflag:s10] =	ssyncset.done $0x0  }
0xbc: {  	s28 =	sadd.s32 s1, s21;
	[sflag:s10] =	ssyncadd.s32 $0xFFFFC000  }
0xbd: {  	[tilespmem:s5], [sflag:$0x3] =	stream.linear.gather [hbm4b:s28+s5], $0x80, $0x38;
	[tilespmem:$0x1D200] =	vst v63  }
0xbe: {  	_ =	swait.ge [sflag:s10], $0x80  }
0xbf: {  	[sflag:s10] =	ssyncset.done $0x0  }
0xc0: {  	s21 =	sadd.s32 s2, s21;
	[sflag:s10] =	ssyncadd.s32 $0xFFFFFF80  }
0xc1: {  	[tilespmem:s11], [sflag:$0x3] =	stream.linear.gather [hbm4b:s21+s5], $0x80, $0x38;
	[tilespmem:$0x1D200] =	vst v63  }
0xc2: {  	_ =	swait.ge [sflag:s10], $0x80  }
0xc3: {  	[sflag:s10] =	ssyncset.done $0x0  }
0xc4: {  	[sflag:s10] =	ssyncadd.s32 $0xFFFFFF80  }
0xc5: {  	[tilespmem:s12], [sflag:$0x1] =	stream.indirect.gather [hbm4b:s6+s11], $0x80, s5, s11, $0xb8;
	[tilespmem:$0x1D200] =	vst v63  }
0xc6: {  	_ =	swait.ge [sflag:s17], $0x4000  }
.Ltmp1:
0xc7: {  	[sflag:s17] =	ssyncset.done $0x0;
	(pc) =	sbr.rel @p0 .LBB2_4-.Ltmp1, $4  }
0xc8: {  	[sflag:s17] =	ssyncadd.s32 $0xFFFFC000  }
0xc9: {  	[spmem:s3] =	stream.indirect.scatter.add.f32 [tilespmem:s15], [sflag:$0x3], $0x80, s14, s11, $0xb8;
	[tilespmem:$0x1D200] =	vst v63  }
0xca: {  	_ =	swait.ge [sflag:s10], $0x4000  }
0xcb: {  	s19 =	sadd.s32 $0x100, s19;
	s21 =	smov.u32 s26;
	[sflag:s10] =	ssyncset.done $0x0  }
0xcc: {  	s21 =	sadd.s32 s20, s24;
	[sflag:s10] =	ssyncadd.s32 $0xFFFFC000  }
0xcd: {  	[tilespmem:s13], [sflag:$0x3] =	stream.linear.gather [hbm4b:s21+s5], $0x80, $0x38;
	[tilespmem:$0x1D200] =	vst v63  }
0xce: {  	_ =	swait.ge [sflag:s10], $0x80  }
0xcf: {  	[sflag:s10] =	ssyncset.done $0x0  }
0xd0: {  	s26 =	sadd.s32 s20, s23;
	[sflag:s10] =	ssyncadd.s32 $0xFFFFFF80  }
0xd1: {  	[tilespmem:s14], [sflag:$0x3] =	stream.linear.gather [hbm4b:s26+s5], $0x80, $0x38;
	[tilespmem:$0x1D200] =	vst v63  }
0xd2: {  	_ =	swait.ge [sflag:s10], $0x80  }
0xd3: {  	[sflag:s10] =	ssyncset.done $0x0  }
0xd4: {  	[sflag:s10] =	ssyncadd.s32 $0xFFFFFF80  }
0xd5: {  	[tilespmem:s15], [sflag:$0x2] =	stream.indirect.gather [hbm4b:s6+s11], $0x80, s13, s11, $0xb8;
	[tilespmem:$0x1D200] =	vst v63  }
0xd6: {  	_ =	swait.ge [sflag:s16], $0x4000  }
0xd7: {  	[sflag:s16] =	ssyncset.done $0x0  }
0xd8: {  	[sflag:s16] =	ssyncadd.s32 $0xFFFFC000  }
0xd9: {  	[spmem:s3] =	stream.indirect.scatter.add.f32 [tilespmem:s12], [sflag:$0x3], $0x80, s11, s11, $0xb8;
	[tilespmem:$0x1D200] =	vst v63  }
0xda: {  	_ =	swait.ge [sflag:s10], $0x4000  }
0xdb: {  	s19 =	sshrl.u32 s19, $0x3;
	[sflag:s10] =	ssyncset.done $0x0  }
0xdc: {  	s28 =	sadd.s32 s1, s19;
	[sflag:s10] =	ssyncadd.s32 $0xFFFFC000  }
0xdd: {  	[tilespmem:s5], [sflag:$0x3] =	stream.linear.gather [hbm4b:s28+s5], $0x80, $0x38;
	[tilespmem:$0x1D200] =	vst v63  }
0xde: {  	_ =	swait.ge [sflag:s10], $0x80  }
0xdf: {  	[sflag:s10] =	ssyncset.done $0x0  }
0xe0: {  	s19 =	sadd.s32 s2, s19;
	[sflag:s10] =	ssyncadd.s32 $0xFFFFFF80  }
0xe1: {  	[tilespmem:s11], [sflag:$0x3] =	stream.linear.gather [hbm4b:s19+s5], $0x80, $0x38;
	[tilespmem:$0x1D200] =	vst v63  }
0xe2: {  	_ =	swait.ge [sflag:s10], $0x80  }
0xe3: {  	[sflag:s10] =	ssyncset.done $0x0  }
0xe4: {  	[sflag:s10] =	ssyncadd.s32 $0xFFFFFF80  }
0xe5: {  	[tilespmem:s12], [sflag:$0x1] =	stream.indirect.gather [hbm4b:s6+s11], $0x80, s5, s11, $0xb8;
	[tilespmem:$0x1D200] =	vst v63  }
0xe6: {  	_ =	swait.ge [sflag:s17], $0x4000  }
0xe7: {  	[sflag:s17] =	ssyncset.done $0x0  }
0xe8: {  	[sflag:s17] =	ssyncadd.s32 $0xFFFFC000  }
0xe9: {  	[spmem:s3] =	stream.indirect.scatter.add.f32 [tilespmem:s15], [sflag:$0x3], $0x80, s14, s11, $0xb8;
	[tilespmem:$0x1D200] =	vst v63  }
0xea: {  	_ =	swait.ge [sflag:s10], $0x4000  }
0xeb: {  	[sflag:s10] =	ssyncset.done $0x0  }
0xec: {  	[sflag:s10] =	ssyncadd.s32 $0xFFFFC000  }
0xed: {  	_ =	swait.ge [sflag:s16], $0x4000  }
0xee: {  	[sflag:s16] =	ssyncset.done $0x0  }
0xef: {  	[sflag:s16] =	ssyncadd.s32 $0xFFFFC000  }
0xf0: {  	[spmem:s3] =	stream.indirect.scatter.add.f32 [tilespmem:s12], [sflag:$0x3], $0x80, s11, s11, $0xb8;
	[tilespmem:$0x1D200] =	vst v63  }
0xf1: {  	_ =	swait.ge [sflag:s10], $0x4000  }
0xf2: {  	[sflag:s10] =	ssyncset.done $0x0  }
0xf3: {  	[sflag:s10] =	ssyncadd.s32 $0xFFFFC000  }
0xf4: {  	[bflag:$0x0] =	sbarrier.arrive $0xFFFF  }
0xf5: {  	[tilespmem:s9], [sflag:$0x3] =	stream.linear.gather [spmem:s7], $0x1000, $0x38;
	[tilespmem:$0x1D200] =	vst v63  }
0xf6: {  	_ =	swait.ge [sflag:s10], $0x1000  }
0xf7: {  	[sflag:s10] =	ssyncset.done $0x0  }
0xf8: {  	s29 =	sadd.s32 $0x0, s25;
	[sflag:s10] =	ssyncadd.s32 $0xFFFFF000  }
0xf9: {  	[hbm4b:s29+s5] =	stream.linear.scatter [tilespmem:s9], [sflag:$0x3], $0x1000, $0x38;
	[tilespmem:$0x1D200] =	vst v63  }
0xfa: {  	_ =	swait.ge [sflag:s10], $0x1000  }
0xfb: {  	s20 =	smov.u32 s7;
	s19 =	simm.s32 $0x200;
	[sflag:s10] =	ssyncset.done $0x0  }
.LBB2_6:
0xfc: {  	p0 =	sne.s32 s19, $0x2600;
	[sflag:s10] =	ssyncadd.s32 $0xFFFFF000;
	s20 =	sadd.s32 $0x1000, s20  }
0xfd: {  	[tilespmem:s9], [sflag:$0x3] =	stream.linear.gather [spmem:s20], $0x1000, $0x38;
	[tilespmem:$0x1D200] =	vst v63  }
0xfe: {  	s21 =	smov.u32 s19;
	s19 =	sadd.s32 $0x200, s19;
	_ =	swait.ge [sflag:s10], $0x1000  }
.Ltmp2:
0xff: {  	[sflag:s10] =	ssyncset.done $0x0;
	(pc) =	sbr.rel @p0 .LBB2_6-.Ltmp2, $4  }
0x100: {  	s21 =	sadd.s32 s21, s25;
	[sflag:s10] =	ssyncadd.s32 $0xFFFFF000  }
0x101: {  	[hbm4b:s21+s5] =	stream.linear.scatter [tilespmem:s9], [sflag:$0x3], $0x1000, $0x38;
	[tilespmem:$0x1D200] =	vst v63  }
0x102: {  	_ =	swait.ge [sflag:s10], $0x1000  }
0x103: {  	[sflag:s10] =	ssyncset.done $0x0  }
0x104: {  	s18 =	sadd.s32 $0x1, s18;
	s19 =	rddreg [dreg:$0x7]  }
0x105: {  	p0 =	sne.s32 s18, s19  }
.Ltmp3:
0x106: {  	_ = 	snop;
	(pc) =	sbr.rel @p0 .LBB2_1-.Ltmp3, $2  }
0x107: {  	_ =	sdelay $0x2  }
0x108: {  	[sflag:s10] =	ssyncadd.s32 $0xFFFFF000  }
0x109: {  	_ =	sfence.sel $0x180000  }
0x10a: {  	[bflag:$0x0] =	sbarrier.arrive $0xFFFF  }
0x10b: {  	_ =	strace $0x9000004D  }
0x10c: {  	s0 =	stileid.u32;
	[bflag:$0x2] =	sbarrier.arrive $0xFFFF  }
0x10d: {  	p0 =	sne.s32 s0, $0x0;
	s0 =	rddreg [dreg:$0x4]  }
0x10e: {  	s0 =	sadd.s32 @!p0 $0x100000, s0  }
0x10f: {  	[sflag:s0] =	ssyncadd.tile.s32 @!p0 $0x1;
	_ =	shalt  }
.Lfunc_end2:
_tile_overlayer_lowered:
.L_overlay_start_2:
0x110: {  	(tag) =	ssettag $0x2  }
0x111: {  	s0 =	rddreg [dreg:$0x0];
	s2 =	stileid.u32  }
0x112: {  	s1 =	rddreg [dreg:$0x1];
	p0 =	sne.s32 s2, $0x0  }
0x113: {  	s3 =	rddreg [dreg:$0x2];
	[bflag:$0x3] =	sbarrier.arrive $0xFFFF;
	s2 =	simm.s32 @!p0 $0x1C03  }
0x114: {  	[timem:s3], [sflag:s2] =	dma.local @!p0 [hbm:s0], s1  }
0x115: {  	s0 =	simm.s32 @!p0 $0x3  }
0x116: {  	_ =	swait.ge @!p0 [sflag:s0], s1  }
0x117: {  	s1 =	ssub.s32 @!p0 $0x0, s1;
	[sflag:s0] =	ssyncset.done @!p0 $0x0  }
0x118: {  	[sflag:s0] =	ssyncadd.s32 @!p0 s1  }
0x119: {  	[bflag:$0x3] =	sbarrier.arrive $0xFFFF  }
0x11a: {  	_ =	shalt  }

// kernel: kernel.20.cloned.1.call-start
scs
__scs_entry_jumppad:
0x0: {  	(pc) =	sbr.rel $0x88, $3  }
0x1: {  	(tag) =	ssettag $0x0;
	lr =	simm.s32 $0x1  }
0x2: {  	[smem:$0x3F91] =	sst lr;
	_ =	strace $0xD0000000  }
0x3: {  	_ = 	snop  }
0x4: {  	_ = 	snop  }
0x5: {  	_ = 	snop  }
0x6: {  	_ = 	snop  }
0x7: {  	_ = 	snop  }
__scs_overlays_trampoline_lowered:
0x8: {  	[smem:$0x3FA0] =	sst s0  }
0x9: {  	[smem:$0x3FA1] =	sst s1  }
0xa: {  	[smem:$0x3FA2] =	sst s2  }
0xb: {  	[smem:$0x3FA3] =	sst s3  }
0xc: {  	[smem:$0x3FA4] =	sst s4  }
0xd: {  	[smem:$0x3FA5] =	sst s5  }
0xe: {  	[smem:$0x3FA6] =	sst s6  }
0xf: {  	[smem:$0x3FA7] =	sst s7  }
0x10: {  	[smem:$0x3FA8] =	sst s8  }
0x11: {  	[smem:$0x3FA9] =	sst s9;
	s0 =	simm.s32 @!p0 $0x0  }
0x12: {  	s1 =	sld [smem:$0x3F8F];
	s0 =	simm.s32 @p0 $0x1  }
0x13: {  	[smem:$0x3FAA] =	sst s0;
	s0 =	simm.s32 @!p1 $0x0  }
0x14: {  	s2 =	sld [smem:$0x3F8E];
	s0 =	simm.s32 @p1 $0x1  }
0x15: {  	[smem:$0x3FAB] =	sst s0;
	s0 =	simm.s32 @!p2 $0x0  }
0x16: {  	s3 =	sld [smem:$0x3FDB];
	s0 =	simm.s32 @p2 $0x1  }
0x17: {  	s4 =	simm.s32 $0x1BF5;
	[smem:$0x3FAD] =	sst s0  }
0x18: {  	s0 =	sld [smem:$0x3F90];
	_ =	swait.ge [sflag:s4], $0x0  }
0x19: {  	s7 =	sld [smem:$0x3F91]  }
0x1a: {  	s8 =	sadd.s32 $0xFFFFE003, lr  }
0x1b: {  	s9 =	sadd.s32 $0xFFFFFEF7, lr;
	s5 =	simm.s32 $0xFFFFFFFF;
	p2 =	slt.u32 s8, $0xFFFFF086  }
0x1c: {  	p1 =	slt.u32 s9, $0xF7A;
	s5 =	simm.s32 @!p2 $0x0  }
0x1d: {  	s5 =	simm.s32 @p1 $0x1;
	p0 =	seq.s32 s7, s2  }
0x1e: {  	s7 =	smul.u32 @!p0 $0xF7A, s2;
	p2 =	seq.s32 @!p0 s5, $0x0  }
0x1f: {  	s9 =	smul.u32 $0xF7A, s1;
	s8 =	simm.s32 @!p0 $0x1BF5;
	p2 =	por !p2, p0  }
0x20: {  	[sflag:s8] =	ssyncset.s32 @!p0 $0xFFFFF086;
	s6 =	sadd.s32 @!p0 s3, s7;
	s7 =	simm.s32 @!p0 $0x108  }
0x21: {  	s3 =	sadd.s32 s3, s9;
	s6 =	sadd.s32 @!p0 $0x88, s6;
	s7 =	simm.s32 @p2 $0x1082  }
0x22: {  	[simem:s7], [sflag:s8] =	dma.local @!p0 [hbm:s6], $0xF7A  }
0x23: {  	s9 =	sor.u32 $0xD0000000, s2;
	s6 =	simm.s32 $0x108;
	_ =	swait.ge @!p0 [sflag:s8], $0x0  }
0x24: {  	s3 =	sadd.s32 $0x88, s3;
	s6 =	simm.s32 @!p1 $0x1082;
	[sflag:s4] =	ssyncset.s32 $0xFFFFF086  }
0x25: {  	[simem:s6], [sflag:s4] =	dma.local [hbm:s3], $0xF7A  }
0x26: {  	[smem:$0x3F91] =	sst s1;
	(tag) =	ssettag s2;
	_ =	strace s9  }
0x27: {  	s1 =	sld [smem:$0x3FA1]  }
0x28: {  	s2 =	sld [smem:$0x3FA2]  }
0x29: {  	s4 =	sld [smem:$0x3FA4]  }
0x2a: {  	p0 =	seq.s32 s5, $0x0;
	s5 =	sld [smem:$0x3FA5]  }
0x2b: {  	s6 =	sld [smem:$0x3FA6]  }
0x2c: {  	s7 =	sld [smem:$0x3FA7]  }
0x2d: {  	s3 =	simm.s32 $0x108;
	s8 =	sld [smem:$0x3FA8]  }
0x2e: {  	s3 =	simm.s32 @!p0 $0x1082;
	s9 =	sld [smem:$0x3FA9]  }
0x2f: {  	lr =	sadd.s32 s0, s3;
	s0 =	sld [smem:$0x3FA0]  }
0x30: {  	s3 =	sld [smem:$0x3FA3]  }
0x31: {  	[smem:$0x3FAC] =	sst s10  }
0x32: {  	s10 =	sld [smem:$0x3FAA];
	_ =	sdelay $0x3  }
0x33: {  	p0 =	seq.s32 s10, $0x1;
	s10 =	sld [smem:$0x3FAC];
	_ =	sdelay $0x3  }
0x34: {  	[smem:$0x3FAC] =	sst s10  }
0x35: {  	s10 =	sld [smem:$0x3FAB];
	_ =	sdelay $0x3  }
0x36: {  	p1 =	seq.s32 s10, $0x1;
	s10 =	sld [smem:$0x3FAC];
	_ =	sdelay $0x3  }
0x37: {  	[smem:$0x3FAC] =	sst s10  }
0x38: {  	s10 =	sld [smem:$0x3FAD]  }
0x39: {  	_ = 	snop;
	(pc) =	sbr.ind lr, $3  }
0x3a: {  	_ = 	snop  }
0x3b: {  	_ = 	snop  }
0x3c: {  	p2 =	seq.s32 s10, $0x1;
	s10 =	sld [smem:$0x3FAC]  }
0x3d: {  	_ =	shalt  }
0x3e: {  	_ =	shalt  }
0x3f: {  	_ =	shalt  }
0x40: {  	_ =	shalt  }
0x41: {  	_ =	shalt  }
0x42: {  	_ =	shalt  }
0x43: {  	_ =	shalt  }
0x44: {  	_ =	shalt  }
0x45: {  	_ =	shalt  }
0x46: {  	_ =	shalt  }
0x47: {  	_ =	shalt  }
0x48: {  	_ =	shalt  }
0x49: {  	_ =	shalt  }
0x4a: {  	_ =	shalt  }
0x4b: {  	_ =	shalt  }
0x4c: {  	_ =	shalt  }
0x4d: {  	_ =	shalt  }
0x4e: {  	_ =	shalt  }
0x4f: {  	_ =	shalt  }
0x50: {  	_ =	shalt  }
0x51: {  	_ =	shalt  }
0x52: {  	_ =	shalt  }
0x53: {  	_ =	shalt  }
0x54: {  	_ =	shalt  }
0x55: {  	_ =	shalt  }
0x56: {  	_ =	shalt  }
0x57: {  	_ =	shalt  }
0x58: {  	_ =	shalt  }
0x59: {  	_ =	shalt  }
0x5a: {  	_ =	shalt  }
0x5b: {  	_ =	shalt  }
0x5c: {  	_ =	shalt  }
0x5d: {  	_ =	shalt  }
0x5e: {  	_ =	shalt  }
0x5f: {  	_ =	shalt  }
0x60: {  	_ =	shalt  }
0x61: {  	_ =	shalt  }
0x62: {  	_ =	shalt  }
0x63: {  	_ =	shalt  }
0x64: {  	_ =	shalt  }
0x65: {  	_ =	shalt  }
0x66: {  	_ =	shalt  }
0x67: {  	_ =	shalt  }
0x68: {  	_ =	shalt  }
0x69: {  	_ =	shalt  }
0x6a: {  	_ =	shalt  }
0x6b: {  	_ =	shalt  }
0x6c: {  	_ =	shalt  }
0x6d: {  	_ =	shalt  }
0x6e: {  	_ =	shalt  }
0x6f: {  	_ =	shalt  }
0x70: {  	_ =	shalt  }
0x71: {  	_ =	shalt  }
0x72: {  	_ =	shalt  }
0x73: {  	_ =	shalt  }
0x74: {  	_ =	shalt  }
0x75: {  	_ =	shalt  }
0x76: {  	_ =	shalt  }
0x77: {  	_ =	shalt  }
0x78: {  	_ =	shalt  }
0x79: {  	_ =	shalt  }
0x7a: {  	_ =	shalt  }
0x7b: {  	_ =	shalt  }
0x7c: {  	_ =	shalt  }
0x7d: {  	_ =	shalt  }
0x7e: {  	_ =	shalt  }
0x7f: {  	_ =	shalt  }
0x80: {  	_ =	shalt  }
0x81: {  	_ =	shalt  }
0x82: {  	_ =	shalt  }
0x83: {  	_ =	shalt  }
0x84: {  	_ =	shalt  }
0x85: {  	_ =	shalt  }
0x86: {  	_ =	shalt  }
0x87: {  	_ =	shalt  }
.Lfunc_end0:
.L_simem_size_0:
called_computation.3_lowered:
.L_overlay_start_0:
0x88: {  	s2 =	sld [smem:$0x3FD9]  }
0x89: {  	s3 =	sld [smem:$0x3FFE];
	_ =	sdelay $0x1  }
0x8a: {  	s1 =	srdreg.scid  }
0x8b: {  	s0 =	sand.u32 $0x1, s1  }
0x8c: {  	s14 =	sshll.u32 s0, $0xA;
	s2 =	sadd.s32 s3, s2  }
0x8d: {  	s2 =	sadd.s32 s2, s14  }
0x8e: {  	[smem:$0x3FB8] =	sst s2  }
0x8f: {  	_ = 	snop  }
0x90: {  	s2 =	sld [smem:$0x3FD0];
	_ =	sdelay $0x2  }
0x91: {  	s15 =	simm.s32 $0xA;
	s4 =	simm.s32 $0x10  }
0x92: {  	[smem:s4], [sflag:s15] =	dma.local [hbm:s2], $0x1  }
0x93: {  	_ =	swait.eq [sflag:s15], $0x1  }
0x94: {  	[sflag:s15] =	ssyncset.done $0x0  }
0x95: {  	s16 =	sld [smem:$0x10];
	[sflag:s15] =	ssyncadd.s32 $0xFFFFFFFF  }
0x96: {  	s17 =	sld [smem:$0x11];
	(tm) =	ssettm $0x1  }
0x97: {  	s18 =	sld [smem:$0x3FFB];
	_ =	sdelay $0x3  }
0x98: {  	_ =	strace s18  }
0x99: {  	s4 =	sld [smem:$0x3FFC];
	_ =	sdelay $0x3  }
0x9a: {  	_ =	strace s4  }
0x9b: {  	s4 =	sld [smem:$0x3FFD];
	_ =	sdelay $0x3  }
0x9c: {  	_ =	strace s4  }
0x9d: {  	_ =	strace $0x8FFFFFFF  }
0x9e: {  	s19 =	sld [smem:$0x3FDB];
	_ =	sdelay $0x1  }
0x9f: {  	s5 =	simm.s32 $_scs_section_size  }
0xa0: {  	s6 =	simm.s32 $_size__tile_overlayer_lowered;
	s7 =	simm.s32 $_tile_overlayer_lowered  }
0xa1: {  	s22 =	simm.s32 $0x1BFF;
	s21 =	sshll.u32 s7, $0x1;
	s4 =	sadd.s32 s5, s19  }
0xa2: {  	s8 =	simm.s32 $0x0;
	s20 =	sshll.u32 s6, $0x1;
	s6 =	sadd.s32 s21, s4  }
0xa3: {  	[timem:s8], [sflag:s22] =	dma.local [hbm:s6], s20  }
0xa4: {  	_ =	swait.ge [sflag:s22], s20  }
0xa5: {  	s5 =	ssub.s32 $0x0, s20;
	[sflag:s22] =	ssyncset.done $0x0  }
0xa6: {  	[sflag:s22] =	ssyncadd.s32 s5;
	_ =	sdelay $0x1  }
0xa7: {  	s23 =	simm.s32 $0x1B8B  }
0xa8: {  	_ =	swait.ge [sflag:s23], $0x1  }
0xa9: {  	[sflag:s23] =	ssyncset.done $0x0  }
0xaa: {  	s25 =	simm.s32 $0x1B8E;
	s24 =	sld [smem:$0x3FFE];
	[sflag:s23] =	ssyncadd.s32 $0xFFFFFFFF  }
0xab: {  	s26 =	simm.s32 $execute0_lowered;
	[smem:$0x3FD2] =	sst s25  }
0xac: {  	s6 =	sshll.u32 s26, $0x1;
	_ =	strace $0x8000004F;
	[dreg:$0x1] =	wrdreg $0xFFFFFFFF  }
0xad: {  	s28 =	simm.s32 $_size_execute0_lowered;
	s4 =	sadd.s32 s4, s6;
	[dreg:$0x0] =	wrdreg $0x0  }
0xae: {  	s6 =	sshll.u32 s28, $0x1;
	[dreg:$0x2] =	wrdreg s4  }
0xaf: {  	[dreg:$0x3] =	wrdreg s6  }
0xb0: {  	[dreg:$0x4] =	wrdreg $0xC0  }
0xb1: {  	_ =	task [dreg:s8], $0x5FFFF  }
0xb2: {  	[dreg:$0x1] =	wrdreg $0xFFFFFFFF  }
0xb3: {  	[dreg:$0x0] =	wrdreg $0x60  }
0xb4: {  	[dreg:$0x2] =	wrdreg s24  }
0xb5: {  	[dreg:$0x3] =	wrdreg s17  }
0xb6: {  	[dreg:$0x4] =	wrdreg s16  }
0xb7: {  	[dreg:$0x5] =	wrdreg $0x92000  }
0xb8: {  	[dreg:$0x6] =	wrdreg $0x9  }
0xb9: {  	_ =	task.clear_ibuf [dreg:s8], $0x7FFFF;
	_ =	strace $0x9000004F  }
0xba: {  	s29 =	simm.s32 $0x9;
	_ =	strace $0x80000051  }
0xbb: {  	_ =	swait.ge [sflag:s29], $0x1  }
0xbc: {  	[sflag:s29] =	ssyncadd.s32 $0xFFFFFFFF  }
0xbd: {  	_ =	strace $0x90000051  }
0xbe: {  	_ =	sfence  }
0xbf: {  	s30 =	sld [smem:$0x0];
	_ =	sdelay $0x2  }
0xc0: {  	s31 =	sshll.u32 s1, $0xD;
	s1 =	sshrl.u32 s1, $0x2  }
0xc1: {  	s3 =	sand.u32 $0x4000, s31;
	s1 =	sadd.s32 s1, s30  }
0xc2: {  	s0 =	sor.u32 s3, s0;
	s1 =	sshll.u32 s1, $0x11  }
0xc3: {  	s0 =	sor.u32 s1, s0  }
0xc4: {  	s0 =	sadd.s32 $0x8F2B, s0  }
0xc5: {  	[sflag:s0] =	ssyncadd.remote.s32 $0x1  }
0xc6: {  	_ =	sfence.sel $0xFFFF  }
0xc7: {  	[dreg:$0x0] =	wrdreg $0xFFFFFFFF;
	(pc) =	sbr.abs _section_cstart, $3  }
0xc8: {  	[dreg:$0x1] =	wrdreg $0xFFFFFFFF  }
0xc9: {  	_ =	task.clear_ibuf [dreg:s8], $0x2FFFF;
	_ =	strace $0x9FFFFFFF  }
0xca: {  	(tm) =	ssettm $0x7FFFFFFF  }
0xcb: {  	_ =	shalt  }
tec
execute0_lowered:
.L_overlay_start_1:
0x0: {  	(tag) =	ssettag $0x1  }
0x1: {  	s0 =	rddreg [dreg:$0x0]  }
0x2: {  	s1 =	rddreg [dreg:$0x1]  }
0x3: {  	s2 =	rddreg [dreg:$0x2];
	s11 =	stileid.u32  }
0x4: {  	s4 =	srdreg.scid;
	s7 =	smul.u32 $0x14000, s11  }
0x5: {  	s3 =	rddreg [dreg:$0x3];
	s4 =	sand.u32 $0x1, s4;
	s24 =	smul.u32 $0x50000, s11  }
0x6: {  	s5 =	simm.s32 $0x0;
	s6 =	smul.u32 $0x140000, s4;
	s8 =	sshll.u32 s4, $0x4  }
0x7: {  	[smem:$0x7FF] =	sst s5;
	s15 =	smul.u32 $0x2880, s11;
	s23 =	sor.u32 s11, s8  }
0x8: {  	s10 =	ssub.s32 $0x2, s4;
	s6 =	sadd.s32 s7, s6;
	s7 =	smul.u32 $0x2880, s23  }
0x9: {  	_ =	strace $0x80000050;
	s4 =	smul.u32 $0x28800, s4;
	s25 =	sshrl.u32 s10, $0x1  }
0xa: {  	s8 =	sshrl.u32 s24, $0x2;
	s9 =	sshrl.u32 s6, $0x3;
	s26 =	sshrl.u32 s7, $0x3  }
0xb: {  	s6 =	sadd.s32 $0x53E00, s0;
	s0 =	sadd.s32 s9, s0;
	s28 =	sadd.s32 s1, s26  }
0xc: {  	s9 =	ssub.s32 s10, s25;
	s29 =	sadd.s32 s2, s26;
	[dreg:$0x5] =	wrdreg s28  }
0xd: {  	s7 =	sadd.s32 s8, s3;
	s10 =	smax.u32 s9, $0x1;
	[dreg:$0x6] =	wrdreg s29  }
0xe: {  	s11 =	simm.s32 $0x80;
	s12 =	sadd.s32 $0x1000, s7;
	[dreg:$0x7] =	wrdreg s10  }
0xf: {  	s4 =	sadd.s32 s15, s4;
	s13 =	sadd.s32 $0x2000, s7;
	[dreg:$0x8] =	wrdreg s12  }
0x10: {  	s15 =	simm.s32 $0x4200;
	s14 =	sadd.s32 $0x3000, s7;
	[dreg:$0x9] =	wrdreg s13  }
0x11: {  	s23 =	sadd.s32 $0x80, s4;
	s16 =	sadd.s32 $0x4000, s7;
	[dreg:$0xa] =	wrdreg s14  }
0x12: {  	s25 =	sshrl.u32 s23, $0x3;
	s17 =	sadd.s32 $0x5000, s7;
	[dreg:$0xb] =	wrdreg s16  }
0x13: {  	s18 =	sadd.s32 $0x6000, s7;
	s19 =	sadd.s32 $0x7000, s7;
	[dreg:$0xc] =	wrdreg s17  }
0x14: {  	s20 =	sadd.s32 $0x8000, s7;
	s21 =	sadd.s32 $0x9000, s7;
	[dreg:$0xd] =	wrdreg s18  }
0x15: {  	s22 =	sadd.s32 $0xA000, s7;
	s24 =	sadd.s32 $0xB000, s7;
	[dreg:$0xe] =	wrdreg s19  }
0x16: {  	s23 =	sadd.s32 s25, s2;
	s26 =	sadd.s32 $0xC000, s7;
	[dreg:$0xf] =	wrdreg s20  }
0x17: {  	s30 =	sadd.s32 $0xF000, s7;
	s31 =	sadd.s32 $0x10000, s7;
	[dreg:$0x10] =	wrdreg s21  }
0x18: {  	s8 =	sadd.s32 $0x13000, s7;
	s9 =	simm.s32 $0x8200;
	[dreg:$0x11] =	wrdreg s22  }
0x19: {  	[dreg:$0x12] =	wrdreg s24;
	s22 =	sadd.s32 $0x100, s4;
	s24 =	sadd.s32 s25, s1  }
0x1a: {  	s25 =	sadd.s32 $0x7BE00, s0;
	[dreg:$0x13] =	wrdreg s26;
	s28 =	sadd.s32 $0xD000, s7  }
0x1b: {  	s29 =	sadd.s32 $0xE000, s7;
	s0 =	sadd.s32 $0x11000, s7;
	s4 =	sadd.s32 $0x12000, s7  }
0x1c: {  	s10 =	simm.s32 $0x3;
	s12 =	simm.s32 $0x100;
	s13 =	simm.s32 $0x4100  }
0x1d: {  	s14 =	simm.s32 $0x4180;
	s16 =	simm.s32 $0x1;
	[dreg:$0x14] =	wrdreg s28  }
0x1e: {  	v0 =	vimm.f32 $0.0e+00;
	s17 =	simm.s32 $0x2;
	s18 =	simm.s32 $0x0;
	[dreg:$0x15] =	wrdreg s29  }
.LBB2_1:
0x1f: {  	s19 =	simm.s32 $0x0;
	s20 =	simm.s32 $0x200  }
.LBB2_2:
0x20: {  	p0 =	sne.s32 s20, $0x3E00;
	[tilespmem:s19+$0x8270] =	vst v0  }
0x21: {  	[tilespmem:s19+$0x8200] =	vst v0  }
0x22: {  	[tilespmem:s19+$0x8210] =	vst v0  }
.Ltmp0:
0x23: {  	[tilespmem:s19+$0x8220] =	vst v0;
	(pc) =	sbr.rel @p0 .LBB2_2-.Ltmp0, $4  }
0x24: {  	[tilespmem:s19+$0x8230] =	vst v0  }
0x25: {  	[tilespmem:s19+$0x8240] =	vst v0  }
0x26: {  	[tilespmem:s19+$0x8250] =	vst v0  }
0x27: {  	[tilespmem:s19+$0x8260] =	vst v0;
	s19 =	sshra.s32 s20, $0x2;
	s20 =	sadd.s32 $0x200, s20  }
0x28: {  	[tilespmem:s19+$0x8270] =	vst v0  }
0x29: {  	[tilespmem:s19+$0x8200] =	vst v0  }
0x2a: {  	[tilespmem:s19+$0x8210] =	vst v0  }
0x2b: {  	[tilespmem:s19+$0x8220] =	vst v0  }
0x2c: {  	[tilespmem:s19+$0x8230] =	vst v0  }
0x2d: {  	[tilespmem:s19+$0x8240] =	vst v0  }
0x2e: {  	[tilespmem:s19+$0x8250] =	vst v0  }
0x2f: {  	[tilespmem:s19+$0x8260] =	vst v0  }
0x30: {  	[spmem:s7] =	stream.linear.scatter [tilespmem:s9], [sflag:$0x3], $0x1000, $0x38;
	[tilespmem:$0x1D200] =	vst v63  }
0x31: {  	_ =	swait.ge [sflag:s10], $0x1000  }
0x32: {  	[sflag:s10] =	ssyncset.done $0x0  }
0x33: {  	s29 =	rddreg [dreg:$0x8];
	[sflag:s10] =	ssyncadd.s32 $0xFFFFF000  }
0x34: {  	[spmem:s29] =	stream.linear.scatter [tilespmem:s9], [sflag:$0x3], $0x1000, $0x38;
	[tilespmem:$0x1D200] =	vst v63  }
0x35: {  	_ =	swait.ge [sflag:s10], $0x1000  }
0x36: {  	[sflag:s10] =	ssyncset.done $0x0  }
0x37: {  	s20 =	rddreg [dreg:$0x9];
	[sflag:s10] =	ssyncadd.s32 $0xFFFFF000  }
0x38: {  	[spmem:s20] =	stream.linear.scatter [tilespmem:s9], [sflag:$0x3], $0x1000, $0x38;
	[tilespmem:$0x1D200] =	vst v63  }
0x39: {  	_ =	swait.ge [sflag:s10], $0x1000  }
0x3a: {  	[sflag:s10] =	ssyncset.done $0x0  }
0x3b: {  	s21 =	rddreg [dreg:$0xa];
	[sflag:s10] =	ssyncadd.s32 $0xFFFFF000  }
0x3c: {  	[spmem:s21] =	stream.linear.scatter [tilespmem:s9], [sflag:$0x3], $0x1000, $0x38;
	[tilespmem:$0x1D200] =	vst v63  }
0x3d: {  	_ =	swait.ge [sflag:s10], $0x1000  }
0x3e: {  	[sflag:s10] =	ssyncset.done $0x0  }
0x3f: {  	s26 =	rddreg [dreg:$0xb];
	[sflag:s10] =	ssyncadd.s32 $0xFFFFF000  }
0x40: {  	[spmem:s26] =	stream.linear.scatter [tilespmem:s9], [sflag:$0x3], $0x1000, $0x38;
	[tilespmem:$0x1D200] =	vst v63  }
0x41: {  	_ =	swait.ge [sflag:s10], $0x1000  }
0x42: {  	[sflag:s10] =	ssyncset.done $0x0  }
0x43: {  	s28 =	rddreg [dreg:$0xc];
	[sflag:s10] =	ssyncadd.s32 $0xFFFFF000  }
0x44: {  	[spmem:s28] =	stream.linear.scatter [tilespmem:s9], [sflag:$0x3], $0x1000, $0x38;
	[tilespmem:$0x1D200] =	vst v63  }
0x45: {  	_ =	swait.ge [sflag:s10], $0x1000  }
0x46: {  	[sflag:s10] =	ssyncset.done $0x0  }
0x47: {  	s29 =	rddreg [dreg:$0xd];
	[sflag:s10] =	ssyncadd.s32 $0xFFFFF000  }
0x48: {  	[spmem:s29] =	stream.linear.scatter [tilespmem:s9], [sflag:$0x3], $0x1000, $0x38;
	[tilespmem:$0x1D200] =	vst v63  }
0x49: {  	_ =	swait.ge [sflag:s10], $0x1000  }
0x4a: {  	[sflag:s10] =	ssyncset.done $0x0  }
0x4b: {  	s20 =	rddreg [dreg:$0xe];
	[sflag:s10] =	ssyncadd.s32 $0xFFFFF000  }
0x4c: {  	[spmem:s20] =	stream.linear.scatter [tilespmem:s9], [sflag:$0x3], $0x1000, $0x38;
	[tilespmem:$0x1D200] =	vst v63  }
0x4d: {  	_ =	swait.ge [sflag:s10], $0x1000  }
0x4e: {  	[sflag:s10] =	ssyncset.done $0x0  }
0x4f: {  	s21 =	rddreg [dreg:$0xf];
	[sflag:s10] =	ssyncadd.s32 $0xFFFFF000  }
0x50: {  	[spmem:s21] =	stream.linear.scatter [tilespmem:s9], [sflag:$0x3], $0x1000, $0x38;
	[tilespmem:$0x1D200] =	vst v63  }
0x51: {  	_ =	swait.ge [sflag:s10], $0x1000  }
0x52: {  	[sflag:s10] =	ssyncset.done $0x0  }
0x53: {  	s26 =	rddreg [dreg:$0x10];
	[sflag:s10] =	ssyncadd.s32 $0xFFFFF000  }
0x54: {  	[spmem:s26] =	stream.linear.scatter [tilespmem:s9], [sflag:$0x3], $0x1000, $0x38;
	[tilespmem:$0x1D200] =	vst v63  }
0x55: {  	_ =	swait.ge [sflag:s10], $0x1000  }
0x56: {  	[sflag:s10] =	ssyncset.done $0x0  }
0x57: {  	s28 =	rddreg [dreg:$0x11];
	[sflag:s10] =	ssyncadd.s32 $0xFFFFF000  }
0x58: {  	[spmem:s28] =	stream.linear.scatter [tilespmem:s9], [sflag:$0x3], $0x1000, $0x38;
	[tilespmem:$0x1D200] =	vst v63  }
0x59: {  	_ =	swait.ge [sflag:s10], $0x1000  }
0x5a: {  	[sflag:s10] =	ssyncset.done $0x0  }
0x5b: {  	s29 =	rddreg [dreg:$0x12];
	[sflag:s10] =	ssyncadd.s32 $0xFFFFF000  }
0x5c: {  	[spmem:s29] =	stream.linear.scatter [tilespmem:s9], [sflag:$0x3], $0x1000, $0x38;
	[tilespmem:$0x1D200] =	vst v63  }
0x5d: {  	_ =	swait.ge [sflag:s10], $0x1000  }
0x5e: {  	[sflag:s10] =	ssyncset.done $0x0  }
0x5f: {  	s20 =	rddreg [dreg:$0x13];
	[sflag:s10] =	ssyncadd.s32 $0xFFFFF000  }
0x60: {  	[spmem:s20] =	stream.linear.scatter [tilespmem:s9], [sflag:$0x3], $0x1000, $0x38;
	[tilespmem:$0x1D200] =	vst v63  }
0x61: {  	_ =	swait.ge [sflag:s10], $0x1000  }
0x62: {  	[sflag:s10] =	ssyncset.done $0x0  }
0x63: {  	s21 =	rddreg [dreg:$0x14];
	[sflag:s10] =	ssyncadd.s32 $0xFFFFF000  }
0x64: {  	[spmem:s21] =	stream.linear.scatter [tilespmem:s9], [sflag:$0x3], $0x1000, $0x38;
	[tilespmem:$0x1D200] =	vst v63  }
0x65: {  	_ =	swait.ge [sflag:s10], $0x1000  }
0x66: {  	[sflag:s10] =	ssyncset.done $0x0  }
0x67: {  	s26 =	rddreg [dreg:$0x15];
	[sflag:s10] =	ssyncadd.s32 $0xFFFFF000  }
0x68: {  	[spmem:s26] =	stream.linear.scatter [tilespmem:s9], [sflag:$0x3], $0x1000, $0x38;
	[tilespmem:$0x1D200] =	vst v63  }
0x69: {  	_ =	swait.ge [sflag:s10], $0x1000  }
0x6a: {  	[sflag:s10] =	ssyncset.done $0x0  }
0x6b: {  	[sflag:s10] =	ssyncadd.s32 $0xFFFFF000  }
0x6c: {  	[spmem:s30] =	stream.linear.scatter [tilespmem:s9], [sflag:$0x3], $0x1000, $0x38;
	[tilespmem:$0x1D200] =	vst v63  }
0x6d: {  	_ =	swait.ge [sflag:s10], $0x1000  }
0x6e: {  	[sflag:s10] =	ssyncset.done $0x0  }
0x6f: {  	[sflag:s10] =	ssyncadd.s32 $0xFFFFF000  }
0x70: {  	[spmem:s31] =	stream.linear.scatter [tilespmem:s9], [sflag:$0x3], $0x1000, $0x38;
	[tilespmem:$0x1D200] =	vst v63  }
0x71: {  	_ =	swait.ge [sflag:s10], $0x1000  }
0x72: {  	[sflag:s10] =	ssyncset.done $0x0  }
0x73: {  	[sflag:s10] =	ssyncadd.s32 $0xFFFFF000  }
0x74: {  	[spmem:s0] =	stream.linear.scatter [tilespmem:s9], [sflag:$0x3], $0x1000, $0x38;
	[tilespmem:$0x1D200] =	vst v63  }
0x75: {  	_ =	swait.ge [sflag:s10], $0x1000  }
0x76: {  	[sflag:s10] =	ssyncset.done $0x0  }
0x77: {  	[sflag:s10] =	ssyncadd.s32 $0xFFFFF000  }
0x78: {  	[spmem:s4] =	stream.linear.scatter [tilespmem:s9], [sflag:$0x3], $0x1000, $0x38;
	[tilespmem:$0x1D200] =	vst v63  }
0x79: {  	_ =	swait.ge [sflag:s10], $0x1000  }
0x7a: {  	[sflag:s10] =	ssyncset.done $0x0  }
0x7b: {  	[sflag:s10] =	ssyncadd.s32 $0xFFFFF000  }
0x7c: {  	[spmem:s8] =	stream.linear.scatter [tilespmem:s9], [sflag:$0x3], $0x1000, $0x38;
	[tilespmem:$0x1D200] =	vst v63  }
0x7d: {  	_ =	swait.ge [sflag:s10], $0x1000  }
0x7e: {  	[sflag:s10] =	ssyncset.done $0x0  }
0x7f: {  	[sflag:s10] =	ssyncadd.s32 $0xFFFFF000  }
0x80: {  	[bflag:$0x0] =	sbarrier.arrive $0xFFFF  }
0x81: {  	s28 =	simm.s32 $0x0;
	s20 =	rddreg [dreg:$0x5]  }
0x82: {  	[tilespmem:s28], [sflag:$0x3] =	stream.linear.gather [hbm4b:s20+s28], $0x80, $0x38;
	[tilespmem:$0x1D200] =	vst v63  }
0x83: {  	_ =	swait.ge [sflag:s10], $0x80  }
0x84: {  	[sflag:s10] =	ssyncset.done $0x0  }
0x85: {  	s29 =	rddreg [dreg:$0x6];
	[sflag:s10] =	ssyncadd.s32 $0xFFFFFF80  }
0x86: {  	[tilespmem:s11], [sflag:$0x3] =	stream.linear.gather [hbm4b:s29+s28], $0x80, $0x38;
	[tilespmem:$0x1D200] =	vst v63  }
0x87: {  	_ =	swait.ge [sflag:s10], $0x80  }
0x88: {  	[sflag:s10] =	ssyncset.done $0x0  }
0x89: {  	[sflag:s10] =	ssyncadd.s32 $0xFFFFFF80  }
0x8a: {  	[tilespmem:s12], [sflag:$0x1] =	stream.indirect.gather [hbm4b:s6+s11], $0x80, s28, s11, $0xb8;
	[tilespmem:$0x1D200] =	vst v63  }
0x8b: {  	s21 =	sadd.s32 $0x0, s24  }
0x8c: {  	[tilespmem:s13], [sflag:$0x3] =	stream.linear.gather [hbm4b:s21+s5], $0x80, $0x38;
	[tilespmem:$0x1D200] =	vst v63  }
0x8d: {  	_ =	swait.ge [sflag:s10], $0x80  }
0x8e: {  	[sflag:s10] =	ssyncset.done $0x0  }
0x8f: {  	s26 =	sadd.s32 $0x0, s23;
	[sflag:s10] =	ssyncadd.s32 $0xFFFFFF80  }
0x90: {  	[tilespmem:s14], [sflag:$0x3] =	stream.linear.gather [hbm4b:s26+s5], $0x80, $0x38;
	[tilespmem:$0x1D200] =	vst v63  }
0x91: {  	_ =	swait.ge [sflag:s10], $0x80  }
0x92: {  	[sflag:s10] =	ssyncset.done $0x0  }
0x93: {  	[sflag:s10] =	ssyncadd.s32 $0xFFFFFF80  }
0x94: {  	[tilespmem:s15], [sflag:$0x2] =	stream.indirect.gather [hbm4b:s6+s11], $0x80, s13, s11, $0xb8;
	[tilespmem:$0x1D200] =	vst v63  }
0x95: {  	_ =	swait.ge [sflag:s16], $0x4000  }
0x96: {  	[sflag:s16] =	ssyncset.done $0x0  }
0x97: {  	[sflag:s16] =	ssyncadd.s32 $0xFFFFC000  }
0x98: {  	[spmem:s3] =	stream.indirect.scatter.add.f32 [tilespmem:s12], [sflag:$0x3], $0x80, s11, s11, $0xb8;
	[tilespmem:$0x1D200] =	vst v63  }
0x99: {  	_ =	swait.ge [sflag:s10], $0x4000  }
0x9a: {  	s28 =	sshrl.u32 s22, $0x3;
	[sflag:s10] =	ssyncset.done $0x0  }
0x9b: {  	s29 =	sadd.s32 s1, s28;
	[sflag:s10] =	ssyncadd.s32 $0xFFFFC000  }
0x9c: {  	[tilespmem:s5], [sflag:$0x3] =	stream.linear.gather [hbm4b:s29+s5], $0x80, $0x38;
	[tilespmem:$0x1D200] =	vst v63  }
0x9d: {  	_ =	swait.ge [sflag:s10], $0x80  }
0x9e: {  	[sflag:s10] =	ssyncset.done $0x0  }
0x9f: {  	s19 =	sadd.s32 s2, s28;
	[sflag:s10] =	ssyncadd.s32 $0xFFFFFF80  }
0xa0: {  	[tilespmem:s11], [sflag:$0x3] =	stream.linear.gather [hbm4b:s19+s5], $0x80, $0x38;
	[tilespmem:$0x1D200] =	vst v63  }
0xa1: {  	_ =	swait.ge [sflag:s10], $0x80  }
0xa2: {  	[sflag:s10] =	ssyncset.done $0x0  }
0xa3: {  	[sflag:s10] =	ssyncadd.s32 $0xFFFFFF80  }
0xa4: {  	[tilespmem:s12], [sflag:$0x1] =	stream.indirect.gather [hbm4b:s6+s11], $0x80, s5, s11, $0xb8;
	[tilespmem:$0x1D200] =	vst v63  }
0xa5: {  	_ =	swait.ge [sflag:s17], $0x4000  }
0xa6: {  	[sflag:s17] =	ssyncset.done $0x0  }
0xa7: {  	[sflag:s17] =	ssyncadd.s32 $0xFFFFC000  }
0xa8: {  	[spmem:s3] =	stream.indirect.scatter.add.f32 [tilespmem:s15], [sflag:$0x3], $0x80, s14, s11, $0xb8;
	[tilespmem:$0x1D200] =	vst v63  }
0xa9: {  	s20 =	simm.s32 $0x20;
	_ =	swait.ge [sflag:s10], $0x4000  }
0xaa: {  	s21 =	simm.s32 $0x40;
	s19 =	sadd.s32 $0x100, s22;
	[sflag:s10] =	ssyncset.done $0x0  }
.LBB2_4:
0xab: {  	s28 =	sadd.s32 s20, s24  }
0xac: {  	[sflag:s10] =	ssyncadd.s32 $0xFFFFC000;
	s29 =	smov.u32 s21;
	s26 =	sadd.s32 $0x20, s21  }
0xad: {  	[tilespmem:s13], [sflag:$0x3] =	stream.linear.gather [hbm4b:s28+s5], $0x80, $0x38;
	[tilespmem:$0x1D200] =	vst v63  }
0xae: {  	p0 =	sne.s32 s21, $0x4E0;
	_ =	swait.ge [sflag:s10], $0x80  }
0xaf: {  	[sflag:s10] =	ssyncset.done $0x0  }
0xb0: {  	s21 =	sadd.s32 s20, s23;
	s20 =	smov.u32 s29;
	[sflag:s10] =	ssyncadd.s32 $0xFFFFFF80  }
0xb1: {  	[tilespmem:s14], [sflag:$0x3] =	stream.linear.gather [hbm4b:s21+s5], $0x80, $0x38;
	[tilespmem:$0x1D200] =	vst v63  }
0xb2: {  	_ =	swait.ge [sflag:s10], $0x80  }
0xb3: {  	[sflag:s10] =	ssyncset.done $0x0  }
0xb4: {  	[sflag:s10] =	ssyncadd.s32 $0xFFFFFF80  }
0xb5: {  	[tilespmem:s15], [sflag:$0x2] =	stream.indirect.gather [hbm4b:s6+s11], $0x80, s13, s11, $0xb8;
	[tilespmem:$0x1D200] =	vst v63  }
0xb6: {  	_ =	swait.ge [sflag:s16], $0x4000  }
0xb7: {  	[sflag:s16] =	ssyncset.done $0x0  }
0xb8: {  	[sflag:s16] =	ssyncadd.s32 $0xFFFFC000  }
0xb9: {  	[spmem:s3] =	stream.indirect.scatter.add.f32 [tilespmem:s12], [sflag:$0x3], $0x80, s11, s11, $0xb8;
	[tilespmem:$0x1D200] =	vst v63  }
0xba: {  	_ =	swait.ge [sflag:s10], $0x4000  }
0xbb: {  	s21 =	sshrl.u32 s19, $0x3;
	[sflag:s10] =	ssyncset.done $0x0  }
0xbc: {  	s28 =	sadd.s32 s1, s21;
	[sflag:s10] =	ssyncadd.s32 $0xFFFFC000  }
0xbd: {  	[tilespmem:s5], [sflag:$0x3] =	stream.linear.gather [hbm4b:s28+s5], $0x80, $0x38;
	[tilespmem:$0x1D200] =	vst v63  }
0xbe: {  	_ =	swait.ge [sflag:s10], $0x80  }
0xbf: {  	[sflag:s10] =	ssyncset.done $0x0  }
0xc0: {  	s21 =	sadd.s32 s2, s21;
	[sflag:s10] =	ssyncadd.s32 $0xFFFFFF80  }
0xc1: {  	[tilespmem:s11], [sflag:$0x3] =	stream.linear.gather [hbm4b:s21+s5], $0x80, $0x38;
	[tilespmem:$0x1D200] =	vst v63  }
0xc2: {  	_ =	swait.ge [sflag:s10], $0x80  }
0xc3: {  	[sflag:s10] =	ssyncset.done $0x0  }
0xc4: {  	[sflag:s10] =	ssyncadd.s32 $0xFFFFFF80  }
0xc5: {  	[tilespmem:s12], [sflag:$0x1] =	stream.indirect.gather [hbm4b:s6+s11], $0x80, s5, s11, $0xb8;
	[tilespmem:$0x1D200] =	vst v63  }
0xc6: {  	_ =	swait.ge [sflag:s17], $0x4000  }
.Ltmp1:
0xc7: {  	[sflag:s17] =	ssyncset.done $0x0;
	(pc) =	sbr.rel @p0 .LBB2_4-.Ltmp1, $4  }
0xc8: {  	[sflag:s17] =	ssyncadd.s32 $0xFFFFC000  }
0xc9: {  	[spmem:s3] =	stream.indirect.scatter.add.f32 [tilespmem:s15], [sflag:$0x3], $0x80, s14, s11, $0xb8;
	[tilespmem:$0x1D200] =	vst v63  }
0xca: {  	_ =	swait.ge [sflag:s10], $0x4000  }
0xcb: {  	s19 =	sadd.s32 $0x100, s19;
	s21 =	smov.u32 s26;
	[sflag:s10] =	ssyncset.done $0x0  }
0xcc: {  	s21 =	sadd.s32 s20, s24;
	[sflag:s10] =	ssyncadd.s32 $0xFFFFC000  }
0xcd: {  	[tilespmem:s13], [sflag:$0x3] =	stream.linear.gather [hbm4b:s21+s5], $0x80, $0x38;
	[tilespmem:$0x1D200] =	vst v63  }
0xce: {  	_ =	swait.ge [sflag:s10], $0x80  }
0xcf: {  	[sflag:s10] =	ssyncset.done $0x0  }
0xd0: {  	s26 =	sadd.s32 s20, s23;
	[sflag:s10] =	ssyncadd.s32 $0xFFFFFF80  }
0xd1: {  	[tilespmem:s14], [sflag:$0x3] =	stream.linear.gather [hbm4b:s26+s5], $0x80, $0x38;
	[tilespmem:$0x1D200] =	vst v63  }
0xd2: {  	_ =	swait.ge [sflag:s10], $0x80  }
0xd3: {  	[sflag:s10] =	ssyncset.done $0x0  }
0xd4: {  	[sflag:s10] =	ssyncadd.s32 $0xFFFFFF80  }
0xd5: {  	[tilespmem:s15], [sflag:$0x2] =	stream.indirect.gather [hbm4b:s6+s11], $0x80, s13, s11, $0xb8;
	[tilespmem:$0x1D200] =	vst v63  }
0xd6: {  	_ =	swait.ge [sflag:s16], $0x4000  }
0xd7: {  	[sflag:s16] =	ssyncset.done $0x0  }
0xd8: {  	[sflag:s16] =	ssyncadd.s32 $0xFFFFC000  }
0xd9: {  	[spmem:s3] =	stream.indirect.scatter.add.f32 [tilespmem:s12], [sflag:$0x3], $0x80, s11, s11, $0xb8;
	[tilespmem:$0x1D200] =	vst v63  }
0xda: {  	_ =	swait.ge [sflag:s10], $0x4000  }
0xdb: {  	s19 =	sshrl.u32 s19, $0x3;
	[sflag:s10] =	ssyncset.done $0x0  }
0xdc: {  	s28 =	sadd.s32 s1, s19;
	[sflag:s10] =	ssyncadd.s32 $0xFFFFC000  }
0xdd: {  	[tilespmem:s5], [sflag:$0x3] =	stream.linear.gather [hbm4b:s28+s5], $0x80, $0x38;
	[tilespmem:$0x1D200] =	vst v63  }
0xde: {  	_ =	swait.ge [sflag:s10], $0x80  }
0xdf: {  	[sflag:s10] =	ssyncset.done $0x0  }
0xe0: {  	s19 =	sadd.s32 s2, s19;
	[sflag:s10] =	ssyncadd.s32 $0xFFFFFF80  }
0xe1: {  	[tilespmem:s11], [sflag:$0x3] =	stream.linear.gather [hbm4b:s19+s5], $0x80, $0x38;
	[tilespmem:$0x1D200] =	vst v63  }
0xe2: {  	_ =	swait.ge [sflag:s10], $0x80  }
0xe3: {  	[sflag:s10] =	ssyncset.done $0x0  }
0xe4: {  	[sflag:s10] =	ssyncadd.s32 $0xFFFFFF80  }
0xe5: {  	[tilespmem:s12], [sflag:$0x1] =	stream.indirect.gather [hbm4b:s6+s11], $0x80, s5, s11, $0xb8;
	[tilespmem:$0x1D200] =	vst v63  }
0xe6: {  	_ =	swait.ge [sflag:s17], $0x4000  }
0xe7: {  	[sflag:s17] =	ssyncset.done $0x0  }
0xe8: {  	[sflag:s17] =	ssyncadd.s32 $0xFFFFC000  }
0xe9: {  	[spmem:s3] =	stream.indirect.scatter.add.f32 [tilespmem:s15], [sflag:$0x3], $0x80, s14, s11, $0xb8;
	[tilespmem:$0x1D200] =	vst v63  }
0xea: {  	_ =	swait.ge [sflag:s10], $0x4000  }
0xeb: {  	[sflag:s10] =	ssyncset.done $0x0  }
0xec: {  	[sflag:s10] =	ssyncadd.s32 $0xFFFFC000  }
0xed: {  	_ =	swait.ge [sflag:s16], $0x4000  }
0xee: {  	[sflag:s16] =	ssyncset.done $0x0  }
0xef: {  	[sflag:s16] =	ssyncadd.s32 $0xFFFFC000  }
0xf0: {  	[spmem:s3] =	stream.indirect.scatter.add.f32 [tilespmem:s12], [sflag:$0x3], $0x80, s11, s11, $0xb8;
	[tilespmem:$0x1D200] =	vst v63  }
0xf1: {  	_ =	swait.ge [sflag:s10], $0x4000  }
0xf2: {  	[sflag:s10] =	ssyncset.done $0x0  }
0xf3: {  	[sflag:s10] =	ssyncadd.s32 $0xFFFFC000  }
0xf4: {  	[bflag:$0x0] =	sbarrier.arrive $0xFFFF  }
0xf5: {  	[tilespmem:s9], [sflag:$0x3] =	stream.linear.gather [spmem:s7], $0x1000, $0x38;
	[tilespmem:$0x1D200] =	vst v63  }
0xf6: {  	_ =	swait.ge [sflag:s10], $0x1000  }
0xf7: {  	[sflag:s10] =	ssyncset.done $0x0  }
0xf8: {  	s29 =	sadd.s32 $0x0, s25;
	[sflag:s10] =	ssyncadd.s32 $0xFFFFF000  }
0xf9: {  	[hbm4b:s29+s5] =	stream.linear.scatter [tilespmem:s9], [sflag:$0x3], $0x1000, $0x38;
	[tilespmem:$0x1D200] =	vst v63  }
0xfa: {  	_ =	swait.ge [sflag:s10], $0x1000  }
0xfb: {  	s20 =	smov.u32 s7;
	s19 =	simm.s32 $0x200;
	[sflag:s10] =	ssyncset.done $0x0  }
.LBB2_6:
0xfc: {  	p0 =	sne.s32 s19, $0x2600;
	[sflag:s10] =	ssyncadd.s32 $0xFFFFF000;
	s20 =	sadd.s32 $0x1000, s20  }
0xfd: {  	[tilespmem:s9], [sflag:$0x3] =	stream.linear.gather [spmem:s20], $0x1000, $0x38;
	[tilespmem:$0x1D200] =	vst v63  }
0xfe: {  	s21 =	smov.u32 s19;
	s19 =	sadd.s32 $0x200, s19;
	_ =	swait.ge [sflag:s10], $0x1000  }
.Ltmp2:
0xff: {  	[sflag:s10] =	ssyncset.done $0x0;
	(pc) =	sbr.rel @p0 .LBB2_6-.Ltmp2, $4  }
0x100: {  	s21 =	sadd.s32 s21, s25;
	[sflag:s10] =	ssyncadd.s32 $0xFFFFF000  }
0x101: {  	[hbm4b:s21+s5] =	stream.linear.scatter [tilespmem:s9], [sflag:$0x3], $0x1000, $0x38;
	[tilespmem:$0x1D200] =	vst v63  }
0x102: {  	_ =	swait.ge [sflag:s10], $0x1000  }
0x103: {  	[sflag:s10] =	ssyncset.done $0x0  }
0x104: {  	s18 =	sadd.s32 $0x1, s18;
	s19 =	rddreg [dreg:$0x7]  }
0x105: {  	p0 =	sne.s32 s18, s19  }
.Ltmp3:
0x106: {  	_ = 	snop;
	(pc) =	sbr.rel @p0 .LBB2_1-.Ltmp3, $2  }
0x107: {  	_ =	sdelay $0x2  }
0x108: {  	[sflag:s10] =	ssyncadd.s32 $0xFFFFF000  }
0x109: {  	_ =	sfence.sel $0x180000  }
0x10a: {  	[bflag:$0x0] =	sbarrier.arrive $0xFFFF  }
0x10b: {  	_ =	strace $0x90000050  }
0x10c: {  	s0 =	stileid.u32;
	[bflag:$0x2] =	sbarrier.arrive $0xFFFF  }
0x10d: {  	p0 =	sne.s32 s0, $0x0;
	s0 =	rddreg [dreg:$0x4]  }
0x10e: {  	s0 =	sadd.s32 @!p0 $0x100000, s0  }
0x10f: {  	[sflag:s0] =	ssyncadd.tile.s32 @!p0 $0x1;
	_ =	shalt  }
.Lfunc_end2:
_tile_overlayer_lowered:
.L_overlay_start_2:
0x110: {  	(tag) =	ssettag $0x2  }
0x111: {  	s0 =	rddreg [dreg:$0x0];
	s2 =	stileid.u32  }
0x112: {  	s1 =	rddreg [dreg:$0x1];
	p0 =	sne.s32 s2, $0x0  }
0x113: {  	s3 =	rddreg [dreg:$0x2];
	[bflag:$0x3] =	sbarrier.arrive $0xFFFF;
	s2 =	simm.s32 @!p0 $0x1C03  }
0x114: {  	[timem:s3], [sflag:s2] =	dma.local @!p0 [hbm:s0], s1  }
0x115: {  	s0 =	simm.s32 @!p0 $0x3  }
0x116: {  	_ =	swait.ge @!p0 [sflag:s0], s1  }
0x117: {  	s1 =	ssub.s32 @!p0 $0x0, s1;
	[sflag:s0] =	ssyncset.done @!p0 $0x0  }
0x118: {  	[sflag:s0] =	ssyncadd.s32 @!p0 s1  }
0x119: {  	[bflag:$0x3] =	sbarrier.arrive $0xFFFF  }
0x11a: {  	_ =	shalt  }

</sc_bundles>
